<compile_context>
chip_gen: v7x
topology: tpu7x:2x2x1
jax: 0.10.2.dev20260603
libtpu: 0.0.44.dev20260713+nightly
codegen_flags: <defaults>
</compile_context>

<pallas_src>
import functools

import jax
import jax.numpy as jnp
from jax import lax
from jax.experimental import pallas as pl
from jax.experimental.pallas import tpu as pltpu
from jax.experimental.pallas import tpu_sc as plsc

_NB, _NE, _PH, _PW = 256, 128, 31, 31
_CANVAS = 200
_NPIX = _PH * _PW
_CANV_N = _CANVAS * _CANVAS
_RCH = 8
_NCHUNK = (_PH + _RCH - 1) // _RCH


def _build_kernel():
    mesh = plsc.VectorSubcoreMesh(core_axis_name="c", subcore_axis_name="s")
    info = plsc.get_sparse_core_info()
    nc, ns = info.num_cores, info.num_subcores
    nw = nc * ns
    bpw = _NB // nw

    @functools.partial(
        pl.kernel,
        mesh=mesh,
        compiler_params=pltpu.CompilerParams(needs_layout_passes=False),
        out_type=jax.ShapeDtypeStruct((_NB * _CANV_N,), jnp.float32),
        scratch_types=[
            pltpu.VMEM((_CANV_N + 64,), jnp.float32),
            pltpu.VMEM((_RCH * _PW + 8, _NE), jnp.float32),
            pltpu.VMEM((_RCH * _PW + 8, _NE), jnp.float32),
            pltpu.VMEM((_NE + 16,), jnp.int32),
            pltpu.VMEM((_NE + 16,), jnp.int32),
            pltpu.VMEM((_NE + 16,), jnp.int32),
            pltpu.SemaphoreType.DMA,
            pltpu.SemaphoreType.DMA,
        ],
    )
    def k(img_hbm, xs_hbm, ys_hbm, out_hbm,
          canvas, pbufa, pbufb, xbuf, ybuf, bbuf, sema, semb):
        wid = lax.axis_index("s") * nc + lax.axis_index("c")
        zeros16 = jnp.zeros((16,), jnp.float32)
        bufs = (pbufa, pbufb)
        sems = (sema, semb)

        def chunk_copy(b, ci, buf, sem):
            p0 = ci * (_RCH * _PW)
            plen = min(_RCH * _PW, _NPIX - p0)
            return pltpu.async_copy(
                img_hbm.at[pl.ds(p0, plen), b],
                buf.at[pl.ds(0, plen)], sem)

        def per_batch(bi, _):
            b = wid * bpw + bi
            c_first = chunk_copy(b, 0, bufs[0], sems[0])

            xb = pl.multiple_of(b * _NE, 8)
            pltpu.sync_copy(xs_hbm.at[pl.ds(xb, _NE)], xbuf.at[pl.ds(0, _NE)])
            pltpu.sync_copy(ys_hbm.at[pl.ds(xb, _NE)], ybuf.at[pl.ds(0, _NE)])

            for g in range(_NE // 16):
                xv = xbuf[pl.ds(g * 16, 16)]
                yv = ybuf[pl.ds(g * 16, 16)]
                bbuf[pl.ds(g * 16, 16)] = (xv - 15) * _CANVAS + (yv - 15)

            def zbody(i, _):
                o = i * 64
                canvas[pl.ds(o, 16)] = zeros16
                canvas[pl.ds(o + 16, 16)] = zeros16
                canvas[pl.ds(o + 32, 16)] = zeros16
                canvas[pl.ds(o + 48, 16)] = zeros16
                return 0
            lax.fori_loop(0, (_CANV_N + 64) // 64, zbody, 0)

            for ci in range(_NCHUNK):
                pbuf = bufs[ci % 2]
                if ci == 0:
                    c_first.wait()
                else:
                    pending.wait()
                if ci + 1 < _NCHUNK:
                    pending = chunk_copy(b, ci + 1, bufs[(ci + 1) % 2],
                                         sems[(ci + 1) % 2])
                nrows = min(_RCH, _PH - ci * _RCH)

                def per_group(g, _, ci=ci, pbuf=pbuf, nrows=nrows):
                    g16 = g * 16
                    bvec = bbuf[pl.ds(g16, 16)] + ci * (_RCH * _CANVAS)

                    @plsc.parallel_loop(0, nrows, 1, unroll=2)
                    def per_row(r):
                        rowv = bvec + r * _CANVAS
                        pr = r * _PW
                        for c in range(_PW):
                            vv = pbuf[pr + c, pl.ds(g16, 16)]
                            plsc.addupdate_scatter(canvas, [rowv + c], vv)
                    return 0
                lax.fori_loop(0, _NE // 16, per_group, 0)

            ob = pl.multiple_of(b * _CANV_N, 8)
            pltpu.sync_copy(canvas.at[pl.ds(0, _CANV_N)],
                            out_hbm.at[pl.ds(ob, _CANV_N)])
            return 0
        lax.fori_loop(0, bpw, per_batch, 0)

    return k


_splat = _build_kernel()


def kernel(images4D, xyz):
    img = jnp.transpose(images4D, (2, 3, 0, 1)).reshape(_NPIX, _NB, _NE)
    xs = xyz[:, :, 0].reshape(_NB * _NE)
    ys = xyz[:, :, 1].reshape(_NB * _NE)
    out = _splat(img, xs, ys)
    return out.reshape(_NB, 1, _CANVAS, _CANVAS)

# --- scband reference (transcript-rebuilt; emitter-appended) ---
"""Pipeline reference for scband-imgs4dto3d-764504178714 (READ-ONLY COPY).

The authoritative reference and input builder live on the scoring server;
editing this copy changes nothing except your own understanding.
"""

import jax, jax.numpy as jnp
import numpy as np

NB, NE, PH, PW = 256, 128, 31, 31
CANVAS = 200

def setup_inputs(seed: int = 0) -> dict:
    key = jax.random.key(seed)
    k1, k2 = jax.random.split(key)
    images4D = jax.random.normal(k1, (NB, NE, PH, PW), dtype=jnp.float32)
    # coords must satisfy 15 <= c <= 184 so the 31x31 patch fits in the 200x200 canvas
    xyz = jax.random.randint(k2, (NB, NE, 3), 15, 185, dtype=jnp.int32)
    return {"images4D": images4D, "xyz": xyz}

def reference(images4D, xyz):
    # Faithful translation of the torch module: for each (batch i, emitter j),
    # img[i, 0, x-15:x+16, y-15:y+16] += images4D[i, j]
    Nbatch, Nemitters, H, W = images4D.shape
    x = xyz[:, :, 0].astype(jnp.int32)  # [N, M]
    y = xyz[:, :, 1].astype(jnp.int32)  # [N, M]
    dr = jnp.arange(H, dtype=jnp.int32)
    rows = x[:, :, None] - 15 + dr  # [N, M, 31]
    cols = y[:, :, None] - 15 + dr  # [N, M, 31]
    b = jnp.arange(Nbatch, dtype=jnp.int32)[:, None, None, None]  # [N,1,1,1]
    r = rows[:, :, :, None]  # [N, M, 31, 1]
    c = cols[:, :, None, :]  # [N, M, 1, 31]
    img = jnp.zeros((Nbatch, 1, CANVAS, CANVAS), dtype=jnp.float32)
    img = img.at[b, 0, r, c].add(images4D)
    return img

if __name__ == "__main__":
    import jax
    _d = setup_inputs()
    print(jax.jit(kernel)(*tuple(_d.values())))

</pallas_src>

<mosaic_0001>
#map = affine_map<(d0, d1) -> (0, 0, 0)>
#map1 = affine_map<(d0, d1) -> (0)>
module attributes {stable_mosaic.version = 14 : i64} {
  func.func @k(%arg0: i32, %arg1: i32, %arg2: memref<961x256x128xf32, #tpu.memory_space<hbm>>, %arg3: memref<32768xi32, #tpu.memory_space<hbm>>, %arg4: memref<32768xi32, #tpu.memory_space<hbm>>, %arg5: memref<10240000xf32, #tpu.memory_space<hbm>>, %arg6: memref<40064xf32, #tpu.memory_space<vmem>>, %arg7: memref<256x128xf32, #tpu.memory_space<vmem>>, %arg8: memref<256x128xf32, #tpu.memory_space<vmem>>, %arg9: memref<144xi32, #tpu.memory_space<vmem>>, %arg10: memref<144xi32, #tpu.memory_space<vmem>>, %arg11: memref<144xi32, #tpu.memory_space<vmem>>, %arg12: memref<!tpu.dma_semaphore, #tpu.memory_space<semaphore_mem>>, %arg13: memref<!tpu.dma_semaphore, #tpu.memory_space<semaphore_mem>>) attributes {dimension_semantics = [#tpu.dimension_semantics<core_parallel>, #tpu.dimension_semantics<subcore_parallel>], iteration_bounds = array<i64: 2, 16>, scalar_prefetch = 0 : i64, scratch_operands = 8 : i64, tpu.core_type = #tpu.core_type<sc_vector_subcore>, window_params = [{transform_indices = #map}, {transform_indices = #map1}, {transform_indices = #map1}, {transform_indices = #map1}]} {
    %mul3A = arith.constant 2 : i32
    %mul3A_0 = arith.muli %arg1, %mul3A : i32
    %add3A = arith.addi %mul3A_0, %arg0 : i32
    %broadcast_in_dim3A = arith.constant 0.000000e+00 : f32
    %broadcast_in_dim3A_1 = vector.broadcast %broadcast_in_dim3A : f32 to vector<16xf32>
    %scan3A = arith.constant 0 : i32
    %scan3A_2 = arith.constant 0 : i32
    %scan3A_3 = arith.constant 8 : i32
    %scan3A_4 = arith.addi %scan3A_2, %scan3A_3 : i32
    %scan3A_5 = arith.constant 1 : i32
    %scan3A_6 = scf.for %scan3A_8 = %scan3A_2 to %scan3A_4 step %scan3A_5 iter_args(%scan3A_9 = %scan3A) -> (i32)  : i32 {
      %mul3A_10 = arith.constant 8 : i32
      %mul3A_11 = arith.muli %add3A, %mul3A_10 : i32
      %add3A_12 = arith.addi %mul3A_11, %scan3A_8 : i32
      %dma_start3A = arith.constant 0 : i32
      %dma_start3A_13 = arith.constant 0 : i32
      %dma_start3A_14 = tpu.memref_slice %arg7[%dma_start3A, %dma_start3A_13] : memref<256x128xf32, #tpu.memory_space<vmem>> -> memref<248x128xf32, #tpu.memory_space<vmem>>
      %dma_start3A_15 = arith.constant 0 : i32
      %dma_start3A_16 = arith.constant 0 : i32
      %dma_start3A_17 = tpu.memref_slice %arg2[%dma_start3A_15, %add3A_12, %dma_start3A_16] : memref<961x256x128xf32, #tpu.memory_space<hbm>> -> memref<248x1x128xf32, #tpu.memory_space<hbm>>
      %dma_start3A_18 = tpu.memref_squeeze %dma_start3A_17 : memref<248x1x128xf32, #tpu.memory_space<hbm>> -> memref<248x128xf32, #tpu.memory_space<hbm>>
      %dma_start3A_19 = arith.constant 0 : i32
      %dma_start3A_20 = arith.constant 0 : i32
      %dma_start3A_21 = tpu.memref_slice %arg7[%dma_start3A_19, %dma_start3A_20] : memref<256x128xf32, #tpu.memory_space<vmem>> -> memref<248x128xf32, #tpu.memory_space<vmem>>
      %dma_start3A_22 = arith.constant 0 : i32
      %dma_start3A_23 = arith.constant 0 : i32
      %dma_start3A_24 = tpu.memref_slice %arg2[%dma_start3A_22, %add3A_12, %dma_start3A_23] : memref<961x256x128xf32, #tpu.memory_space<hbm>> -> memref<248x1x128xf32, #tpu.memory_space<hbm>>
      %dma_start3A_25 = tpu.memref_squeeze %dma_start3A_24 : memref<248x1x128xf32, #tpu.memory_space<hbm>> -> memref<248x128xf32, #tpu.memory_space<hbm>>
      tpu.enqueue_dma source(%dma_start3A_25 : memref<248x128xf32, #tpu.memory_space<hbm>>) target(%dma_start3A_21 : memref<248x128xf32, #tpu.memory_space<vmem>>) target_semaphore(%arg12 : memref<!tpu.dma_semaphore, #tpu.memory_space<semaphore_mem>>)
      %mul3A_26 = arith.constant 128 : i32
      %mul3A_27 = arith.muli %add3A_12, %mul3A_26 : i32
      %multiple_of3A = tpu.assume_multiple %mul3A_27, 8 : i32
      "tpu.region"() ({
        %run_scoped3A = tpu.sem_alloc : memref<!tpu.dma_semaphore, #tpu.memory_space<semaphore_mem>>
        %dma_start3A_289 = arith.constant 0 : i32
        %dma_start3A_290 = tpu.memref_slice %arg9[%dma_start3A_289] : memref<144xi32, #tpu.memory_space<vmem>> -> memref<128xi32, #tpu.memory_space<vmem>>
        %dma_start3A_291 = tpu.memref_slice %arg3[%multiple_of3A] : memref<32768xi32, #tpu.memory_space<hbm>> -> memref<128xi32, #tpu.memory_space<hbm>>
        %dma_start3A_292 = arith.constant 0 : i32
        %dma_start3A_293 = tpu.memref_slice %arg9[%dma_start3A_292] : memref<144xi32, #tpu.memory_space<vmem>> -> memref<128xi32, #tpu.memory_space<vmem>>
        %dma_start3A_294 = tpu.memref_slice %arg3[%multiple_of3A] : memref<32768xi32, #tpu.memory_space<hbm>> -> memref<128xi32, #tpu.memory_space<hbm>>
        tpu.enqueue_dma source(%dma_start3A_294 : memref<128xi32, #tpu.memory_space<hbm>>) target(%dma_start3A_293 : memref<128xi32, #tpu.memory_space<vmem>>) target_semaphore(%run_scoped3A : memref<!tpu.dma_semaphore, #tpu.memory_space<semaphore_mem>>)
        %dma_wait3A_295 = arith.constant 0 : i32
        %dma_wait3A_296 = tpu.memref_slice %arg9[%dma_wait3A_295] : memref<144xi32, #tpu.memory_space<vmem>> -> memref<128xi32, #tpu.memory_space<vmem>>
        %dma_wait3A_297 = tpu.memref_slice %arg3[%multiple_of3A] : memref<32768xi32, #tpu.memory_space<hbm>> -> memref<128xi32, #tpu.memory_space<hbm>>
        %dma_wait3A_298 = arith.constant 0 : i32
        %dma_wait3A_299 = tpu.memref_slice %arg9[%dma_wait3A_298] : memref<144xi32, #tpu.memory_space<vmem>> -> memref<128xi32, #tpu.memory_space<vmem>>
        %dma_wait3A_300 = tpu.memref_slice %arg3[%multiple_of3A] : memref<32768xi32, #tpu.memory_space<hbm>> -> memref<128xi32, #tpu.memory_space<hbm>>
        tpu.wait_dma2 semaphore(%run_scoped3A : memref<!tpu.dma_semaphore, #tpu.memory_space<semaphore_mem>>) src(%dma_wait3A_300 : memref<128xi32, #tpu.memory_space<hbm>>) dst(%dma_wait3A_299 : memref<128xi32, #tpu.memory_space<vmem>>)
        tpu.yield
      }) : () -> ()
      "tpu.region"() ({
        %run_scoped3A = tpu.sem_alloc : memref<!tpu.dma_semaphore, #tpu.memory_space<semaphore_mem>>
        %dma_start3A_289 = arith.constant 0 : i32
        %dma_start3A_290 = tpu.memref_slice %arg10[%dma_start3A_289] : memref<144xi32, #tpu.memory_space<vmem>> -> memref<128xi32, #tpu.memory_space<vmem>>
        %dma_start3A_291 = tpu.memref_slice %arg4[%multiple_of3A] : memref<32768xi32, #tpu.memory_space<hbm>> -> memref<128xi32, #tpu.memory_space<hbm>>
        %dma_start3A_292 = arith.constant 0 : i32
        %dma_start3A_293 = tpu.memref_slice %arg10[%dma_start3A_292] : memref<144xi32, #tpu.memory_space<vmem>> -> memref<128xi32, #tpu.memory_space<vmem>>
        %dma_start3A_294 = tpu.memref_slice %arg4[%multiple_of3A] : memref<32768xi32, #tpu.memory_space<hbm>> -> memref<128xi32, #tpu.memory_space<hbm>>
        tpu.enqueue_dma source(%dma_start3A_294 : memref<128xi32, #tpu.memory_space<hbm>>) target(%dma_start3A_293 : memref<128xi32, #tpu.memory_space<vmem>>) target_semaphore(%run_scoped3A : memref<!tpu.dma_semaphore, #tpu.memory_space<semaphore_mem>>)
        %dma_wait3A_295 = arith.constant 0 : i32
        %dma_wait3A_296 = tpu.memref_slice %arg10[%dma_wait3A_295] : memref<144xi32, #tpu.memory_space<vmem>> -> memref<128xi32, #tpu.memory_space<vmem>>
        %dma_wait3A_297 = tpu.memref_slice %arg4[%multiple_of3A] : memref<32768xi32, #tpu.memory_space<hbm>> -> memref<128xi32, #tpu.memory_space<hbm>>
        %dma_wait3A_298 = arith.constant 0 : i32
        %dma_wait3A_299 = tpu.memref_slice %arg10[%dma_wait3A_298] : memref<144xi32, #tpu.memory_space<vmem>> -> memref<128xi32, #tpu.memory_space<vmem>>
        %dma_wait3A_300 = tpu.memref_slice %arg4[%multiple_of3A] : memref<32768xi32, #tpu.memory_space<hbm>> -> memref<128xi32, #tpu.memory_space<hbm>>
        tpu.wait_dma2 semaphore(%run_scoped3A : memref<!tpu.dma_semaphore, #tpu.memory_space<semaphore_mem>>) src(%dma_wait3A_300 : memref<128xi32, #tpu.memory_space<hbm>>) dst(%dma_wait3A_299 : memref<128xi32, #tpu.memory_space<vmem>>)
        tpu.yield
      }) : () -> ()
      %get3A = arith.constant 0 : index
      %get3A_28 = tpu.vector_load %arg9[%get3A] {strides = array<i32>} : memref<144xi32, #tpu.memory_space<vmem>>, vector<16xi32>,
      %get3A_29 = arith.constant 0 : index
      %get3A_30 = tpu.vector_load %arg10[%get3A_29] {strides = array<i32>} : memref<144xi32, #tpu.memory_space<vmem>>, vector<16xi32>,
      %sub3A = arith.constant 15 : i32
      %sub3A_31 = vector.broadcast %sub3A : i32 to vector<16xi32>
      %sub3A_32 = arith.subi %get3A_28, %sub3A_31 : vector<16xi32>
      %mul3A_33 = arith.constant 200 : i32
      %mul3A_34 = vector.broadcast %mul3A_33 : i32 to vector<16xi32>
      %mul3A_35 = arith.muli %sub3A_32, %mul3A_34 : vector<16xi32>
      %sub3A_36 = arith.constant 15 : i32
      %sub3A_37 = vector.broadcast %sub3A_36 : i32 to vector<16xi32>
      %sub3A_38 = arith.subi %get3A_30, %sub3A_37 : vector<16xi32>
      %add3A_39 = arith.addi %mul3A_35, %sub3A_38 : vector<16xi32>
      %swap3A = arith.constant 0 : index
      %swap3A_40 = tpu.vector_load %arg11[%swap3A] {strides = array<i32>} : memref<144xi32, #tpu.memory_space<vmem>>, vector<16xi32>,
      tpu.vector_store %arg11[%swap3A], %add3A_39 {strides = array<i32>} : memref<144xi32, #tpu.memory_space<vmem>>, vector<16xi32>,
      %get3A_41 = arith.constant 16 : index
      %get3A_42 = tpu.vector_load %arg9[%get3A_41] {strides = array<i32>} : memref<144xi32, #tpu.memory_space<vmem>>, vector<16xi32>,
      %get3A_43 = arith.constant 16 : index
      %get3A_44 = tpu.vector_load %arg10[%get3A_43] {strides = array<i32>} : memref<144xi32, #tpu.memory_space<vmem>>, vector<16xi32>,
      %sub3A_45 = arith.constant 15 : i32
      %sub3A_46 = vector.broadcast %sub3A_45 : i32 to vector<16xi32>
      %sub3A_47 = arith.subi %get3A_42, %sub3A_46 : vector<16xi32>
      %mul3A_48 = arith.constant 200 : i32
      %mul3A_49 = vector.broadcast %mul3A_48 : i32 to vector<16xi32>
      %mul3A_50 = arith.muli %sub3A_47, %mul3A_49 : vector<16xi32>
      %sub3A_51 = arith.constant 15 : i32
      %sub3A_52 = vector.broadcast %sub3A_51 : i32 to vector<16xi32>
      %sub3A_53 = arith.subi %get3A_44, %sub3A_52 : vector<16xi32>
      %add3A_54 = arith.addi %mul3A_50, %sub3A_53 : vector<16xi32>
      %swap3A_55 = arith.constant 16 : index
      %swap3A_56 = tpu.vector_load %arg11[%swap3A_55] {strides = array<i32>} : memref<144xi32, #tpu.memory_space<vmem>>, vector<16xi32>,
      tpu.vector_store %arg11[%swap3A_55], %add3A_54 {strides = array<i32>} : memref<144xi32, #tpu.memory_space<vmem>>, vector<16xi32>,
      %get3A_57 = arith.constant 32 : index
      %get3A_58 = tpu.vector_load %arg9[%get3A_57] {strides = array<i32>} : memref<144xi32, #tpu.memory_space<vmem>>, vector<16xi32>,
      %get3A_59 = arith.constant 32 : index
      %get3A_60 = tpu.vector_load %arg10[%get3A_59] {strides = array<i32>} : memref<144xi32, #tpu.memory_space<vmem>>, vector<16xi32>,
      %sub3A_61 = arith.constant 15 : i32
      %sub3A_62 = vector.broadcast %sub3A_61 : i32 to vector<16xi32>
      %sub3A_63 = arith.subi %get3A_58, %sub3A_62 : vector<16xi32>
      %mul3A_64 = arith.constant 200 : i32
      %mul3A_65 = vector.broadcast %mul3A_64 : i32 to vector<16xi32>
      %mul3A_66 = arith.muli %sub3A_63, %mul3A_65 : vector<16xi32>
      %sub3A_67 = arith.constant 15 : i32
      %sub3A_68 = vector.broadcast %sub3A_67 : i32 to vector<16xi32>
      %sub3A_69 = arith.subi %get3A_60, %sub3A_68 : vector<16xi32>
      %add3A_70 = arith.addi %mul3A_66, %sub3A_69 : vector<16xi32>
      %swap3A_71 = arith.constant 32 : index
      %swap3A_72 = tpu.vector_load %arg11[%swap3A_71] {strides = array<i32>} : memref<144xi32, #tpu.memory_space<vmem>>, vector<16xi32>,
      tpu.vector_store %arg11[%swap3A_71], %add3A_70 {strides = array<i32>} : memref<144xi32, #tpu.memory_space<vmem>>, vector<16xi32>,
      %get3A_73 = arith.constant 48 : index
      %get3A_74 = tpu.vector_load %arg9[%get3A_73] {strides = array<i32>} : memref<144xi32, #tpu.memory_space<vmem>>, vector<16xi32>,
      %get3A_75 = arith.constant 48 : index
      %get3A_76 = tpu.vector_load %arg10[%get3A_75] {strides = array<i32>} : memref<144xi32, #tpu.memory_space<vmem>>, vector<16xi32>,
      %sub3A_77 = arith.constant 15 : i32
      %sub3A_78 = vector.broadcast %sub3A_77 : i32 to vector<16xi32>
      %sub3A_79 = arith.subi %get3A_74, %sub3A_78 : vector<16xi32>
      %mul3A_80 = arith.constant 200 : i32
      %mul3A_81 = vector.broadcast %mul3A_80 : i32 to vector<16xi32>
      %mul3A_82 = arith.muli %sub3A_79, %mul3A_81 : vector<16xi32>
      %sub3A_83 = arith.constant 15 : i32
      %sub3A_84 = vector.broadcast %sub3A_83 : i32 to vector<16xi32>
      %sub3A_85 = arith.subi %get3A_76, %sub3A_84 : vector<16xi32>
      %add3A_86 = arith.addi %mul3A_82, %sub3A_85 : vector<16xi32>
      %swap3A_87 = arith.constant 48 : index
      %swap3A_88 = tpu.vector_load %arg11[%swap3A_87] {strides = array<i32>} : memref<144xi32, #tpu.memory_space<vmem>>, vector<16xi32>,
      tpu.vector_store %arg11[%swap3A_87], %add3A_86 {strides = array<i32>} : memref<144xi32, #tpu.memory_space<vmem>>, vector<16xi32>,
      %get3A_89 = arith.constant 64 : index
      %get3A_90 = tpu.vector_load %arg9[%get3A_89] {strides = array<i32>} : memref<144xi32, #tpu.memory_space<vmem>>, vector<16xi32>,
      %get3A_91 = arith.constant 64 : index
      %get3A_92 = tpu.vector_load %arg10[%get3A_91] {strides = array<i32>} : memref<144xi32, #tpu.memory_space<vmem>>, vector<16xi32>,
      %sub3A_93 = arith.constant 15 : i32
      %sub3A_94 = vector.broadcast %sub3A_93 : i32 to vector<16xi32>
      %sub3A_95 = arith.subi %get3A_90, %sub3A_94 : vector<16xi32>
      %mul3A_96 = arith.constant 200 : i32
      %mul3A_97 = vector.broadcast %mul3A_96 : i32 to vector<16xi32>
      %mul3A_98 = arith.muli %sub3A_95, %mul3A_97 : vector<16xi32>
      %sub3A_99 = arith.constant 15 : i32
      %sub3A_100 = vector.broadcast %sub3A_99 : i32 to vector<16xi32>
      %sub3A_101 = arith.subi %get3A_92, %sub3A_100 : vector<16xi32>
      %add3A_102 = arith.addi %mul3A_98, %sub3A_101 : vector<16xi32>
      %swap3A_103 = arith.constant 64 : index
      %swap3A_104 = tpu.vector_load %arg11[%swap3A_103] {strides = array<i32>} : memref<144xi32, #tpu.memory_space<vmem>>, vector<16xi32>,
      tpu.vector_store %arg11[%swap3A_103], %add3A_102 {strides = array<i32>} : memref<144xi32, #tpu.memory_space<vmem>>, vector<16xi32>,
      %get3A_105 = arith.constant 80 : index
      %get3A_106 = tpu.vector_load %arg9[%get3A_105] {strides = array<i32>} : memref<144xi32, #tpu.memory_space<vmem>>, vector<16xi32>,
      %get3A_107 = arith.constant 80 : index
      %get3A_108 = tpu.vector_load %arg10[%get3A_107] {strides = array<i32>} : memref<144xi32, #tpu.memory_space<vmem>>, vector<16xi32>,
      %sub3A_109 = arith.constant 15 : i32
      %sub3A_110 = vector.broadcast %sub3A_109 : i32 to vector<16xi32>
      %sub3A_111 = arith.subi %get3A_106, %sub3A_110 : vector<16xi32>
      %mul3A_112 = arith.constant 200 : i32
      %mul3A_113 = vector.broadcast %mul3A_112 : i32 to vector<16xi32>
      %mul3A_114 = arith.muli %sub3A_111, %mul3A_113 : vector<16xi32>
      %sub3A_115 = arith.constant 15 : i32
      %sub3A_116 = vector.broadcast %sub3A_115 : i32 to vector<16xi32>
      %sub3A_117 = arith.subi %get3A_108, %sub3A_116 : vector<16xi32>
      %add3A_118 = arith.addi %mul3A_114, %sub3A_117 : vector<16xi32>
      %swap3A_119 = arith.constant 80 : index
      %swap3A_120 = tpu.vector_load %arg11[%swap3A_119] {strides = array<i32>} : memref<144xi32, #tpu.memory_space<vmem>>, vector<16xi32>,
      tpu.vector_store %arg11[%swap3A_119], %add3A_118 {strides = array<i32>} : memref<144xi32, #tpu.memory_space<vmem>>, vector<16xi32>,
      %get3A_121 = arith.constant 96 : index
      %get3A_122 = tpu.vector_load %arg9[%get3A_121] {strides = array<i32>} : memref<144xi32, #tpu.memory_space<vmem>>, vector<16xi32>,
      %get3A_123 = arith.constant 96 : index
      %get3A_124 = tpu.vector_load %arg10[%get3A_123] {strides = array<i32>} : memref<144xi32, #tpu.memory_space<vmem>>, vector<16xi32>,
      %sub3A_125 = arith.constant 15 : i32
      %sub3A_126 = vector.broadcast %sub3A_125 : i32 to vector<16xi32>
      %sub3A_127 = arith.subi %get3A_122, %sub3A_126 : vector<16xi32>
      %mul3A_128 = arith.constant 200 : i32
      %mul3A_129 = vector.broadcast %mul3A_128 : i32 to vector<16xi32>
      %mul3A_130 = arith.muli %sub3A_127, %mul3A_129 : vector<16xi32>
      %sub3A_131 = arith.constant 15 : i32
      %sub3A_132 = vector.broadcast %sub3A_131 : i32 to vector<16xi32>
      %sub3A_133 = arith.subi %get3A_124, %sub3A_132 : vector<16xi32>
      %add3A_134 = arith.addi %mul3A_130, %sub3A_133 : vector<16xi32>
      %swap3A_135 = arith.constant 96 : index
      %swap3A_136 = tpu.vector_load %arg11[%swap3A_135] {strides = array<i32>} : memref<144xi32, #tpu.memory_space<vmem>>, vector<16xi32>,
      tpu.vector_store %arg11[%swap3A_135], %add3A_134 {strides = array<i32>} : memref<144xi32, #tpu.memory_space<vmem>>, vector<16xi32>,
      %get3A_137 = arith.constant 112 : index
      %get3A_138 = tpu.vector_load %arg9[%get3A_137] {strides = array<i32>} : memref<144xi32, #tpu.memory_space<vmem>>, vector<16xi32>,
      %get3A_139 = arith.constant 112 : index
      %get3A_140 = tpu.vector_load %arg10[%get3A_139] {strides = array<i32>} : memref<144xi32, #tpu.memory_space<vmem>>, vector<16xi32>,
      %sub3A_141 = arith.constant 15 : i32
      %sub3A_142 = vector.broadcast %sub3A_141 : i32 to vector<16xi32>
      %sub3A_143 = arith.subi %get3A_138, %sub3A_142 : vector<16xi32>
      %mul3A_144 = arith.constant 200 : i32
      %mul3A_145 = vector.broadcast %mul3A_144 : i32 to vector<16xi32>
      %mul3A_146 = arith.muli %sub3A_143, %mul3A_145 : vector<16xi32>
      %sub3A_147 = arith.constant 15 : i32
      %sub3A_148 = vector.broadcast %sub3A_147 : i32 to vector<16xi32>
      %sub3A_149 = arith.subi %get3A_140, %sub3A_148 : vector<16xi32>
      %add3A_150 = arith.addi %mul3A_146, %sub3A_149 : vector<16xi32>
      %swap3A_151 = arith.constant 112 : index
      %swap3A_152 = tpu.vector_load %arg11[%swap3A_151] {strides = array<i32>} : memref<144xi32, #tpu.memory_space<vmem>>, vector<16xi32>,
      tpu.vector_store %arg11[%swap3A_151], %add3A_150 {strides = array<i32>} : memref<144xi32, #tpu.memory_space<vmem>>, vector<16xi32>,
      %scan3A_153 = arith.constant 0 : i32
      %scan3A_154 = arith.constant 0 : i32
      %scan3A_155 = arith.constant 626 : i32
      %scan3A_156 = arith.addi %scan3A_154, %scan3A_155 : i32
      %scan3A_157 = arith.constant 1 : i32
      %scan3A_158 = scf.for %scan3A_289 = %scan3A_154 to %scan3A_156 step %scan3A_157 iter_args(%scan3A_290 = %scan3A_153) -> (i32)  : i32 {
        %mul3A_291 = arith.constant 64 : i32
        %mul3A_292 = arith.muli %scan3A_289, %mul3A_291 : i32
        %swap3A_293 = arith.index_cast %mul3A_292 : i32 to index
        %swap3A_294 = tpu.vector_load %arg6[%swap3A_293] {strides = array<i32>} : memref<40064xf32, #tpu.memory_space<vmem>>, vector<16xf32>,
        tpu.vector_store %arg6[%swap3A_293], %broadcast_in_dim3A_1 {strides = array<i32>} : memref<40064xf32, #tpu.memory_space<vmem>>, vector<16xf32>,
        %add3A_295 = arith.constant 16 : i32
        %add3A_296 = arith.addi %mul3A_292, %add3A_295 : i32
        %swap3A_297 = arith.index_cast %add3A_296 : i32 to index
        %swap3A_298 = tpu.vector_load %arg6[%swap3A_297] {strides = array<i32>} : memref<40064xf32, #tpu.memory_space<vmem>>, vector<16xf32>,
        tpu.vector_store %arg6[%swap3A_297], %broadcast_in_dim3A_1 {strides = array<i32>} : memref<40064xf32, #tpu.memory_space<vmem>>, vector<16xf32>,
        %add3A_299 = arith.constant 32 : i32
        %add3A_300 = arith.addi %mul3A_292, %add3A_299 : i32
        %swap3A_301 = arith.index_cast %add3A_300 : i32 to index
        %swap3A_302 = tpu.vector_load %arg6[%swap3A_301] {strides = array<i32>} : memref<40064xf32, #tpu.memory_space<vmem>>, vector<16xf32>,
        tpu.vector_store %arg6[%swap3A_301], %broadcast_in_dim3A_1 {strides = array<i32>} : memref<40064xf32, #tpu.memory_space<vmem>>, vector<16xf32>,
        %add3A_303 = arith.constant 48 : i32
        %add3A_304 = arith.addi %mul3A_292, %add3A_303 : i32
        %swap3A_305 = arith.index_cast %add3A_304 : i32 to index
        %swap3A_306 = tpu.vector_load %arg6[%swap3A_305] {strides = array<i32>} : memref<40064xf32, #tpu.memory_space<vmem>>, vector<16xf32>,
        tpu.vector_store %arg6[%swap3A_305], %broadcast_in_dim3A_1 {strides = array<i32>} : memref<40064xf32, #tpu.memory_space<vmem>>, vector<16xf32>,
        %scan3A_307 = arith.constant 0 : i32
        scf.yield %scan3A_307 : i32
      }
      %scan3A_159 = arith.constant 626 : i32
      %dma_wait3A = arith.constant 0 : i32
      %dma_wait3A_160 = arith.constant 0 : i32
      %dma_wait3A_161 = tpu.memref_slice %arg7[%dma_wait3A, %dma_wait3A_160] : memref<256x128xf32, #tpu.memory_space<vmem>> -> memref<248x128xf32, #tpu.memory_space<vmem>>
      %dma_wait3A_162 = arith.constant 0 : i32
      %dma_wait3A_163 = arith.constant 0 : i32
      %dma_wait3A_164 = tpu.memref_slice %arg2[%dma_wait3A_162, %add3A_12, %dma_wait3A_163] : memref<961x256x128xf32, #tpu.memory_space<hbm>> -> memref<248x1x128xf32, #tpu.memory_space<hbm>>
      %dma_wait3A_165 = tpu.memref_squeeze %dma_wait3A_164 : memref<248x1x128xf32, #tpu.memory_space<hbm>> -> memref<248x128xf32, #tpu.memory_space<hbm>>
      %dma_wait3A_166 = arith.constant 0 : i32
      %dma_wait3A_167 = arith.constant 0 : i32
      %dma_wait3A_168 = tpu.memref_slice %arg7[%dma_wait3A_166, %dma_wait3A_167] : memref<256x128xf32, #tpu.memory_space<vmem>> -> memref<248x128xf32, #tpu.memory_space<vmem>>
      %dma_wait3A_169 = arith.constant 0 : i32
      %dma_wait3A_170 = arith.constant 0 : i32
      %dma_wait3A_171 = tpu.memref_slice %arg2[%dma_wait3A_169, %add3A_12, %dma_wait3A_170] : memref<961x256x128xf32, #tpu.memory_space<hbm>> -> memref<248x1x128xf32, #tpu.memory_space<hbm>>
      %dma_wait3A_172 = tpu.memref_squeeze %dma_wait3A_171 : memref<248x1x128xf32, #tpu.memory_space<hbm>> -> memref<248x128xf32, #tpu.memory_space<hbm>>
      tpu.wait_dma2 semaphore(%arg12 : memref<!tpu.dma_semaphore, #tpu.memory_space<semaphore_mem>>) src(%dma_wait3A_172 : memref<248x128xf32, #tpu.memory_space<hbm>>) dst(%dma_wait3A_168 : memref<248x128xf32, #tpu.memory_space<vmem>>)
      %dma_start3A_173 = arith.constant 0 : i32
      %dma_start3A_174 = arith.constant 0 : i32
      %dma_start3A_175 = tpu.memref_slice %arg8[%dma_start3A_173, %dma_start3A_174] : memref<256x128xf32, #tpu.memory_space<vmem>> -> memref<248x128xf32, #tpu.memory_space<vmem>>
      %dma_start3A_176 = arith.constant 248 : i32
      %dma_start3A_177 = arith.constant 0 : i32
      %dma_start3A_178 = tpu.memref_slice %arg2[%dma_start3A_176, %add3A_12, %dma_start3A_177] : memref<961x256x128xf32, #tpu.memory_space<hbm>> -> memref<248x1x128xf32, #tpu.memory_space<hbm>>
      %dma_start3A_179 = tpu.memref_squeeze %dma_start3A_178 : memref<248x1x128xf32, #tpu.memory_space<hbm>> -> memref<248x128xf32, #tpu.memory_space<hbm>>
      %dma_start3A_180 = arith.constant 0 : i32
      %dma_start3A_181 = arith.constant 0 : i32
      %dma_start3A_182 = tpu.memref_slice %arg8[%dma_start3A_180, %dma_start3A_181] : memref<256x128xf32, #tpu.memory_space<vmem>> -> memref<248x128xf32, #tpu.memory_space<vmem>>
      %dma_start3A_183 = arith.constant 248 : i32
      %dma_start3A_184 = arith.constant 0 : i32
      %dma_start3A_185 = tpu.memref_slice %arg2[%dma_start3A_183, %add3A_12, %dma_start3A_184] : memref<961x256x128xf32, #tpu.memory_space<hbm>> -> memref<248x1x128xf32, #tpu.memory_space<hbm>>
      %dma_start3A_186 = tpu.memref_squeeze %dma_start3A_185 : memref<248x1x128xf32, #tpu.memory_space<hbm>> -> memref<248x128xf32, #tpu.memory_space<hbm>>
      tpu.enqueue_dma source(%dma_start3A_186 : memref<248x128xf32, #tpu.memory_space<hbm>>) target(%dma_start3A_182 : memref<248x128xf32, #tpu.memory_space<vmem>>) target_semaphore(%arg13 : memref<!tpu.dma_semaphore, #tpu.memory_space<semaphore_mem>>)
      %scan3A_187 = arith.constant 0 : i32
      %scan3A_188 = arith.constant 0 : i32
      %scan3A_189 = arith.constant 8 : i32
      %scan3A_190 = arith.addi %scan3A_188, %scan3A_189 : i32
      %scan3A_191 = arith.constant 1 : i32
      %scan3A_192 = scf.for %scan3A_289 = %scan3A_188 to %scan3A_190 step %scan3A_191 iter_args(%scan3A_290 = %scan3A_187) -> (i32)  : i32 {
        %mul3A_291 = arith.constant 16 : i32
        %mul3A_292 = arith.muli %scan3A_289, %mul3A_291 : i32
        %get3A_293 = arith.index_cast %mul3A_292 : i32 to index
        %get3A_294 = tpu.vector_load %arg11[%get3A_293] {strides = array<i32>} : memref<144xi32, #tpu.memory_space<vmem>>, vector<16xi32>,
        %add3A_295 = arith.constant 0 : i32
        %add3A_296 = vector.broadcast %add3A_295 : i32 to vector<16xi32>
        %add3A_297 = arith.addi %get3A_294, %add3A_296 : vector<16xi32>
        %parallel_loop3A = arith.constant 0 : i32
        %parallel_loop3A_298 = arith.constant 8 : i32
        %parallel_loop3A_299 = arith.constant 1 : i32
        scf.for %parallel_loop3A_301 = %parallel_loop3A to %parallel_loop3A_298 step %parallel_loop3A_299  : i32 {
          %parallel_loop3A_302 = arith.constant 200 : i32
          %parallel_loop3A_303 = arith.muli %parallel_loop3A_301, %parallel_loop3A_302 : i32
          %parallel_loop3A_304 = vector.broadcast %parallel_loop3A_303 : i32 to vector<16xi32>
          %parallel_loop3A_305 = arith.addi %add3A_297, %parallel_loop3A_304 : vector<16xi32>
          %parallel_loop3A_306 = arith.constant 31 : i32
          %parallel_loop3A_307 = arith.muli %parallel_loop3A_301, %parallel_loop3A_306 : i32
          %parallel_loop3A_308 = arith.constant 0 : i32
          %parallel_loop3A_309 = arith.addi %parallel_loop3A_307, %parallel_loop3A_308 : i32
          %parallel_loop3A_310 = arith.index_cast %parallel_loop3A_309 : i32 to index
          %parallel_loop3A_311 = arith.index_cast %mul3A_292 : i32 to index
          %parallel_loop3A_312 = tpu.vector_load %arg7[%parallel_loop3A_310, %parallel_loop3A_311] {strides = array<i32>} : memref<256x128xf32, #tpu.memory_space<vmem>>, vector<16xf32>,
          %parallel_loop3A_313 = arith.constant 0 : i32
          %parallel_loop3A_314 = vector.broadcast %parallel_loop3A_313 : i32 to vector<16xi32>
          %parallel_loop3A_315 = arith.addi %parallel_loop3A_305, %parallel_loop3A_314 : vector<16xi32>
          tpu.vector_store_idx %arg6[%parallel_loop3A_315], %parallel_loop3A_312 {add = true} : memref<40064xf32, #tpu.memory_space<vmem>>[vector<16xi32>], vector<16xf32>,
          %parallel_loop3A_316 = arith.constant 1 : i32
          %parallel_loop3A_317 = arith.addi %parallel_loop3A_307, %parallel_loop3A_316 : i32
          %parallel_loop3A_318 = arith.index_cast %parallel_loop3A_317 : i32 to index
          %parallel_loop3A_319 = arith.index_cast %mul3A_292 : i32 to index
          %parallel_loop3A_320 = tpu.vector_load %arg7[%parallel_loop3A_318, %parallel_loop3A_319] {strides = array<i32>} : memref<256x128xf32, #tpu.memory_space<vmem>>, vector<16xf32>,
          %parallel_loop3A_321 = arith.constant 1 : i32
          %parallel_loop3A_322 = vector.broadcast %parallel_loop3A_321 : i32 to vector<16xi32>
          %parallel_loop3A_323 = arith.addi %parallel_loop3A_305, %parallel_loop3A_322 : vector<16xi32>
          tpu.vector_store_idx %arg6[%parallel_loop3A_323], %parallel_loop3A_320 {add = true} : memref<40064xf32, #tpu.memory_space<vmem>>[vector<16xi32>], vector<16xf32>,
          %parallel_loop3A_324 = arith.constant 2 : i32
          %parallel_loop3A_325 = arith.addi %parallel_loop3A_307, %parallel_loop3A_324 : i32
          %parallel_loop3A_326 = arith.index_cast %parallel_loop3A_325 : i32 to index
          %parallel_loop3A_327 = arith.index_cast %mul3A_292 : i32 to index
          %parallel_loop3A_328 = tpu.vector_load %arg7[%parallel_loop3A_326, %parallel_loop3A_327] {strides = array<i32>} : memref<256x128xf32, #tpu.memory_space<vmem>>, vector<16xf32>,
          %parallel_loop3A_329 = arith.constant 2 : i32
          %parallel_loop3A_330 = vector.broadcast %parallel_loop3A_329 : i32 to vector<16xi32>
          %parallel_loop3A_331 = arith.addi %parallel_loop3A_305, %parallel_loop3A_330 : vector<16xi32>
          tpu.vector_store_idx %arg6[%parallel_loop3A_331], %parallel_loop3A_328 {add = true} : memref<40064xf32, #tpu.memory_space<vmem>>[vector<16xi32>], vector<16xf32>,
          %parallel_loop3A_332 = arith.constant 3 : i32
          %parallel_loop3A_333 = arith.addi %parallel_loop3A_307, %parallel_loop3A_332 : i32
          %parallel_loop3A_334 = arith.index_cast %parallel_loop3A_333 : i32 to index
          %parallel_loop3A_335 = arith.index_cast %mul3A_292 : i32 to index
          %parallel_loop3A_336 = tpu.vector_load %arg7[%parallel_loop3A_334, %parallel_loop3A_335] {strides = array<i32>} : memref<256x128xf32, #tpu.memory_space<vmem>>, vector<16xf32>,
          %parallel_loop3A_337 = arith.constant 3 : i32
          %parallel_loop3A_338 = vector.broadcast %parallel_loop3A_337 : i32 to vector<16xi32>
          %parallel_loop3A_339 = arith.addi %parallel_loop3A_305, %parallel_loop3A_338 : vector<16xi32>
          tpu.vector_store_idx %arg6[%parallel_loop3A_339], %parallel_loop3A_336 {add = true} : memref<40064xf32, #tpu.memory_space<vmem>>[vector<16xi32>], vector<16xf32>,
          %parallel_loop3A_340 = arith.constant 4 : i32
          %parallel_loop3A_341 = arith.addi %parallel_loop3A_307, %parallel_loop3A_340 : i32
          %parallel_loop3A_342 = arith.index_cast %parallel_loop3A_341 : i32 to index
          %parallel_loop3A_343 = arith.index_cast %mul3A_292 : i32 to index
          %parallel_loop3A_344 = tpu.vector_load %arg7[%parallel_loop3A_342, %parallel_loop3A_343] {strides = array<i32>} : memref<256x128xf32, #tpu.memory_space<vmem>>, vector<16xf32>,
          %parallel_loop3A_345 = arith.constant 4 : i32
          %parallel_loop3A_346 = vector.broadcast %parallel_loop3A_345 : i32 to vector<16xi32>
          %parallel_loop3A_347 = arith.addi %parallel_loop3A_305, %parallel_loop3A_346 : vector<16xi32>
          tpu.vector_store_idx %arg6[%parallel_loop3A_347], %parallel_loop3A_344 {add = true} : memref<40064xf32, #tpu.memory_space<vmem>>[vector<16xi32>], vector<16xf32>,
          %parallel_loop3A_348 = arith.constant 5 : i32
          %parallel_loop3A_349 = arith.addi %parallel_loop3A_307, %parallel_loop3A_348 : i32
          %parallel_loop3A_350 = arith.index_cast %parallel_loop3A_349 : i32 to index
          %parallel_loop3A_351 = arith.index_cast %mul3A_292 : i32 to index
          %parallel_loop3A_352 = tpu.vector_load %arg7[%parallel_loop3A_350, %parallel_loop3A_351] {strides = array<i32>} : memref<256x128xf32, #tpu.memory_space<vmem>>, vector<16xf32>,
          %parallel_loop3A_353 = arith.constant 5 : i32
          %parallel_loop3A_354 = vector.broadcast %parallel_loop3A_353 : i32 to vector<16xi32>
          %parallel_loop3A_355 = arith.addi %parallel_loop3A_305, %parallel_loop3A_354 : vector<16xi32>
          tpu.vector_store_idx %arg6[%parallel_loop3A_355], %parallel_loop3A_352 {add = true} : memref<40064xf32, #tpu.memory_space<vmem>>[vector<16xi32>], vector<16xf32>,
          %parallel_loop3A_356 = arith.constant 6 : i32
          %parallel_loop3A_357 = arith.addi %parallel_loop3A_307, %parallel_loop3A_356 : i32
          %parallel_loop3A_358 = arith.index_cast %parallel_loop3A_357 : i32 to index
          %parallel_loop3A_359 = arith.index_cast %mul3A_292 : i32 to index
          %parallel_loop3A_360 = tpu.vector_load %arg7[%parallel_loop3A_358, %parallel_loop3A_359] {strides = array<i32>} : memref<256x128xf32, #tpu.memory_space<vmem>>, vector<16xf32>,
          %parallel_loop3A_361 = arith.constant 6 : i32
          %parallel_loop3A_362 = vector.broadcast %parallel_loop3A_361 : i32 to vector<16xi32>
          %parallel_loop3A_363 = arith.addi %parallel_loop3A_305, %parallel_loop3A_362 : vector<16xi32>
          tpu.vector_store_idx %arg6[%parallel_loop3A_363], %parallel_loop3A_360 {add = true} : memref<40064xf32, #tpu.memory_space<vmem>>[vector<16xi32>], vector<16xf32>,
          %parallel_loop3A_364 = arith.constant 7 : i32
          %parallel_loop3A_365 = arith.addi %parallel_loop3A_307, %parallel_loop3A_364 : i32
          %parallel_loop3A_366 = arith.index_cast %parallel_loop3A_365 : i32 to index
          %parallel_loop3A_367 = arith.index_cast %mul3A_292 : i32 to index
          %parallel_loop3A_368 = tpu.vector_load %arg7[%parallel_loop3A_366, %parallel_loop3A_367] {strides = array<i32>} : memref<256x128xf32, #tpu.memory_space<vmem>>, vector<16xf32>,
          %parallel_loop3A_369 = arith.constant 7 : i32
          %parallel_loop3A_370 = vector.broadcast %parallel_loop3A_369 : i32 to vector<16xi32>
          %parallel_loop3A_371 = arith.addi %parallel_loop3A_305, %parallel_loop3A_370 : vector<16xi32>
          tpu.vector_store_idx %arg6[%parallel_loop3A_371], %parallel_loop3A_368 {add = true} : memref<40064xf32, #tpu.memory_space<vmem>>[vector<16xi32>], vector<16xf32>,
          %parallel_loop3A_372 = arith.constant 8 : i32
          %parallel_loop3A_373 = arith.addi %parallel_loop3A_307, %parallel_loop3A_372 : i32
          %parallel_loop3A_374 = arith.index_cast %parallel_loop3A_373 : i32 to index
          %parallel_loop3A_375 = arith.index_cast %mul3A_292 : i32 to index
          %parallel_loop3A_376 = tpu.vector_load %arg7[%parallel_loop3A_374, %parallel_loop3A_375] {strides = array<i32>} : memref<256x128xf32, #tpu.memory_space<vmem>>, vector<16xf32>,
          %parallel_loop3A_377 = arith.constant 8 : i32
          %parallel_loop3A_378 = vector.broadcast %parallel_loop3A_377 : i32 to vector<16xi32>
          %parallel_loop3A_379 = arith.addi %parallel_loop3A_305, %parallel_loop3A_378 : vector<16xi32>
          tpu.vector_store_idx %arg6[%parallel_loop3A_379], %parallel_loop3A_376 {add = true} : memref<40064xf32, #tpu.memory_space<vmem>>[vector<16xi32>], vector<16xf32>,
          %parallel_loop3A_380 = arith.constant 9 : i32
          %parallel_loop3A_381 = arith.addi %parallel_loop3A_307, %parallel_loop3A_380 : i32
          %parallel_loop3A_382 = arith.index_cast %parallel_loop3A_381 : i32 to index
          %parallel_loop3A_383 = arith.index_cast %mul3A_292 : i32 to index
          %parallel_loop3A_384 = tpu.vector_load %arg7[%parallel_loop3A_382, %parallel_loop3A_383] {strides = array<i32>} : memref<256x128xf32, #tpu.memory_space<vmem>>, vector<16xf32>,
          %parallel_loop3A_385 = arith.constant 9 : i32
          %parallel_loop3A_386 = vector.broadcast %parallel_loop3A_385 : i32 to vector<16xi32>
          %parallel_loop3A_387 = arith.addi %parallel_loop3A_305, %parallel_loop3A_386 : vector<16xi32>
          tpu.vector_store_idx %arg6[%parallel_loop3A_387], %parallel_loop3A_384 {add = true} : memref<40064xf32, #tpu.memory_space<vmem>>[vector<16xi32>], vector<16xf32>,
          %parallel_loop3A_388 = arith.constant 10 : i32
          %parallel_loop3A_389 = arith.addi %parallel_loop3A_307, %parallel_loop3A_388 : i32
          %parallel_loop3A_390 = arith.index_cast %parallel_loop3A_389 : i32 to index
          %parallel_loop3A_391 = arith.index_cast %mul3A_292 : i32 to index
          %parallel_loop3A_392 = tpu.vector_load %arg7[%parallel_loop3A_390, %parallel_loop3A_391] {strides = array<i32>} : memref<256x128xf32, #tpu.memory_space<vmem>>, vector<16xf32>,
          %parallel_loop3A_393 = arith.constant 10 : i32
          %parallel_loop3A_394 = vector.broadcast %parallel_loop3A_393 : i32 to vector<16xi32>
          %parallel_loop3A_395 = arith.addi %parallel_loop3A_305, %parallel_loop3A_394 : vector<16xi32>
          tpu.vector_store_idx %arg6[%parallel_loop3A_395], %parallel_loop3A_392 {add = true} : memref<40064xf32, #tpu.memory_space<vmem>>[vector<16xi32>], vector<16xf32>,
          %parallel_loop3A_396 = arith.constant 11 : i32
          %parallel_loop3A_397 = arith.addi %parallel_loop3A_307, %parallel_loop3A_396 : i32
          %parallel_loop3A_398 = arith.index_cast %parallel_loop3A_397 : i32 to index
          %parallel_loop3A_399 = arith.index_cast %mul3A_292 : i32 to index
          %parallel_loop3A_400 = tpu.vector_load %arg7[%parallel_loop3A_398, %parallel_loop3A_399] {strides = array<i32>} : memref<256x128xf32, #tpu.memory_space<vmem>>, vector<16xf32>,
          %parallel_loop3A_401 = arith.constant 11 : i32
          %parallel_loop3A_402 = vector.broadcast %parallel_loop3A_401 : i32 to vector<16xi32>
          %parallel_loop3A_403 = arith.addi %parallel_loop3A_305, %parallel_loop3A_402 : vector<16xi32>
          tpu.vector_store_idx %arg6[%parallel_loop3A_403], %parallel_loop3A_400 {add = true} : memref<40064xf32, #tpu.memory_space<vmem>>[vector<16xi32>], vector<16xf32>,
          %parallel_loop3A_404 = arith.constant 12 : i32
          %parallel_loop3A_405 = arith.addi %parallel_loop3A_307, %parallel_loop3A_404 : i32
          %parallel_loop3A_406 = arith.index_cast %parallel_loop3A_405 : i32 to index
          %parallel_loop3A_407 = arith.index_cast %mul3A_292 : i32 to index
          %parallel_loop3A_408 = tpu.vector_load %arg7[%parallel_loop3A_406, %parallel_loop3A_407] {strides = array<i32>} : memref<256x128xf32, #tpu.memory_space<vmem>>, vector<16xf32>,
          %parallel_loop3A_409 = arith.constant 12 : i32
          %parallel_loop3A_410 = vector.broadcast %parallel_loop3A_409 : i32 to vector<16xi32>
          %parallel_loop3A_411 = arith.addi %parallel_loop3A_305, %parallel_loop3A_410 : vector<16xi32>
          tpu.vector_store_idx %arg6[%parallel_loop3A_411], %parallel_loop3A_408 {add = true} : memref<40064xf32, #tpu.memory_space<vmem>>[vector<16xi32>], vector<16xf32>,
          %parallel_loop3A_412 = arith.constant 13 : i32
          %parallel_loop3A_413 = arith.addi %parallel_loop3A_307, %parallel_loop3A_412 : i32
          %parallel_loop3A_414 = arith.index_cast %parallel_loop3A_413 : i32 to index
          %parallel_loop3A_415 = arith.index_cast %mul3A_292 : i32 to index
          %parallel_loop3A_416 = tpu.vector_load %arg7[%parallel_loop3A_414, %parallel_loop3A_415] {strides = array<i32>} : memref<256x128xf32, #tpu.memory_space<vmem>>, vector<16xf32>,
          %parallel_loop3A_417 = arith.constant 13 : i32
          %parallel_loop3A_418 = vector.broadcast %parallel_loop3A_417 : i32 to vector<16xi32>
          %parallel_loop3A_419 = arith.addi %parallel_loop3A_305, %parallel_loop3A_418 : vector<16xi32>
          tpu.vector_store_idx %arg6[%parallel_loop3A_419], %parallel_loop3A_416 {add = true} : memref<40064xf32, #tpu.memory_space<vmem>>[vector<16xi32>], vector<16xf32>,
          %parallel_loop3A_420 = arith.constant 14 : i32
          %parallel_loop3A_421 = arith.addi %parallel_loop3A_307, %parallel_loop3A_420 : i32
          %parallel_loop3A_422 = arith.index_cast %parallel_loop3A_421 : i32 to index
          %parallel_loop3A_423 = arith.index_cast %mul3A_292 : i32 to index
          %parallel_loop3A_424 = tpu.vector_load %arg7[%parallel_loop3A_422, %parallel_loop3A_423] {strides = array<i32>} : memref<256x128xf32, #tpu.memory_space<vmem>>, vector<16xf32>,
          %parallel_loop3A_425 = arith.constant 14 : i32
          %parallel_loop3A_426 = vector.broadcast %parallel_loop3A_425 : i32 to vector<16xi32>
          %parallel_loop3A_427 = arith.addi %parallel_loop3A_305, %parallel_loop3A_426 : vector<16xi32>
          tpu.vector_store_idx %arg6[%parallel_loop3A_427], %parallel_loop3A_424 {add = true} : memref<40064xf32, #tpu.memory_space<vmem>>[vector<16xi32>], vector<16xf32>,
          %parallel_loop3A_428 = arith.constant 15 : i32
          %parallel_loop3A_429 = arith.addi %parallel_loop3A_307, %parallel_loop3A_428 : i32
          %parallel_loop3A_430 = arith.index_cast %parallel_loop3A_429 : i32 to index
          %parallel_loop3A_431 = arith.index_cast %mul3A_292 : i32 to index
          %parallel_loop3A_432 = tpu.vector_load %arg7[%parallel_loop3A_430, %parallel_loop3A_431] {strides = array<i32>} : memref<256x128xf32, #tpu.memory_space<vmem>>, vector<16xf32>,
          %parallel_loop3A_433 = arith.constant 15 : i32
          %parallel_loop3A_434 = vector.broadcast %parallel_loop3A_433 : i32 to vector<16xi32>
          %parallel_loop3A_435 = arith.addi %parallel_loop3A_305, %parallel_loop3A_434 : vector<16xi32>
          tpu.vector_store_idx %arg6[%parallel_loop3A_435], %parallel_loop3A_432 {add = true} : memref<40064xf32, #tpu.memory_space<vmem>>[vector<16xi32>], vector<16xf32>,
          %parallel_loop3A_436 = arith.constant 16 : i32
          %parallel_loop3A_437 = arith.addi %parallel_loop3A_307, %parallel_loop3A_436 : i32
          %parallel_loop3A_438 = arith.index_cast %parallel_loop3A_437 : i32 to index
          %parallel_loop3A_439 = arith.index_cast %mul3A_292 : i32 to index
          %parallel_loop3A_440 = tpu.vector_load %arg7[%parallel_loop3A_438, %parallel_loop3A_439] {strides = array<i32>} : memref<256x128xf32, #tpu.memory_space<vmem>>, vector<16xf32>,
          %parallel_loop3A_441 = arith.constant 16 : i32
          %parallel_loop3A_442 = vector.broadcast %parallel_loop3A_441 : i32 to vector<16xi32>
          %parallel_loop3A_443 = arith.addi %parallel_loop3A_305, %parallel_loop3A_442 : vector<16xi32>
          tpu.vector_store_idx %arg6[%parallel_loop3A_443], %parallel_loop3A_440 {add = true} : memref<40064xf32, #tpu.memory_space<vmem>>[vector<16xi32>], vector<16xf32>,
          %parallel_loop3A_444 = arith.constant 17 : i32
          %parallel_loop3A_445 = arith.addi %parallel_loop3A_307, %parallel_loop3A_444 : i32
          %parallel_loop3A_446 = arith.index_cast %parallel_loop3A_445 : i32 to index
          %parallel_loop3A_447 = arith.index_cast %mul3A_292 : i32 to index
          %parallel_loop3A_448 = tpu.vector_load %arg7[%parallel_loop3A_446, %parallel_loop3A_447] {strides = array<i32>} : memref<256x128xf32, #tpu.memory_space<vmem>>, vector<16xf32>,
          %parallel_loop3A_449 = arith.constant 17 : i32
          %parallel_loop3A_450 = vector.broadcast %parallel_loop3A_449 : i32 to vector<16xi32>
          %parallel_loop3A_451 = arith.addi %parallel_loop3A_305, %parallel_loop3A_450 : vector<16xi32>
          tpu.vector_store_idx %arg6[%parallel_loop3A_451], %parallel_loop3A_448 {add = true} : memref<40064xf32, #tpu.memory_space<vmem>>[vector<16xi32>], vector<16xf32>,
          %parallel_loop3A_452 = arith.constant 18 : i32
          %parallel_loop3A_453 = arith.addi %parallel_loop3A_307, %parallel_loop3A_452 : i32
          %parallel_loop3A_454 = arith.index_cast %parallel_loop3A_453 : i32 to index
          %parallel_loop3A_455 = arith.index_cast %mul3A_292 : i32 to index
          %parallel_loop3A_456 = tpu.vector_load %arg7[%parallel_loop3A_454, %parallel_loop3A_455] {strides = array<i32>} : memref<256x128xf32, #tpu.memory_space<vmem>>, vector<16xf32>,
          %parallel_loop3A_457 = arith.constant 18 : i32
          %parallel_loop3A_458 = vector.broadcast %parallel_loop3A_457 : i32 to vector<16xi32>
          %parallel_loop3A_459 = arith.addi %parallel_loop3A_305, %parallel_loop3A_458 : vector<16xi32>
          tpu.vector_store_idx %arg6[%parallel_loop3A_459], %parallel_loop3A_456 {add = true} : memref<40064xf32, #tpu.memory_space<vmem>>[vector<16xi32>], vector<16xf32>,
          %parallel_loop3A_460 = arith.constant 19 : i32
          %parallel_loop3A_461 = arith.addi %parallel_loop3A_307, %parallel_loop3A_460 : i32
          %parallel_loop3A_462 = arith.index_cast %parallel_loop3A_461 : i32 to index
          %parallel_loop3A_463 = arith.index_cast %mul3A_292 : i32 to index
          %parallel_loop3A_464 = tpu.vector_load %arg7[%parallel_loop3A_462, %parallel_loop3A_463] {strides = array<i32>} : memref<256x128xf32, #tpu.memory_space<vmem>>, vector<16xf32>,
          %parallel_loop3A_465 = arith.constant 19 : i32
          %parallel_loop3A_466 = vector.broadcast %parallel_loop3A_465 : i32 to vector<16xi32>
          %parallel_loop3A_467 = arith.addi %parallel_loop3A_305, %parallel_loop3A_466 : vector<16xi32>
          tpu.vector_store_idx %arg6[%parallel_loop3A_467], %parallel_loop3A_464 {add = true} : memref<40064xf32, #tpu.memory_space<vmem>>[vector<16xi32>], vector<16xf32>,
          %parallel_loop3A_468 = arith.constant 20 : i32
          %parallel_loop3A_469 = arith.addi %parallel_loop3A_307, %parallel_loop3A_468 : i32
          %parallel_loop3A_470 = arith.index_cast %parallel_loop3A_469 : i32 to index
          %parallel_loop3A_471 = arith.index_cast %mul3A_292 : i32 to index
          %parallel_loop3A_472 = tpu.vector_load %arg7[%parallel_loop3A_470, %parallel_loop3A_471] {strides = array<i32>} : memref<256x128xf32, #tpu.memory_space<vmem>>, vector<16xf32>,
          %parallel_loop3A_473 = arith.constant 20 : i32
          %parallel_loop3A_474 = vector.broadcast %parallel_loop3A_473 : i32 to vector<16xi32>
          %parallel_loop3A_475 = arith.addi %parallel_loop3A_305, %parallel_loop3A_474 : vector<16xi32>
          tpu.vector_store_idx %arg6[%parallel_loop3A_475], %parallel_loop3A_472 {add = true} : memref<40064xf32, #tpu.memory_space<vmem>>[vector<16xi32>], vector<16xf32>,
          %parallel_loop3A_476 = arith.constant 21 : i32
          %parallel_loop3A_477 = arith.addi %parallel_loop3A_307, %parallel_loop3A_476 : i32
          %parallel_loop3A_478 = arith.index_cast %parallel_loop3A_477 : i32 to index
          %parallel_loop3A_479 = arith.index_cast %mul3A_292 : i32 to index
          %parallel_loop3A_480 = tpu.vector_load %arg7[%parallel_loop3A_478, %parallel_loop3A_479] {strides = array<i32>} : memref<256x128xf32, #tpu.memory_space<vmem>>, vector<16xf32>,
          %parallel_loop3A_481 = arith.constant 21 : i32
          %parallel_loop3A_482 = vector.broadcast %parallel_loop3A_481 : i32 to vector<16xi32>
          %parallel_loop3A_483 = arith.addi %parallel_loop3A_305, %parallel_loop3A_482 : vector<16xi32>
          tpu.vector_store_idx %arg6[%parallel_loop3A_483], %parallel_loop3A_480 {add = true} : memref<40064xf32, #tpu.memory_space<vmem>>[vector<16xi32>], vector<16xf32>,
          %parallel_loop3A_484 = arith.constant 22 : i32
          %parallel_loop3A_485 = arith.addi %parallel_loop3A_307, %parallel_loop3A_484 : i32
          %parallel_loop3A_486 = arith.index_cast %parallel_loop3A_485 : i32 to index
          %parallel_loop3A_487 = arith.index_cast %mul3A_292 : i32 to index
          %parallel_loop3A_488 = tpu.vector_load %arg7[%parallel_loop3A_486, %parallel_loop3A_487] {strides = array<i32>} : memref<256x128xf32, #tpu.memory_space<vmem>>, vector<16xf32>,
          %parallel_loop3A_489 = arith.constant 22 : i32
          %parallel_loop3A_490 = vector.broadcast %parallel_loop3A_489 : i32 to vector<16xi32>
          %parallel_loop3A_491 = arith.addi %parallel_loop3A_305, %parallel_loop3A_490 : vector<16xi32>
          tpu.vector_store_idx %arg6[%parallel_loop3A_491], %parallel_loop3A_488 {add = true} : memref<40064xf32, #tpu.memory_space<vmem>>[vector<16xi32>], vector<16xf32>,
          %parallel_loop3A_492 = arith.constant 23 : i32
          %parallel_loop3A_493 = arith.addi %parallel_loop3A_307, %parallel_loop3A_492 : i32
          %parallel_loop3A_494 = arith.index_cast %parallel_loop3A_493 : i32 to index
          %parallel_loop3A_495 = arith.index_cast %mul3A_292 : i32 to index
          %parallel_loop3A_496 = tpu.vector_load %arg7[%parallel_loop3A_494, %parallel_loop3A_495] {strides = array<i32>} : memref<256x128xf32, #tpu.memory_space<vmem>>, vector<16xf32>,
          %parallel_loop3A_497 = arith.constant 23 : i32
          %parallel_loop3A_498 = vector.broadcast %parallel_loop3A_497 : i32 to vector<16xi32>
          %parallel_loop3A_499 = arith.addi %parallel_loop3A_305, %parallel_loop3A_498 : vector<16xi32>
          tpu.vector_store_idx %arg6[%parallel_loop3A_499], %parallel_loop3A_496 {add = true} : memref<40064xf32, #tpu.memory_space<vmem>>[vector<16xi32>], vector<16xf32>,
          %parallel_loop3A_500 = arith.constant 24 : i32
          %parallel_loop3A_501 = arith.addi %parallel_loop3A_307, %parallel_loop3A_500 : i32
          %parallel_loop3A_502 = arith.index_cast %parallel_loop3A_501 : i32 to index
          %parallel_loop3A_503 = arith.index_cast %mul3A_292 : i32 to index
          %parallel_loop3A_504 = tpu.vector_load %arg7[%parallel_loop3A_502, %parallel_loop3A_503] {strides = array<i32>} : memref<256x128xf32, #tpu.memory_space<vmem>>, vector<16xf32>,
          %parallel_loop3A_505 = arith.constant 24 : i32
          %parallel_loop3A_506 = vector.broadcast %parallel_loop3A_505 : i32 to vector<16xi32>
          %parallel_loop3A_507 = arith.addi %parallel_loop3A_305, %parallel_loop3A_506 : vector<16xi32>
          tpu.vector_store_idx %arg6[%parallel_loop3A_507], %parallel_loop3A_504 {add = true} : memref<40064xf32, #tpu.memory_space<vmem>>[vector<16xi32>], vector<16xf32>,
          %parallel_loop3A_508 = arith.constant 25 : i32
          %parallel_loop3A_509 = arith.addi %parallel_loop3A_307, %parallel_loop3A_508 : i32
          %parallel_loop3A_510 = arith.index_cast %parallel_loop3A_509 : i32 to index
          %parallel_loop3A_511 = arith.index_cast %mul3A_292 : i32 to index
          %parallel_loop3A_512 = tpu.vector_load %arg7[%parallel_loop3A_510, %parallel_loop3A_511] {strides = array<i32>} : memref<256x128xf32, #tpu.memory_space<vmem>>, vector<16xf32>,
          %parallel_loop3A_513 = arith.constant 25 : i32
          %parallel_loop3A_514 = vector.broadcast %parallel_loop3A_513 : i32 to vector<16xi32>
          %parallel_loop3A_515 = arith.addi %parallel_loop3A_305, %parallel_loop3A_514 : vector<16xi32>
          tpu.vector_store_idx %arg6[%parallel_loop3A_515], %parallel_loop3A_512 {add = true} : memref<40064xf32, #tpu.memory_space<vmem>>[vector<16xi32>], vector<16xf32>,
          %parallel_loop3A_516 = arith.constant 26 : i32
          %parallel_loop3A_517 = arith.addi %parallel_loop3A_307, %parallel_loop3A_516 : i32
          %parallel_loop3A_518 = arith.index_cast %parallel_loop3A_517 : i32 to index
          %parallel_loop3A_519 = arith.index_cast %mul3A_292 : i32 to index
          %parallel_loop3A_520 = tpu.vector_load %arg7[%parallel_loop3A_518, %parallel_loop3A_519] {strides = array<i32>} : memref<256x128xf32, #tpu.memory_space<vmem>>, vector<16xf32>,
          %parallel_loop3A_521 = arith.constant 26 : i32
          %parallel_loop3A_522 = vector.broadcast %parallel_loop3A_521 : i32 to vector<16xi32>
          %parallel_loop3A_523 = arith.addi %parallel_loop3A_305, %parallel_loop3A_522 : vector<16xi32>
          tpu.vector_store_idx %arg6[%parallel_loop3A_523], %parallel_loop3A_520 {add = true} : memref<40064xf32, #tpu.memory_space<vmem>>[vector<16xi32>], vector<16xf32>,
          %parallel_loop3A_524 = arith.constant 27 : i32
          %parallel_loop3A_525 = arith.addi %parallel_loop3A_307, %parallel_loop3A_524 : i32
          %parallel_loop3A_526 = arith.index_cast %parallel_loop3A_525 : i32 to index
          %parallel_loop3A_527 = arith.index_cast %mul3A_292 : i32 to index
          %parallel_loop3A_528 = tpu.vector_load %arg7[%parallel_loop3A_526, %parallel_loop3A_527] {strides = array<i32>} : memref<256x128xf32, #tpu.memory_space<vmem>>, vector<16xf32>,
          %parallel_loop3A_529 = arith.constant 27 : i32
          %parallel_loop3A_530 = vector.broadcast %parallel_loop3A_529 : i32 to vector<16xi32>
          %parallel_loop3A_531 = arith.addi %parallel_loop3A_305, %parallel_loop3A_530 : vector<16xi32>
          tpu.vector_store_idx %arg6[%parallel_loop3A_531], %parallel_loop3A_528 {add = true} : memref<40064xf32, #tpu.memory_space<vmem>>[vector<16xi32>], vector<16xf32>,
          %parallel_loop3A_532 = arith.constant 28 : i32
          %parallel_loop3A_533 = arith.addi %parallel_loop3A_307, %parallel_loop3A_532 : i32
          %parallel_loop3A_534 = arith.index_cast %parallel_loop3A_533 : i32 to index
          %parallel_loop3A_535 = arith.index_cast %mul3A_292 : i32 to index
          %parallel_loop3A_536 = tpu.vector_load %arg7[%parallel_loop3A_534, %parallel_loop3A_535] {strides = array<i32>} : memref<256x128xf32, #tpu.memory_space<vmem>>, vector<16xf32>,
          %parallel_loop3A_537 = arith.constant 28 : i32
          %parallel_loop3A_538 = vector.broadcast %parallel_loop3A_537 : i32 to vector<16xi32>
          %parallel_loop3A_539 = arith.addi %parallel_loop3A_305, %parallel_loop3A_538 : vector<16xi32>
          tpu.vector_store_idx %arg6[%parallel_loop3A_539], %parallel_loop3A_536 {add = true} : memref<40064xf32, #tpu.memory_space<vmem>>[vector<16xi32>], vector<16xf32>,
          %parallel_loop3A_540 = arith.constant 29 : i32
          %parallel_loop3A_541 = arith.addi %parallel_loop3A_307, %parallel_loop3A_540 : i32
          %parallel_loop3A_542 = arith.index_cast %parallel_loop3A_541 : i32 to index
          %parallel_loop3A_543 = arith.index_cast %mul3A_292 : i32 to index
          %parallel_loop3A_544 = tpu.vector_load %arg7[%parallel_loop3A_542, %parallel_loop3A_543] {strides = array<i32>} : memref<256x128xf32, #tpu.memory_space<vmem>>, vector<16xf32>,
          %parallel_loop3A_545 = arith.constant 29 : i32
          %parallel_loop3A_546 = vector.broadcast %parallel_loop3A_545 : i32 to vector<16xi32>
          %parallel_loop3A_547 = arith.addi %parallel_loop3A_305, %parallel_loop3A_546 : vector<16xi32>
          tpu.vector_store_idx %arg6[%parallel_loop3A_547], %parallel_loop3A_544 {add = true} : memref<40064xf32, #tpu.memory_space<vmem>>[vector<16xi32>], vector<16xf32>,
          %parallel_loop3A_548 = arith.constant 30 : i32
          %parallel_loop3A_549 = arith.addi %parallel_loop3A_307, %parallel_loop3A_548 : i32
          %parallel_loop3A_550 = arith.index_cast %parallel_loop3A_549 : i32 to index
          %parallel_loop3A_551 = arith.index_cast %mul3A_292 : i32 to index
          %parallel_loop3A_552 = tpu.vector_load %arg7[%parallel_loop3A_550, %parallel_loop3A_551] {strides = array<i32>} : memref<256x128xf32, #tpu.memory_space<vmem>>, vector<16xf32>,
          %parallel_loop3A_553 = arith.constant 30 : i32
          %parallel_loop3A_554 = vector.broadcast %parallel_loop3A_553 : i32 to vector<16xi32>
          %parallel_loop3A_555 = arith.addi %parallel_loop3A_305, %parallel_loop3A_554 : vector<16xi32>
          tpu.vector_store_idx %arg6[%parallel_loop3A_555], %parallel_loop3A_552 {add = true} : memref<40064xf32, #tpu.memory_space<vmem>>[vector<16xi32>], vector<16xf32>,
        } {sc.loop_unroll_factor = 2 : i64, sc.parallel_access}
        %scan3A_300 = arith.constant 0 : i32
        scf.yield %scan3A_300 : i32
      }
      %scan3A_193 = arith.constant 8 : i32
      %dma_wait3A_194 = arith.constant 0 : i32
      %dma_wait3A_195 = arith.constant 0 : i32
      %dma_wait3A_196 = tpu.memref_slice %arg8[%dma_wait3A_194, %dma_wait3A_195] : memref<256x128xf32, #tpu.memory_space<vmem>> -> memref<248x128xf32, #tpu.memory_space<vmem>>
      %dma_wait3A_197 = arith.constant 248 : i32
      %dma_wait3A_198 = arith.constant 0 : i32
      %dma_wait3A_199 = tpu.memref_slice %arg2[%dma_wait3A_197, %add3A_12, %dma_wait3A_198] : memref<961x256x128xf32, #tpu.memory_space<hbm>> -> memref<248x1x128xf32, #tpu.memory_space<hbm>>
      %dma_wait3A_200 = tpu.memref_squeeze %dma_wait3A_199 : memref<248x1x128xf32, #tpu.memory_space<hbm>> -> memref<248x128xf32, #tpu.memory_space<hbm>>
      %dma_wait3A_201 = arith.constant 0 : i32
      %dma_wait3A_202 = arith.constant 0 : i32
      %dma_wait3A_203 = tpu.memref_slice %arg8[%dma_wait3A_201, %dma_wait3A_202] : memref<256x128xf32, #tpu.memory_space<vmem>> -> memref<248x128xf32, #tpu.memory_space<vmem>>
      %dma_wait3A_204 = arith.constant 248 : i32
      %dma_wait3A_205 = arith.constant 0 : i32
      %dma_wait3A_206 = tpu.memref_slice %arg2[%dma_wait3A_204, %add3A_12, %dma_wait3A_205] : memref<961x256x128xf32, #tpu.memory_space<hbm>> -> memref<248x1x128xf32, #tpu.memory_space<hbm>>
      %dma_wait3A_207 = tpu.memref_squeeze %dma_wait3A_206 : memref<248x1x128xf32, #tpu.memory_space<hbm>> -> memref<248x128xf32, #tpu.memory_space<hbm>>
      tpu.wait_dma2 semaphore(%arg13 : memref<!tpu.dma_semaphore, #tpu.memory_space<semaphore_mem>>) src(%dma_wait3A_207 : memref<248x128xf32, #tpu.memory_space<hbm>>) dst(%dma_wait3A_203 : memref<248x128xf32, #tpu.memory_space<vmem>>)
      %dma_start3A_208 = arith.constant 0 : i32
      %dma_start3A_209 = arith.constant 0 : i32
      %dma_start3A_210 = tpu.memref_slice %arg7[%dma_start3A_208, %dma_start3A_209] : memref<256x128xf32, #tpu.memory_space<vmem>> -> memref<248x128xf32, #tpu.memory_space<vmem>>
      %dma_start3A_211 = arith.constant 496 : i32
      %dma_start3A_212 = arith.constant 0 : i32
      %dma_start3A_213 = tpu.memref_slice %arg2[%dma_start3A_211, %add3A_12, %dma_start3A_212] : memref<961x256x128xf32, #tpu.memory_space<hbm>> -> memref<248x1x128xf32, #tpu.memory_space<hbm>>
      %dma_start3A_214 = tpu.memref_squeeze %dma_start3A_213 : memref<248x1x128xf32, #tpu.memory_space<hbm>> -> memref<248x128xf32, #tpu.memory_space<hbm>>
      %dma_start3A_215 = arith.constant 0 : i32
      %dma_start3A_216 = arith.constant 0 : i32
      %dma_start3A_217 = tpu.memref_slice %arg7[%dma_start3A_215, %dma_start3A_216] : memref<256x128xf32, #tpu.memory_space<vmem>> -> memref<248x128xf32, #tpu.memory_space<vmem>>
      %dma_start3A_218 = arith.constant 496 : i32
      %dma_start3A_219 = arith.constant 0 : i32
      %dma_start3A_220 = tpu.memref_slice %arg2[%dma_start3A_218, %add3A_12, %dma_start3A_219] : memref<961x256x128xf32, #tpu.memory_space<hbm>> -> memref<248x1x128xf32, #tpu.memory_space<hbm>>
      %dma_start3A_221 = tpu.memref_squeeze %dma_start3A_220 : memref<248x1x128xf32, #tpu.memory_space<hbm>> -> memref<248x128xf32, #tpu.memory_space<hbm>>
      tpu.enqueue_dma source(%dma_start3A_221 : memref<248x128xf32, #tpu.memory_space<hbm>>) target(%dma_start3A_217 : memref<248x128xf32, #tpu.memory_space<vmem>>) target_semaphore(%arg12 : memref<!tpu.dma_semaphore, #tpu.memory_space<semaphore_mem>>)
      %scan3A_222 = arith.constant 0 : i32
      %scan3A_223 = arith.constant 0 : i32
      %scan3A_224 = arith.constant 8 : i32
      %scan3A_225 = arith.addi %scan3A_223, %scan3A_224 : i32
      %scan3A_226 = arith.constant 1 : i32
      %scan3A_227 = scf.for %scan3A_289 = %scan3A_223 to %scan3A_225 step %scan3A_226 iter_args(%scan3A_290 = %scan3A_222) -> (i32)  : i32 {
        %mul3A_291 = arith.constant 16 : i32
        %mul3A_292 = arith.muli %scan3A_289, %mul3A_291 : i32
        %get3A_293 = arith.index_cast %mul3A_292 : i32 to index
        %get3A_294 = tpu.vector_load %arg11[%get3A_293] {strides = array<i32>} : memref<144xi32, #tpu.memory_space<vmem>>, vector<16xi32>,
        %add3A_295 = arith.constant 1600 : i32
        %add3A_296 = vector.broadcast %add3A_295 : i32 to vector<16xi32>
        %add3A_297 = arith.addi %get3A_294, %add3A_296 : vector<16xi32>
        %parallel_loop3A = arith.constant 0 : i32
        %parallel_loop3A_298 = arith.constant 8 : i32
        %parallel_loop3A_299 = arith.constant 1 : i32
        scf.for %parallel_loop3A_301 = %parallel_loop3A to %parallel_loop3A_298 step %parallel_loop3A_299  : i32 {
          %parallel_loop3A_302 = arith.constant 200 : i32
          %parallel_loop3A_303 = arith.muli %parallel_loop3A_301, %parallel_loop3A_302 : i32
          %parallel_loop3A_304 = vector.broadcast %parallel_loop3A_303 : i32 to vector<16xi32>
          %parallel_loop3A_305 = arith.addi %add3A_297, %parallel_loop3A_304 : vector<16xi32>
          %parallel_loop3A_306 = arith.constant 31 : i32
          %parallel_loop3A_307 = arith.muli %parallel_loop3A_301, %parallel_loop3A_306 : i32
          %parallel_loop3A_308 = arith.constant 0 : i32
          %parallel_loop3A_309 = arith.addi %parallel_loop3A_307, %parallel_loop3A_308 : i32
          %parallel_loop3A_310 = arith.index_cast %parallel_loop3A_309 : i32 to index
          %parallel_loop3A_311 = arith.index_cast %mul3A_292 : i32 to index
          %parallel_loop3A_312 = tpu.vector_load %arg8[%parallel_loop3A_310, %parallel_loop3A_311] {strides = array<i32>} : memref<256x128xf32, #tpu.memory_space<vmem>>, vector<16xf32>,
          %parallel_loop3A_313 = arith.constant 0 : i32
          %parallel_loop3A_314 = vector.broadcast %parallel_loop3A_313 : i32 to vector<16xi32>
          %parallel_loop3A_315 = arith.addi %parallel_loop3A_305, %parallel_loop3A_314 : vector<16xi32>
          tpu.vector_store_idx %arg6[%parallel_loop3A_315], %parallel_loop3A_312 {add = true} : memref<40064xf32, #tpu.memory_space<vmem>>[vector<16xi32>], vector<16xf32>,
          %parallel_loop3A_316 = arith.constant 1 : i32
          %parallel_loop3A_317 = arith.addi %parallel_loop3A_307, %parallel_loop3A_316 : i32
          %parallel_loop3A_318 = arith.index_cast %parallel_loop3A_317 : i32 to index
          %parallel_loop3A_319 = arith.index_cast %mul3A_292 : i32 to index
          %parallel_loop3A_320 = tpu.vector_load %arg8[%parallel_loop3A_318, %parallel_loop3A_319] {strides = array<i32>} : memref<256x128xf32, #tpu.memory_space<vmem>>, vector<16xf32>,
          %parallel_loop3A_321 = arith.constant 1 : i32
          %parallel_loop3A_322 = vector.broadcast %parallel_loop3A_321 : i32 to vector<16xi32>
          %parallel_loop3A_323 = arith.addi %parallel_loop3A_305, %parallel_loop3A_322 : vector<16xi32>
          tpu.vector_store_idx %arg6[%parallel_loop3A_323], %parallel_loop3A_320 {add = true} : memref<40064xf32, #tpu.memory_space<vmem>>[vector<16xi32>], vector<16xf32>,
          %parallel_loop3A_324 = arith.constant 2 : i32
          %parallel_loop3A_325 = arith.addi %parallel_loop3A_307, %parallel_loop3A_324 : i32
          %parallel_loop3A_326 = arith.index_cast %parallel_loop3A_325 : i32 to index
          %parallel_loop3A_327 = arith.index_cast %mul3A_292 : i32 to index
          %parallel_loop3A_328 = tpu.vector_load %arg8[%parallel_loop3A_326, %parallel_loop3A_327] {strides = array<i32>} : memref<256x128xf32, #tpu.memory_space<vmem>>, vector<16xf32>,
          %parallel_loop3A_329 = arith.constant 2 : i32
          %parallel_loop3A_330 = vector.broadcast %parallel_loop3A_329 : i32 to vector<16xi32>
          %parallel_loop3A_331 = arith.addi %parallel_loop3A_305, %parallel_loop3A_330 : vector<16xi32>
          tpu.vector_store_idx %arg6[%parallel_loop3A_331], %parallel_loop3A_328 {add = true} : memref<40064xf32, #tpu.memory_space<vmem>>[vector<16xi32>], vector<16xf32>,
          %parallel_loop3A_332 = arith.constant 3 : i32
          %parallel_loop3A_333 = arith.addi %parallel_loop3A_307, %parallel_loop3A_332 : i32
          %parallel_loop3A_334 = arith.index_cast %parallel_loop3A_333 : i32 to index
          %parallel_loop3A_335 = arith.index_cast %mul3A_292 : i32 to index
          %parallel_loop3A_336 = tpu.vector_load %arg8[%parallel_loop3A_334, %parallel_loop3A_335] {strides = array<i32>} : memref<256x128xf32, #tpu.memory_space<vmem>>, vector<16xf32>,
          %parallel_loop3A_337 = arith.constant 3 : i32
          %parallel_loop3A_338 = vector.broadcast %parallel_loop3A_337 : i32 to vector<16xi32>
          %parallel_loop3A_339 = arith.addi %parallel_loop3A_305, %parallel_loop3A_338 : vector<16xi32>
          tpu.vector_store_idx %arg6[%parallel_loop3A_339], %parallel_loop3A_336 {add = true} : memref<40064xf32, #tpu.memory_space<vmem>>[vector<16xi32>], vector<16xf32>,
          %parallel_loop3A_340 = arith.constant 4 : i32
          %parallel_loop3A_341 = arith.addi %parallel_loop3A_307, %parallel_loop3A_340 : i32
          %parallel_loop3A_342 = arith.index_cast %parallel_loop3A_341 : i32 to index
          %parallel_loop3A_343 = arith.index_cast %mul3A_292 : i32 to index
          %parallel_loop3A_344 = tpu.vector_load %arg8[%parallel_loop3A_342, %parallel_loop3A_343] {strides = array<i32>} : memref<256x128xf32, #tpu.memory_space<vmem>>, vector<16xf32>,
          %parallel_loop3A_345 = arith.constant 4 : i32
          %parallel_loop3A_346 = vector.broadcast %parallel_loop3A_345 : i32 to vector<16xi32>
          %parallel_loop3A_347 = arith.addi %parallel_loop3A_305, %parallel_loop3A_346 : vector<16xi32>
          tpu.vector_store_idx %arg6[%parallel_loop3A_347], %parallel_loop3A_344 {add = true} : memref<40064xf32, #tpu.memory_space<vmem>>[vector<16xi32>], vector<16xf32>,
          %parallel_loop3A_348 = arith.constant 5 : i32
          %parallel_loop3A_349 = arith.addi %parallel_loop3A_307, %parallel_loop3A_348 : i32
          %parallel_loop3A_350 = arith.index_cast %parallel_loop3A_349 : i32 to index
          %parallel_loop3A_351 = arith.index_cast %mul3A_292 : i32 to index
          %parallel_loop3A_352 = tpu.vector_load %arg8[%parallel_loop3A_350, %parallel_loop3A_351] {strides = array<i32>} : memref<256x128xf32, #tpu.memory_space<vmem>>, vector<16xf32>,
          %parallel_loop3A_353 = arith.constant 5 : i32
          %parallel_loop3A_354 = vector.broadcast %parallel_loop3A_353 : i32 to vector<16xi32>
          %parallel_loop3A_355 = arith.addi %parallel_loop3A_305, %parallel_loop3A_354 : vector<16xi32>
          tpu.vector_store_idx %arg6[%parallel_loop3A_355], %parallel_loop3A_352 {add = true} : memref<40064xf32, #tpu.memory_space<vmem>>[vector<16xi32>], vector<16xf32>,
          %parallel_loop3A_356 = arith.constant 6 : i32
          %parallel_loop3A_357 = arith.addi %parallel_loop3A_307, %parallel_loop3A_356 : i32
          %parallel_loop3A_358 = arith.index_cast %parallel_loop3A_357 : i32 to index
          %parallel_loop3A_359 = arith.index_cast %mul3A_292 : i32 to index
          %parallel_loop3A_360 = tpu.vector_load %arg8[%parallel_loop3A_358, %parallel_loop3A_359] {strides = array<i32>} : memref<256x128xf32, #tpu.memory_space<vmem>>, vector<16xf32>,
          %parallel_loop3A_361 = arith.constant 6 : i32
          %parallel_loop3A_362 = vector.broadcast %parallel_loop3A_361 : i32 to vector<16xi32>
          %parallel_loop3A_363 = arith.addi %parallel_loop3A_305, %parallel_loop3A_362 : vector<16xi32>
          tpu.vector_store_idx %arg6[%parallel_loop3A_363], %parallel_loop3A_360 {add = true} : memref<40064xf32, #tpu.memory_space<vmem>>[vector<16xi32>], vector<16xf32>,
          %parallel_loop3A_364 = arith.constant 7 : i32
          %parallel_loop3A_365 = arith.addi %parallel_loop3A_307, %parallel_loop3A_364 : i32
          %parallel_loop3A_366 = arith.index_cast %parallel_loop3A_365 : i32 to index
          %parallel_loop3A_367 = arith.index_cast %mul3A_292 : i32 to index
          %parallel_loop3A_368 = tpu.vector_load %arg8[%parallel_loop3A_366, %parallel_loop3A_367] {strides = array<i32>} : memref<256x128xf32, #tpu.memory_space<vmem>>, vector<16xf32>,
          %parallel_loop3A_369 = arith.constant 7 : i32
          %parallel_loop3A_370 = vector.broadcast %parallel_loop3A_369 : i32 to vector<16xi32>
          %parallel_loop3A_371 = arith.addi %parallel_loop3A_305, %parallel_loop3A_370 : vector<16xi32>
          tpu.vector_store_idx %arg6[%parallel_loop3A_371], %parallel_loop3A_368 {add = true} : memref<40064xf32, #tpu.memory_space<vmem>>[vector<16xi32>], vector<16xf32>,
          %parallel_loop3A_372 = arith.constant 8 : i32
          %parallel_loop3A_373 = arith.addi %parallel_loop3A_307, %parallel_loop3A_372 : i32
          %parallel_loop3A_374 = arith.index_cast %parallel_loop3A_373 : i32 to index
          %parallel_loop3A_375 = arith.index_cast %mul3A_292 : i32 to index
          %parallel_loop3A_376 = tpu.vector_load %arg8[%parallel_loop3A_374, %parallel_loop3A_375] {strides = array<i32>} : memref<256x128xf32, #tpu.memory_space<vmem>>, vector<16xf32>,
          %parallel_loop3A_377 = arith.constant 8 : i32
          %parallel_loop3A_378 = vector.broadcast %parallel_loop3A_377 : i32 to vector<16xi32>
          %parallel_loop3A_379 = arith.addi %parallel_loop3A_305, %parallel_loop3A_378 : vector<16xi32>
          tpu.vector_store_idx %arg6[%parallel_loop3A_379], %parallel_loop3A_376 {add = true} : memref<40064xf32, #tpu.memory_space<vmem>>[vector<16xi32>], vector<16xf32>,
          %parallel_loop3A_380 = arith.constant 9 : i32
          %parallel_loop3A_381 = arith.addi %parallel_loop3A_307, %parallel_loop3A_380 : i32
          %parallel_loop3A_382 = arith.index_cast %parallel_loop3A_381 : i32 to index
          %parallel_loop3A_383 = arith.index_cast %mul3A_292 : i32 to index
          %parallel_loop3A_384 = tpu.vector_load %arg8[%parallel_loop3A_382, %parallel_loop3A_383] {strides = array<i32>} : memref<256x128xf32, #tpu.memory_space<vmem>>, vector<16xf32>,
          %parallel_loop3A_385 = arith.constant 9 : i32
          %parallel_loop3A_386 = vector.broadcast %parallel_loop3A_385 : i32 to vector<16xi32>
          %parallel_loop3A_387 = arith.addi %parallel_loop3A_305, %parallel_loop3A_386 : vector<16xi32>
          tpu.vector_store_idx %arg6[%parallel_loop3A_387], %parallel_loop3A_384 {add = true} : memref<40064xf32, #tpu.memory_space<vmem>>[vector<16xi32>], vector<16xf32>,
          %parallel_loop3A_388 = arith.constant 10 : i32
          %parallel_loop3A_389 = arith.addi %parallel_loop3A_307, %parallel_loop3A_388 : i32
          %parallel_loop3A_390 = arith.index_cast %parallel_loop3A_389 : i32 to index
          %parallel_loop3A_391 = arith.index_cast %mul3A_292 : i32 to index
          %parallel_loop3A_392 = tpu.vector_load %arg8[%parallel_loop3A_390, %parallel_loop3A_391] {strides = array<i32>} : memref<256x128xf32, #tpu.memory_space<vmem>>, vector<16xf32>,
          %parallel_loop3A_393 = arith.constant 10 : i32
          %parallel_loop3A_394 = vector.broadcast %parallel_loop3A_393 : i32 to vector<16xi32>
          %parallel_loop3A_395 = arith.addi %parallel_loop3A_305, %parallel_loop3A_394 : vector<16xi32>
          tpu.vector_store_idx %arg6[%parallel_loop3A_395], %parallel_loop3A_392 {add = true} : memref<40064xf32, #tpu.memory_space<vmem>>[vector<16xi32>], vector<16xf32>,
          %parallel_loop3A_396 = arith.constant 11 : i32
          %parallel_loop3A_397 = arith.addi %parallel_loop3A_307, %parallel_loop3A_396 : i32
          %parallel_loop3A_398 = arith.index_cast %parallel_loop3A_397 : i32 to index
          %parallel_loop3A_399 = arith.index_cast %mul3A_292 : i32 to index
          %parallel_loop3A_400 = tpu.vector_load %arg8[%parallel_loop3A_398, %parallel_loop3A_399] {strides = array<i32>} : memref<256x128xf32, #tpu.memory_space<vmem>>, vector<16xf32>,
          %parallel_loop3A_401 = arith.constant 11 : i32
          %parallel_loop3A_402 = vector.broadcast %parallel_loop3A_401 : i32 to vector<16xi32>
          %parallel_loop3A_403 = arith.addi %parallel_loop3A_305, %parallel_loop3A_402 : vector<16xi32>
          tpu.vector_store_idx %arg6[%parallel_loop3A_403], %parallel_loop3A_400 {add = true} : memref<40064xf32, #tpu.memory_space<vmem>>[vector<16xi32>], vector<16xf32>,
          %parallel_loop3A_404 = arith.constant 12 : i32
          %parallel_loop3A_405 = arith.addi %parallel_loop3A_307, %parallel_loop3A_404 : i32
          %parallel_loop3A_406 = arith.index_cast %parallel_loop3A_405 : i32 to index
          %parallel_loop3A_407 = arith.index_cast %mul3A_292 : i32 to index
          %parallel_loop3A_408 = tpu.vector_load %arg8[%parallel_loop3A_406, %parallel_loop3A_407] {strides = array<i32>} : memref<256x128xf32, #tpu.memory_space<vmem>>, vector<16xf32>,
          %parallel_loop3A_409 = arith.constant 12 : i32
          %parallel_loop3A_410 = vector.broadcast %parallel_loop3A_409 : i32 to vector<16xi32>
          %parallel_loop3A_411 = arith.addi %parallel_loop3A_305, %parallel_loop3A_410 : vector<16xi32>
          tpu.vector_store_idx %arg6[%parallel_loop3A_411], %parallel_loop3A_408 {add = true} : memref<40064xf32, #tpu.memory_space<vmem>>[vector<16xi32>], vector<16xf32>,
          %parallel_loop3A_412 = arith.constant 13 : i32
          %parallel_loop3A_413 = arith.addi %parallel_loop3A_307, %parallel_loop3A_412 : i32
          %parallel_loop3A_414 = arith.index_cast %parallel_loop3A_413 : i32 to index
          %parallel_loop3A_415 = arith.index_cast %mul3A_292 : i32 to index
          %parallel_loop3A_416 = tpu.vector_load %arg8[%parallel_loop3A_414, %parallel_loop3A_415] {strides = array<i32>} : memref<256x128xf32, #tpu.memory_space<vmem>>, vector<16xf32>,
          %parallel_loop3A_417 = arith.constant 13 : i32
          %parallel_loop3A_418 = vector.broadcast %parallel_loop3A_417 : i32 to vector<16xi32>
          %parallel_loop3A_419 = arith.addi %parallel_loop3A_305, %parallel_loop3A_418 : vector<16xi32>
          tpu.vector_store_idx %arg6[%parallel_loop3A_419], %parallel_loop3A_416 {add = true} : memref<40064xf32, #tpu.memory_space<vmem>>[vector<16xi32>], vector<16xf32>,
          %parallel_loop3A_420 = arith.constant 14 : i32
          %parallel_loop3A_421 = arith.addi %parallel_loop3A_307, %parallel_loop3A_420 : i32
          %parallel_loop3A_422 = arith.index_cast %parallel_loop3A_421 : i32 to index
          %parallel_loop3A_423 = arith.index_cast %mul3A_292 : i32 to index
          %parallel_loop3A_424 = tpu.vector_load %arg8[%parallel_loop3A_422, %parallel_loop3A_423] {strides = array<i32>} : memref<256x128xf32, #tpu.memory_space<vmem>>, vector<16xf32>,
          %parallel_loop3A_425 = arith.constant 14 : i32
          %parallel_loop3A_426 = vector.broadcast %parallel_loop3A_425 : i32 to vector<16xi32>
          %parallel_loop3A_427 = arith.addi %parallel_loop3A_305, %parallel_loop3A_426 : vector<16xi32>
          tpu.vector_store_idx %arg6[%parallel_loop3A_427], %parallel_loop3A_424 {add = true} : memref<40064xf32, #tpu.memory_space<vmem>>[vector<16xi32>], vector<16xf32>,
          %parallel_loop3A_428 = arith.constant 15 : i32
          %parallel_loop3A_429 = arith.addi %parallel_loop3A_307, %parallel_loop3A_428 : i32
          %parallel_loop3A_430 = arith.index_cast %parallel_loop3A_429 : i32 to index
          %parallel_loop3A_431 = arith.index_cast %mul3A_292 : i32 to index
          %parallel_loop3A_432 = tpu.vector_load %arg8[%parallel_loop3A_430, %parallel_loop3A_431] {strides = array<i32>} : memref<256x128xf32, #tpu.memory_space<vmem>>, vector<16xf32>,
          %parallel_loop3A_433 = arith.constant 15 : i32
          %parallel_loop3A_434 = vector.broadcast %parallel_loop3A_433 : i32 to vector<16xi32>
          %parallel_loop3A_435 = arith.addi %parallel_loop3A_305, %parallel_loop3A_434 : vector<16xi32>
          tpu.vector_store_idx %arg6[%parallel_loop3A_435], %parallel_loop3A_432 {add = true} : memref<40064xf32, #tpu.memory_space<vmem>>[vector<16xi32>], vector<16xf32>,
          %parallel_loop3A_436 = arith.constant 16 : i32
          %parallel_loop3A_437 = arith.addi %parallel_loop3A_307, %parallel_loop3A_436 : i32
          %parallel_loop3A_438 = arith.index_cast %parallel_loop3A_437 : i32 to index
          %parallel_loop3A_439 = arith.index_cast %mul3A_292 : i32 to index
          %parallel_loop3A_440 = tpu.vector_load %arg8[%parallel_loop3A_438, %parallel_loop3A_439] {strides = array<i32>} : memref<256x128xf32, #tpu.memory_space<vmem>>, vector<16xf32>,
          %parallel_loop3A_441 = arith.constant 16 : i32
          %parallel_loop3A_442 = vector.broadcast %parallel_loop3A_441 : i32 to vector<16xi32>
          %parallel_loop3A_443 = arith.addi %parallel_loop3A_305, %parallel_loop3A_442 : vector<16xi32>
          tpu.vector_store_idx %arg6[%parallel_loop3A_443], %parallel_loop3A_440 {add = true} : memref<40064xf32, #tpu.memory_space<vmem>>[vector<16xi32>], vector<16xf32>,
          %parallel_loop3A_444 = arith.constant 17 : i32
          %parallel_loop3A_445 = arith.addi %parallel_loop3A_307, %parallel_loop3A_444 : i32
          %parallel_loop3A_446 = arith.index_cast %parallel_loop3A_445 : i32 to index
          %parallel_loop3A_447 = arith.index_cast %mul3A_292 : i32 to index
          %parallel_loop3A_448 = tpu.vector_load %arg8[%parallel_loop3A_446, %parallel_loop3A_447] {strides = array<i32>} : memref<256x128xf32, #tpu.memory_space<vmem>>, vector<16xf32>,
          %parallel_loop3A_449 = arith.constant 17 : i32
          %parallel_loop3A_450 = vector.broadcast %parallel_loop3A_449 : i32 to vector<16xi32>
          %parallel_loop3A_451 = arith.addi %parallel_loop3A_305, %parallel_loop3A_450 : vector<16xi32>
          tpu.vector_store_idx %arg6[%parallel_loop3A_451], %parallel_loop3A_448 {add = true} : memref<40064xf32, #tpu.memory_space<vmem>>[vector<16xi32>], vector<16xf32>,
          %parallel_loop3A_452 = arith.constant 18 : i32
          %parallel_loop3A_453 = arith.addi %parallel_loop3A_307, %parallel_loop3A_452 : i32
          %parallel_loop3A_454 = arith.index_cast %parallel_loop3A_453 : i32 to index
          %parallel_loop3A_455 = arith.index_cast %mul3A_292 : i32 to index
          %parallel_loop3A_456 = tpu.vector_load %arg8[%parallel_loop3A_454, %parallel_loop3A_455] {strides = array<i32>} : memref<256x128xf32, #tpu.memory_space<vmem>>, vector<16xf32>,
          %parallel_loop3A_457 = arith.constant 18 : i32
          %parallel_loop3A_458 = vector.broadcast %parallel_loop3A_457 : i32 to vector<16xi32>
          %parallel_loop3A_459 = arith.addi %parallel_loop3A_305, %parallel_loop3A_458 : vector<16xi32>
          tpu.vector_store_idx %arg6[%parallel_loop3A_459], %parallel_loop3A_456 {add = true} : memref<40064xf32, #tpu.memory_space<vmem>>[vector<16xi32>], vector<16xf32>,
          %parallel_loop3A_460 = arith.constant 19 : i32
          %parallel_loop3A_461 = arith.addi %parallel_loop3A_307, %parallel_loop3A_460 : i32
          %parallel_loop3A_462 = arith.index_cast %parallel_loop3A_461 : i32 to index
          %parallel_loop3A_463 = arith.index_cast %mul3A_292 : i32 to index
          %parallel_loop3A_464 = tpu.vector_load %arg8[%parallel_loop3A_462, %parallel_loop3A_463] {strides = array<i32>} : memref<256x128xf32, #tpu.memory_space<vmem>>, vector<16xf32>,
          %parallel_loop3A_465 = arith.constant 19 : i32
          %parallel_loop3A_466 = vector.broadcast %parallel_loop3A_465 : i32 to vector<16xi32>
          %parallel_loop3A_467 = arith.addi %parallel_loop3A_305, %parallel_loop3A_466 : vector<16xi32>
          tpu.vector_store_idx %arg6[%parallel_loop3A_467], %parallel_loop3A_464 {add = true} : memref<40064xf32, #tpu.memory_space<vmem>>[vector<16xi32>], vector<16xf32>,
          %parallel_loop3A_468 = arith.constant 20 : i32
          %parallel_loop3A_469 = arith.addi %parallel_loop3A_307, %parallel_loop3A_468 : i32
          %parallel_loop3A_470 = arith.index_cast %parallel_loop3A_469 : i32 to index
          %parallel_loop3A_471 = arith.index_cast %mul3A_292 : i32 to index
          %parallel_loop3A_472 = tpu.vector_load %arg8[%parallel_loop3A_470, %parallel_loop3A_471] {strides = array<i32>} : memref<256x128xf32, #tpu.memory_space<vmem>>, vector<16xf32>,
          %parallel_loop3A_473 = arith.constant 20 : i32
          %parallel_loop3A_474 = vector.broadcast %parallel_loop3A_473 : i32 to vector<16xi32>
          %parallel_loop3A_475 = arith.addi %parallel_loop3A_305, %parallel_loop3A_474 : vector<16xi32>
          tpu.vector_store_idx %arg6[%parallel_loop3A_475], %parallel_loop3A_472 {add = true} : memref<40064xf32, #tpu.memory_space<vmem>>[vector<16xi32>], vector<16xf32>,
          %parallel_loop3A_476 = arith.constant 21 : i32
          %parallel_loop3A_477 = arith.addi %parallel_loop3A_307, %parallel_loop3A_476 : i32
          %parallel_loop3A_478 = arith.index_cast %parallel_loop3A_477 : i32 to index
          %parallel_loop3A_479 = arith.index_cast %mul3A_292 : i32 to index
          %parallel_loop3A_480 = tpu.vector_load %arg8[%parallel_loop3A_478, %parallel_loop3A_479] {strides = array<i32>} : memref<256x128xf32, #tpu.memory_space<vmem>>, vector<16xf32>,
          %parallel_loop3A_481 = arith.constant 21 : i32
          %parallel_loop3A_482 = vector.broadcast %parallel_loop3A_481 : i32 to vector<16xi32>
          %parallel_loop3A_483 = arith.addi %parallel_loop3A_305, %parallel_loop3A_482 : vector<16xi32>
          tpu.vector_store_idx %arg6[%parallel_loop3A_483], %parallel_loop3A_480 {add = true} : memref<40064xf32, #tpu.memory_space<vmem>>[vector<16xi32>], vector<16xf32>,
          %parallel_loop3A_484 = arith.constant 22 : i32
          %parallel_loop3A_485 = arith.addi %parallel_loop3A_307, %parallel_loop3A_484 : i32
          %parallel_loop3A_486 = arith.index_cast %parallel_loop3A_485 : i32 to index
          %parallel_loop3A_487 = arith.index_cast %mul3A_292 : i32 to index
          %parallel_loop3A_488 = tpu.vector_load %arg8[%parallel_loop3A_486, %parallel_loop3A_487] {strides = array<i32>} : memref<256x128xf32, #tpu.memory_space<vmem>>, vector<16xf32>,
          %parallel_loop3A_489 = arith.constant 22 : i32
          %parallel_loop3A_490 = vector.broadcast %parallel_loop3A_489 : i32 to vector<16xi32>
          %parallel_loop3A_491 = arith.addi %parallel_loop3A_305, %parallel_loop3A_490 : vector<16xi32>
          tpu.vector_store_idx %arg6[%parallel_loop3A_491], %parallel_loop3A_488 {add = true} : memref<40064xf32, #tpu.memory_space<vmem>>[vector<16xi32>], vector<16xf32>,
          %parallel_loop3A_492 = arith.constant 23 : i32
          %parallel_loop3A_493 = arith.addi %parallel_loop3A_307, %parallel_loop3A_492 : i32
          %parallel_loop3A_494 = arith.index_cast %parallel_loop3A_493 : i32 to index
          %parallel_loop3A_495 = arith.index_cast %mul3A_292 : i32 to index
          %parallel_loop3A_496 = tpu.vector_load %arg8[%parallel_loop3A_494, %parallel_loop3A_495] {strides = array<i32>} : memref<256x128xf32, #tpu.memory_space<vmem>>, vector<16xf32>,
          %parallel_loop3A_497 = arith.constant 23 : i32
          %parallel_loop3A_498 = vector.broadcast %parallel_loop3A_497 : i32 to vector<16xi32>
          %parallel_loop3A_499 = arith.addi %parallel_loop3A_305, %parallel_loop3A_498 : vector<16xi32>
          tpu.vector_store_idx %arg6[%parallel_loop3A_499], %parallel_loop3A_496 {add = true} : memref<40064xf32, #tpu.memory_space<vmem>>[vector<16xi32>], vector<16xf32>,
          %parallel_loop3A_500 = arith.constant 24 : i32
          %parallel_loop3A_501 = arith.addi %parallel_loop3A_307, %parallel_loop3A_500 : i32
          %parallel_loop3A_502 = arith.index_cast %parallel_loop3A_501 : i32 to index
          %parallel_loop3A_503 = arith.index_cast %mul3A_292 : i32 to index
          %parallel_loop3A_504 = tpu.vector_load %arg8[%parallel_loop3A_502, %parallel_loop3A_503] {strides = array<i32>} : memref<256x128xf32, #tpu.memory_space<vmem>>, vector<16xf32>,
          %parallel_loop3A_505 = arith.constant 24 : i32
          %parallel_loop3A_506 = vector.broadcast %parallel_loop3A_505 : i32 to vector<16xi32>
          %parallel_loop3A_507 = arith.addi %parallel_loop3A_305, %parallel_loop3A_506 : vector<16xi32>
          tpu.vector_store_idx %arg6[%parallel_loop3A_507], %parallel_loop3A_504 {add = true} : memref<40064xf32, #tpu.memory_space<vmem>>[vector<16xi32>], vector<16xf32>,
          %parallel_loop3A_508 = arith.constant 25 : i32
          %parallel_loop3A_509 = arith.addi %parallel_loop3A_307, %parallel_loop3A_508 : i32
          %parallel_loop3A_510 = arith.index_cast %parallel_loop3A_509 : i32 to index
          %parallel_loop3A_511 = arith.index_cast %mul3A_292 : i32 to index
          %parallel_loop3A_512 = tpu.vector_load %arg8[%parallel_loop3A_510, %parallel_loop3A_511] {strides = array<i32>} : memref<256x128xf32, #tpu.memory_space<vmem>>, vector<16xf32>,
          %parallel_loop3A_513 = arith.constant 25 : i32
          %parallel_loop3A_514 = vector.broadcast %parallel_loop3A_513 : i32 to vector<16xi32>
          %parallel_loop3A_515 = arith.addi %parallel_loop3A_305, %parallel_loop3A_514 : vector<16xi32>
          tpu.vector_store_idx %arg6[%parallel_loop3A_515], %parallel_loop3A_512 {add = true} : memref<40064xf32, #tpu.memory_space<vmem>>[vector<16xi32>], vector<16xf32>,
          %parallel_loop3A_516 = arith.constant 26 : i32
          %parallel_loop3A_517 = arith.addi %parallel_loop3A_307, %parallel_loop3A_516 : i32
          %parallel_loop3A_518 = arith.index_cast %parallel_loop3A_517 : i32 to index
          %parallel_loop3A_519 = arith.index_cast %mul3A_292 : i32 to index
          %parallel_loop3A_520 = tpu.vector_load %arg8[%parallel_loop3A_518, %parallel_loop3A_519] {strides = array<i32>} : memref<256x128xf32, #tpu.memory_space<vmem>>, vector<16xf32>,
          %parallel_loop3A_521 = arith.constant 26 : i32
          %parallel_loop3A_522 = vector.broadcast %parallel_loop3A_521 : i32 to vector<16xi32>
          %parallel_loop3A_523 = arith.addi %parallel_loop3A_305, %parallel_loop3A_522 : vector<16xi32>
          tpu.vector_store_idx %arg6[%parallel_loop3A_523], %parallel_loop3A_520 {add = true} : memref<40064xf32, #tpu.memory_space<vmem>>[vector<16xi32>], vector<16xf32>,
          %parallel_loop3A_524 = arith.constant 27 : i32
          %parallel_loop3A_525 = arith.addi %parallel_loop3A_307, %parallel_loop3A_524 : i32
          %parallel_loop3A_526 = arith.index_cast %parallel_loop3A_525 : i32 to index
          %parallel_loop3A_527 = arith.index_cast %mul3A_292 : i32 to index
          %parallel_loop3A_528 = tpu.vector_load %arg8[%parallel_loop3A_526, %parallel_loop3A_527] {strides = array<i32>} : memref<256x128xf32, #tpu.memory_space<vmem>>, vector<16xf32>,
          %parallel_loop3A_529 = arith.constant 27 : i32
          %parallel_loop3A_530 = vector.broadcast %parallel_loop3A_529 : i32 to vector<16xi32>
          %parallel_loop3A_531 = arith.addi %parallel_loop3A_305, %parallel_loop3A_530 : vector<16xi32>
          tpu.vector_store_idx %arg6[%parallel_loop3A_531], %parallel_loop3A_528 {add = true} : memref<40064xf32, #tpu.memory_space<vmem>>[vector<16xi32>], vector<16xf32>,
          %parallel_loop3A_532 = arith.constant 28 : i32
          %parallel_loop3A_533 = arith.addi %parallel_loop3A_307, %parallel_loop3A_532 : i32
          %parallel_loop3A_534 = arith.index_cast %parallel_loop3A_533 : i32 to index
          %parallel_loop3A_535 = arith.index_cast %mul3A_292 : i32 to index
          %parallel_loop3A_536 = tpu.vector_load %arg8[%parallel_loop3A_534, %parallel_loop3A_535] {strides = array<i32>} : memref<256x128xf32, #tpu.memory_space<vmem>>, vector<16xf32>,
          %parallel_loop3A_537 = arith.constant 28 : i32
          %parallel_loop3A_538 = vector.broadcast %parallel_loop3A_537 : i32 to vector<16xi32>
          %parallel_loop3A_539 = arith.addi %parallel_loop3A_305, %parallel_loop3A_538 : vector<16xi32>
          tpu.vector_store_idx %arg6[%parallel_loop3A_539], %parallel_loop3A_536 {add = true} : memref<40064xf32, #tpu.memory_space<vmem>>[vector<16xi32>], vector<16xf32>,
          %parallel_loop3A_540 = arith.constant 29 : i32
          %parallel_loop3A_541 = arith.addi %parallel_loop3A_307, %parallel_loop3A_540 : i32
          %parallel_loop3A_542 = arith.index_cast %parallel_loop3A_541 : i32 to index
          %parallel_loop3A_543 = arith.index_cast %mul3A_292 : i32 to index
          %parallel_loop3A_544 = tpu.vector_load %arg8[%parallel_loop3A_542, %parallel_loop3A_543] {strides = array<i32>} : memref<256x128xf32, #tpu.memory_space<vmem>>, vector<16xf32>,
          %parallel_loop3A_545 = arith.constant 29 : i32
          %parallel_loop3A_546 = vector.broadcast %parallel_loop3A_545 : i32 to vector<16xi32>
          %parallel_loop3A_547 = arith.addi %parallel_loop3A_305, %parallel_loop3A_546 : vector<16xi32>
          tpu.vector_store_idx %arg6[%parallel_loop3A_547], %parallel_loop3A_544 {add = true} : memref<40064xf32, #tpu.memory_space<vmem>>[vector<16xi32>], vector<16xf32>,
          %parallel_loop3A_548 = arith.constant 30 : i32
          %parallel_loop3A_549 = arith.addi %parallel_loop3A_307, %parallel_loop3A_548 : i32
          %parallel_loop3A_550 = arith.index_cast %parallel_loop3A_549 : i32 to index
          %parallel_loop3A_551 = arith.index_cast %mul3A_292 : i32 to index
          %parallel_loop3A_552 = tpu.vector_load %arg8[%parallel_loop3A_550, %parallel_loop3A_551] {strides = array<i32>} : memref<256x128xf32, #tpu.memory_space<vmem>>, vector<16xf32>,
          %parallel_loop3A_553 = arith.constant 30 : i32
          %parallel_loop3A_554 = vector.broadcast %parallel_loop3A_553 : i32 to vector<16xi32>
          %parallel_loop3A_555 = arith.addi %parallel_loop3A_305, %parallel_loop3A_554 : vector<16xi32>
          tpu.vector_store_idx %arg6[%parallel_loop3A_555], %parallel_loop3A_552 {add = true} : memref<40064xf32, #tpu.memory_space<vmem>>[vector<16xi32>], vector<16xf32>,
        } {sc.loop_unroll_factor = 2 : i64, sc.parallel_access}
        %scan3A_300 = arith.constant 0 : i32
        scf.yield %scan3A_300 : i32
      }
      %scan3A_228 = arith.constant 8 : i32
      %dma_wait3A_229 = arith.constant 0 : i32
      %dma_wait3A_230 = arith.constant 0 : i32
      %dma_wait3A_231 = tpu.memref_slice %arg7[%dma_wait3A_229, %dma_wait3A_230] : memref<256x128xf32, #tpu.memory_space<vmem>> -> memref<248x128xf32, #tpu.memory_space<vmem>>
      %dma_wait3A_232 = arith.constant 496 : i32
      %dma_wait3A_233 = arith.constant 0 : i32
      %dma_wait3A_234 = tpu.memref_slice %arg2[%dma_wait3A_232, %add3A_12, %dma_wait3A_233] : memref<961x256x128xf32, #tpu.memory_space<hbm>> -> memref<248x1x128xf32, #tpu.memory_space<hbm>>
      %dma_wait3A_235 = tpu.memref_squeeze %dma_wait3A_234 : memref<248x1x128xf32, #tpu.memory_space<hbm>> -> memref<248x128xf32, #tpu.memory_space<hbm>>
      %dma_wait3A_236 = arith.constant 0 : i32
      %dma_wait3A_237 = arith.constant 0 : i32
      %dma_wait3A_238 = tpu.memref_slice %arg7[%dma_wait3A_236, %dma_wait3A_237] : memref<256x128xf32, #tpu.memory_space<vmem>> -> memref<248x128xf32, #tpu.memory_space<vmem>>
      %dma_wait3A_239 = arith.constant 496 : i32
      %dma_wait3A_240 = arith.constant 0 : i32
      %dma_wait3A_241 = tpu.memref_slice %arg2[%dma_wait3A_239, %add3A_12, %dma_wait3A_240] : memref<961x256x128xf32, #tpu.memory_space<hbm>> -> memref<248x1x128xf32, #tpu.memory_space<hbm>>
      %dma_wait3A_242 = tpu.memref_squeeze %dma_wait3A_241 : memref<248x1x128xf32, #tpu.memory_space<hbm>> -> memref<248x128xf32, #tpu.memory_space<hbm>>
      tpu.wait_dma2 semaphore(%arg12 : memref<!tpu.dma_semaphore, #tpu.memory_space<semaphore_mem>>) src(%dma_wait3A_242 : memref<248x128xf32, #tpu.memory_space<hbm>>) dst(%dma_wait3A_238 : memref<248x128xf32, #tpu.memory_space<vmem>>)
      %dma_start3A_243 = arith.constant 0 : i32
      %dma_start3A_244 = arith.constant 0 : i32
      %dma_start3A_245 = tpu.memref_slice %arg8[%dma_start3A_243, %dma_start3A_244] : memref<256x128xf32, #tpu.memory_space<vmem>> -> memref<217x128xf32, #tpu.memory_space<vmem>>
      %dma_start3A_246 = arith.constant 744 : i32
      %dma_start3A_247 = arith.constant 0 : i32
      %dma_start3A_248 = tpu.memref_slice %arg2[%dma_start3A_246, %add3A_12, %dma_start3A_247] : memref<961x256x128xf32, #tpu.memory_space<hbm>> -> memref<217x1x128xf32, #tpu.memory_space<hbm>>
      %dma_start3A_249 = tpu.memref_squeeze %dma_start3A_248 : memref<217x1x128xf32, #tpu.memory_space<hbm>> -> memref<217x128xf32, #tpu.memory_space<hbm>>
      %dma_start3A_250 = arith.constant 0 : i32
      %dma_start3A_251 = arith.constant 0 : i32
      %dma_start3A_252 = tpu.memref_slice %arg8[%dma_start3A_250, %dma_start3A_251] : memref<256x128xf32, #tpu.memory_space<vmem>> -> memref<217x128xf32, #tpu.memory_space<vmem>>
      %dma_start3A_253 = arith.constant 744 : i32
      %dma_start3A_254 = arith.constant 0 : i32
      %dma_start3A_255 = tpu.memref_slice %arg2[%dma_start3A_253, %add3A_12, %dma_start3A_254] : memref<961x256x128xf32, #tpu.memory_space<hbm>> -> memref<217x1x128xf32, #tpu.memory_space<hbm>>
      %dma_start3A_256 = tpu.memref_squeeze %dma_start3A_255 : memref<217x1x128xf32, #tpu.memory_space<hbm>> -> memref<217x128xf32, #tpu.memory_space<hbm>>
      tpu.enqueue_dma source(%dma_start3A_256 : memref<217x128xf32, #tpu.memory_space<hbm>>) target(%dma_start3A_252 : memref<217x128xf32, #tpu.memory_space<vmem>>) target_semaphore(%arg13 : memref<!tpu.dma_semaphore, #tpu.memory_space<semaphore_mem>>)
      %scan3A_257 = arith.constant 0 : i32
      %scan3A_258 = arith.constant 0 : i32
      %scan3A_259 = arith.constant 8 : i32
      %scan3A_260 = arith.addi %scan3A_258, %scan3A_259 : i32
      %scan3A_261 = arith.constant 1 : i32
      %scan3A_262 = scf.for %scan3A_289 = %scan3A_258 to %scan3A_260 step %scan3A_261 iter_args(%scan3A_290 = %scan3A_257) -> (i32)  : i32 {
        %mul3A_291 = arith.constant 16 : i32
        %mul3A_292 = arith.muli %scan3A_289, %mul3A_291 : i32
        %get3A_293 = arith.index_cast %mul3A_292 : i32 to index
        %get3A_294 = tpu.vector_load %arg11[%get3A_293] {strides = array<i32>} : memref<144xi32, #tpu.memory_space<vmem>>, vector<16xi32>,
        %add3A_295 = arith.constant 3200 : i32
        %add3A_296 = vector.broadcast %add3A_295 : i32 to vector<16xi32>
        %add3A_297 = arith.addi %get3A_294, %add3A_296 : vector<16xi32>
        %parallel_loop3A = arith.constant 0 : i32
        %parallel_loop3A_298 = arith.constant 8 : i32
        %parallel_loop3A_299 = arith.constant 1 : i32
        scf.for %parallel_loop3A_301 = %parallel_loop3A to %parallel_loop3A_298 step %parallel_loop3A_299  : i32 {
          %parallel_loop3A_302 = arith.constant 200 : i32
          %parallel_loop3A_303 = arith.muli %parallel_loop3A_301, %parallel_loop3A_302 : i32
          %parallel_loop3A_304 = vector.broadcast %parallel_loop3A_303 : i32 to vector<16xi32>
          %parallel_loop3A_305 = arith.addi %add3A_297, %parallel_loop3A_304 : vector<16xi32>
          %parallel_loop3A_306 = arith.constant 31 : i32
          %parallel_loop3A_307 = arith.muli %parallel_loop3A_301, %parallel_loop3A_306 : i32
          %parallel_loop3A_308 = arith.constant 0 : i32
          %parallel_loop3A_309 = arith.addi %parallel_loop3A_307, %parallel_loop3A_308 : i32
          %parallel_loop3A_310 = arith.index_cast %parallel_loop3A_309 : i32 to index
          %parallel_loop3A_311 = arith.index_cast %mul3A_292 : i32 to index
          %parallel_loop3A_312 = tpu.vector_load %arg7[%parallel_loop3A_310, %parallel_loop3A_311] {strides = array<i32>} : memref<256x128xf32, #tpu.memory_space<vmem>>, vector<16xf32>,
          %parallel_loop3A_313 = arith.constant 0 : i32
          %parallel_loop3A_314 = vector.broadcast %parallel_loop3A_313 : i32 to vector<16xi32>
          %parallel_loop3A_315 = arith.addi %parallel_loop3A_305, %parallel_loop3A_314 : vector<16xi32>
          tpu.vector_store_idx %arg6[%parallel_loop3A_315], %parallel_loop3A_312 {add = true} : memref<40064xf32, #tpu.memory_space<vmem>>[vector<16xi32>], vector<16xf32>,
          %parallel_loop3A_316 = arith.constant 1 : i32
          %parallel_loop3A_317 = arith.addi %parallel_loop3A_307, %parallel_loop3A_316 : i32
          %parallel_loop3A_318 = arith.index_cast %parallel_loop3A_317 : i32 to index
          %parallel_loop3A_319 = arith.index_cast %mul3A_292 : i32 to index
          %parallel_loop3A_320 = tpu.vector_load %arg7[%parallel_loop3A_318, %parallel_loop3A_319] {strides = array<i32>} : memref<256x128xf32, #tpu.memory_space<vmem>>, vector<16xf32>,
          %parallel_loop3A_321 = arith.constant 1 : i32
          %parallel_loop3A_322 = vector.broadcast %parallel_loop3A_321 : i32 to vector<16xi32>
          %parallel_loop3A_323 = arith.addi %parallel_loop3A_305, %parallel_loop3A_322 : vector<16xi32>
          tpu.vector_store_idx %arg6[%parallel_loop3A_323], %parallel_loop3A_320 {add = true} : memref<40064xf32, #tpu.memory_space<vmem>>[vector<16xi32>], vector<16xf32>,
          %parallel_loop3A_324 = arith.constant 2 : i32
          %parallel_loop3A_325 = arith.addi %parallel_loop3A_307, %parallel_loop3A_324 : i32
          %parallel_loop3A_326 = arith.index_cast %parallel_loop3A_325 : i32 to index
          %parallel_loop3A_327 = arith.index_cast %mul3A_292 : i32 to index
          %parallel_loop3A_328 = tpu.vector_load %arg7[%parallel_loop3A_326, %parallel_loop3A_327] {strides = array<i32>} : memref<256x128xf32, #tpu.memory_space<vmem>>, vector<16xf32>,
          %parallel_loop3A_329 = arith.constant 2 : i32
          %parallel_loop3A_330 = vector.broadcast %parallel_loop3A_329 : i32 to vector<16xi32>
          %parallel_loop3A_331 = arith.addi %parallel_loop3A_305, %parallel_loop3A_330 : vector<16xi32>
          tpu.vector_store_idx %arg6[%parallel_loop3A_331], %parallel_loop3A_328 {add = true} : memref<40064xf32, #tpu.memory_space<vmem>>[vector<16xi32>], vector<16xf32>,
          %parallel_loop3A_332 = arith.constant 3 : i32
          %parallel_loop3A_333 = arith.addi %parallel_loop3A_307, %parallel_loop3A_332 : i32
          %parallel_loop3A_334 = arith.index_cast %parallel_loop3A_333 : i32 to index
          %parallel_loop3A_335 = arith.index_cast %mul3A_292 : i32 to index
          %parallel_loop3A_336 = tpu.vector_load %arg7[%parallel_loop3A_334, %parallel_loop3A_335] {strides = array<i32>} : memref<256x128xf32, #tpu.memory_space<vmem>>, vector<16xf32>,
          %parallel_loop3A_337 = arith.constant 3 : i32
          %parallel_loop3A_338 = vector.broadcast %parallel_loop3A_337 : i32 to vector<16xi32>
          %parallel_loop3A_339 = arith.addi %parallel_loop3A_305, %parallel_loop3A_338 : vector<16xi32>
          tpu.vector_store_idx %arg6[%parallel_loop3A_339], %parallel_loop3A_336 {add = true} : memref<40064xf32, #tpu.memory_space<vmem>>[vector<16xi32>], vector<16xf32>,
          %parallel_loop3A_340 = arith.constant 4 : i32
          %parallel_loop3A_341 = arith.addi %parallel_loop3A_307, %parallel_loop3A_340 : i32
          %parallel_loop3A_342 = arith.index_cast %parallel_loop3A_341 : i32 to index
          %parallel_loop3A_343 = arith.index_cast %mul3A_292 : i32 to index
          %parallel_loop3A_344 = tpu.vector_load %arg7[%parallel_loop3A_342, %parallel_loop3A_343] {strides = array<i32>} : memref<256x128xf32, #tpu.memory_space<vmem>>, vector<16xf32>,
          %parallel_loop3A_345 = arith.constant 4 : i32
          %parallel_loop3A_346 = vector.broadcast %parallel_loop3A_345 : i32 to vector<16xi32>
          %parallel_loop3A_347 = arith.addi %parallel_loop3A_305, %parallel_loop3A_346 : vector<16xi32>
          tpu.vector_store_idx %arg6[%parallel_loop3A_347], %parallel_loop3A_344 {add = true} : memref<40064xf32, #tpu.memory_space<vmem>>[vector<16xi32>], vector<16xf32>,
          %parallel_loop3A_348 = arith.constant 5 : i32
          %parallel_loop3A_349 = arith.addi %parallel_loop3A_307, %parallel_loop3A_348 : i32
          %parallel_loop3A_350 = arith.index_cast %parallel_loop3A_349 : i32 to index
          %parallel_loop3A_351 = arith.index_cast %mul3A_292 : i32 to index
          %parallel_loop3A_352 = tpu.vector_load %arg7[%parallel_loop3A_350, %parallel_loop3A_351] {strides = array<i32>} : memref<256x128xf32, #tpu.memory_space<vmem>>, vector<16xf32>,
          %parallel_loop3A_353 = arith.constant 5 : i32
          %parallel_loop3A_354 = vector.broadcast %parallel_loop3A_353 : i32 to vector<16xi32>
          %parallel_loop3A_355 = arith.addi %parallel_loop3A_305, %parallel_loop3A_354 : vector<16xi32>
          tpu.vector_store_idx %arg6[%parallel_loop3A_355], %parallel_loop3A_352 {add = true} : memref<40064xf32, #tpu.memory_space<vmem>>[vector<16xi32>], vector<16xf32>,
          %parallel_loop3A_356 = arith.constant 6 : i32
          %parallel_loop3A_357 = arith.addi %parallel_loop3A_307, %parallel_loop3A_356 : i32
          %parallel_loop3A_358 = arith.index_cast %parallel_loop3A_357 : i32 to index
          %parallel_loop3A_359 = arith.index_cast %mul3A_292 : i32 to index
          %parallel_loop3A_360 = tpu.vector_load %arg7[%parallel_loop3A_358, %parallel_loop3A_359] {strides = array<i32>} : memref<256x128xf32, #tpu.memory_space<vmem>>, vector<16xf32>,
          %parallel_loop3A_361 = arith.constant 6 : i32
          %parallel_loop3A_362 = vector.broadcast %parallel_loop3A_361 : i32 to vector<16xi32>
          %parallel_loop3A_363 = arith.addi %parallel_loop3A_305, %parallel_loop3A_362 : vector<16xi32>
          tpu.vector_store_idx %arg6[%parallel_loop3A_363], %parallel_loop3A_360 {add = true} : memref<40064xf32, #tpu.memory_space<vmem>>[vector<16xi32>], vector<16xf32>,
          %parallel_loop3A_364 = arith.constant 7 : i32
          %parallel_loop3A_365 = arith.addi %parallel_loop3A_307, %parallel_loop3A_364 : i32
          %parallel_loop3A_366 = arith.index_cast %parallel_loop3A_365 : i32 to index
          %parallel_loop3A_367 = arith.index_cast %mul3A_292 : i32 to index
          %parallel_loop3A_368 = tpu.vector_load %arg7[%parallel_loop3A_366, %parallel_loop3A_367] {strides = array<i32>} : memref<256x128xf32, #tpu.memory_space<vmem>>, vector<16xf32>,
          %parallel_loop3A_369 = arith.constant 7 : i32
          %parallel_loop3A_370 = vector.broadcast %parallel_loop3A_369 : i32 to vector<16xi32>
          %parallel_loop3A_371 = arith.addi %parallel_loop3A_305, %parallel_loop3A_370 : vector<16xi32>
          tpu.vector_store_idx %arg6[%parallel_loop3A_371], %parallel_loop3A_368 {add = true} : memref<40064xf32, #tpu.memory_space<vmem>>[vector<16xi32>], vector<16xf32>,
          %parallel_loop3A_372 = arith.constant 8 : i32
          %parallel_loop3A_373 = arith.addi %parallel_loop3A_307, %parallel_loop3A_372 : i32
          %parallel_loop3A_374 = arith.index_cast %parallel_loop3A_373 : i32 to index
          %parallel_loop3A_375 = arith.index_cast %mul3A_292 : i32 to index
          %parallel_loop3A_376 = tpu.vector_load %arg7[%parallel_loop3A_374, %parallel_loop3A_375] {strides = array<i32>} : memref<256x128xf32, #tpu.memory_space<vmem>>, vector<16xf32>,
          %parallel_loop3A_377 = arith.constant 8 : i32
          %parallel_loop3A_378 = vector.broadcast %parallel_loop3A_377 : i32 to vector<16xi32>
          %parallel_loop3A_379 = arith.addi %parallel_loop3A_305, %parallel_loop3A_378 : vector<16xi32>
          tpu.vector_store_idx %arg6[%parallel_loop3A_379], %parallel_loop3A_376 {add = true} : memref<40064xf32, #tpu.memory_space<vmem>>[vector<16xi32>], vector<16xf32>,
          %parallel_loop3A_380 = arith.constant 9 : i32
          %parallel_loop3A_381 = arith.addi %parallel_loop3A_307, %parallel_loop3A_380 : i32
          %parallel_loop3A_382 = arith.index_cast %parallel_loop3A_381 : i32 to index
          %parallel_loop3A_383 = arith.index_cast %mul3A_292 : i32 to index
          %parallel_loop3A_384 = tpu.vector_load %arg7[%parallel_loop3A_382, %parallel_loop3A_383] {strides = array<i32>} : memref<256x128xf32, #tpu.memory_space<vmem>>, vector<16xf32>,
          %parallel_loop3A_385 = arith.constant 9 : i32
          %parallel_loop3A_386 = vector.broadcast %parallel_loop3A_385 : i32 to vector<16xi32>
          %parallel_loop3A_387 = arith.addi %parallel_loop3A_305, %parallel_loop3A_386 : vector<16xi32>
          tpu.vector_store_idx %arg6[%parallel_loop3A_387], %parallel_loop3A_384 {add = true} : memref<40064xf32, #tpu.memory_space<vmem>>[vector<16xi32>], vector<16xf32>,
          %parallel_loop3A_388 = arith.constant 10 : i32
          %parallel_loop3A_389 = arith.addi %parallel_loop3A_307, %parallel_loop3A_388 : i32
          %parallel_loop3A_390 = arith.index_cast %parallel_loop3A_389 : i32 to index
          %parallel_loop3A_391 = arith.index_cast %mul3A_292 : i32 to index
          %parallel_loop3A_392 = tpu.vector_load %arg7[%parallel_loop3A_390, %parallel_loop3A_391] {strides = array<i32>} : memref<256x128xf32, #tpu.memory_space<vmem>>, vector<16xf32>,
          %parallel_loop3A_393 = arith.constant 10 : i32
          %parallel_loop3A_394 = vector.broadcast %parallel_loop3A_393 : i32 to vector<16xi32>
          %parallel_loop3A_395 = arith.addi %parallel_loop3A_305, %parallel_loop3A_394 : vector<16xi32>
          tpu.vector_store_idx %arg6[%parallel_loop3A_395], %parallel_loop3A_392 {add = true} : memref<40064xf32, #tpu.memory_space<vmem>>[vector<16xi32>], vector<16xf32>,
          %parallel_loop3A_396 = arith.constant 11 : i32
          %parallel_loop3A_397 = arith.addi %parallel_loop3A_307, %parallel_loop3A_396 : i32
          %parallel_loop3A_398 = arith.index_cast %parallel_loop3A_397 : i32 to index
          %parallel_loop3A_399 = arith.index_cast %mul3A_292 : i32 to index
          %parallel_loop3A_400 = tpu.vector_load %arg7[%parallel_loop3A_398, %parallel_loop3A_399] {strides = array<i32>} : memref<256x128xf32, #tpu.memory_space<vmem>>, vector<16xf32>,
          %parallel_loop3A_401 = arith.constant 11 : i32
          %parallel_loop3A_402 = vector.broadcast %parallel_loop3A_401 : i32 to vector<16xi32>
          %parallel_loop3A_403 = arith.addi %parallel_loop3A_305, %parallel_loop3A_402 : vector<16xi32>
          tpu.vector_store_idx %arg6[%parallel_loop3A_403], %parallel_loop3A_400 {add = true} : memref<40064xf32, #tpu.memory_space<vmem>>[vector<16xi32>], vector<16xf32>,
          %parallel_loop3A_404 = arith.constant 12 : i32
          %parallel_loop3A_405 = arith.addi %parallel_loop3A_307, %parallel_loop3A_404 : i32
          %parallel_loop3A_406 = arith.index_cast %parallel_loop3A_405 : i32 to index
          %parallel_loop3A_407 = arith.index_cast %mul3A_292 : i32 to index
          %parallel_loop3A_408 = tpu.vector_load %arg7[%parallel_loop3A_406, %parallel_loop3A_407] {strides = array<i32>} : memref<256x128xf32, #tpu.memory_space<vmem>>, vector<16xf32>,
          %parallel_loop3A_409 = arith.constant 12 : i32
          %parallel_loop3A_410 = vector.broadcast %parallel_loop3A_409 : i32 to vector<16xi32>
          %parallel_loop3A_411 = arith.addi %parallel_loop3A_305, %parallel_loop3A_410 : vector<16xi32>
          tpu.vector_store_idx %arg6[%parallel_loop3A_411], %parallel_loop3A_408 {add = true} : memref<40064xf32, #tpu.memory_space<vmem>>[vector<16xi32>], vector<16xf32>,
          %parallel_loop3A_412 = arith.constant 13 : i32
          %parallel_loop3A_413 = arith.addi %parallel_loop3A_307, %parallel_loop3A_412 : i32
          %parallel_loop3A_414 = arith.index_cast %parallel_loop3A_413 : i32 to index
          %parallel_loop3A_415 = arith.index_cast %mul3A_292 : i32 to index
          %parallel_loop3A_416 = tpu.vector_load %arg7[%parallel_loop3A_414, %parallel_loop3A_415] {strides = array<i32>} : memref<256x128xf32, #tpu.memory_space<vmem>>, vector<16xf32>,
          %parallel_loop3A_417 = arith.constant 13 : i32
          %parallel_loop3A_418 = vector.broadcast %parallel_loop3A_417 : i32 to vector<16xi32>
          %parallel_loop3A_419 = arith.addi %parallel_loop3A_305, %parallel_loop3A_418 : vector<16xi32>
          tpu.vector_store_idx %arg6[%parallel_loop3A_419], %parallel_loop3A_416 {add = true} : memref<40064xf32, #tpu.memory_space<vmem>>[vector<16xi32>], vector<16xf32>,
          %parallel_loop3A_420 = arith.constant 14 : i32
          %parallel_loop3A_421 = arith.addi %parallel_loop3A_307, %parallel_loop3A_420 : i32
          %parallel_loop3A_422 = arith.index_cast %parallel_loop3A_421 : i32 to index
          %parallel_loop3A_423 = arith.index_cast %mul3A_292 : i32 to index
          %parallel_loop3A_424 = tpu.vector_load %arg7[%parallel_loop3A_422, %parallel_loop3A_423] {strides = array<i32>} : memref<256x128xf32, #tpu.memory_space<vmem>>, vector<16xf32>,
          %parallel_loop3A_425 = arith.constant 14 : i32
          %parallel_loop3A_426 = vector.broadcast %parallel_loop3A_425 : i32 to vector<16xi32>
          %parallel_loop3A_427 = arith.addi %parallel_loop3A_305, %parallel_loop3A_426 : vector<16xi32>
          tpu.vector_store_idx %arg6[%parallel_loop3A_427], %parallel_loop3A_424 {add = true} : memref<40064xf32, #tpu.memory_space<vmem>>[vector<16xi32>], vector<16xf32>,
          %parallel_loop3A_428 = arith.constant 15 : i32
          %parallel_loop3A_429 = arith.addi %parallel_loop3A_307, %parallel_loop3A_428 : i32
          %parallel_loop3A_430 = arith.index_cast %parallel_loop3A_429 : i32 to index
          %parallel_loop3A_431 = arith.index_cast %mul3A_292 : i32 to index
          %parallel_loop3A_432 = tpu.vector_load %arg7[%parallel_loop3A_430, %parallel_loop3A_431] {strides = array<i32>} : memref<256x128xf32, #tpu.memory_space<vmem>>, vector<16xf32>,
          %parallel_loop3A_433 = arith.constant 15 : i32
          %parallel_loop3A_434 = vector.broadcast %parallel_loop3A_433 : i32 to vector<16xi32>
          %parallel_loop3A_435 = arith.addi %parallel_loop3A_305, %parallel_loop3A_434 : vector<16xi32>
          tpu.vector_store_idx %arg6[%parallel_loop3A_435], %parallel_loop3A_432 {add = true} : memref<40064xf32, #tpu.memory_space<vmem>>[vector<16xi32>], vector<16xf32>,
          %parallel_loop3A_436 = arith.constant 16 : i32
          %parallel_loop3A_437 = arith.addi %parallel_loop3A_307, %parallel_loop3A_436 : i32
          %parallel_loop3A_438 = arith.index_cast %parallel_loop3A_437 : i32 to index
          %parallel_loop3A_439 = arith.index_cast %mul3A_292 : i32 to index
          %parallel_loop3A_440 = tpu.vector_load %arg7[%parallel_loop3A_438, %parallel_loop3A_439] {strides = array<i32>} : memref<256x128xf32, #tpu.memory_space<vmem>>, vector<16xf32>,
          %parallel_loop3A_441 = arith.constant 16 : i32
          %parallel_loop3A_442 = vector.broadcast %parallel_loop3A_441 : i32 to vector<16xi32>
          %parallel_loop3A_443 = arith.addi %parallel_loop3A_305, %parallel_loop3A_442 : vector<16xi32>
          tpu.vector_store_idx %arg6[%parallel_loop3A_443], %parallel_loop3A_440 {add = true} : memref<40064xf32, #tpu.memory_space<vmem>>[vector<16xi32>], vector<16xf32>,
          %parallel_loop3A_444 = arith.constant 17 : i32
          %parallel_loop3A_445 = arith.addi %parallel_loop3A_307, %parallel_loop3A_444 : i32
          %parallel_loop3A_446 = arith.index_cast %parallel_loop3A_445 : i32 to index
          %parallel_loop3A_447 = arith.index_cast %mul3A_292 : i32 to index
          %parallel_loop3A_448 = tpu.vector_load %arg7[%parallel_loop3A_446, %parallel_loop3A_447] {strides = array<i32>} : memref<256x128xf32, #tpu.memory_space<vmem>>, vector<16xf32>,
          %parallel_loop3A_449 = arith.constant 17 : i32
          %parallel_loop3A_450 = vector.broadcast %parallel_loop3A_449 : i32 to vector<16xi32>
          %parallel_loop3A_451 = arith.addi %parallel_loop3A_305, %parallel_loop3A_450 : vector<16xi32>
          tpu.vector_store_idx %arg6[%parallel_loop3A_451], %parallel_loop3A_448 {add = true} : memref<40064xf32, #tpu.memory_space<vmem>>[vector<16xi32>], vector<16xf32>,
          %parallel_loop3A_452 = arith.constant 18 : i32
          %parallel_loop3A_453 = arith.addi %parallel_loop3A_307, %parallel_loop3A_452 : i32
          %parallel_loop3A_454 = arith.index_cast %parallel_loop3A_453 : i32 to index
          %parallel_loop3A_455 = arith.index_cast %mul3A_292 : i32 to index
          %parallel_loop3A_456 = tpu.vector_load %arg7[%parallel_loop3A_454, %parallel_loop3A_455] {strides = array<i32>} : memref<256x128xf32, #tpu.memory_space<vmem>>, vector<16xf32>,
          %parallel_loop3A_457 = arith.constant 18 : i32
          %parallel_loop3A_458 = vector.broadcast %parallel_loop3A_457 : i32 to vector<16xi32>
          %parallel_loop3A_459 = arith.addi %parallel_loop3A_305, %parallel_loop3A_458 : vector<16xi32>
          tpu.vector_store_idx %arg6[%parallel_loop3A_459], %parallel_loop3A_456 {add = true} : memref<40064xf32, #tpu.memory_space<vmem>>[vector<16xi32>], vector<16xf32>,
          %parallel_loop3A_460 = arith.constant 19 : i32
          %parallel_loop3A_461 = arith.addi %parallel_loop3A_307, %parallel_loop3A_460 : i32
          %parallel_loop3A_462 = arith.index_cast %parallel_loop3A_461 : i32 to index
          %parallel_loop3A_463 = arith.index_cast %mul3A_292 : i32 to index
          %parallel_loop3A_464 = tpu.vector_load %arg7[%parallel_loop3A_462, %parallel_loop3A_463] {strides = array<i32>} : memref<256x128xf32, #tpu.memory_space<vmem>>, vector<16xf32>,
          %parallel_loop3A_465 = arith.constant 19 : i32
          %parallel_loop3A_466 = vector.broadcast %parallel_loop3A_465 : i32 to vector<16xi32>
          %parallel_loop3A_467 = arith.addi %parallel_loop3A_305, %parallel_loop3A_466 : vector<16xi32>
          tpu.vector_store_idx %arg6[%parallel_loop3A_467], %parallel_loop3A_464 {add = true} : memref<40064xf32, #tpu.memory_space<vmem>>[vector<16xi32>], vector<16xf32>,
          %parallel_loop3A_468 = arith.constant 20 : i32
          %parallel_loop3A_469 = arith.addi %parallel_loop3A_307, %parallel_loop3A_468 : i32
          %parallel_loop3A_470 = arith.index_cast %parallel_loop3A_469 : i32 to index
          %parallel_loop3A_471 = arith.index_cast %mul3A_292 : i32 to index
          %parallel_loop3A_472 = tpu.vector_load %arg7[%parallel_loop3A_470, %parallel_loop3A_471] {strides = array<i32>} : memref<256x128xf32, #tpu.memory_space<vmem>>, vector<16xf32>,
          %parallel_loop3A_473 = arith.constant 20 : i32
          %parallel_loop3A_474 = vector.broadcast %parallel_loop3A_473 : i32 to vector<16xi32>
          %parallel_loop3A_475 = arith.addi %parallel_loop3A_305, %parallel_loop3A_474 : vector<16xi32>
          tpu.vector_store_idx %arg6[%parallel_loop3A_475], %parallel_loop3A_472 {add = true} : memref<40064xf32, #tpu.memory_space<vmem>>[vector<16xi32>], vector<16xf32>,
          %parallel_loop3A_476 = arith.constant 21 : i32
          %parallel_loop3A_477 = arith.addi %parallel_loop3A_307, %parallel_loop3A_476 : i32
          %parallel_loop3A_478 = arith.index_cast %parallel_loop3A_477 : i32 to index
          %parallel_loop3A_479 = arith.index_cast %mul3A_292 : i32 to index
          %parallel_loop3A_480 = tpu.vector_load %arg7[%parallel_loop3A_478, %parallel_loop3A_479] {strides = array<i32>} : memref<256x128xf32, #tpu.memory_space<vmem>>, vector<16xf32>,
          %parallel_loop3A_481 = arith.constant 21 : i32
          %parallel_loop3A_482 = vector.broadcast %parallel_loop3A_481 : i32 to vector<16xi32>
          %parallel_loop3A_483 = arith.addi %parallel_loop3A_305, %parallel_loop3A_482 : vector<16xi32>
          tpu.vector_store_idx %arg6[%parallel_loop3A_483], %parallel_loop3A_480 {add = true} : memref<40064xf32, #tpu.memory_space<vmem>>[vector<16xi32>], vector<16xf32>,
          %parallel_loop3A_484 = arith.constant 22 : i32
          %parallel_loop3A_485 = arith.addi %parallel_loop3A_307, %parallel_loop3A_484 : i32
          %parallel_loop3A_486 = arith.index_cast %parallel_loop3A_485 : i32 to index
          %parallel_loop3A_487 = arith.index_cast %mul3A_292 : i32 to index
          %parallel_loop3A_488 = tpu.vector_load %arg7[%parallel_loop3A_486, %parallel_loop3A_487] {strides = array<i32>} : memref<256x128xf32, #tpu.memory_space<vmem>>, vector<16xf32>,
          %parallel_loop3A_489 = arith.constant 22 : i32
          %parallel_loop3A_490 = vector.broadcast %parallel_loop3A_489 : i32 to vector<16xi32>
          %parallel_loop3A_491 = arith.addi %parallel_loop3A_305, %parallel_loop3A_490 : vector<16xi32>
          tpu.vector_store_idx %arg6[%parallel_loop3A_491], %parallel_loop3A_488 {add = true} : memref<40064xf32, #tpu.memory_space<vmem>>[vector<16xi32>], vector<16xf32>,
          %parallel_loop3A_492 = arith.constant 23 : i32
          %parallel_loop3A_493 = arith.addi %parallel_loop3A_307, %parallel_loop3A_492 : i32
          %parallel_loop3A_494 = arith.index_cast %parallel_loop3A_493 : i32 to index
          %parallel_loop3A_495 = arith.index_cast %mul3A_292 : i32 to index
          %parallel_loop3A_496 = tpu.vector_load %arg7[%parallel_loop3A_494, %parallel_loop3A_495] {strides = array<i32>} : memref<256x128xf32, #tpu.memory_space<vmem>>, vector<16xf32>,
          %parallel_loop3A_497 = arith.constant 23 : i32
          %parallel_loop3A_498 = vector.broadcast %parallel_loop3A_497 : i32 to vector<16xi32>
          %parallel_loop3A_499 = arith.addi %parallel_loop3A_305, %parallel_loop3A_498 : vector<16xi32>
          tpu.vector_store_idx %arg6[%parallel_loop3A_499], %parallel_loop3A_496 {add = true} : memref<40064xf32, #tpu.memory_space<vmem>>[vector<16xi32>], vector<16xf32>,
          %parallel_loop3A_500 = arith.constant 24 : i32
          %parallel_loop3A_501 = arith.addi %parallel_loop3A_307, %parallel_loop3A_500 : i32
          %parallel_loop3A_502 = arith.index_cast %parallel_loop3A_501 : i32 to index
          %parallel_loop3A_503 = arith.index_cast %mul3A_292 : i32 to index
          %parallel_loop3A_504 = tpu.vector_load %arg7[%parallel_loop3A_502, %parallel_loop3A_503] {strides = array<i32>} : memref<256x128xf32, #tpu.memory_space<vmem>>, vector<16xf32>,
          %parallel_loop3A_505 = arith.constant 24 : i32
          %parallel_loop3A_506 = vector.broadcast %parallel_loop3A_505 : i32 to vector<16xi32>
          %parallel_loop3A_507 = arith.addi %parallel_loop3A_305, %parallel_loop3A_506 : vector<16xi32>
          tpu.vector_store_idx %arg6[%parallel_loop3A_507], %parallel_loop3A_504 {add = true} : memref<40064xf32, #tpu.memory_space<vmem>>[vector<16xi32>], vector<16xf32>,
          %parallel_loop3A_508 = arith.constant 25 : i32
          %parallel_loop3A_509 = arith.addi %parallel_loop3A_307, %parallel_loop3A_508 : i32
          %parallel_loop3A_510 = arith.index_cast %parallel_loop3A_509 : i32 to index
          %parallel_loop3A_511 = arith.index_cast %mul3A_292 : i32 to index
          %parallel_loop3A_512 = tpu.vector_load %arg7[%parallel_loop3A_510, %parallel_loop3A_511] {strides = array<i32>} : memref<256x128xf32, #tpu.memory_space<vmem>>, vector<16xf32>,
          %parallel_loop3A_513 = arith.constant 25 : i32
          %parallel_loop3A_514 = vector.broadcast %parallel_loop3A_513 : i32 to vector<16xi32>
          %parallel_loop3A_515 = arith.addi %parallel_loop3A_305, %parallel_loop3A_514 : vector<16xi32>
          tpu.vector_store_idx %arg6[%parallel_loop3A_515], %parallel_loop3A_512 {add = true} : memref<40064xf32, #tpu.memory_space<vmem>>[vector<16xi32>], vector<16xf32>,
          %parallel_loop3A_516 = arith.constant 26 : i32
          %parallel_loop3A_517 = arith.addi %parallel_loop3A_307, %parallel_loop3A_516 : i32
          %parallel_loop3A_518 = arith.index_cast %parallel_loop3A_517 : i32 to index
          %parallel_loop3A_519 = arith.index_cast %mul3A_292 : i32 to index
          %parallel_loop3A_520 = tpu.vector_load %arg7[%parallel_loop3A_518, %parallel_loop3A_519] {strides = array<i32>} : memref<256x128xf32, #tpu.memory_space<vmem>>, vector<16xf32>,
          %parallel_loop3A_521 = arith.constant 26 : i32
          %parallel_loop3A_522 = vector.broadcast %parallel_loop3A_521 : i32 to vector<16xi32>
          %parallel_loop3A_523 = arith.addi %parallel_loop3A_305, %parallel_loop3A_522 : vector<16xi32>
          tpu.vector_store_idx %arg6[%parallel_loop3A_523], %parallel_loop3A_520 {add = true} : memref<40064xf32, #tpu.memory_space<vmem>>[vector<16xi32>], vector<16xf32>,
          %parallel_loop3A_524 = arith.constant 27 : i32
          %parallel_loop3A_525 = arith.addi %parallel_loop3A_307, %parallel_loop3A_524 : i32
          %parallel_loop3A_526 = arith.index_cast %parallel_loop3A_525 : i32 to index
          %parallel_loop3A_527 = arith.index_cast %mul3A_292 : i32 to index
          %parallel_loop3A_528 = tpu.vector_load %arg7[%parallel_loop3A_526, %parallel_loop3A_527] {strides = array<i32>} : memref<256x128xf32, #tpu.memory_space<vmem>>, vector<16xf32>,
          %parallel_loop3A_529 = arith.constant 27 : i32
          %parallel_loop3A_530 = vector.broadcast %parallel_loop3A_529 : i32 to vector<16xi32>
          %parallel_loop3A_531 = arith.addi %parallel_loop3A_305, %parallel_loop3A_530 : vector<16xi32>
          tpu.vector_store_idx %arg6[%parallel_loop3A_531], %parallel_loop3A_528 {add = true} : memref<40064xf32, #tpu.memory_space<vmem>>[vector<16xi32>], vector<16xf32>,
          %parallel_loop3A_532 = arith.constant 28 : i32
          %parallel_loop3A_533 = arith.addi %parallel_loop3A_307, %parallel_loop3A_532 : i32
          %parallel_loop3A_534 = arith.index_cast %parallel_loop3A_533 : i32 to index
          %parallel_loop3A_535 = arith.index_cast %mul3A_292 : i32 to index
          %parallel_loop3A_536 = tpu.vector_load %arg7[%parallel_loop3A_534, %parallel_loop3A_535] {strides = array<i32>} : memref<256x128xf32, #tpu.memory_space<vmem>>, vector<16xf32>,
          %parallel_loop3A_537 = arith.constant 28 : i32
          %parallel_loop3A_538 = vector.broadcast %parallel_loop3A_537 : i32 to vector<16xi32>
          %parallel_loop3A_539 = arith.addi %parallel_loop3A_305, %parallel_loop3A_538 : vector<16xi32>
          tpu.vector_store_idx %arg6[%parallel_loop3A_539], %parallel_loop3A_536 {add = true} : memref<40064xf32, #tpu.memory_space<vmem>>[vector<16xi32>], vector<16xf32>,
          %parallel_loop3A_540 = arith.constant 29 : i32
          %parallel_loop3A_541 = arith.addi %parallel_loop3A_307, %parallel_loop3A_540 : i32
          %parallel_loop3A_542 = arith.index_cast %parallel_loop3A_541 : i32 to index
          %parallel_loop3A_543 = arith.index_cast %mul3A_292 : i32 to index
          %parallel_loop3A_544 = tpu.vector_load %arg7[%parallel_loop3A_542, %parallel_loop3A_543] {strides = array<i32>} : memref<256x128xf32, #tpu.memory_space<vmem>>, vector<16xf32>,
          %parallel_loop3A_545 = arith.constant 29 : i32
          %parallel_loop3A_546 = vector.broadcast %parallel_loop3A_545 : i32 to vector<16xi32>
          %parallel_loop3A_547 = arith.addi %parallel_loop3A_305, %parallel_loop3A_546 : vector<16xi32>
          tpu.vector_store_idx %arg6[%parallel_loop3A_547], %parallel_loop3A_544 {add = true} : memref<40064xf32, #tpu.memory_space<vmem>>[vector<16xi32>], vector<16xf32>,
          %parallel_loop3A_548 = arith.constant 30 : i32
          %parallel_loop3A_549 = arith.addi %parallel_loop3A_307, %parallel_loop3A_548 : i32
          %parallel_loop3A_550 = arith.index_cast %parallel_loop3A_549 : i32 to index
          %parallel_loop3A_551 = arith.index_cast %mul3A_292 : i32 to index
          %parallel_loop3A_552 = tpu.vector_load %arg7[%parallel_loop3A_550, %parallel_loop3A_551] {strides = array<i32>} : memref<256x128xf32, #tpu.memory_space<vmem>>, vector<16xf32>,
          %parallel_loop3A_553 = arith.constant 30 : i32
          %parallel_loop3A_554 = vector.broadcast %parallel_loop3A_553 : i32 to vector<16xi32>
          %parallel_loop3A_555 = arith.addi %parallel_loop3A_305, %parallel_loop3A_554 : vector<16xi32>
          tpu.vector_store_idx %arg6[%parallel_loop3A_555], %parallel_loop3A_552 {add = true} : memref<40064xf32, #tpu.memory_space<vmem>>[vector<16xi32>], vector<16xf32>,
        } {sc.loop_unroll_factor = 2 : i64, sc.parallel_access}
        %scan3A_300 = arith.constant 0 : i32
        scf.yield %scan3A_300 : i32
      }
      %scan3A_263 = arith.constant 8 : i32
      %dma_wait3A_264 = arith.constant 0 : i32
      %dma_wait3A_265 = arith.constant 0 : i32
      %dma_wait3A_266 = tpu.memref_slice %arg8[%dma_wait3A_264, %dma_wait3A_265] : memref<256x128xf32, #tpu.memory_space<vmem>> -> memref<217x128xf32, #tpu.memory_space<vmem>>
      %dma_wait3A_267 = arith.constant 744 : i32
      %dma_wait3A_268 = arith.constant 0 : i32
      %dma_wait3A_269 = tpu.memref_slice %arg2[%dma_wait3A_267, %add3A_12, %dma_wait3A_268] : memref<961x256x128xf32, #tpu.memory_space<hbm>> -> memref<217x1x128xf32, #tpu.memory_space<hbm>>
      %dma_wait3A_270 = tpu.memref_squeeze %dma_wait3A_269 : memref<217x1x128xf32, #tpu.memory_space<hbm>> -> memref<217x128xf32, #tpu.memory_space<hbm>>
      %dma_wait3A_271 = arith.constant 0 : i32
      %dma_wait3A_272 = arith.constant 0 : i32
      %dma_wait3A_273 = tpu.memref_slice %arg8[%dma_wait3A_271, %dma_wait3A_272] : memref<256x128xf32, #tpu.memory_space<vmem>> -> memref<217x128xf32, #tpu.memory_space<vmem>>
      %dma_wait3A_274 = arith.constant 744 : i32
      %dma_wait3A_275 = arith.constant 0 : i32
      %dma_wait3A_276 = tpu.memref_slice %arg2[%dma_wait3A_274, %add3A_12, %dma_wait3A_275] : memref<961x256x128xf32, #tpu.memory_space<hbm>> -> memref<217x1x128xf32, #tpu.memory_space<hbm>>
      %dma_wait3A_277 = tpu.memref_squeeze %dma_wait3A_276 : memref<217x1x128xf32, #tpu.memory_space<hbm>> -> memref<217x128xf32, #tpu.memory_space<hbm>>
      tpu.wait_dma2 semaphore(%arg13 : memref<!tpu.dma_semaphore, #tpu.memory_space<semaphore_mem>>) src(%dma_wait3A_277 : memref<217x128xf32, #tpu.memory_space<hbm>>) dst(%dma_wait3A_273 : memref<217x128xf32, #tpu.memory_space<vmem>>)
      %scan3A_278 = arith.constant 0 : i32
      %scan3A_279 = arith.constant 0 : i32
      %scan3A_280 = arith.constant 8 : i32
      %scan3A_281 = arith.addi %scan3A_279, %scan3A_280 : i32
      %scan3A_282 = arith.constant 1 : i32
      %scan3A_283 = scf.for %scan3A_289 = %scan3A_279 to %scan3A_281 step %scan3A_282 iter_args(%scan3A_290 = %scan3A_278) -> (i32)  : i32 {
        %mul3A_291 = arith.constant 16 : i32
        %mul3A_292 = arith.muli %scan3A_289, %mul3A_291 : i32
        %get3A_293 = arith.index_cast %mul3A_292 : i32 to index
        %get3A_294 = tpu.vector_load %arg11[%get3A_293] {strides = array<i32>} : memref<144xi32, #tpu.memory_space<vmem>>, vector<16xi32>,
        %add3A_295 = arith.constant 4800 : i32
        %add3A_296 = vector.broadcast %add3A_295 : i32 to vector<16xi32>
        %add3A_297 = arith.addi %get3A_294, %add3A_296 : vector<16xi32>
        %parallel_loop3A = arith.constant 0 : i32
        %parallel_loop3A_298 = arith.constant 7 : i32
        %parallel_loop3A_299 = arith.constant 1 : i32
        scf.for %parallel_loop3A_301 = %parallel_loop3A to %parallel_loop3A_298 step %parallel_loop3A_299  : i32 {
          %parallel_loop3A_302 = arith.constant 200 : i32
          %parallel_loop3A_303 = arith.muli %parallel_loop3A_301, %parallel_loop3A_302 : i32
          %parallel_loop3A_304 = vector.broadcast %parallel_loop3A_303 : i32 to vector<16xi32>
          %parallel_loop3A_305 = arith.addi %add3A_297, %parallel_loop3A_304 : vector<16xi32>
          %parallel_loop3A_306 = arith.constant 31 : i32
          %parallel_loop3A_307 = arith.muli %parallel_loop3A_301, %parallel_loop3A_306 : i32
          %parallel_loop3A_308 = arith.constant 0 : i32
          %parallel_loop3A_309 = arith.addi %parallel_loop3A_307, %parallel_loop3A_308 : i32
          %parallel_loop3A_310 = arith.index_cast %parallel_loop3A_309 : i32 to index
          %parallel_loop3A_311 = arith.index_cast %mul3A_292 : i32 to index
          %parallel_loop3A_312 = tpu.vector_load %arg8[%parallel_loop3A_310, %parallel_loop3A_311] {strides = array<i32>} : memref<256x128xf32, #tpu.memory_space<vmem>>, vector<16xf32>,
          %parallel_loop3A_313 = arith.constant 0 : i32
          %parallel_loop3A_314 = vector.broadcast %parallel_loop3A_313 : i32 to vector<16xi32>
          %parallel_loop3A_315 = arith.addi %parallel_loop3A_305, %parallel_loop3A_314 : vector<16xi32>
          tpu.vector_store_idx %arg6[%parallel_loop3A_315], %parallel_loop3A_312 {add = true} : memref<40064xf32, #tpu.memory_space<vmem>>[vector<16xi32>], vector<16xf32>,
          %parallel_loop3A_316 = arith.constant 1 : i32
          %parallel_loop3A_317 = arith.addi %parallel_loop3A_307, %parallel_loop3A_316 : i32
          %parallel_loop3A_318 = arith.index_cast %parallel_loop3A_317 : i32 to index
          %parallel_loop3A_319 = arith.index_cast %mul3A_292 : i32 to index
          %parallel_loop3A_320 = tpu.vector_load %arg8[%parallel_loop3A_318, %parallel_loop3A_319] {strides = array<i32>} : memref<256x128xf32, #tpu.memory_space<vmem>>, vector<16xf32>,
          %parallel_loop3A_321 = arith.constant 1 : i32
          %parallel_loop3A_322 = vector.broadcast %parallel_loop3A_321 : i32 to vector<16xi32>
          %parallel_loop3A_323 = arith.addi %parallel_loop3A_305, %parallel_loop3A_322 : vector<16xi32>
          tpu.vector_store_idx %arg6[%parallel_loop3A_323], %parallel_loop3A_320 {add = true} : memref<40064xf32, #tpu.memory_space<vmem>>[vector<16xi32>], vector<16xf32>,
          %parallel_loop3A_324 = arith.constant 2 : i32
          %parallel_loop3A_325 = arith.addi %parallel_loop3A_307, %parallel_loop3A_324 : i32
          %parallel_loop3A_326 = arith.index_cast %parallel_loop3A_325 : i32 to index
          %parallel_loop3A_327 = arith.index_cast %mul3A_292 : i32 to index
          %parallel_loop3A_328 = tpu.vector_load %arg8[%parallel_loop3A_326, %parallel_loop3A_327] {strides = array<i32>} : memref<256x128xf32, #tpu.memory_space<vmem>>, vector<16xf32>,
          %parallel_loop3A_329 = arith.constant 2 : i32
          %parallel_loop3A_330 = vector.broadcast %parallel_loop3A_329 : i32 to vector<16xi32>
          %parallel_loop3A_331 = arith.addi %parallel_loop3A_305, %parallel_loop3A_330 : vector<16xi32>
          tpu.vector_store_idx %arg6[%parallel_loop3A_331], %parallel_loop3A_328 {add = true} : memref<40064xf32, #tpu.memory_space<vmem>>[vector<16xi32>], vector<16xf32>,
          %parallel_loop3A_332 = arith.constant 3 : i32
          %parallel_loop3A_333 = arith.addi %parallel_loop3A_307, %parallel_loop3A_332 : i32
          %parallel_loop3A_334 = arith.index_cast %parallel_loop3A_333 : i32 to index
          %parallel_loop3A_335 = arith.index_cast %mul3A_292 : i32 to index
          %parallel_loop3A_336 = tpu.vector_load %arg8[%parallel_loop3A_334, %parallel_loop3A_335] {strides = array<i32>} : memref<256x128xf32, #tpu.memory_space<vmem>>, vector<16xf32>,
          %parallel_loop3A_337 = arith.constant 3 : i32
          %parallel_loop3A_338 = vector.broadcast %parallel_loop3A_337 : i32 to vector<16xi32>
          %parallel_loop3A_339 = arith.addi %parallel_loop3A_305, %parallel_loop3A_338 : vector<16xi32>
          tpu.vector_store_idx %arg6[%parallel_loop3A_339], %parallel_loop3A_336 {add = true} : memref<40064xf32, #tpu.memory_space<vmem>>[vector<16xi32>], vector<16xf32>,
          %parallel_loop3A_340 = arith.constant 4 : i32
          %parallel_loop3A_341 = arith.addi %parallel_loop3A_307, %parallel_loop3A_340 : i32
          %parallel_loop3A_342 = arith.index_cast %parallel_loop3A_341 : i32 to index
          %parallel_loop3A_343 = arith.index_cast %mul3A_292 : i32 to index
          %parallel_loop3A_344 = tpu.vector_load %arg8[%parallel_loop3A_342, %parallel_loop3A_343] {strides = array<i32>} : memref<256x128xf32, #tpu.memory_space<vmem>>, vector<16xf32>,
          %parallel_loop3A_345 = arith.constant 4 : i32
          %parallel_loop3A_346 = vector.broadcast %parallel_loop3A_345 : i32 to vector<16xi32>
          %parallel_loop3A_347 = arith.addi %parallel_loop3A_305, %parallel_loop3A_346 : vector<16xi32>
          tpu.vector_store_idx %arg6[%parallel_loop3A_347], %parallel_loop3A_344 {add = true} : memref<40064xf32, #tpu.memory_space<vmem>>[vector<16xi32>], vector<16xf32>,
          %parallel_loop3A_348 = arith.constant 5 : i32
          %parallel_loop3A_349 = arith.addi %parallel_loop3A_307, %parallel_loop3A_348 : i32
          %parallel_loop3A_350 = arith.index_cast %parallel_loop3A_349 : i32 to index
          %parallel_loop3A_351 = arith.index_cast %mul3A_292 : i32 to index
          %parallel_loop3A_352 = tpu.vector_load %arg8[%parallel_loop3A_350, %parallel_loop3A_351] {strides = array<i32>} : memref<256x128xf32, #tpu.memory_space<vmem>>, vector<16xf32>,
          %parallel_loop3A_353 = arith.constant 5 : i32
          %parallel_loop3A_354 = vector.broadcast %parallel_loop3A_353 : i32 to vector<16xi32>
          %parallel_loop3A_355 = arith.addi %parallel_loop3A_305, %parallel_loop3A_354 : vector<16xi32>
          tpu.vector_store_idx %arg6[%parallel_loop3A_355], %parallel_loop3A_352 {add = true} : memref<40064xf32, #tpu.memory_space<vmem>>[vector<16xi32>], vector<16xf32>,
          %parallel_loop3A_356 = arith.constant 6 : i32
          %parallel_loop3A_357 = arith.addi %parallel_loop3A_307, %parallel_loop3A_356 : i32
          %parallel_loop3A_358 = arith.index_cast %parallel_loop3A_357 : i32 to index
          %parallel_loop3A_359 = arith.index_cast %mul3A_292 : i32 to index
          %parallel_loop3A_360 = tpu.vector_load %arg8[%parallel_loop3A_358, %parallel_loop3A_359] {strides = array<i32>} : memref<256x128xf32, #tpu.memory_space<vmem>>, vector<16xf32>,
          %parallel_loop3A_361 = arith.constant 6 : i32
          %parallel_loop3A_362 = vector.broadcast %parallel_loop3A_361 : i32 to vector<16xi32>
          %parallel_loop3A_363 = arith.addi %parallel_loop3A_305, %parallel_loop3A_362 : vector<16xi32>
          tpu.vector_store_idx %arg6[%parallel_loop3A_363], %parallel_loop3A_360 {add = true} : memref<40064xf32, #tpu.memory_space<vmem>>[vector<16xi32>], vector<16xf32>,
          %parallel_loop3A_364 = arith.constant 7 : i32
          %parallel_loop3A_365 = arith.addi %parallel_loop3A_307, %parallel_loop3A_364 : i32
          %parallel_loop3A_366 = arith.index_cast %parallel_loop3A_365 : i32 to index
          %parallel_loop3A_367 = arith.index_cast %mul3A_292 : i32 to index
          %parallel_loop3A_368 = tpu.vector_load %arg8[%parallel_loop3A_366, %parallel_loop3A_367] {strides = array<i32>} : memref<256x128xf32, #tpu.memory_space<vmem>>, vector<16xf32>,
          %parallel_loop3A_369 = arith.constant 7 : i32
          %parallel_loop3A_370 = vector.broadcast %parallel_loop3A_369 : i32 to vector<16xi32>
          %parallel_loop3A_371 = arith.addi %parallel_loop3A_305, %parallel_loop3A_370 : vector<16xi32>
          tpu.vector_store_idx %arg6[%parallel_loop3A_371], %parallel_loop3A_368 {add = true} : memref<40064xf32, #tpu.memory_space<vmem>>[vector<16xi32>], vector<16xf32>,
          %parallel_loop3A_372 = arith.constant 8 : i32
          %parallel_loop3A_373 = arith.addi %parallel_loop3A_307, %parallel_loop3A_372 : i32
          %parallel_loop3A_374 = arith.index_cast %parallel_loop3A_373 : i32 to index
          %parallel_loop3A_375 = arith.index_cast %mul3A_292 : i32 to index
          %parallel_loop3A_376 = tpu.vector_load %arg8[%parallel_loop3A_374, %parallel_loop3A_375] {strides = array<i32>} : memref<256x128xf32, #tpu.memory_space<vmem>>, vector<16xf32>,
          %parallel_loop3A_377 = arith.constant 8 : i32
          %parallel_loop3A_378 = vector.broadcast %parallel_loop3A_377 : i32 to vector<16xi32>
          %parallel_loop3A_379 = arith.addi %parallel_loop3A_305, %parallel_loop3A_378 : vector<16xi32>
          tpu.vector_store_idx %arg6[%parallel_loop3A_379], %parallel_loop3A_376 {add = true} : memref<40064xf32, #tpu.memory_space<vmem>>[vector<16xi32>], vector<16xf32>,
          %parallel_loop3A_380 = arith.constant 9 : i32
          %parallel_loop3A_381 = arith.addi %parallel_loop3A_307, %parallel_loop3A_380 : i32
          %parallel_loop3A_382 = arith.index_cast %parallel_loop3A_381 : i32 to index
          %parallel_loop3A_383 = arith.index_cast %mul3A_292 : i32 to index
          %parallel_loop3A_384 = tpu.vector_load %arg8[%parallel_loop3A_382, %parallel_loop3A_383] {strides = array<i32>} : memref<256x128xf32, #tpu.memory_space<vmem>>, vector<16xf32>,
          %parallel_loop3A_385 = arith.constant 9 : i32
          %parallel_loop3A_386 = vector.broadcast %parallel_loop3A_385 : i32 to vector<16xi32>
          %parallel_loop3A_387 = arith.addi %parallel_loop3A_305, %parallel_loop3A_386 : vector<16xi32>
          tpu.vector_store_idx %arg6[%parallel_loop3A_387], %parallel_loop3A_384 {add = true} : memref<40064xf32, #tpu.memory_space<vmem>>[vector<16xi32>], vector<16xf32>,
          %parallel_loop3A_388 = arith.constant 10 : i32
          %parallel_loop3A_389 = arith.addi %parallel_loop3A_307, %parallel_loop3A_388 : i32
          %parallel_loop3A_390 = arith.index_cast %parallel_loop3A_389 : i32 to index
          %parallel_loop3A_391 = arith.index_cast %mul3A_292 : i32 to index
          %parallel_loop3A_392 = tpu.vector_load %arg8[%parallel_loop3A_390, %parallel_loop3A_391] {strides = array<i32>} : memref<256x128xf32, #tpu.memory_space<vmem>>, vector<16xf32>,
          %parallel_loop3A_393 = arith.constant 10 : i32
          %parallel_loop3A_394 = vector.broadcast %parallel_loop3A_393 : i32 to vector<16xi32>
          %parallel_loop3A_395 = arith.addi %parallel_loop3A_305, %parallel_loop3A_394 : vector<16xi32>
          tpu.vector_store_idx %arg6[%parallel_loop3A_395], %parallel_loop3A_392 {add = true} : memref<40064xf32, #tpu.memory_space<vmem>>[vector<16xi32>], vector<16xf32>,
          %parallel_loop3A_396 = arith.constant 11 : i32
          %parallel_loop3A_397 = arith.addi %parallel_loop3A_307, %parallel_loop3A_396 : i32
          %parallel_loop3A_398 = arith.index_cast %parallel_loop3A_397 : i32 to index
          %parallel_loop3A_399 = arith.index_cast %mul3A_292 : i32 to index
          %parallel_loop3A_400 = tpu.vector_load %arg8[%parallel_loop3A_398, %parallel_loop3A_399] {strides = array<i32>} : memref<256x128xf32, #tpu.memory_space<vmem>>, vector<16xf32>,
          %parallel_loop3A_401 = arith.constant 11 : i32
          %parallel_loop3A_402 = vector.broadcast %parallel_loop3A_401 : i32 to vector<16xi32>
          %parallel_loop3A_403 = arith.addi %parallel_loop3A_305, %parallel_loop3A_402 : vector<16xi32>
          tpu.vector_store_idx %arg6[%parallel_loop3A_403], %parallel_loop3A_400 {add = true} : memref<40064xf32, #tpu.memory_space<vmem>>[vector<16xi32>], vector<16xf32>,
          %parallel_loop3A_404 = arith.constant 12 : i32
          %parallel_loop3A_405 = arith.addi %parallel_loop3A_307, %parallel_loop3A_404 : i32
          %parallel_loop3A_406 = arith.index_cast %parallel_loop3A_405 : i32 to index
          %parallel_loop3A_407 = arith.index_cast %mul3A_292 : i32 to index
          %parallel_loop3A_408 = tpu.vector_load %arg8[%parallel_loop3A_406, %parallel_loop3A_407] {strides = array<i32>} : memref<256x128xf32, #tpu.memory_space<vmem>>, vector<16xf32>,
          %parallel_loop3A_409 = arith.constant 12 : i32
          %parallel_loop3A_410 = vector.broadcast %parallel_loop3A_409 : i32 to vector<16xi32>
          %parallel_loop3A_411 = arith.addi %parallel_loop3A_305, %parallel_loop3A_410 : vector<16xi32>
          tpu.vector_store_idx %arg6[%parallel_loop3A_411], %parallel_loop3A_408 {add = true} : memref<40064xf32, #tpu.memory_space<vmem>>[vector<16xi32>], vector<16xf32>,
          %parallel_loop3A_412 = arith.constant 13 : i32
          %parallel_loop3A_413 = arith.addi %parallel_loop3A_307, %parallel_loop3A_412 : i32
          %parallel_loop3A_414 = arith.index_cast %parallel_loop3A_413 : i32 to index
          %parallel_loop3A_415 = arith.index_cast %mul3A_292 : i32 to index
          %parallel_loop3A_416 = tpu.vector_load %arg8[%parallel_loop3A_414, %parallel_loop3A_415] {strides = array<i32>} : memref<256x128xf32, #tpu.memory_space<vmem>>, vector<16xf32>,
          %parallel_loop3A_417 = arith.constant 13 : i32
          %parallel_loop3A_418 = vector.broadcast %parallel_loop3A_417 : i32 to vector<16xi32>
          %parallel_loop3A_419 = arith.addi %parallel_loop3A_305, %parallel_loop3A_418 : vector<16xi32>
          tpu.vector_store_idx %arg6[%parallel_loop3A_419], %parallel_loop3A_416 {add = true} : memref<40064xf32, #tpu.memory_space<vmem>>[vector<16xi32>], vector<16xf32>,
          %parallel_loop3A_420 = arith.constant 14 : i32
          %parallel_loop3A_421 = arith.addi %parallel_loop3A_307, %parallel_loop3A_420 : i32
          %parallel_loop3A_422 = arith.index_cast %parallel_loop3A_421 : i32 to index
          %parallel_loop3A_423 = arith.index_cast %mul3A_292 : i32 to index
          %parallel_loop3A_424 = tpu.vector_load %arg8[%parallel_loop3A_422, %parallel_loop3A_423] {strides = array<i32>} : memref<256x128xf32, #tpu.memory_space<vmem>>, vector<16xf32>,
          %parallel_loop3A_425 = arith.constant 14 : i32
          %parallel_loop3A_426 = vector.broadcast %parallel_loop3A_425 : i32 to vector<16xi32>
          %parallel_loop3A_427 = arith.addi %parallel_loop3A_305, %parallel_loop3A_426 : vector<16xi32>
          tpu.vector_store_idx %arg6[%parallel_loop3A_427], %parallel_loop3A_424 {add = true} : memref<40064xf32, #tpu.memory_space<vmem>>[vector<16xi32>], vector<16xf32>,
          %parallel_loop3A_428 = arith.constant 15 : i32
          %parallel_loop3A_429 = arith.addi %parallel_loop3A_307, %parallel_loop3A_428 : i32
          %parallel_loop3A_430 = arith.index_cast %parallel_loop3A_429 : i32 to index
          %parallel_loop3A_431 = arith.index_cast %mul3A_292 : i32 to index
          %parallel_loop3A_432 = tpu.vector_load %arg8[%parallel_loop3A_430, %parallel_loop3A_431] {strides = array<i32>} : memref<256x128xf32, #tpu.memory_space<vmem>>, vector<16xf32>,
          %parallel_loop3A_433 = arith.constant 15 : i32
          %parallel_loop3A_434 = vector.broadcast %parallel_loop3A_433 : i32 to vector<16xi32>
          %parallel_loop3A_435 = arith.addi %parallel_loop3A_305, %parallel_loop3A_434 : vector<16xi32>
          tpu.vector_store_idx %arg6[%parallel_loop3A_435], %parallel_loop3A_432 {add = true} : memref<40064xf32, #tpu.memory_space<vmem>>[vector<16xi32>], vector<16xf32>,
          %parallel_loop3A_436 = arith.constant 16 : i32
          %parallel_loop3A_437 = arith.addi %parallel_loop3A_307, %parallel_loop3A_436 : i32
          %parallel_loop3A_438 = arith.index_cast %parallel_loop3A_437 : i32 to index
          %parallel_loop3A_439 = arith.index_cast %mul3A_292 : i32 to index
          %parallel_loop3A_440 = tpu.vector_load %arg8[%parallel_loop3A_438, %parallel_loop3A_439] {strides = array<i32>} : memref<256x128xf32, #tpu.memory_space<vmem>>, vector<16xf32>,
          %parallel_loop3A_441 = arith.constant 16 : i32
          %parallel_loop3A_442 = vector.broadcast %parallel_loop3A_441 : i32 to vector<16xi32>
          %parallel_loop3A_443 = arith.addi %parallel_loop3A_305, %parallel_loop3A_442 : vector<16xi32>
          tpu.vector_store_idx %arg6[%parallel_loop3A_443], %parallel_loop3A_440 {add = true} : memref<40064xf32, #tpu.memory_space<vmem>>[vector<16xi32>], vector<16xf32>,
          %parallel_loop3A_444 = arith.constant 17 : i32
          %parallel_loop3A_445 = arith.addi %parallel_loop3A_307, %parallel_loop3A_444 : i32
          %parallel_loop3A_446 = arith.index_cast %parallel_loop3A_445 : i32 to index
          %parallel_loop3A_447 = arith.index_cast %mul3A_292 : i32 to index
          %parallel_loop3A_448 = tpu.vector_load %arg8[%parallel_loop3A_446, %parallel_loop3A_447] {strides = array<i32>} : memref<256x128xf32, #tpu.memory_space<vmem>>, vector<16xf32>,
          %parallel_loop3A_449 = arith.constant 17 : i32
          %parallel_loop3A_450 = vector.broadcast %parallel_loop3A_449 : i32 to vector<16xi32>
          %parallel_loop3A_451 = arith.addi %parallel_loop3A_305, %parallel_loop3A_450 : vector<16xi32>
          tpu.vector_store_idx %arg6[%parallel_loop3A_451], %parallel_loop3A_448 {add = true} : memref<40064xf32, #tpu.memory_space<vmem>>[vector<16xi32>], vector<16xf32>,
          %parallel_loop3A_452 = arith.constant 18 : i32
          %parallel_loop3A_453 = arith.addi %parallel_loop3A_307, %parallel_loop3A_452 : i32
          %parallel_loop3A_454 = arith.index_cast %parallel_loop3A_453 : i32 to index
          %parallel_loop3A_455 = arith.index_cast %mul3A_292 : i32 to index
          %parallel_loop3A_456 = tpu.vector_load %arg8[%parallel_loop3A_454, %parallel_loop3A_455] {strides = array<i32>} : memref<256x128xf32, #tpu.memory_space<vmem>>, vector<16xf32>,
          %parallel_loop3A_457 = arith.constant 18 : i32
          %parallel_loop3A_458 = vector.broadcast %parallel_loop3A_457 : i32 to vector<16xi32>
          %parallel_loop3A_459 = arith.addi %parallel_loop3A_305, %parallel_loop3A_458 : vector<16xi32>
          tpu.vector_store_idx %arg6[%parallel_loop3A_459], %parallel_loop3A_456 {add = true} : memref<40064xf32, #tpu.memory_space<vmem>>[vector<16xi32>], vector<16xf32>,
          %parallel_loop3A_460 = arith.constant 19 : i32
          %parallel_loop3A_461 = arith.addi %parallel_loop3A_307, %parallel_loop3A_460 : i32
          %parallel_loop3A_462 = arith.index_cast %parallel_loop3A_461 : i32 to index
          %parallel_loop3A_463 = arith.index_cast %mul3A_292 : i32 to index
          %parallel_loop3A_464 = tpu.vector_load %arg8[%parallel_loop3A_462, %parallel_loop3A_463] {strides = array<i32>} : memref<256x128xf32, #tpu.memory_space<vmem>>, vector<16xf32>,
          %parallel_loop3A_465 = arith.constant 19 : i32
          %parallel_loop3A_466 = vector.broadcast %parallel_loop3A_465 : i32 to vector<16xi32>
          %parallel_loop3A_467 = arith.addi %parallel_loop3A_305, %parallel_loop3A_466 : vector<16xi32>
          tpu.vector_store_idx %arg6[%parallel_loop3A_467], %parallel_loop3A_464 {add = true} : memref<40064xf32, #tpu.memory_space<vmem>>[vector<16xi32>], vector<16xf32>,
          %parallel_loop3A_468 = arith.constant 20 : i32
          %parallel_loop3A_469 = arith.addi %parallel_loop3A_307, %parallel_loop3A_468 : i32
          %parallel_loop3A_470 = arith.index_cast %parallel_loop3A_469 : i32 to index
          %parallel_loop3A_471 = arith.index_cast %mul3A_292 : i32 to index
          %parallel_loop3A_472 = tpu.vector_load %arg8[%parallel_loop3A_470, %parallel_loop3A_471] {strides = array<i32>} : memref<256x128xf32, #tpu.memory_space<vmem>>, vector<16xf32>,
          %parallel_loop3A_473 = arith.constant 20 : i32
          %parallel_loop3A_474 = vector.broadcast %parallel_loop3A_473 : i32 to vector<16xi32>
          %parallel_loop3A_475 = arith.addi %parallel_loop3A_305, %parallel_loop3A_474 : vector<16xi32>
          tpu.vector_store_idx %arg6[%parallel_loop3A_475], %parallel_loop3A_472 {add = true} : memref<40064xf32, #tpu.memory_space<vmem>>[vector<16xi32>], vector<16xf32>,
          %parallel_loop3A_476 = arith.constant 21 : i32
          %parallel_loop3A_477 = arith.addi %parallel_loop3A_307, %parallel_loop3A_476 : i32
          %parallel_loop3A_478 = arith.index_cast %parallel_loop3A_477 : i32 to index
          %parallel_loop3A_479 = arith.index_cast %mul3A_292 : i32 to index
          %parallel_loop3A_480 = tpu.vector_load %arg8[%parallel_loop3A_478, %parallel_loop3A_479] {strides = array<i32>} : memref<256x128xf32, #tpu.memory_space<vmem>>, vector<16xf32>,
          %parallel_loop3A_481 = arith.constant 21 : i32
          %parallel_loop3A_482 = vector.broadcast %parallel_loop3A_481 : i32 to vector<16xi32>
          %parallel_loop3A_483 = arith.addi %parallel_loop3A_305, %parallel_loop3A_482 : vector<16xi32>
          tpu.vector_store_idx %arg6[%parallel_loop3A_483], %parallel_loop3A_480 {add = true} : memref<40064xf32, #tpu.memory_space<vmem>>[vector<16xi32>], vector<16xf32>,
          %parallel_loop3A_484 = arith.constant 22 : i32
          %parallel_loop3A_485 = arith.addi %parallel_loop3A_307, %parallel_loop3A_484 : i32
          %parallel_loop3A_486 = arith.index_cast %parallel_loop3A_485 : i32 to index
          %parallel_loop3A_487 = arith.index_cast %mul3A_292 : i32 to index
          %parallel_loop3A_488 = tpu.vector_load %arg8[%parallel_loop3A_486, %parallel_loop3A_487] {strides = array<i32>} : memref<256x128xf32, #tpu.memory_space<vmem>>, vector<16xf32>,
          %parallel_loop3A_489 = arith.constant 22 : i32
          %parallel_loop3A_490 = vector.broadcast %parallel_loop3A_489 : i32 to vector<16xi32>
          %parallel_loop3A_491 = arith.addi %parallel_loop3A_305, %parallel_loop3A_490 : vector<16xi32>
          tpu.vector_store_idx %arg6[%parallel_loop3A_491], %parallel_loop3A_488 {add = true} : memref<40064xf32, #tpu.memory_space<vmem>>[vector<16xi32>], vector<16xf32>,
          %parallel_loop3A_492 = arith.constant 23 : i32
          %parallel_loop3A_493 = arith.addi %parallel_loop3A_307, %parallel_loop3A_492 : i32
          %parallel_loop3A_494 = arith.index_cast %parallel_loop3A_493 : i32 to index
          %parallel_loop3A_495 = arith.index_cast %mul3A_292 : i32 to index
          %parallel_loop3A_496 = tpu.vector_load %arg8[%parallel_loop3A_494, %parallel_loop3A_495] {strides = array<i32>} : memref<256x128xf32, #tpu.memory_space<vmem>>, vector<16xf32>,
          %parallel_loop3A_497 = arith.constant 23 : i32
          %parallel_loop3A_498 = vector.broadcast %parallel_loop3A_497 : i32 to vector<16xi32>
          %parallel_loop3A_499 = arith.addi %parallel_loop3A_305, %parallel_loop3A_498 : vector<16xi32>
          tpu.vector_store_idx %arg6[%parallel_loop3A_499], %parallel_loop3A_496 {add = true} : memref<40064xf32, #tpu.memory_space<vmem>>[vector<16xi32>], vector<16xf32>,
          %parallel_loop3A_500 = arith.constant 24 : i32
          %parallel_loop3A_501 = arith.addi %parallel_loop3A_307, %parallel_loop3A_500 : i32
          %parallel_loop3A_502 = arith.index_cast %parallel_loop3A_501 : i32 to index
          %parallel_loop3A_503 = arith.index_cast %mul3A_292 : i32 to index
          %parallel_loop3A_504 = tpu.vector_load %arg8[%parallel_loop3A_502, %parallel_loop3A_503] {strides = array<i32>} : memref<256x128xf32, #tpu.memory_space<vmem>>, vector<16xf32>,
          %parallel_loop3A_505 = arith.constant 24 : i32
          %parallel_loop3A_506 = vector.broadcast %parallel_loop3A_505 : i32 to vector<16xi32>
          %parallel_loop3A_507 = arith.addi %parallel_loop3A_305, %parallel_loop3A_506 : vector<16xi32>
          tpu.vector_store_idx %arg6[%parallel_loop3A_507], %parallel_loop3A_504 {add = true} : memref<40064xf32, #tpu.memory_space<vmem>>[vector<16xi32>], vector<16xf32>,
          %parallel_loop3A_508 = arith.constant 25 : i32
          %parallel_loop3A_509 = arith.addi %parallel_loop3A_307, %parallel_loop3A_508 : i32
          %parallel_loop3A_510 = arith.index_cast %parallel_loop3A_509 : i32 to index
          %parallel_loop3A_511 = arith.index_cast %mul3A_292 : i32 to index
          %parallel_loop3A_512 = tpu.vector_load %arg8[%parallel_loop3A_510, %parallel_loop3A_511] {strides = array<i32>} : memref<256x128xf32, #tpu.memory_space<vmem>>, vector<16xf32>,
          %parallel_loop3A_513 = arith.constant 25 : i32
          %parallel_loop3A_514 = vector.broadcast %parallel_loop3A_513 : i32 to vector<16xi32>
          %parallel_loop3A_515 = arith.addi %parallel_loop3A_305, %parallel_loop3A_514 : vector<16xi32>
          tpu.vector_store_idx %arg6[%parallel_loop3A_515], %parallel_loop3A_512 {add = true} : memref<40064xf32, #tpu.memory_space<vmem>>[vector<16xi32>], vector<16xf32>,
          %parallel_loop3A_516 = arith.constant 26 : i32
          %parallel_loop3A_517 = arith.addi %parallel_loop3A_307, %parallel_loop3A_516 : i32
          %parallel_loop3A_518 = arith.index_cast %parallel_loop3A_517 : i32 to index
          %parallel_loop3A_519 = arith.index_cast %mul3A_292 : i32 to index
          %parallel_loop3A_520 = tpu.vector_load %arg8[%parallel_loop3A_518, %parallel_loop3A_519] {strides = array<i32>} : memref<256x128xf32, #tpu.memory_space<vmem>>, vector<16xf32>,
          %parallel_loop3A_521 = arith.constant 26 : i32
          %parallel_loop3A_522 = vector.broadcast %parallel_loop3A_521 : i32 to vector<16xi32>
          %parallel_loop3A_523 = arith.addi %parallel_loop3A_305, %parallel_loop3A_522 : vector<16xi32>
          tpu.vector_store_idx %arg6[%parallel_loop3A_523], %parallel_loop3A_520 {add = true} : memref<40064xf32, #tpu.memory_space<vmem>>[vector<16xi32>], vector<16xf32>,
          %parallel_loop3A_524 = arith.constant 27 : i32
          %parallel_loop3A_525 = arith.addi %parallel_loop3A_307, %parallel_loop3A_524 : i32
          %parallel_loop3A_526 = arith.index_cast %parallel_loop3A_525 : i32 to index
          %parallel_loop3A_527 = arith.index_cast %mul3A_292 : i32 to index
          %parallel_loop3A_528 = tpu.vector_load %arg8[%parallel_loop3A_526, %parallel_loop3A_527] {strides = array<i32>} : memref<256x128xf32, #tpu.memory_space<vmem>>, vector<16xf32>,
          %parallel_loop3A_529 = arith.constant 27 : i32
          %parallel_loop3A_530 = vector.broadcast %parallel_loop3A_529 : i32 to vector<16xi32>
          %parallel_loop3A_531 = arith.addi %parallel_loop3A_305, %parallel_loop3A_530 : vector<16xi32>
          tpu.vector_store_idx %arg6[%parallel_loop3A_531], %parallel_loop3A_528 {add = true} : memref<40064xf32, #tpu.memory_space<vmem>>[vector<16xi32>], vector<16xf32>,
          %parallel_loop3A_532 = arith.constant 28 : i32
          %parallel_loop3A_533 = arith.addi %parallel_loop3A_307, %parallel_loop3A_532 : i32
          %parallel_loop3A_534 = arith.index_cast %parallel_loop3A_533 : i32 to index
          %parallel_loop3A_535 = arith.index_cast %mul3A_292 : i32 to index
          %parallel_loop3A_536 = tpu.vector_load %arg8[%parallel_loop3A_534, %parallel_loop3A_535] {strides = array<i32>} : memref<256x128xf32, #tpu.memory_space<vmem>>, vector<16xf32>,
          %parallel_loop3A_537 = arith.constant 28 : i32
          %parallel_loop3A_538 = vector.broadcast %parallel_loop3A_537 : i32 to vector<16xi32>
          %parallel_loop3A_539 = arith.addi %parallel_loop3A_305, %parallel_loop3A_538 : vector<16xi32>
          tpu.vector_store_idx %arg6[%parallel_loop3A_539], %parallel_loop3A_536 {add = true} : memref<40064xf32, #tpu.memory_space<vmem>>[vector<16xi32>], vector<16xf32>,
          %parallel_loop3A_540 = arith.constant 29 : i32
          %parallel_loop3A_541 = arith.addi %parallel_loop3A_307, %parallel_loop3A_540 : i32
          %parallel_loop3A_542 = arith.index_cast %parallel_loop3A_541 : i32 to index
          %parallel_loop3A_543 = arith.index_cast %mul3A_292 : i32 to index
          %parallel_loop3A_544 = tpu.vector_load %arg8[%parallel_loop3A_542, %parallel_loop3A_543] {strides = array<i32>} : memref<256x128xf32, #tpu.memory_space<vmem>>, vector<16xf32>,
          %parallel_loop3A_545 = arith.constant 29 : i32
          %parallel_loop3A_546 = vector.broadcast %parallel_loop3A_545 : i32 to vector<16xi32>
          %parallel_loop3A_547 = arith.addi %parallel_loop3A_305, %parallel_loop3A_546 : vector<16xi32>
          tpu.vector_store_idx %arg6[%parallel_loop3A_547], %parallel_loop3A_544 {add = true} : memref<40064xf32, #tpu.memory_space<vmem>>[vector<16xi32>], vector<16xf32>,
          %parallel_loop3A_548 = arith.constant 30 : i32
          %parallel_loop3A_549 = arith.addi %parallel_loop3A_307, %parallel_loop3A_548 : i32
          %parallel_loop3A_550 = arith.index_cast %parallel_loop3A_549 : i32 to index
          %parallel_loop3A_551 = arith.index_cast %mul3A_292 : i32 to index
          %parallel_loop3A_552 = tpu.vector_load %arg8[%parallel_loop3A_550, %parallel_loop3A_551] {strides = array<i32>} : memref<256x128xf32, #tpu.memory_space<vmem>>, vector<16xf32>,
          %parallel_loop3A_553 = arith.constant 30 : i32
          %parallel_loop3A_554 = vector.broadcast %parallel_loop3A_553 : i32 to vector<16xi32>
          %parallel_loop3A_555 = arith.addi %parallel_loop3A_305, %parallel_loop3A_554 : vector<16xi32>
          tpu.vector_store_idx %arg6[%parallel_loop3A_555], %parallel_loop3A_552 {add = true} : memref<40064xf32, #tpu.memory_space<vmem>>[vector<16xi32>], vector<16xf32>,
        } {sc.loop_unroll_factor = 2 : i64, sc.parallel_access}
        %scan3A_300 = arith.constant 0 : i32
        scf.yield %scan3A_300 : i32
      }
      %scan3A_284 = arith.constant 8 : i32
      %mul3A_285 = arith.constant 40000 : i32
      %mul3A_286 = arith.muli %add3A_12, %mul3A_285 : i32
      %multiple_of3A_287 = tpu.assume_multiple %mul3A_286, 8 : i32
      "tpu.region"() ({
        %run_scoped3A = tpu.sem_alloc : memref<!tpu.dma_semaphore, #tpu.memory_space<semaphore_mem>>
        %dma_start3A_289 = arith.constant 0 : i32
        %dma_start3A_290 = tpu.memref_slice %arg6[%dma_start3A_289] : memref<40064xf32, #tpu.memory_space<vmem>> -> memref<40000xf32, #tpu.memory_space<vmem>>
        %dma_start3A_291 = tpu.memref_slice %arg5[%multiple_of3A_287] : memref<10240000xf32, #tpu.memory_space<hbm>> -> memref<40000xf32, #tpu.memory_space<hbm>>
        %dma_start3A_292 = tpu.memref_slice %arg5[%multiple_of3A_287] : memref<10240000xf32, #tpu.memory_space<hbm>> -> memref<40000xf32, #tpu.memory_space<hbm>>
        %dma_start3A_293 = arith.constant 0 : i32
        %dma_start3A_294 = tpu.memref_slice %arg6[%dma_start3A_293] : memref<40064xf32, #tpu.memory_space<vmem>> -> memref<40000xf32, #tpu.memory_space<vmem>>
        tpu.enqueue_dma source(%dma_start3A_294 : memref<40000xf32, #tpu.memory_space<vmem>>) target(%dma_start3A_292 : memref<40000xf32, #tpu.memory_space<hbm>>) target_semaphore(%run_scoped3A : memref<!tpu.dma_semaphore, #tpu.memory_space<semaphore_mem>>)
        %dma_wait3A_295 = arith.constant 0 : i32
        %dma_wait3A_296 = tpu.memref_slice %arg6[%dma_wait3A_295] : memref<40064xf32, #tpu.memory_space<vmem>> -> memref<40000xf32, #tpu.memory_space<vmem>>
        %dma_wait3A_297 = tpu.memref_slice %arg5[%multiple_of3A_287] : memref<10240000xf32, #tpu.memory_space<hbm>> -> memref<40000xf32, #tpu.memory_space<hbm>>
        %dma_wait3A_298 = tpu.memref_slice %arg5[%multiple_of3A_287] : memref<10240000xf32, #tpu.memory_space<hbm>> -> memref<40000xf32, #tpu.memory_space<hbm>>
        %dma_wait3A_299 = arith.constant 0 : i32
        %dma_wait3A_300 = tpu.memref_slice %arg6[%dma_wait3A_299] : memref<40064xf32, #tpu.memory_space<vmem>> -> memref<40000xf32, #tpu.memory_space<vmem>>
        tpu.wait_dma2 semaphore(%run_scoped3A : memref<!tpu.dma_semaphore, #tpu.memory_space<semaphore_mem>>) src(%dma_wait3A_300 : memref<40000xf32, #tpu.memory_space<vmem>>) dst(%dma_wait3A_298 : memref<40000xf32, #tpu.memory_space<hbm>>)
        tpu.yield
      }) : () -> ()
      %scan3A_288 = arith.constant 0 : i32
      scf.yield %scan3A_288 : i32
    }
    %scan3A_7 = arith.constant 8 : i32
    return
  }
}

</mosaic_0001>

<sc_bundles>
// kernel: kernel.3.cloned.1.call-start
scs
__scs_entry_jumppad:
0x0: {  	(pc) =	sbr.rel $0x88, $3  }
0x1: {  	(tag) =	ssettag $0x0;
	lr =	simm.s32 $0x1  }
0x2: {  	[smem:$0x3F9F] =	sst lr;
	_ =	strace $0xD0000000  }
0x3: {  	_ = 	snop  }
0x4: {  	_ = 	snop  }
0x5: {  	_ = 	snop  }
0x6: {  	_ = 	snop  }
0x7: {  	_ = 	snop  }
__scs_overlays_trampoline_lowered:
0x8: {  	[smem:$0x3FAE] =	sst s0  }
0x9: {  	[smem:$0x3FAF] =	sst s1  }
0xa: {  	[smem:$0x3FB0] =	sst s2  }
0xb: {  	[smem:$0x3FB1] =	sst s3  }
0xc: {  	[smem:$0x3FB2] =	sst s4  }
0xd: {  	[smem:$0x3FB3] =	sst s5  }
0xe: {  	[smem:$0x3FB4] =	sst s6  }
0xf: {  	[smem:$0x3FB5] =	sst s7  }
0x10: {  	[smem:$0x3FB6] =	sst s8  }
0x11: {  	[smem:$0x3FB7] =	sst s9;
	s0 =	simm.s32 @!p0 $0x0  }
0x12: {  	s1 =	sld [smem:$0x3F9D];
	s0 =	simm.s32 @p0 $0x1  }
0x13: {  	[smem:$0x3FB8] =	sst s0;
	s0 =	simm.s32 @!p1 $0x0  }
0x14: {  	s2 =	sld [smem:$0x3F9C];
	s0 =	simm.s32 @p1 $0x1  }
0x15: {  	[smem:$0x3FB9] =	sst s0;
	s0 =	simm.s32 @!p2 $0x0  }
0x16: {  	s3 =	sld [smem:$0x3FDB];
	s0 =	simm.s32 @p2 $0x1  }
0x17: {  	s4 =	simm.s32 $0x1BF5;
	[smem:$0x3FBB] =	sst s0  }
0x18: {  	s0 =	sld [smem:$0x3F9E];
	_ =	swait.ge [sflag:s4], $0x0  }
0x19: {  	s7 =	sld [smem:$0x3F9F]  }
0x1a: {  	s8 =	sadd.s32 $0xFFFFE003, lr  }
0x1b: {  	s9 =	sadd.s32 $0xFFFFFEF7, lr;
	s5 =	simm.s32 $0xFFFFFFFF;
	p2 =	slt.u32 s8, $0xFFFFF086  }
0x1c: {  	p1 =	slt.u32 s9, $0xF7A;
	s5 =	simm.s32 @!p2 $0x0  }
0x1d: {  	s5 =	simm.s32 @p1 $0x1;
	p0 =	seq.s32 s7, s2  }
0x1e: {  	s7 =	smul.u32 @!p0 $0xF7A, s2;
	p2 =	seq.s32 @!p0 s5, $0x0  }
0x1f: {  	s9 =	smul.u32 $0xF7A, s1;
	s8 =	simm.s32 @!p0 $0x1BF5;
	p2 =	por !p2, p0  }
0x20: {  	[sflag:s8] =	ssyncset.s32 @!p0 $0xFFFFF086;
	s6 =	sadd.s32 @!p0 s3, s7;
	s7 =	simm.s32 @!p0 $0x108  }
0x21: {  	s3 =	sadd.s32 s3, s9;
	s6 =	sadd.s32 @!p0 $0x88, s6;
	s7 =	simm.s32 @p2 $0x1082  }
0x22: {  	[simem:s7], [sflag:s8] =	dma.local @!p0 [hbm:s6], $0xF7A  }
0x23: {  	s9 =	sor.u32 $0xD0000000, s2;
	s6 =	simm.s32 $0x108;
	_ =	swait.ge @!p0 [sflag:s8], $0x0  }
0x24: {  	s3 =	sadd.s32 $0x88, s3;
	s6 =	simm.s32 @!p1 $0x1082;
	[sflag:s4] =	ssyncset.s32 $0xFFFFF086  }
0x25: {  	[simem:s6], [sflag:s4] =	dma.local [hbm:s3], $0xF7A  }
0x26: {  	[smem:$0x3F9F] =	sst s1;
	(tag) =	ssettag s2;
	_ =	strace s9  }
0x27: {  	s1 =	sld [smem:$0x3FAF]  }
0x28: {  	s2 =	sld [smem:$0x3FB0]  }
0x29: {  	s4 =	sld [smem:$0x3FB2]  }
0x2a: {  	p0 =	seq.s32 s5, $0x0;
	s5 =	sld [smem:$0x3FB3]  }
0x2b: {  	s6 =	sld [smem:$0x3FB4]  }
0x2c: {  	s7 =	sld [smem:$0x3FB5]  }
0x2d: {  	s3 =	simm.s32 $0x108;
	s8 =	sld [smem:$0x3FB6]  }
0x2e: {  	s3 =	simm.s32 @!p0 $0x1082;
	s9 =	sld [smem:$0x3FB7]  }
0x2f: {  	lr =	sadd.s32 s0, s3;
	s0 =	sld [smem:$0x3FAE]  }
0x30: {  	s3 =	sld [smem:$0x3FB1]  }
0x31: {  	[smem:$0x3FBA] =	sst s10  }
0x32: {  	s10 =	sld [smem:$0x3FB8];
	_ =	sdelay $0x3  }
0x33: {  	p0 =	seq.s32 s10, $0x1;
	s10 =	sld [smem:$0x3FBA];
	_ =	sdelay $0x3  }
0x34: {  	[smem:$0x3FBA] =	sst s10  }
0x35: {  	s10 =	sld [smem:$0x3FB9];
	_ =	sdelay $0x3  }
0x36: {  	p1 =	seq.s32 s10, $0x1;
	s10 =	sld [smem:$0x3FBA];
	_ =	sdelay $0x3  }
0x37: {  	[smem:$0x3FBA] =	sst s10  }
0x38: {  	s10 =	sld [smem:$0x3FBB]  }
0x39: {  	_ = 	snop;
	(pc) =	sbr.ind lr, $3  }
0x3a: {  	_ = 	snop  }
0x3b: {  	_ = 	snop  }
0x3c: {  	p2 =	seq.s32 s10, $0x1;
	s10 =	sld [smem:$0x3FBA]  }
0x3d: {  	_ =	shalt  }
0x3e: {  	_ =	shalt  }
0x3f: {  	_ =	shalt  }
0x40: {  	_ =	shalt  }
0x41: {  	_ =	shalt  }
0x42: {  	_ =	shalt  }
0x43: {  	_ =	shalt  }
0x44: {  	_ =	shalt  }
0x45: {  	_ =	shalt  }
0x46: {  	_ =	shalt  }
0x47: {  	_ =	shalt  }
0x48: {  	_ =	shalt  }
0x49: {  	_ =	shalt  }
0x4a: {  	_ =	shalt  }
0x4b: {  	_ =	shalt  }
0x4c: {  	_ =	shalt  }
0x4d: {  	_ =	shalt  }
0x4e: {  	_ =	shalt  }
0x4f: {  	_ =	shalt  }
0x50: {  	_ =	shalt  }
0x51: {  	_ =	shalt  }
0x52: {  	_ =	shalt  }
0x53: {  	_ =	shalt  }
0x54: {  	_ =	shalt  }
0x55: {  	_ =	shalt  }
0x56: {  	_ =	shalt  }
0x57: {  	_ =	shalt  }
0x58: {  	_ =	shalt  }
0x59: {  	_ =	shalt  }
0x5a: {  	_ =	shalt  }
0x5b: {  	_ =	shalt  }
0x5c: {  	_ =	shalt  }
0x5d: {  	_ =	shalt  }
0x5e: {  	_ =	shalt  }
0x5f: {  	_ =	shalt  }
0x60: {  	_ =	shalt  }
0x61: {  	_ =	shalt  }
0x62: {  	_ =	shalt  }
0x63: {  	_ =	shalt  }
0x64: {  	_ =	shalt  }
0x65: {  	_ =	shalt  }
0x66: {  	_ =	shalt  }
0x67: {  	_ =	shalt  }
0x68: {  	_ =	shalt  }
0x69: {  	_ =	shalt  }
0x6a: {  	_ =	shalt  }
0x6b: {  	_ =	shalt  }
0x6c: {  	_ =	shalt  }
0x6d: {  	_ =	shalt  }
0x6e: {  	_ =	shalt  }
0x6f: {  	_ =	shalt  }
0x70: {  	_ =	shalt  }
0x71: {  	_ =	shalt  }
0x72: {  	_ =	shalt  }
0x73: {  	_ =	shalt  }
0x74: {  	_ =	shalt  }
0x75: {  	_ =	shalt  }
0x76: {  	_ =	shalt  }
0x77: {  	_ =	shalt  }
0x78: {  	_ =	shalt  }
0x79: {  	_ =	shalt  }
0x7a: {  	_ =	shalt  }
0x7b: {  	_ =	shalt  }
0x7c: {  	_ =	shalt  }
0x7d: {  	_ =	shalt  }
0x7e: {  	_ =	shalt  }
0x7f: {  	_ =	shalt  }
0x80: {  	_ =	shalt  }
0x81: {  	_ =	shalt  }
0x82: {  	_ =	shalt  }
0x83: {  	_ =	shalt  }
0x84: {  	_ =	shalt  }
0x85: {  	_ =	shalt  }
0x86: {  	_ =	shalt  }
0x87: {  	_ =	shalt  }
.Lfunc_end0:
.L_simem_size_0:
called_computation.1_lowered:
.L_overlay_start_0:
0x88: {  	s2 =	sld [smem:$0x3FD9]  }
0x89: {  	s3 =	sld [smem:$0x3FFE];
	_ =	sdelay $0x1  }
0x8a: {  	s1 =	srdreg.scid  }
0x8b: {  	s0 =	sand.u32 $0x1, s1  }
0x8c: {  	s17 =	sshll.u32 s0, $0xA;
	s2 =	sadd.s32 s3, s2  }
0x8d: {  	s2 =	sadd.s32 s2, s17  }
0x8e: {  	[smem:$0x3FC6] =	sst s2  }
0x8f: {  	_ = 	snop  }
0x90: {  	s2 =	sld [smem:$0x3FC9]  }
0x91: {  	s18 =	sld [smem:$0x3FD0];
	(tm) =	ssettm $0x1  }
0x92: {  	s4 =	sld [smem:$0x3FFB];
	_ =	sdelay $0x3  }
0x93: {  	_ =	strace s4  }
0x94: {  	s4 =	sld [smem:$0x3FFC];
	_ =	sdelay $0x3  }
0x95: {  	_ =	strace s4  }
0x96: {  	s4 =	sld [smem:$0x3FFD];
	_ =	sdelay $0x3  }
0x97: {  	_ =	strace s4  }
0x98: {  	_ =	strace $0x8FFFFFFF  }
0x99: {  	s19 =	sld [smem:$0x3FDB];
	_ =	sdelay $0x1  }
0x9a: {  	s5 =	simm.s32 $_scs_section_size  }
0x9b: {  	s6 =	simm.s32 $_size__tile_overlayer_lowered;
	s7 =	simm.s32 $_tile_overlayer_lowered  }
0x9c: {  	s22 =	simm.s32 $0x1BFF;
	s21 =	sshll.u32 s7, $0x1;
	s4 =	sadd.s32 s5, s19  }
0x9d: {  	s8 =	simm.s32 $0x0;
	s20 =	sshll.u32 s6, $0x1;
	s6 =	sadd.s32 s21, s4  }
0x9e: {  	[timem:s8], [sflag:s22] =	dma.local [hbm:s6], s20  }
0x9f: {  	_ =	swait.ge [sflag:s22], s20  }
0xa0: {  	s5 =	ssub.s32 $0x0, s20;
	[sflag:s22] =	ssyncset.done $0x0  }
0xa1: {  	[sflag:s22] =	ssyncadd.s32 s5;
	_ =	sdelay $0x1  }
0xa2: {  	s23 =	simm.s32 $0x1B8B  }
0xa3: {  	_ =	swait.ge [sflag:s23], $0x1  }
0xa4: {  	[sflag:s23] =	ssyncset.done $0x0  }
0xa5: {  	s25 =	simm.s32 $0x1B8E;
	s24 =	sld [smem:$0x3FFE];
	[sflag:s23] =	ssyncadd.s32 $0xFFFFFFFF  }
0xa6: {  	s26 =	simm.s32 $execute0_lowered;
	[smem:$0x3FD2] =	sst s25  }
0xa7: {  	s6 =	sshll.u32 s26, $0x1;
	_ =	strace $0x80000046;
	[dreg:$0x1] =	wrdreg $0xFFFFFFFF  }
0xa8: {  	s28 =	simm.s32 $_size_execute0_lowered;
	s4 =	sadd.s32 s4, s6;
	[dreg:$0x0] =	wrdreg $0x0  }
0xa9: {  	s6 =	sshll.u32 s28, $0x1;
	[dreg:$0x2] =	wrdreg s4  }
0xaa: {  	[dreg:$0x3] =	wrdreg s6  }
0xab: {  	[dreg:$0x4] =	wrdreg $0xC0  }
0xac: {  	_ =	task [dreg:s8], $0x5FFFF  }
0xad: {  	[dreg:$0x1] =	wrdreg $0xFFFFFFFF  }
0xae: {  	[dreg:$0x0] =	wrdreg $0x60  }
0xaf: {  	[dreg:$0x2] =	wrdreg s2  }
0xb0: {  	[dreg:$0x3] =	wrdreg s24  }
0xb1: {  	[dreg:$0x4] =	wrdreg s18  }
0xb2: {  	[dreg:$0x5] =	wrdreg $0x9  }
0xb3: {  	_ =	task.clear_ibuf [dreg:s8], $0x6FFFF;
	_ =	strace $0x90000046  }
0xb4: {  	s29 =	simm.s32 $0x9;
	_ =	strace $0x80000048  }
0xb5: {  	_ =	swait.ge [sflag:s29], $0x1  }
0xb6: {  	[sflag:s29] =	ssyncadd.s32 $0xFFFFFFFF  }
0xb7: {  	_ =	strace $0x90000048  }
0xb8: {  	_ =	sfence  }
0xb9: {  	s30 =	sld [smem:$0x0];
	_ =	sdelay $0x2  }
0xba: {  	s31 =	sshll.u32 s1, $0xD;
	s1 =	sshrl.u32 s1, $0x2  }
0xbb: {  	s3 =	sand.u32 $0x4000, s31;
	s1 =	sadd.s32 s1, s30  }
0xbc: {  	s0 =	sor.u32 s3, s0;
	s1 =	sshll.u32 s1, $0x11  }
0xbd: {  	s0 =	sor.u32 s1, s0  }
0xbe: {  	s0 =	sadd.s32 $0x8F2B, s0  }
0xbf: {  	[sflag:s0] =	ssyncadd.remote.s32 $0x1  }
0xc0: {  	_ =	sfence.sel $0xFFFF  }
0xc1: {  	[dreg:$0x0] =	wrdreg $0xFFFFFFFF;
	(pc) =	sbr.abs _section_cstart, $3  }
0xc2: {  	[dreg:$0x1] =	wrdreg $0xFFFFFFFF  }
0xc3: {  	_ =	task.clear_ibuf [dreg:s8], $0x2FFFF;
	_ =	strace $0x9FFFFFFF  }
0xc4: {  	(tm) =	ssettm $0x7FFFFFFF  }
0xc5: {  	_ =	shalt  }
tec
execute0_lowered:
.L_overlay_start_1:
0x0: {  	(tag) =	ssettag $0x1  }
0x1: {  	s1 =	rddreg [dreg:$0x0]  }
0x2: {  	s0 =	rddreg [dreg:$0x1]  }
0x3: {  	s2 =	rddreg [dreg:$0x2];
	s3 =	simm.s32 $0x0  }
0x4: {  	s4 =	srdreg.scid;
	s29 =	stileid.u32;
	s12 =	simm.s32 $0x80  }
0x5: {  	s13 =	simm.s32 $0x8000;
	s14 =	simm.s32 $0x9C80;
	s15 =	simm.s32 $0x19C80  }
0x6: {  	s16 =	simm.s32 $0x3;
	s17 =	simm.s32 $0x19D80;
	s18 =	simm.s32 $0x1  }
0x7: {  	s19 =	simm.s32 $0x11C80;
	s20 =	simm.s32 $0x2;
	s21 =	simm.s32 $0x0  }
0x8: {  	[smem:$0x7FF] =	sst s3;
	s7 =	sand.u32 $0x1, s4;
	s5 =	sadd.s32 $0x1A00, s0  }
0x9: {  	s6 =	sadd.s32 $0xA00, s0;
	s31 =	sshll.u32 s29, $0x4;
	s8 =	ssub.s32 $0x2, s7  }
0xa: {  	s9 =	sadd.s32 $0x1F0000, s1;
	s10 =	sadd.s32 $0x2E8000, s1;
	s30 =	sshrl.u32 s8, $0x1  }
0xb: {  	_ =	strace $0x80000047;
	s7 =	sshll.u32 s7, $0x3;
	s0 =	ssub.s32 s8, s30  }
0xc: {  	v0 =	vimm.f32 $0.0e+00;
	s7 =	sor.u32 s7, s31;
	s8 =	sadd.s32 $0xF8000, s1;
	s11 =	smax.u32 s0, $0x1  }
.LBB2_1:
0xd: {  	s22 =	simm.s32 $0x0  }
.LBB2_2:
0xe: {  	s23 =	sor.u32 s7, s22  }
0xf: {  	s24 =	sshll.u32 s23, $0x4  }
0x10: {  	s0 =	sadd.s32 s1, s24  }
0x11: {  	[tilespmem:s14], [sflag:$0x1] =	stream.strided.gather [hbm4b:s0+s12], $0x7C00, s13, s12, $0x38;
	[tilespmem:$0x19F80] =	vst v63  }
0x12: {  	s25 =	simm.s32 $0x0;
	s30 =	sadd.s32 s5, s24  }
0x13: {  	[tilespmem:s15], [sflag:$0x3] =	stream.linear.gather [hbm4b:s30+s25], $0x80, $0x38;
	[tilespmem:$0x19F80] =	vst v63  }
0x14: {  	_ =	swait.ge [sflag:s16], $0x80  }
0x15: {  	[sflag:s16] =	ssyncset.done $0x0  }
0x16: {  	s31 =	sadd.s32 s6, s24;
	[sflag:s16] =	ssyncadd.s32 $0xFFFFFF80  }
0x17: {  	[tilespmem:s17], [sflag:$0x3] =	stream.linear.gather [hbm4b:s31+s25], $0x80, $0x38;
	[tilespmem:$0x19F80] =	vst v63  }
0x18: {  	_ =	swait.ge [sflag:s16], $0x80  }
0x19: {  	[sflag:s16] =	ssyncset.done $0x0  }
0x1a: {  	[sflag:s16] =	ssyncadd.s32 $0xFFFFFF80  }
0x1b: {  	v1 =	vld [tilespmem:$0x19C80]  }
0x1c: {  	v2 =	vld [tilespmem:$0x19D80]  }
0x1d: {  	v3 =	vld [tilespmem:$0x19C90]  }
0x1e: {  	v4 =	vld [tilespmem:$0x19D90]  }
0x1f: {  	v5 =	vld [tilespmem:$0x19CA0]  }
0x20: {  	v6 =	vld [tilespmem:$0x19DA0]  }
0x21: {  	v7 =	vld [tilespmem:$0x19CB0]  }
0x22: {  	v8 =	vld [tilespmem:$0x19DB0]  }
0x23: {  	v9 =	vld [tilespmem:$0x19CC0]  }
0x24: {  	v10 =	vld [tilespmem:$0x19DC0]  }
0x25: {  	v11 =	vld [tilespmem:$0x19CD0]  }
0x26: {  	v12 =	vld [tilespmem:$0x19DD0];
	v1 =	vmul.u32 $0xC8, v1  }
0x27: {  	v13 =	vld [tilespmem:$0x19CE0];
	v3 =	vmul.u32 $0xC8, v3  }
0x28: {  	v58 =	vld [tilespmem:$0x19CF0];
	v1 =	vadd.s32 v1, v2;
	v2 =	vmul.u32 $0xC8, v5  }
0x29: {  	v60 =	vld [tilespmem:$0x19DE0];
	v59 =	vmul.u32 $0xC8, v7;
	v3 =	vadd.s32 v3, v4;
	v1 =	vadd.s32 $0xFFFFF439, v1  }
0x2a: {  	v61 =	vld [tilespmem:$0x19DF0];
	[tilespmem:$0x19E80] =	vst v1;
	v1 =	vadd.s32 $0xFFFFF439, v3;
	v2 =	vadd.s32 v2, v6;
	v3 =	vmul.u32 $0xC8, v9  }
0x2b: {  	v62 =	vmul.u32 $0xC8, v11;
	[tilespmem:$0x19E90] =	vst v1;
	v1 =	vadd.s32 v59, v8;
	v2 =	vadd.s32 $0xFFFFF439, v2  }
0x2c: {  	[tilespmem:$0x19EA0] =	vst v2;
	v2 =	vadd.s32 v3, v10;
	v1 =	vadd.s32 $0xFFFFF439, v1;
	v3 =	vmul.u32 $0xC8, v13  }
0x2d: {  	v63 =	vmul.u32 $0xC8, v58;
	[tilespmem:$0x19EB0] =	vst v1;
	v1 =	vadd.s32 v62, v12;
	v2 =	vadd.s32 $0xFFFFF439, v2  }
0x2e: {  	[tilespmem:$0x19EC0] =	vst v2;
	v2 =	vadd.s32 v3, v60;
	v1 =	vadd.s32 $0xFFFFF439, v1  }
0x2f: {  	[tilespmem:$0x19ED0] =	vst v1;
	v1 =	vadd.s32 v63, v61;
	v2 =	vadd.s32 $0xFFFFF439, v2  }
0x30: {  	[tilespmem:$0x19EE0] =	vst v2;
	v1 =	vadd.s32 $0xFFFFF439, v1  }
0x31: {  	s0 =	simm.s32 $0x0;
	s25 =	simm.s32 $0x100;
	[tilespmem:$0x19EF0] =	vst v1  }
.LBB2_3:
0x32: {  	p0 =	sne.s32 s25, $0x27100;
	[tilespmem:s0+$0x30] =	vst v0;
	s26 =	smov.u32 s25;
	s25 =	sadd.s32 $0x100, s25  }
.Ltmp0:
0x33: {  	[tilespmem:s0+$0x20] =	vst v0;
	(pc) =	sbr.rel @p0 .LBB2_3-.Ltmp0, $3  }
0x34: {  	[tilespmem:s0+$0x0] =	vst v0  }
0x35: {  	[tilespmem:s0+$0x10] =	vst v0;
	_ =	sdelay $0x1  }
0x36: {  	s0 =	sshra.s32 s26, $0x2  }
0x37: {  	[tilespmem:s0+$0x30] =	vst v0  }
0x38: {  	[tilespmem:s0+$0x20] =	vst v0  }
0x39: {  	[tilespmem:s0+$0x0] =	vst v0  }
0x3a: {  	[tilespmem:s0+$0x10] =	vst v0  }
0x3b: {  	_ =	swait.ge [sflag:s18], $0x7C00  }
0x3c: {  	s31 =	sadd.s32 s24, s8;
	s25 =	simm.s32 $0x0;
	[sflag:s18] =	ssyncset.done $0x0  }
0x3d: {  	s26 =	simm.s32 $0xAC00;
	s28 =	simm.s32 $0x0;
	[sflag:s18] =	ssyncadd.s32 $0xFFFF8400  }
0x3e: {  	[tilespmem:s19], [sflag:$0x2] =	stream.strided.gather [hbm4b:s31+s12], $0x7C00, s13, s12, $0x38;
	[tilespmem:$0x19F80] =	vst v63  }
.LBB2_5:
0x3f: {  	s0 =	sshll.u32 s28, $0x4  }
0x40: {  	v1 =	vld [tilespmem:s0+$0x19E80];
	_ =	sdelay $0x3  }
0x41: {  	s4 =	simm.s32 $0xC8  }
0x42: {  	v2 =	vld [tilespmem:s26+$0x0];
	v4 =	vadd.s32 s4, v1;
	_ =	sdelay $0x3  }
0x43: {  	v6 =	vld [tilespmem:s26+$0xFFFFF080];
	v3 =	vadd.s32 s25, v1  }
0x44: {  	[tilespmem:v4+s3+$0x0] =	vst.idx.add.f32.msk $0xffff, v2  }
0x45: {  	v5 =	vadd.s32 $0x1, v4;
	v2 =	vld [tilespmem:s26+$0x80];
	_ =	sdelay $0x2  }
0x46: {  	[tilespmem:v3+s3+$0x0] =	vst.idx.add.f32.msk $0xffff, v6  }
0x47: {  	v6 =	vadd.s32 $0x1, v3;
	v7 =	vld [tilespmem:s26+$0xFFFFF100]  }
0x48: {  	[tilespmem:v5+s3+$0x0] =	vst.idx.add.f32.msk $0xffff, v2  }
0x49: {  	v5 =	vadd.s32 $0x2, v4;
	v2 =	vld [tilespmem:s26+$0x100];
	_ =	sdelay $0x2  }
0x4a: {  	[tilespmem:v6+s3+$0x0] =	vst.idx.add.f32.msk $0xffff, v7  }
0x4b: {  	v6 =	vadd.s32 $0x2, v3;
	v7 =	vld [tilespmem:s26+$0xFFFFF180]  }
0x4c: {  	[tilespmem:v5+s3+$0x0] =	vst.idx.add.f32.msk $0xffff, v2  }
0x4d: {  	v5 =	vadd.s32 $0x3, v4;
	v2 =	vld [tilespmem:s26+$0x180];
	_ =	sdelay $0x2  }
0x4e: {  	[tilespmem:v6+s3+$0x0] =	vst.idx.add.f32.msk $0xffff, v7  }
0x4f: {  	v6 =	vadd.s32 $0x3, v3;
	v7 =	vld [tilespmem:s26+$0xFFFFF200]  }
0x50: {  	[tilespmem:v5+s3+$0x0] =	vst.idx.add.f32.msk $0xffff, v2  }
0x51: {  	v5 =	vadd.s32 $0x4, v4;
	v2 =	vld [tilespmem:s26+$0x200];
	_ =	sdelay $0x2  }
0x52: {  	[tilespmem:v6+s3+$0x0] =	vst.idx.add.f32.msk $0xffff, v7  }
0x53: {  	v6 =	vadd.s32 $0x4, v3;
	v7 =	vld [tilespmem:s26+$0xFFFFF280]  }
0x54: {  	[tilespmem:v5+s3+$0x0] =	vst.idx.add.f32.msk $0xffff, v2  }
0x55: {  	v5 =	vadd.s32 $0x5, v4;
	v2 =	vld [tilespmem:s26+$0x280];
	_ =	sdelay $0x2  }
0x56: {  	[tilespmem:v6+s3+$0x0] =	vst.idx.add.f32.msk $0xffff, v7  }
0x57: {  	v6 =	vadd.s32 $0x5, v3;
	v7 =	vld [tilespmem:s26+$0xFFFFF300]  }
0x58: {  	[tilespmem:v5+s3+$0x0] =	vst.idx.add.f32.msk $0xffff, v2  }
0x59: {  	v5 =	vadd.s32 $0x6, v4;
	v2 =	vld [tilespmem:s26+$0x300];
	_ =	sdelay $0x2  }
0x5a: {  	[tilespmem:v6+s3+$0x0] =	vst.idx.add.f32.msk $0xffff, v7  }
0x5b: {  	v6 =	vadd.s32 $0x6, v3;
	v7 =	vld [tilespmem:s26+$0xFFFFF380]  }
0x5c: {  	[tilespmem:v5+s3+$0x0] =	vst.idx.add.f32.msk $0xffff, v2  }
0x5d: {  	v5 =	vadd.s32 $0x7, v4;
	v2 =	vld [tilespmem:s26+$0x380];
	_ =	sdelay $0x2  }
0x5e: {  	[tilespmem:v6+s3+$0x0] =	vst.idx.add.f32.msk $0xffff, v7  }
0x5f: {  	v6 =	vadd.s32 $0x7, v3;
	v7 =	vld [tilespmem:s26+$0xFFFFF400]  }
0x60: {  	[tilespmem:v5+s3+$0x0] =	vst.idx.add.f32.msk $0xffff, v2  }
0x61: {  	v5 =	vadd.s32 $0x8, v4;
	v2 =	vld [tilespmem:s26+$0x400];
	_ =	sdelay $0x2  }
0x62: {  	[tilespmem:v6+s3+$0x0] =	vst.idx.add.f32.msk $0xffff, v7  }
0x63: {  	v6 =	vadd.s32 $0x8, v3;
	v7 =	vld [tilespmem:s26+$0xFFFFF480]  }
0x64: {  	[tilespmem:v5+s3+$0x0] =	vst.idx.add.f32.msk $0xffff, v2  }
0x65: {  	v5 =	vadd.s32 $0x9, v4;
	v2 =	vld [tilespmem:s26+$0x480];
	_ =	sdelay $0x2  }
0x66: {  	[tilespmem:v6+s3+$0x0] =	vst.idx.add.f32.msk $0xffff, v7  }
0x67: {  	v6 =	vadd.s32 $0x9, v3;
	v7 =	vld [tilespmem:s26+$0xFFFFF500]  }
0x68: {  	[tilespmem:v5+s3+$0x0] =	vst.idx.add.f32.msk $0xffff, v2  }
0x69: {  	v5 =	vadd.s32 $0xA, v4;
	v2 =	vld [tilespmem:s26+$0x500];
	_ =	sdelay $0x2  }
0x6a: {  	[tilespmem:v6+s3+$0x0] =	vst.idx.add.f32.msk $0xffff, v7  }
0x6b: {  	v6 =	vadd.s32 $0xA, v3;
	v7 =	vld [tilespmem:s26+$0xFFFFF580]  }
0x6c: {  	[tilespmem:v5+s3+$0x0] =	vst.idx.add.f32.msk $0xffff, v2  }
0x6d: {  	v5 =	vadd.s32 $0xB, v4;
	v2 =	vld [tilespmem:s26+$0x580];
	_ =	sdelay $0x2  }
0x6e: {  	[tilespmem:v6+s3+$0x0] =	vst.idx.add.f32.msk $0xffff, v7  }
0x6f: {  	v6 =	vadd.s32 $0xB, v3;
	v7 =	vld [tilespmem:s26+$0xFFFFF600]  }
0x70: {  	[tilespmem:v5+s3+$0x0] =	vst.idx.add.f32.msk $0xffff, v2  }
0x71: {  	v5 =	vadd.s32 $0xC, v4;
	v2 =	vld [tilespmem:s26+$0x600];
	_ =	sdelay $0x2  }
0x72: {  	[tilespmem:v6+s3+$0x0] =	vst.idx.add.f32.msk $0xffff, v7  }
0x73: {  	v6 =	vadd.s32 $0xC, v3;
	v7 =	vld [tilespmem:s26+$0xFFFFF680]  }
0x74: {  	[tilespmem:v5+s3+$0x0] =	vst.idx.add.f32.msk $0xffff, v2  }
0x75: {  	v5 =	vadd.s32 $0xD, v4;
	v2 =	vld [tilespmem:s26+$0x680];
	_ =	sdelay $0x2  }
0x76: {  	[tilespmem:v6+s3+$0x0] =	vst.idx.add.f32.msk $0xffff, v7  }
0x77: {  	v6 =	vadd.s32 $0xD, v3;
	v7 =	vld [tilespmem:s26+$0xFFFFF700]  }
0x78: {  	[tilespmem:v5+s3+$0x0] =	vst.idx.add.f32.msk $0xffff, v2  }
0x79: {  	v5 =	vadd.s32 $0xE, v4;
	v2 =	vld [tilespmem:s26+$0x700];
	_ =	sdelay $0x2  }
0x7a: {  	[tilespmem:v6+s3+$0x0] =	vst.idx.add.f32.msk $0xffff, v7  }
0x7b: {  	v6 =	vadd.s32 $0xE, v3;
	v7 =	vld [tilespmem:s26+$0xFFFFF780]  }
0x7c: {  	[tilespmem:v5+s3+$0x0] =	vst.idx.add.f32.msk $0xffff, v2  }
0x7d: {  	v5 =	vadd.s32 $0xF, v4;
	v2 =	vld [tilespmem:s26+$0x780];
	_ =	sdelay $0x2  }
0x7e: {  	[tilespmem:v6+s3+$0x0] =	vst.idx.add.f32.msk $0xffff, v7  }
0x7f: {  	v6 =	vadd.s32 $0xF, v3;
	v7 =	vld [tilespmem:s26+$0xFFFFF800]  }
0x80: {  	[tilespmem:v5+s3+$0x0] =	vst.idx.add.f32.msk $0xffff, v2  }
0x81: {  	v5 =	vadd.s32 $0x10, v4;
	v2 =	vld [tilespmem:s26+$0x800];
	_ =	sdelay $0x2  }
0x82: {  	[tilespmem:v6+s3+$0x0] =	vst.idx.add.f32.msk $0xffff, v7  }
0x83: {  	v6 =	vadd.s32 $0x10, v3;
	v7 =	vld [tilespmem:s26+$0xFFFFF880]  }
0x84: {  	[tilespmem:v5+s3+$0x0] =	vst.idx.add.f32.msk $0xffff, v2  }
0x85: {  	v5 =	vadd.s32 $0x11, v4;
	v2 =	vld [tilespmem:s26+$0x880];
	_ =	sdelay $0x2  }
0x86: {  	[tilespmem:v6+s3+$0x0] =	vst.idx.add.f32.msk $0xffff, v7  }
0x87: {  	v6 =	vadd.s32 $0x11, v3;
	v7 =	vld [tilespmem:s26+$0xFFFFF900]  }
0x88: {  	[tilespmem:v5+s3+$0x0] =	vst.idx.add.f32.msk $0xffff, v2  }
0x89: {  	v5 =	vadd.s32 $0x12, v4;
	v2 =	vld [tilespmem:s26+$0x900];
	_ =	sdelay $0x2  }
0x8a: {  	[tilespmem:v6+s3+$0x0] =	vst.idx.add.f32.msk $0xffff, v7  }
0x8b: {  	v6 =	vadd.s32 $0x12, v3;
	v7 =	vld [tilespmem:s26+$0xFFFFF980]  }
0x8c: {  	[tilespmem:v5+s3+$0x0] =	vst.idx.add.f32.msk $0xffff, v2  }
0x8d: {  	v5 =	vadd.s32 $0x13, v4;
	v2 =	vld [tilespmem:s26+$0x980];
	_ =	sdelay $0x2  }
0x8e: {  	[tilespmem:v6+s3+$0x0] =	vst.idx.add.f32.msk $0xffff, v7  }
0x8f: {  	v6 =	vadd.s32 $0x13, v3;
	v7 =	vld [tilespmem:s26+$0xFFFFFA00]  }
0x90: {  	[tilespmem:v5+s3+$0x0] =	vst.idx.add.f32.msk $0xffff, v2  }
0x91: {  	v8 =	vadd.s32 $0x14, v4;
	v5 =	vld [tilespmem:s26+$0xA00]  }
0x92: {  	s29 =	sadd.s32 $0x1F00, s26;
	s4 =	simm.s32 $0x258  }
0x93: {  	v9 =	vld [tilespmem:s29+$0x0];
	v2 =	vadd.s32 s4, v1  }
0x94: {  	s4 =	simm.s32 $0x190;
	[tilespmem:v6+s3+$0x0] =	vst.idx.add.f32.msk $0xffff, v7  }
0x95: {  	v6 =	vld [tilespmem:s29+$0xFFFFF080];
	v16 =	vadd.s32 s4, v1  }
0x96: {  	[tilespmem:v8+s3+$0x0] =	vst.idx.add.f32.msk $0xffff, v5  }
0x97: {  	v8 =	vadd.s32 $0x15, v4;
	v5 =	vld [tilespmem:s26+$0xA80]  }
0x98: {  	[tilespmem:v2+s3+$0x0] =	vst.idx.add.f32.msk $0xffff, v9  }
0x99: {  	v9 =	vadd.s32 $0x1, v2;
	v7 =	vld [tilespmem:s29+$0x80]  }
0x9a: {  	[tilespmem:v16+s3+$0x0] =	vst.idx.add.f32.msk $0xffff, v6  }
0x9b: {  	v6 =	vadd.s32 $0x1, v16;
	v10 =	vld [tilespmem:s29+$0xFFFFF100]  }
0x9c: {  	[tilespmem:v8+s3+$0x0] =	vst.idx.add.f32.msk $0xffff, v5  }
0x9d: {  	v8 =	vadd.s32 $0x16, v4;
	v5 =	vld [tilespmem:s26+$0xB00]  }
0x9e: {  	[tilespmem:v9+s3+$0x0] =	vst.idx.add.f32.msk $0xffff, v7  }
0x9f: {  	v9 =	vadd.s32 $0x2, v2;
	v7 =	vld [tilespmem:s29+$0x100]  }
0xa0: {  	[tilespmem:v6+s3+$0x0] =	vst.idx.add.f32.msk $0xffff, v10  }
0xa1: {  	v6 =	vadd.s32 $0x2, v16;
	v10 =	vld [tilespmem:s29+$0xFFFFF180]  }
0xa2: {  	[tilespmem:v8+s3+$0x0] =	vst.idx.add.f32.msk $0xffff, v5  }
0xa3: {  	v8 =	vadd.s32 $0x17, v4;
	v5 =	vld [tilespmem:s26+$0xB80]  }
0xa4: {  	[tilespmem:v9+s3+$0x0] =	vst.idx.add.f32.msk $0xffff, v7  }
0xa5: {  	v9 =	vadd.s32 $0x3, v2;
	v7 =	vld [tilespmem:s29+$0x180]  }
0xa6: {  	[tilespmem:v6+s3+$0x0] =	vst.idx.add.f32.msk $0xffff, v10  }
0xa7: {  	v6 =	vadd.s32 $0x3, v16;
	v10 =	vld [tilespmem:s29+$0xFFFFF200]  }
0xa8: {  	[tilespmem:v8+s3+$0x0] =	vst.idx.add.f32.msk $0xffff, v5  }
0xa9: {  	v8 =	vadd.s32 $0x18, v4;
	v5 =	vld [tilespmem:s26+$0xC00]  }
0xaa: {  	[tilespmem:v9+s3+$0x0] =	vst.idx.add.f32.msk $0xffff, v7  }
0xab: {  	v9 =	vadd.s32 $0x4, v2;
	v7 =	vld [tilespmem:s29+$0x200]  }
0xac: {  	[tilespmem:v6+s3+$0x0] =	vst.idx.add.f32.msk $0xffff, v10  }
0xad: {  	v6 =	vadd.s32 $0x4, v16;
	v10 =	vld [tilespmem:s29+$0xFFFFF280]  }
0xae: {  	[tilespmem:v8+s3+$0x0] =	vst.idx.add.f32.msk $0xffff, v5  }
0xaf: {  	v8 =	vadd.s32 $0x19, v4;
	v5 =	vld [tilespmem:s26+$0xC80]  }
0xb0: {  	[tilespmem:v9+s3+$0x0] =	vst.idx.add.f32.msk $0xffff, v7  }
0xb1: {  	v9 =	vadd.s32 $0x5, v2;
	v7 =	vld [tilespmem:s29+$0x280]  }
0xb2: {  	[tilespmem:v6+s3+$0x0] =	vst.idx.add.f32.msk $0xffff, v10  }
0xb3: {  	v6 =	vadd.s32 $0x5, v16;
	v10 =	vld [tilespmem:s29+$0xFFFFF300]  }
0xb4: {  	[tilespmem:v8+s3+$0x0] =	vst.idx.add.f32.msk $0xffff, v5  }
0xb5: {  	v8 =	vadd.s32 $0x1A, v4;
	v5 =	vld [tilespmem:s26+$0xD00]  }
0xb6: {  	[tilespmem:v9+s3+$0x0] =	vst.idx.add.f32.msk $0xffff, v7  }
0xb7: {  	v9 =	vadd.s32 $0x6, v2;
	v7 =	vld [tilespmem:s29+$0x300]  }
0xb8: {  	[tilespmem:v6+s3+$0x0] =	vst.idx.add.f32.msk $0xffff, v10  }
0xb9: {  	v6 =	vadd.s32 $0x6, v16;
	v10 =	vld [tilespmem:s29+$0xFFFFF380]  }
0xba: {  	[tilespmem:v8+s3+$0x0] =	vst.idx.add.f32.msk $0xffff, v5  }
0xbb: {  	v8 =	vadd.s32 $0x1B, v4;
	v5 =	vld [tilespmem:s26+$0xD80]  }
0xbc: {  	[tilespmem:v9+s3+$0x0] =	vst.idx.add.f32.msk $0xffff, v7  }
0xbd: {  	v9 =	vadd.s32 $0x7, v2;
	v7 =	vld [tilespmem:s29+$0x380]  }
0xbe: {  	[tilespmem:v6+s3+$0x0] =	vst.idx.add.f32.msk $0xffff, v10  }
0xbf: {  	v6 =	vadd.s32 $0x7, v16;
	v10 =	vld [tilespmem:s29+$0xFFFFF400]  }
0xc0: {  	[tilespmem:v8+s3+$0x0] =	vst.idx.add.f32.msk $0xffff, v5  }
0xc1: {  	v8 =	vadd.s32 $0x1C, v4;
	v5 =	vld [tilespmem:s26+$0xE00]  }
0xc2: {  	[tilespmem:v9+s3+$0x0] =	vst.idx.add.f32.msk $0xffff, v7  }
0xc3: {  	v7 =	vld [tilespmem:s29+$0x400]  }
0xc4: {  	v9 =	vadd.s32 $0x8, v2;
	[tilespmem:v6+s3+$0x0] =	vst.idx.add.f32.msk $0xffff, v10  }
0xc5: {  	v10 =	vld [tilespmem:s29+$0xFFFFF480]  }
0xc6: {  	v6 =	vadd.s32 $0x8, v16;
	[tilespmem:v8+s3+$0x0] =	vst.idx.add.f32.msk $0xffff, v5  }
0xc7: {  	v8 =	vadd.s32 $0x1D, v4;
	v5 =	vld [tilespmem:s26+$0xE80];
	_ =	sdelay $0x1  }
0xc8: {  	[tilespmem:v9+s3+$0x0] =	vst.idx.add.f32.msk $0xffff, v7  }
0xc9: {  	v9 =	vadd.s32 $0x9, v2;
	v7 =	vld [tilespmem:s29+$0x480]  }
0xca: {  	[tilespmem:v6+s3+$0x0] =	vst.idx.add.f32.msk $0xffff, v10  }
0xcb: {  	[tilespmem:v8+s3+$0x0] =	vst.idx.add.f32.msk $0xffff, v5  }
0xcc: {  	v6 =	vadd.s32 $0x9, v16;
	v8 =	vld [tilespmem:s29+$0xFFFFF500]  }
0xcd: {  	v4 =	vadd.s32 $0x1E, v4;
	v5 =	vld [tilespmem:s26+$0xF00]  }
0xce: {  	[tilespmem:v9+s3+$0x0] =	vst.idx.add.f32.msk $0xffff, v7  }
0xcf: {  	v9 =	vadd.s32 $0xA, v2;
	v7 =	vld [tilespmem:s29+$0x500]  }
0xd0: {  	v10 =	vld [tilespmem:s26+$0xFFFFFA80]  }
0xd1: {  	v11 =	vadd.s32 $0x14, v3;
	[tilespmem:v6+s3+$0x0] =	vst.idx.add.f32.msk $0xffff, v8  }
0xd2: {  	[tilespmem:v4+s3+$0x0] =	vst.idx.add.f32.msk $0xffff, v5  }
0xd3: {  	v4 =	vadd.s32 $0xA, v16;
	v5 =	vld [tilespmem:s29+$0xFFFFF580]  }
0xd4: {  	[tilespmem:v9+s3+$0x0] =	vst.idx.add.f32.msk $0xffff, v7  }
0xd5: {  	v7 =	vadd.s32 $0xB, v2;
	v6 =	vld [tilespmem:s29+$0x580]  }
0xd6: {  	[tilespmem:v11+s3+$0x0] =	vst.idx.add.f32.msk $0xffff, v10  }
0xd7: {  	v8 =	vadd.s32 $0x15, v3;
	v9 =	vld [tilespmem:s26+$0xFFFFFB00]  }
0xd8: {  	[tilespmem:v4+s3+$0x0] =	vst.idx.add.f32.msk $0xffff, v5  }
0xd9: {  	v4 =	vadd.s32 $0xB, v16;
	v5 =	vld [tilespmem:s29+$0xFFFFF600]  }
0xda: {  	[tilespmem:v7+s3+$0x0] =	vst.idx.add.f32.msk $0xffff, v6  }
0xdb: {  	v7 =	vadd.s32 $0xC, v2;
	v6 =	vld [tilespmem:s29+$0x600]  }
0xdc: {  	[tilespmem:v8+s3+$0x0] =	vst.idx.add.f32.msk $0xffff, v9  }
0xdd: {  	v8 =	vadd.s32 $0x16, v3;
	v9 =	vld [tilespmem:s26+$0xFFFFFB80]  }
0xde: {  	[tilespmem:v4+s3+$0x0] =	vst.idx.add.f32.msk $0xffff, v5  }
0xdf: {  	v4 =	vadd.s32 $0xC, v16;
	v5 =	vld [tilespmem:s29+$0xFFFFF680]  }
0xe0: {  	[tilespmem:v7+s3+$0x0] =	vst.idx.add.f32.msk $0xffff, v6  }
0xe1: {  	v7 =	vadd.s32 $0xD, v2;
	v6 =	vld [tilespmem:s29+$0x680]  }
0xe2: {  	[tilespmem:v8+s3+$0x0] =	vst.idx.add.f32.msk $0xffff, v9  }
0xe3: {  	v8 =	vadd.s32 $0x17, v3;
	v9 =	vld [tilespmem:s26+$0xFFFFFC00]  }
0xe4: {  	[tilespmem:v4+s3+$0x0] =	vst.idx.add.f32.msk $0xffff, v5  }
0xe5: {  	v4 =	vadd.s32 $0xD, v16;
	v5 =	vld [tilespmem:s29+$0xFFFFF700]  }
0xe6: {  	[tilespmem:v7+s3+$0x0] =	vst.idx.add.f32.msk $0xffff, v6  }
0xe7: {  	v7 =	vadd.s32 $0xE, v2;
	v6 =	vld [tilespmem:s29+$0x700]  }
0xe8: {  	[tilespmem:v8+s3+$0x0] =	vst.idx.add.f32.msk $0xffff, v9  }
0xe9: {  	v8 =	vadd.s32 $0x18, v3;
	v9 =	vld [tilespmem:s26+$0xFFFFFC80]  }
0xea: {  	[tilespmem:v4+s3+$0x0] =	vst.idx.add.f32.msk $0xffff, v5  }
0xeb: {  	v4 =	vadd.s32 $0xE, v16;
	v5 =	vld [tilespmem:s29+$0xFFFFF780]  }
0xec: {  	[tilespmem:v7+s3+$0x0] =	vst.idx.add.f32.msk $0xffff, v6  }
0xed: {  	v7 =	vadd.s32 $0xF, v2;
	v6 =	vld [tilespmem:s29+$0x780]  }
0xee: {  	[tilespmem:v8+s3+$0x0] =	vst.idx.add.f32.msk $0xffff, v9  }
0xef: {  	v8 =	vadd.s32 $0x19, v3;
	v9 =	vld [tilespmem:s26+$0xFFFFFD00]  }
0xf0: {  	[tilespmem:v4+s3+$0x0] =	vst.idx.add.f32.msk $0xffff, v5  }
0xf1: {  	v4 =	vadd.s32 $0xF, v16;
	v5 =	vld [tilespmem:s29+$0xFFFFF800]  }
0xf2: {  	[tilespmem:v7+s3+$0x0] =	vst.idx.add.f32.msk $0xffff, v6  }
0xf3: {  	v7 =	vadd.s32 $0x10, v2;
	v6 =	vld [tilespmem:s29+$0x800]  }
0xf4: {  	[tilespmem:v8+s3+$0x0] =	vst.idx.add.f32.msk $0xffff, v9  }
0xf5: {  	v8 =	vadd.s32 $0x1A, v3;
	v9 =	vld [tilespmem:s26+$0xFFFFFD80]  }
0xf6: {  	[tilespmem:v4+s3+$0x0] =	vst.idx.add.f32.msk $0xffff, v5  }
0xf7: {  	v4 =	vadd.s32 $0x10, v16;
	v5 =	vld [tilespmem:s29+$0xFFFFF880]  }
0xf8: {  	[tilespmem:v7+s3+$0x0] =	vst.idx.add.f32.msk $0xffff, v6  }
0xf9: {  	v7 =	vadd.s32 $0x11, v2;
	v6 =	vld [tilespmem:s29+$0x880]  }
0xfa: {  	[tilespmem:v8+s3+$0x0] =	vst.idx.add.f32.msk $0xffff, v9  }
0xfb: {  	v8 =	vadd.s32 $0x1B, v3;
	v9 =	vld [tilespmem:s26+$0xFFFFFE00]  }
0xfc: {  	[tilespmem:v4+s3+$0x0] =	vst.idx.add.f32.msk $0xffff, v5  }
0xfd: {  	v4 =	vadd.s32 $0x11, v16;
	v5 =	vld [tilespmem:s29+$0xFFFFF900]  }
0xfe: {  	[tilespmem:v7+s3+$0x0] =	vst.idx.add.f32.msk $0xffff, v6  }
0xff: {  	v7 =	vadd.s32 $0x12, v2;
	v6 =	vld [tilespmem:s29+$0x900]  }
0x100: {  	[tilespmem:v8+s3+$0x0] =	vst.idx.add.f32.msk $0xffff, v9  }
0x101: {  	v8 =	vadd.s32 $0x1C, v3;
	v9 =	vld [tilespmem:s26+$0xFFFFFE80]  }
0x102: {  	[tilespmem:v4+s3+$0x0] =	vst.idx.add.f32.msk $0xffff, v5  }
0x103: {  	v4 =	vadd.s32 $0x12, v16;
	v5 =	vld [tilespmem:s29+$0xFFFFF980]  }
0x104: {  	[tilespmem:v7+s3+$0x0] =	vst.idx.add.f32.msk $0xffff, v6  }
0x105: {  	v7 =	vadd.s32 $0x13, v2;
	v6 =	vld [tilespmem:s29+$0x980]  }
0x106: {  	[tilespmem:v8+s3+$0x0] =	vst.idx.add.f32.msk $0xffff, v9  }
0x107: {  	v17 =	vadd.s32 $0x1D, v3;
	v15 =	vadd.s32 $0x13, v16;
	v19 =	vld [tilespmem:s26+$0xFFFFFF00]  }
0x108: {  	v14 =	vadd.s32 $0x14, v16;
	v13 =	vadd.s32 $0x15, v16;
	v12 =	vadd.s32 $0x16, v16;
	[tilespmem:v4+s3+$0x0] =	vst.idx.add.f32.msk $0xffff, v5  }
0x109: {  	v11 =	vadd.s32 $0x17, v16;
	v10 =	vadd.s32 $0x18, v16;
	v9 =	vadd.s32 $0x19, v16;
	v20 =	vld [tilespmem:s29+$0xFFFFFA00]  }
0x10a: {  	v8 =	vadd.s32 $0x1A, v16;
	[tilespmem:v7+s3+$0x0] =	vst.idx.add.f32.msk $0xffff, v6;
	v7 =	vadd.s32 $0x1B, v16;
	v6 =	vadd.s32 $0x1C, v16  }
0x10b: {  	v5 =	vadd.s32 $0x1D, v16;
	v4 =	vadd.s32 $0x1E, v16;
	v16 =	vadd.s32 $0x14, v2;
	v18 =	vld [tilespmem:s29+$0xA00]  }
0x10c: {  	[tilespmem:v17+s3+$0x0] =	vst.idx.add.f32.msk $0xffff, v19  }
0x10d: {  	s31 =	simm.s32 $0x2;
	s0 =	simm.s32 $0x320;
	s30 =	smov.u32 s29;
	v3 =	vadd.s32 $0x1E, v3;
	v19 =	vld [tilespmem:s26+$0xFFFFFF80]  }
.LBB2_6:
0x10e: {  	v41 =	vadd.s32 s0, v1;
	s4 =	sadd.s32 $0xC8, s0;
	s31 =	sadd.s32 $0x2, s31;
	[tilespmem:v15+s3+$0x0] =	vst.idx.add.f32.msk $0xffff, v20;
	s29 =	sadd.s32 $0x1F00, s29  }
0x10f: {  	v42 =	vadd.s32 $0x1, v41;
	v43 =	vadd.s32 $0x2, v41;
	v36 =	vadd.s32 s4, v1;
	v15 =	vld [tilespmem:s29+$0x0];
	p0 =	slt.u32 s31, $0x6  }
0x110: {  	v44 =	vadd.s32 $0x3, v41;
	v45 =	vadd.s32 $0x4, v41;
	v46 =	vadd.s32 $0x5, v41;
	[tilespmem:v16+s3+$0x0] =	vst.idx.add.f32.msk $0xffff, v18  }
0x111: {  	v21 =	vadd.s32 $0x15, v2;
	v47 =	vadd.s32 $0x6, v41;
	v40 =	vadd.s32 $0x7, v41;
	v17 =	vld [tilespmem:s30+$0xA80]  }
0x112: {  	v38 =	vadd.s32 $0x8, v41;
	v35 =	vadd.s32 $0x9, v41;
	v33 =	vadd.s32 $0xA, v41;
	v23 =	vld [tilespmem:s29+$0xFFFFF080]  }
0x113: {  	v31 =	vadd.s32 $0xB, v41;
	v28 =	vadd.s32 $0xC, v41;
	v26 =	vadd.s32 $0xD, v41;
	v37 =	vld [tilespmem:s30+$0xFFFFFA80]  }
0x114: {  	v25 =	vadd.s32 $0xE, v41;
	v22 =	vadd.s32 $0xF, v41;
	v20 =	vadd.s32 $0x10, v41;
	[tilespmem:v36+s3+$0x0] =	vst.idx.add.f32.msk $0xffff, v15  }
0x115: {  	v18 =	vadd.s32 $0x11, v41;
	v16 =	vadd.s32 $0x12, v41;
	v49 =	vadd.s32 $0x1, v36;
	v48 =	vld [tilespmem:s29+$0x80]  }
0x116: {  	v39 =	vadd.s32 $0x14, v41;
	v34 =	vadd.s32 $0x15, v41;
	v15 =	vadd.s32 $0x13, v41;
	[tilespmem:v21+s3+$0x0] =	vst.idx.add.f32.msk $0xffff, v17  }
0x117: {  	v51 =	vadd.s32 $0x16, v2;
	v32 =	vadd.s32 $0x16, v41;
	v30 =	vadd.s32 $0x17, v41;
	v50 =	vld [tilespmem:s30+$0xB00]  }
0x118: {  	v29 =	vadd.s32 $0x18, v41;
	v27 =	vadd.s32 $0x19, v41;
	v24 =	vadd.s32 $0x1A, v41;
	[tilespmem:v41+s3+$0x0] =	vst.idx.add.f32.msk $0xffff, v23  }
0x119: {  	v21 =	vadd.s32 $0x1C, v41;
	v17 =	vadd.s32 $0x1D, v41;
	v23 =	vadd.s32 $0x1B, v41;
	v52 =	vld [tilespmem:s29+$0xFFFFF100]  }
0x11a: {  	v41 =	vadd.s32 $0x1E, v41;
	[tilespmem:v49+s3+$0x0] =	vst.idx.add.f32.msk $0xffff, v48  }
0x11b: {  	v49 =	vadd.s32 $0x2, v36;
	v48 =	vld [tilespmem:s29+$0x100]  }
0x11c: {  	[tilespmem:v51+s3+$0x0] =	vst.idx.add.f32.msk $0xffff, v50  }
0x11d: {  	v51 =	vadd.s32 $0x17, v2;
	v50 =	vld [tilespmem:s30+$0xB80]  }
0x11e: {  	[tilespmem:v42+s3+$0x0] =	vst.idx.add.f32.msk $0xffff, v52  }
0x11f: {  	v42 =	vld [tilespmem:s29+$0xFFFFF180]  }
0x120: {  	[tilespmem:v49+s3+$0x0] =	vst.idx.add.f32.msk $0xffff, v48  }
0x121: {  	v49 =	vadd.s32 $0x3, v36;
	v48 =	vld [tilespmem:s29+$0x180]  }
0x122: {  	[tilespmem:v51+s3+$0x0] =	vst.idx.add.f32.msk $0xffff, v50  }
0x123: {  	v51 =	vadd.s32 $0x18, v2;
	v50 =	vld [tilespmem:s30+$0xC00]  }
0x124: {  	[tilespmem:v43+s3+$0x0] =	vst.idx.add.f32.msk $0xffff, v42  }
0x125: {  	v42 =	vld [tilespmem:s29+$0xFFFFF200]  }
0x126: {  	[tilespmem:v49+s3+$0x0] =	vst.idx.add.f32.msk $0xffff, v48  }
0x127: {  	v48 =	vadd.s32 $0x4, v36;
	v43 =	vld [tilespmem:s29+$0x200]  }
0x128: {  	[tilespmem:v51+s3+$0x0] =	vst.idx.add.f32.msk $0xffff, v50  }
0x129: {  	v50 =	vadd.s32 $0x19, v2;
	v49 =	vld [tilespmem:s30+$0xC80]  }
0x12a: {  	[tilespmem:v44+s3+$0x0] =	vst.idx.add.f32.msk $0xffff, v42  }
0x12b: {  	v42 =	vld [tilespmem:s29+$0xFFFFF280]  }
0x12c: {  	[tilespmem:v48+s3+$0x0] =	vst.idx.add.f32.msk $0xffff, v43  }
0x12d: {  	v44 =	vadd.s32 $0x5, v36;
	v43 =	vld [tilespmem:s29+$0x280]  }
0x12e: {  	[tilespmem:v50+s3+$0x0] =	vst.idx.add.f32.msk $0xffff, v49  }
0x12f: {  	v49 =	vadd.s32 $0x1A, v2;
	v48 =	vld [tilespmem:s30+$0xD00]  }
0x130: {  	[tilespmem:v45+s3+$0x0] =	vst.idx.add.f32.msk $0xffff, v42  }
0x131: {  	v42 =	vld [tilespmem:s29+$0xFFFFF300]  }
0x132: {  	[tilespmem:v44+s3+$0x0] =	vst.idx.add.f32.msk $0xffff, v43  }
0x133: {  	v44 =	vadd.s32 $0x6, v36;
	v43 =	vld [tilespmem:s29+$0x300]  }
0x134: {  	[tilespmem:v49+s3+$0x0] =	vst.idx.add.f32.msk $0xffff, v48  }
0x135: {  	v48 =	vadd.s32 $0x1B, v2;
	v45 =	vld [tilespmem:s30+$0xD80]  }
0x136: {  	[tilespmem:v46+s3+$0x0] =	vst.idx.add.f32.msk $0xffff, v42  }
0x137: {  	v42 =	vld [tilespmem:s29+$0xFFFFF380]  }
0x138: {  	[tilespmem:v44+s3+$0x0] =	vst.idx.add.f32.msk $0xffff, v43  }
0x139: {  	v44 =	vadd.s32 $0x7, v36;
	v43 =	vld [tilespmem:s29+$0x380]  }
0x13a: {  	[tilespmem:v48+s3+$0x0] =	vst.idx.add.f32.msk $0xffff, v45  }
0x13b: {  	v46 =	vadd.s32 $0x1C, v2;
	v45 =	vld [tilespmem:s30+$0xE00]  }
0x13c: {  	[tilespmem:v47+s3+$0x0] =	vst.idx.add.f32.msk $0xffff, v42  }
0x13d: {  	v42 =	vld [tilespmem:s29+$0xFFFFF400]  }
0x13e: {  	[tilespmem:v44+s3+$0x0] =	vst.idx.add.f32.msk $0xffff, v43  }
0x13f: {  	v44 =	vadd.s32 $0x8, v36;
	v43 =	vld [tilespmem:s29+$0x400]  }
0x140: {  	[tilespmem:v46+s3+$0x0] =	vst.idx.add.f32.msk $0xffff, v45  }
0x141: {  	v46 =	vadd.s32 $0x1D, v2;
	v45 =	vld [tilespmem:s30+$0xE80]  }
0x142: {  	[tilespmem:v40+s3+$0x0] =	vst.idx.add.f32.msk $0xffff, v42  }
0x143: {  	v40 =	vld [tilespmem:s29+$0xFFFFF480]  }
0x144: {  	[tilespmem:v44+s3+$0x0] =	vst.idx.add.f32.msk $0xffff, v43  }
0x145: {  	v43 =	vadd.s32 $0x9, v36;
	v42 =	vld [tilespmem:s29+$0x480]  }
0x146: {  	[tilespmem:v46+s3+$0x0] =	vst.idx.add.f32.msk $0xffff, v45  }
0x147: {  	v45 =	vadd.s32 $0x1E, v2;
	v2 =	vmov v36;
	v44 =	vld [tilespmem:s30+$0xF00]  }
0x148: {  	[tilespmem:v38+s3+$0x0] =	vst.idx.add.f32.msk $0xffff, v40  }
0x149: {  	v36 =	vld [tilespmem:s29+$0xFFFFF500]  }
0x14a: {  	[tilespmem:v43+s3+$0x0] =	vst.idx.add.f32.msk $0xffff, v42  }
0x14b: {  	v40 =	vadd.s32 $0xA, v2;
	v38 =	vld [tilespmem:s29+$0x500]  }
0x14c: {  	[tilespmem:v45+s3+$0x0] =	vst.idx.add.f32.msk $0xffff, v44  }
0x14d: {  	[tilespmem:v14+s3+$0x0] =	vst.idx.add.f32.msk $0xffff, v37;
	v14 =	vmov v39  }
0x14e: {  	[tilespmem:v35+s3+$0x0] =	vst.idx.add.f32.msk $0xffff, v36  }
0x14f: {  	v35 =	vld [tilespmem:s29+$0xFFFFF580]  }
0x150: {  	[tilespmem:v40+s3+$0x0] =	vst.idx.add.f32.msk $0xffff, v38  }
0x151: {  	v37 =	vadd.s32 $0xB, v2;
	v36 =	vld [tilespmem:s29+$0x580]  }
0x152: {  	v38 =	vld [tilespmem:s30+$0xFFFFFB00]  }
0x153: {  	[tilespmem:v3+s3+$0x0] =	vst.idx.add.f32.msk $0xffff, v19;
	v3 =	vmov v4;
	v4 =	vmov v41  }
0x154: {  	[tilespmem:v33+s3+$0x0] =	vst.idx.add.f32.msk $0xffff, v35  }
0x155: {  	v19 =	vld [tilespmem:s29+$0xFFFFF600]  }
0x156: {  	[tilespmem:v37+s3+$0x0] =	vst.idx.add.f32.msk $0xffff, v36  }
0x157: {  	v35 =	vadd.s32 $0xC, v2;
	v33 =	vld [tilespmem:s29+$0x600]  }
0x158: {  	[tilespmem:v13+s3+$0x0] =	vst.idx.add.f32.msk $0xffff, v38;
	v13 =	vmov v34  }
0x159: {  	v34 =	vld [tilespmem:s30+$0xFFFFFB80]  }
0x15a: {  	[tilespmem:v31+s3+$0x0] =	vst.idx.add.f32.msk $0xffff, v19  }
0x15b: {  	v19 =	vld [tilespmem:s29+$0xFFFFF680]  }
0x15c: {  	[tilespmem:v35+s3+$0x0] =	vst.idx.add.f32.msk $0xffff, v33  }
0x15d: {  	v33 =	vadd.s32 $0xD, v2;
	v31 =	vld [tilespmem:s29+$0x680]  }
0x15e: {  	[tilespmem:v12+s3+$0x0] =	vst.idx.add.f32.msk $0xffff, v34;
	v12 =	vmov v32  }
0x15f: {  	v32 =	vld [tilespmem:s30+$0xFFFFFC00]  }
0x160: {  	[tilespmem:v28+s3+$0x0] =	vst.idx.add.f32.msk $0xffff, v19  }
0x161: {  	v19 =	vld [tilespmem:s29+$0xFFFFF700]  }
0x162: {  	[tilespmem:v33+s3+$0x0] =	vst.idx.add.f32.msk $0xffff, v31  }
0x163: {  	v31 =	vadd.s32 $0xE, v2;
	v28 =	vld [tilespmem:s29+$0x700]  }
0x164: {  	[tilespmem:v11+s3+$0x0] =	vst.idx.add.f32.msk $0xffff, v32;
	v11 =	vmov v30  }
0x165: {  	v30 =	vld [tilespmem:s30+$0xFFFFFC80]  }
0x166: {  	[tilespmem:v26+s3+$0x0] =	vst.idx.add.f32.msk $0xffff, v19  }
0x167: {  	v19 =	vld [tilespmem:s29+$0xFFFFF780]  }
0x168: {  	[tilespmem:v31+s3+$0x0] =	vst.idx.add.f32.msk $0xffff, v28  }
0x169: {  	v28 =	vadd.s32 $0xF, v2;
	v26 =	vld [tilespmem:s29+$0x780]  }
0x16a: {  	[tilespmem:v10+s3+$0x0] =	vst.idx.add.f32.msk $0xffff, v30;
	v10 =	vmov v29  }
0x16b: {  	v29 =	vld [tilespmem:s30+$0xFFFFFD00]  }
0x16c: {  	[tilespmem:v25+s3+$0x0] =	vst.idx.add.f32.msk $0xffff, v19  }
0x16d: {  	v19 =	vld [tilespmem:s29+$0xFFFFF800]  }
0x16e: {  	[tilespmem:v28+s3+$0x0] =	vst.idx.add.f32.msk $0xffff, v26  }
0x16f: {  	v26 =	vadd.s32 $0x10, v2;
	v25 =	vld [tilespmem:s29+$0x800]  }
0x170: {  	[tilespmem:v9+s3+$0x0] =	vst.idx.add.f32.msk $0xffff, v29;
	v9 =	vmov v27  }
0x171: {  	v27 =	vld [tilespmem:s30+$0xFFFFFD80]  }
0x172: {  	[tilespmem:v22+s3+$0x0] =	vst.idx.add.f32.msk $0xffff, v19  }
0x173: {  	v19 =	vld [tilespmem:s29+$0xFFFFF880]  }
0x174: {  	[tilespmem:v26+s3+$0x0] =	vst.idx.add.f32.msk $0xffff, v25  }
0x175: {  	v25 =	vadd.s32 $0x11, v2;
	v22 =	vld [tilespmem:s29+$0x880]  }
0x176: {  	[tilespmem:v8+s3+$0x0] =	vst.idx.add.f32.msk $0xffff, v27;
	v8 =	vmov v24  }
0x177: {  	v24 =	vld [tilespmem:s30+$0xFFFFFE00]  }
0x178: {  	[tilespmem:v20+s3+$0x0] =	vst.idx.add.f32.msk $0xffff, v19  }
0x179: {  	v19 =	vld [tilespmem:s29+$0xFFFFF900]  }
0x17a: {  	[tilespmem:v25+s3+$0x0] =	vst.idx.add.f32.msk $0xffff, v22  }
0x17b: {  	v22 =	vadd.s32 $0x12, v2;
	v20 =	vld [tilespmem:s29+$0x900]  }
0x17c: {  	[tilespmem:v7+s3+$0x0] =	vst.idx.add.f32.msk $0xffff, v24;
	v7 =	vmov v23  }
0x17d: {  	v23 =	vld [tilespmem:s30+$0xFFFFFE80]  }
0x17e: {  	[tilespmem:v18+s3+$0x0] =	vst.idx.add.f32.msk $0xffff, v19  }
0x17f: {  	v18 =	vld [tilespmem:s29+$0xFFFFF980]  }
0x180: {  	[tilespmem:v22+s3+$0x0] =	vst.idx.add.f32.msk $0xffff, v20  }
0x181: {  	v22 =	vadd.s32 $0x13, v2;
	v19 =	vld [tilespmem:s29+$0x980]  }
0x182: {  	[tilespmem:v6+s3+$0x0] =	vst.idx.add.f32.msk $0xffff, v23;
	v6 =	vmov v21  }
0x183: {  	v21 =	vld [tilespmem:s30+$0xFFFFFF00]  }
0x184: {  	[tilespmem:v16+s3+$0x0] =	vst.idx.add.f32.msk $0xffff, v18  }
.Ltmp1:
0x185: {  	v20 =	vld [tilespmem:s29+$0xFFFFFA00];
	(pc) =	sbr.rel @p0 .LBB2_6-.Ltmp1, $4  }
0x186: {  	[tilespmem:v22+s3+$0x0] =	vst.idx.add.f32.msk $0xffff, v19  }
0x187: {  	v16 =	vadd.s32 $0x14, v2;
	v18 =	vld [tilespmem:s29+$0xA00]  }
0x188: {  	[tilespmem:v5+s3+$0x0] =	vst.idx.add.f32.msk $0xffff, v21;
	v5 =	vmov v17  }
0x189: {  	s0 =	sadd.s32 $0x190, s0;
	v19 =	vld [tilespmem:s30+$0xFFFFFF80];
	s30 =	smov.u32 s29  }
0x18a: {  	_ =	sdelay $0x3  }
0x18b: {  	[tilespmem:v15+s3+$0x0] =	vst.idx.add.f32.msk $0xffff, v20  }
0x18c: {  	v1 =	vld [tilespmem:s30+$0xFFFFFA80];
	_ =	sdelay $0x2  }
0x18d: {  	[tilespmem:v16+s3+$0x0] =	vst.idx.add.f32.msk $0xffff, v18  }
0x18e: {  	v46 =	vadd.s32 $0x15, v2;
	v45 =	vld [tilespmem:s30+$0xA80]  }
0x18f: {  	[tilespmem:v14+s3+$0x0] =	vst.idx.add.f32.msk $0xffff, v1  }
0x190: {  	v1 =	vld [tilespmem:s30+$0xFFFFFB00];
	_ =	sdelay $0x2  }
0x191: {  	[tilespmem:v46+s3+$0x0] =	vst.idx.add.f32.msk $0xffff, v45  }
0x192: {  	v48 =	vadd.s32 $0x16, v2;
	v47 =	vld [tilespmem:s30+$0xB00]  }
0x193: {  	[tilespmem:v13+s3+$0x0] =	vst.idx.add.f32.msk $0xffff, v1  }
0x194: {  	v1 =	vld [tilespmem:s30+$0xFFFFFB80];
	_ =	sdelay $0x2  }
0x195: {  	[tilespmem:v48+s3+$0x0] =	vst.idx.add.f32.msk $0xffff, v47  }
0x196: {  	v50 =	vadd.s32 $0x17, v2;
	v49 =	vld [tilespmem:s30+$0xB80]  }
0x197: {  	[tilespmem:v12+s3+$0x0] =	vst.idx.add.f32.msk $0xffff, v1  }
0x198: {  	v1 =	vld [tilespmem:s30+$0xFFFFFC00];
	_ =	sdelay $0x2  }
0x199: {  	[tilespmem:v50+s3+$0x0] =	vst.idx.add.f32.msk $0xffff, v49  }
0x19a: {  	v52 =	vadd.s32 $0x18, v2;
	v51 =	vld [tilespmem:s30+$0xC00]  }
0x19b: {  	[tilespmem:v11+s3+$0x0] =	vst.idx.add.f32.msk $0xffff, v1  }
0x19c: {  	v1 =	vld [tilespmem:s30+$0xFFFFFC80];
	_ =	sdelay $0x2  }
0x19d: {  	[tilespmem:v52+s3+$0x0] =	vst.idx.add.f32.msk $0xffff, v51  }
0x19e: {  	v54 =	vadd.s32 $0x19, v2;
	v53 =	vld [tilespmem:s30+$0xC80]  }
0x19f: {  	[tilespmem:v10+s3+$0x0] =	vst.idx.add.f32.msk $0xffff, v1  }
0x1a0: {  	v1 =	vld [tilespmem:s30+$0xFFFFFD00];
	_ =	sdelay $0x2  }
0x1a1: {  	[tilespmem:v54+s3+$0x0] =	vst.idx.add.f32.msk $0xffff, v53  }
0x1a2: {  	v56 =	vadd.s32 $0x1A, v2;
	v55 =	vld [tilespmem:s30+$0xD00]  }
0x1a3: {  	[tilespmem:v9+s3+$0x0] =	vst.idx.add.f32.msk $0xffff, v1  }
0x1a4: {  	v1 =	vld [tilespmem:s30+$0xFFFFFD80];
	_ =	sdelay $0x2  }
0x1a5: {  	[tilespmem:v56+s3+$0x0] =	vst.idx.add.f32.msk $0xffff, v55  }
0x1a6: {  	v58 =	vadd.s32 $0x1B, v2;
	v57 =	vld [tilespmem:s30+$0xD80]  }
0x1a7: {  	[tilespmem:v8+s3+$0x0] =	vst.idx.add.f32.msk $0xffff, v1  }
0x1a8: {  	v1 =	vld [tilespmem:s30+$0xFFFFFE00];
	_ =	sdelay $0x2  }
0x1a9: {  	[tilespmem:v58+s3+$0x0] =	vst.idx.add.f32.msk $0xffff, v57  }
0x1aa: {  	v60 =	vadd.s32 $0x1C, v2;
	v59 =	vld [tilespmem:s30+$0xE00]  }
0x1ab: {  	[tilespmem:v7+s3+$0x0] =	vst.idx.add.f32.msk $0xffff, v1  }
0x1ac: {  	v1 =	vld [tilespmem:s30+$0xFFFFFE80];
	_ =	sdelay $0x2  }
0x1ad: {  	[tilespmem:v60+s3+$0x0] =	vst.idx.add.f32.msk $0xffff, v59  }
0x1ae: {  	v62 =	vadd.s32 $0x1D, v2;
	v61 =	vld [tilespmem:s30+$0xE80]  }
0x1af: {  	[tilespmem:v6+s3+$0x0] =	vst.idx.add.f32.msk $0xffff, v1  }
0x1b0: {  	v1 =	vld [tilespmem:s30+$0xFFFFFF00];
	_ =	sdelay $0x2  }
0x1b1: {  	[tilespmem:v62+s3+$0x0] =	vst.idx.add.f32.msk $0xffff, v61  }
0x1b2: {  	v63 =	vld [tilespmem:s30+$0xF00]  }
0x1b3: {  	v2 =	vadd.s32 $0x1E, v2;
	s28 =	sadd.s32 $0x1, s28;
	[tilespmem:v5+s3+$0x0] =	vst.idx.add.f32.msk $0xffff, v1  }
0x1b4: {  	p0 =	sne.s32 s28, $0x8;
	v1 =	vld [tilespmem:s30+$0xFFFFFF80]  }
.Ltmp2:
0x1b5: {  	_ = 	snop;
	(pc) =	sbr.rel @p0 .LBB2_5-.Ltmp2, $4  }
0x1b6: {  	_ = 	snop  }
0x1b7: {  	[tilespmem:v3+s3+$0x0] =	vst.idx.add.f32.msk $0xffff, v19  }
0x1b8: {  	[tilespmem:v2+s3+$0x0] =	vst.idx.add.f32.msk $0xffff, v63  }
0x1b9: {  	s26 =	sadd.s32 $0x10, s26;
	[tilespmem:v4+s3+$0x0] =	vst.idx.add.f32.msk $0xffff, v1  }
0x1ba: {  	_ =	swait.ge [sflag:s20], $0x7C00  }
0x1bb: {  	s0 =	sadd.s32 s24, s9;
	s25 =	simm.s32 $0x0;
	[sflag:s20] =	ssyncset.done $0x0  }
0x1bc: {  	s26 =	simm.s32 $0x12C00;
	s28 =	simm.s32 $0x0;
	[sflag:s20] =	ssyncadd.s32 $0xFFFF8400  }
0x1bd: {  	[tilespmem:s14], [sflag:$0x1] =	stream.strided.gather [hbm4b:s0+s12], $0x7C00, s13, s12, $0x38;
	[tilespmem:$0x19F80] =	vst v63  }
.LBB2_9:
0x1be: {  	s0 =	sshll.u32 s28, $0x4  }
0x1bf: {  	v1 =	vld [tilespmem:s0+$0x19E80];
	_ =	sdelay $0x4  }
0x1c0: {  	s4 =	simm.s32 $0xC8;
	v1 =	vadd.s32 $0x640, v1  }
0x1c1: {  	v2 =	vld [tilespmem:s26+$0x0];
	v4 =	vadd.s32 s4, v1;
	_ =	sdelay $0x3  }
0x1c2: {  	v6 =	vld [tilespmem:s26+$0xFFFFF080];
	v3 =	vadd.s32 s25, v1  }
0x1c3: {  	[tilespmem:v4+s3+$0x0] =	vst.idx.add.f32.msk $0xffff, v2  }
0x1c4: {  	v5 =	vadd.s32 $0x1, v4;
	v2 =	vld [tilespmem:s26+$0x80];
	_ =	sdelay $0x2  }
0x1c5: {  	[tilespmem:v3+s3+$0x0] =	vst.idx.add.f32.msk $0xffff, v6  }
0x1c6: {  	v6 =	vadd.s32 $0x1, v3;
	v7 =	vld [tilespmem:s26+$0xFFFFF100]  }
0x1c7: {  	[tilespmem:v5+s3+$0x0] =	vst.idx.add.f32.msk $0xffff, v2  }
0x1c8: {  	v5 =	vadd.s32 $0x2, v4;
	v2 =	vld [tilespmem:s26+$0x100];
	_ =	sdelay $0x2  }
0x1c9: {  	[tilespmem:v6+s3+$0x0] =	vst.idx.add.f32.msk $0xffff, v7  }
0x1ca: {  	v6 =	vadd.s32 $0x2, v3;
	v7 =	vld [tilespmem:s26+$0xFFFFF180]  }
0x1cb: {  	[tilespmem:v5+s3+$0x0] =	vst.idx.add.f32.msk $0xffff, v2  }
0x1cc: {  	v5 =	vadd.s32 $0x3, v4;
	v2 =	vld [tilespmem:s26+$0x180];
	_ =	sdelay $0x2  }
0x1cd: {  	[tilespmem:v6+s3+$0x0] =	vst.idx.add.f32.msk $0xffff, v7  }
0x1ce: {  	v6 =	vadd.s32 $0x3, v3;
	v7 =	vld [tilespmem:s26+$0xFFFFF200]  }
0x1cf: {  	[tilespmem:v5+s3+$0x0] =	vst.idx.add.f32.msk $0xffff, v2  }
0x1d0: {  	v5 =	vadd.s32 $0x4, v4;
	v2 =	vld [tilespmem:s26+$0x200];
	_ =	sdelay $0x2  }
0x1d1: {  	[tilespmem:v6+s3+$0x0] =	vst.idx.add.f32.msk $0xffff, v7  }
0x1d2: {  	v6 =	vadd.s32 $0x4, v3;
	v7 =	vld [tilespmem:s26+$0xFFFFF280]  }
0x1d3: {  	[tilespmem:v5+s3+$0x0] =	vst.idx.add.f32.msk $0xffff, v2  }
0x1d4: {  	v5 =	vadd.s32 $0x5, v4;
	v2 =	vld [tilespmem:s26+$0x280];
	_ =	sdelay $0x2  }
0x1d5: {  	[tilespmem:v6+s3+$0x0] =	vst.idx.add.f32.msk $0xffff, v7  }
0x1d6: {  	v6 =	vadd.s32 $0x5, v3;
	v7 =	vld [tilespmem:s26+$0xFFFFF300]  }
0x1d7: {  	[tilespmem:v5+s3+$0x0] =	vst.idx.add.f32.msk $0xffff, v2  }
0x1d8: {  	v5 =	vadd.s32 $0x6, v4;
	v2 =	vld [tilespmem:s26+$0x300];
	_ =	sdelay $0x2  }
0x1d9: {  	[tilespmem:v6+s3+$0x0] =	vst.idx.add.f32.msk $0xffff, v7  }
0x1da: {  	v6 =	vadd.s32 $0x6, v3;
	v7 =	vld [tilespmem:s26+$0xFFFFF380]  }
0x1db: {  	[tilespmem:v5+s3+$0x0] =	vst.idx.add.f32.msk $0xffff, v2  }
0x1dc: {  	v5 =	vadd.s32 $0x7, v4;
	v2 =	vld [tilespmem:s26+$0x380];
	_ =	sdelay $0x2  }
0x1dd: {  	[tilespmem:v6+s3+$0x0] =	vst.idx.add.f32.msk $0xffff, v7  }
0x1de: {  	v6 =	vadd.s32 $0x7, v3;
	v7 =	vld [tilespmem:s26+$0xFFFFF400]  }
0x1df: {  	[tilespmem:v5+s3+$0x0] =	vst.idx.add.f32.msk $0xffff, v2  }
0x1e0: {  	v5 =	vadd.s32 $0x8, v4;
	v2 =	vld [tilespmem:s26+$0x400];
	_ =	sdelay $0x2  }
0x1e1: {  	[tilespmem:v6+s3+$0x0] =	vst.idx.add.f32.msk $0xffff, v7  }
0x1e2: {  	v6 =	vadd.s32 $0x8, v3;
	v7 =	vld [tilespmem:s26+$0xFFFFF480]  }
0x1e3: {  	[tilespmem:v5+s3+$0x0] =	vst.idx.add.f32.msk $0xffff, v2  }
0x1e4: {  	v5 =	vadd.s32 $0x9, v4;
	v2 =	vld [tilespmem:s26+$0x480];
	_ =	sdelay $0x2  }
0x1e5: {  	[tilespmem:v6+s3+$0x0] =	vst.idx.add.f32.msk $0xffff, v7  }
0x1e6: {  	v6 =	vadd.s32 $0x9, v3;
	v7 =	vld [tilespmem:s26+$0xFFFFF500]  }
0x1e7: {  	[tilespmem:v5+s3+$0x0] =	vst.idx.add.f32.msk $0xffff, v2  }
0x1e8: {  	v5 =	vadd.s32 $0xA, v4;
	v2 =	vld [tilespmem:s26+$0x500];
	_ =	sdelay $0x2  }
0x1e9: {  	[tilespmem:v6+s3+$0x0] =	vst.idx.add.f32.msk $0xffff, v7  }
0x1ea: {  	v6 =	vadd.s32 $0xA, v3;
	v7 =	vld [tilespmem:s26+$0xFFFFF580]  }
0x1eb: {  	[tilespmem:v5+s3+$0x0] =	vst.idx.add.f32.msk $0xffff, v2  }
0x1ec: {  	v5 =	vadd.s32 $0xB, v4;
	v2 =	vld [tilespmem:s26+$0x580];
	_ =	sdelay $0x2  }
0x1ed: {  	[tilespmem:v6+s3+$0x0] =	vst.idx.add.f32.msk $0xffff, v7  }
0x1ee: {  	v6 =	vadd.s32 $0xB, v3;
	v7 =	vld [tilespmem:s26+$0xFFFFF600]  }
0x1ef: {  	[tilespmem:v5+s3+$0x0] =	vst.idx.add.f32.msk $0xffff, v2  }
0x1f0: {  	v5 =	vadd.s32 $0xC, v4;
	v2 =	vld [tilespmem:s26+$0x600];
	_ =	sdelay $0x2  }
0x1f1: {  	[tilespmem:v6+s3+$0x0] =	vst.idx.add.f32.msk $0xffff, v7  }
0x1f2: {  	v6 =	vadd.s32 $0xC, v3;
	v7 =	vld [tilespmem:s26+$0xFFFFF680]  }
0x1f3: {  	[tilespmem:v5+s3+$0x0] =	vst.idx.add.f32.msk $0xffff, v2  }
0x1f4: {  	v5 =	vadd.s32 $0xD, v4;
	v2 =	vld [tilespmem:s26+$0x680];
	_ =	sdelay $0x2  }
0x1f5: {  	[tilespmem:v6+s3+$0x0] =	vst.idx.add.f32.msk $0xffff, v7  }
0x1f6: {  	v6 =	vadd.s32 $0xD, v3;
	v7 =	vld [tilespmem:s26+$0xFFFFF700]  }
0x1f7: {  	[tilespmem:v5+s3+$0x0] =	vst.idx.add.f32.msk $0xffff, v2  }
0x1f8: {  	v5 =	vadd.s32 $0xE, v4;
	v2 =	vld [tilespmem:s26+$0x700];
	_ =	sdelay $0x2  }
0x1f9: {  	[tilespmem:v6+s3+$0x0] =	vst.idx.add.f32.msk $0xffff, v7  }
0x1fa: {  	v6 =	vadd.s32 $0xE, v3;
	v7 =	vld [tilespmem:s26+$0xFFFFF780]  }
0x1fb: {  	[tilespmem:v5+s3+$0x0] =	vst.idx.add.f32.msk $0xffff, v2  }
0x1fc: {  	v5 =	vadd.s32 $0xF, v4;
	v2 =	vld [tilespmem:s26+$0x780];
	_ =	sdelay $0x2  }
0x1fd: {  	[tilespmem:v6+s3+$0x0] =	vst.idx.add.f32.msk $0xffff, v7  }
0x1fe: {  	v6 =	vadd.s32 $0xF, v3;
	v7 =	vld [tilespmem:s26+$0xFFFFF800]  }
0x1ff: {  	[tilespmem:v5+s3+$0x0] =	vst.idx.add.f32.msk $0xffff, v2  }
0x200: {  	v5 =	vadd.s32 $0x10, v4;
	v2 =	vld [tilespmem:s26+$0x800];
	_ =	sdelay $0x2  }
0x201: {  	[tilespmem:v6+s3+$0x0] =	vst.idx.add.f32.msk $0xffff, v7  }
0x202: {  	v6 =	vadd.s32 $0x10, v3;
	v7 =	vld [tilespmem:s26+$0xFFFFF880]  }
0x203: {  	[tilespmem:v5+s3+$0x0] =	vst.idx.add.f32.msk $0xffff, v2  }
0x204: {  	v5 =	vadd.s32 $0x11, v4;
	v2 =	vld [tilespmem:s26+$0x880];
	_ =	sdelay $0x2  }
0x205: {  	[tilespmem:v6+s3+$0x0] =	vst.idx.add.f32.msk $0xffff, v7  }
0x206: {  	v6 =	vadd.s32 $0x11, v3;
	v7 =	vld [tilespmem:s26+$0xFFFFF900]  }
0x207: {  	[tilespmem:v5+s3+$0x0] =	vst.idx.add.f32.msk $0xffff, v2  }
0x208: {  	v5 =	vadd.s32 $0x12, v4;
	v2 =	vld [tilespmem:s26+$0x900];
	_ =	sdelay $0x2  }
0x209: {  	[tilespmem:v6+s3+$0x0] =	vst.idx.add.f32.msk $0xffff, v7  }
0x20a: {  	v6 =	vadd.s32 $0x12, v3;
	v7 =	vld [tilespmem:s26+$0xFFFFF980]  }
0x20b: {  	[tilespmem:v5+s3+$0x0] =	vst.idx.add.f32.msk $0xffff, v2  }
0x20c: {  	v5 =	vadd.s32 $0x13, v4;
	v2 =	vld [tilespmem:s26+$0x980];
	_ =	sdelay $0x2  }
0x20d: {  	[tilespmem:v6+s3+$0x0] =	vst.idx.add.f32.msk $0xffff, v7  }
0x20e: {  	v6 =	vadd.s32 $0x13, v3;
	v7 =	vld [tilespmem:s26+$0xFFFFFA00]  }
0x20f: {  	[tilespmem:v5+s3+$0x0] =	vst.idx.add.f32.msk $0xffff, v2  }
0x210: {  	v8 =	vadd.s32 $0x14, v4;
	v5 =	vld [tilespmem:s26+$0xA00]  }
0x211: {  	s29 =	sadd.s32 $0x1F00, s26;
	s4 =	simm.s32 $0x258  }
0x212: {  	v9 =	vld [tilespmem:s29+$0x0];
	v2 =	vadd.s32 s4, v1  }
0x213: {  	s4 =	simm.s32 $0x190;
	[tilespmem:v6+s3+$0x0] =	vst.idx.add.f32.msk $0xffff, v7  }
0x214: {  	v6 =	vld [tilespmem:s29+$0xFFFFF080];
	v16 =	vadd.s32 s4, v1  }
0x215: {  	[tilespmem:v8+s3+$0x0] =	vst.idx.add.f32.msk $0xffff, v5  }
0x216: {  	v8 =	vadd.s32 $0x15, v4;
	v5 =	vld [tilespmem:s26+$0xA80]  }
0x217: {  	[tilespmem:v2+s3+$0x0] =	vst.idx.add.f32.msk $0xffff, v9  }
0x218: {  	v9 =	vadd.s32 $0x1, v2;
	v7 =	vld [tilespmem:s29+$0x80]  }
0x219: {  	[tilespmem:v16+s3+$0x0] =	vst.idx.add.f32.msk $0xffff, v6  }
0x21a: {  	v6 =	vadd.s32 $0x1, v16;
	v10 =	vld [tilespmem:s29+$0xFFFFF100]  }
0x21b: {  	[tilespmem:v8+s3+$0x0] =	vst.idx.add.f32.msk $0xffff, v5  }
0x21c: {  	v8 =	vadd.s32 $0x16, v4;
	v5 =	vld [tilespmem:s26+$0xB00]  }
0x21d: {  	[tilespmem:v9+s3+$0x0] =	vst.idx.add.f32.msk $0xffff, v7  }
0x21e: {  	v9 =	vadd.s32 $0x2, v2;
	v7 =	vld [tilespmem:s29+$0x100]  }
0x21f: {  	[tilespmem:v6+s3+$0x0] =	vst.idx.add.f32.msk $0xffff, v10  }
0x220: {  	v6 =	vadd.s32 $0x2, v16;
	v10 =	vld [tilespmem:s29+$0xFFFFF180]  }
0x221: {  	[tilespmem:v8+s3+$0x0] =	vst.idx.add.f32.msk $0xffff, v5  }
0x222: {  	v8 =	vadd.s32 $0x17, v4;
	v5 =	vld [tilespmem:s26+$0xB80]  }
0x223: {  	[tilespmem:v9+s3+$0x0] =	vst.idx.add.f32.msk $0xffff, v7  }
0x224: {  	v9 =	vadd.s32 $0x3, v2;
	v7 =	vld [tilespmem:s29+$0x180]  }
0x225: {  	[tilespmem:v6+s3+$0x0] =	vst.idx.add.f32.msk $0xffff, v10  }
0x226: {  	v6 =	vadd.s32 $0x3, v16;
	v10 =	vld [tilespmem:s29+$0xFFFFF200]  }
0x227: {  	[tilespmem:v8+s3+$0x0] =	vst.idx.add.f32.msk $0xffff, v5  }
0x228: {  	v8 =	vadd.s32 $0x18, v4;
	v5 =	vld [tilespmem:s26+$0xC00]  }
0x229: {  	[tilespmem:v9+s3+$0x0] =	vst.idx.add.f32.msk $0xffff, v7  }
0x22a: {  	v9 =	vadd.s32 $0x4, v2;
	v7 =	vld [tilespmem:s29+$0x200]  }
0x22b: {  	[tilespmem:v6+s3+$0x0] =	vst.idx.add.f32.msk $0xffff, v10  }
0x22c: {  	v6 =	vadd.s32 $0x4, v16;
	v10 =	vld [tilespmem:s29+$0xFFFFF280]  }
0x22d: {  	[tilespmem:v8+s3+$0x0] =	vst.idx.add.f32.msk $0xffff, v5  }
0x22e: {  	v8 =	vadd.s32 $0x19, v4;
	v5 =	vld [tilespmem:s26+$0xC80]  }
0x22f: {  	[tilespmem:v9+s3+$0x0] =	vst.idx.add.f32.msk $0xffff, v7  }
0x230: {  	v9 =	vadd.s32 $0x5, v2;
	v7 =	vld [tilespmem:s29+$0x280]  }
0x231: {  	[tilespmem:v6+s3+$0x0] =	vst.idx.add.f32.msk $0xffff, v10  }
0x232: {  	v6 =	vadd.s32 $0x5, v16;
	v10 =	vld [tilespmem:s29+$0xFFFFF300]  }
0x233: {  	[tilespmem:v8+s3+$0x0] =	vst.idx.add.f32.msk $0xffff, v5  }
0x234: {  	v8 =	vadd.s32 $0x1A, v4;
	v5 =	vld [tilespmem:s26+$0xD00]  }
0x235: {  	[tilespmem:v9+s3+$0x0] =	vst.idx.add.f32.msk $0xffff, v7  }
0x236: {  	v9 =	vadd.s32 $0x6, v2;
	v7 =	vld [tilespmem:s29+$0x300]  }
0x237: {  	[tilespmem:v6+s3+$0x0] =	vst.idx.add.f32.msk $0xffff, v10  }
0x238: {  	v6 =	vadd.s32 $0x6, v16;
	v10 =	vld [tilespmem:s29+$0xFFFFF380]  }
0x239: {  	[tilespmem:v8+s3+$0x0] =	vst.idx.add.f32.msk $0xffff, v5  }
0x23a: {  	v8 =	vadd.s32 $0x1B, v4;
	v5 =	vld [tilespmem:s26+$0xD80]  }
0x23b: {  	[tilespmem:v9+s3+$0x0] =	vst.idx.add.f32.msk $0xffff, v7  }
0x23c: {  	v9 =	vadd.s32 $0x7, v2;
	v7 =	vld [tilespmem:s29+$0x380]  }
0x23d: {  	[tilespmem:v6+s3+$0x0] =	vst.idx.add.f32.msk $0xffff, v10  }
0x23e: {  	v6 =	vadd.s32 $0x7, v16;
	v10 =	vld [tilespmem:s29+$0xFFFFF400]  }
0x23f: {  	[tilespmem:v8+s3+$0x0] =	vst.idx.add.f32.msk $0xffff, v5  }
0x240: {  	v8 =	vadd.s32 $0x1C, v4;
	v5 =	vld [tilespmem:s26+$0xE00]  }
0x241: {  	[tilespmem:v9+s3+$0x0] =	vst.idx.add.f32.msk $0xffff, v7  }
0x242: {  	v7 =	vld [tilespmem:s29+$0x400]  }
0x243: {  	v9 =	vadd.s32 $0x8, v2;
	[tilespmem:v6+s3+$0x0] =	vst.idx.add.f32.msk $0xffff, v10  }
0x244: {  	v10 =	vld [tilespmem:s29+$0xFFFFF480]  }
0x245: {  	v6 =	vadd.s32 $0x8, v16;
	[tilespmem:v8+s3+$0x0] =	vst.idx.add.f32.msk $0xffff, v5  }
0x246: {  	v8 =	vadd.s32 $0x1D, v4;
	v5 =	vld [tilespmem:s26+$0xE80];
	_ =	sdelay $0x1  }
0x247: {  	[tilespmem:v9+s3+$0x0] =	vst.idx.add.f32.msk $0xffff, v7  }
0x248: {  	v9 =	vadd.s32 $0x9, v2;
	v7 =	vld [tilespmem:s29+$0x480]  }
0x249: {  	[tilespmem:v6+s3+$0x0] =	vst.idx.add.f32.msk $0xffff, v10  }
0x24a: {  	[tilespmem:v8+s3+$0x0] =	vst.idx.add.f32.msk $0xffff, v5  }
0x24b: {  	v6 =	vadd.s32 $0x9, v16;
	v8 =	vld [tilespmem:s29+$0xFFFFF500]  }
0x24c: {  	v4 =	vadd.s32 $0x1E, v4;
	v5 =	vld [tilespmem:s26+$0xF00]  }
0x24d: {  	[tilespmem:v9+s3+$0x0] =	vst.idx.add.f32.msk $0xffff, v7  }
0x24e: {  	v9 =	vadd.s32 $0xA, v2;
	v7 =	vld [tilespmem:s29+$0x500]  }
0x24f: {  	v10 =	vld [tilespmem:s26+$0xFFFFFA80]  }
0x250: {  	v11 =	vadd.s32 $0x14, v3;
	[tilespmem:v6+s3+$0x0] =	vst.idx.add.f32.msk $0xffff, v8  }
0x251: {  	[tilespmem:v4+s3+$0x0] =	vst.idx.add.f32.msk $0xffff, v5  }
0x252: {  	v4 =	vadd.s32 $0xA, v16;
	v5 =	vld [tilespmem:s29+$0xFFFFF580]  }
0x253: {  	[tilespmem:v9+s3+$0x0] =	vst.idx.add.f32.msk $0xffff, v7  }
0x254: {  	v7 =	vadd.s32 $0xB, v2;
	v6 =	vld [tilespmem:s29+$0x580]  }
0x255: {  	[tilespmem:v11+s3+$0x0] =	vst.idx.add.f32.msk $0xffff, v10  }
0x256: {  	v8 =	vadd.s32 $0x15, v3;
	v9 =	vld [tilespmem:s26+$0xFFFFFB00]  }
0x257: {  	[tilespmem:v4+s3+$0x0] =	vst.idx.add.f32.msk $0xffff, v5  }
0x258: {  	v4 =	vadd.s32 $0xB, v16;
	v5 =	vld [tilespmem:s29+$0xFFFFF600]  }
0x259: {  	[tilespmem:v7+s3+$0x0] =	vst.idx.add.f32.msk $0xffff, v6  }
0x25a: {  	v7 =	vadd.s32 $0xC, v2;
	v6 =	vld [tilespmem:s29+$0x600]  }
0x25b: {  	[tilespmem:v8+s3+$0x0] =	vst.idx.add.f32.msk $0xffff, v9  }
0x25c: {  	v8 =	vadd.s32 $0x16, v3;
	v9 =	vld [tilespmem:s26+$0xFFFFFB80]  }
0x25d: {  	[tilespmem:v4+s3+$0x0] =	vst.idx.add.f32.msk $0xffff, v5  }
0x25e: {  	v4 =	vadd.s32 $0xC, v16;
	v5 =	vld [tilespmem:s29+$0xFFFFF680]  }
0x25f: {  	[tilespmem:v7+s3+$0x0] =	vst.idx.add.f32.msk $0xffff, v6  }
0x260: {  	v7 =	vadd.s32 $0xD, v2;
	v6 =	vld [tilespmem:s29+$0x680]  }
0x261: {  	[tilespmem:v8+s3+$0x0] =	vst.idx.add.f32.msk $0xffff, v9  }
0x262: {  	v8 =	vadd.s32 $0x17, v3;
	v9 =	vld [tilespmem:s26+$0xFFFFFC00]  }
0x263: {  	[tilespmem:v4+s3+$0x0] =	vst.idx.add.f32.msk $0xffff, v5  }
0x264: {  	v4 =	vadd.s32 $0xD, v16;
	v5 =	vld [tilespmem:s29+$0xFFFFF700]  }
0x265: {  	[tilespmem:v7+s3+$0x0] =	vst.idx.add.f32.msk $0xffff, v6  }
0x266: {  	v7 =	vadd.s32 $0xE, v2;
	v6 =	vld [tilespmem:s29+$0x700]  }
0x267: {  	[tilespmem:v8+s3+$0x0] =	vst.idx.add.f32.msk $0xffff, v9  }
0x268: {  	v8 =	vadd.s32 $0x18, v3;
	v9 =	vld [tilespmem:s26+$0xFFFFFC80]  }
0x269: {  	[tilespmem:v4+s3+$0x0] =	vst.idx.add.f32.msk $0xffff, v5  }
0x26a: {  	v4 =	vadd.s32 $0xE, v16;
	v5 =	vld [tilespmem:s29+$0xFFFFF780]  }
0x26b: {  	[tilespmem:v7+s3+$0x0] =	vst.idx.add.f32.msk $0xffff, v6  }
0x26c: {  	v7 =	vadd.s32 $0xF, v2;
	v6 =	vld [tilespmem:s29+$0x780]  }
0x26d: {  	[tilespmem:v8+s3+$0x0] =	vst.idx.add.f32.msk $0xffff, v9  }
0x26e: {  	v8 =	vadd.s32 $0x19, v3;
	v9 =	vld [tilespmem:s26+$0xFFFFFD00]  }
0x26f: {  	[tilespmem:v4+s3+$0x0] =	vst.idx.add.f32.msk $0xffff, v5  }
0x270: {  	v4 =	vadd.s32 $0xF, v16;
	v5 =	vld [tilespmem:s29+$0xFFFFF800]  }
0x271: {  	[tilespmem:v7+s3+$0x0] =	vst.idx.add.f32.msk $0xffff, v6  }
0x272: {  	v7 =	vadd.s32 $0x10, v2;
	v6 =	vld [tilespmem:s29+$0x800]  }
0x273: {  	[tilespmem:v8+s3+$0x0] =	vst.idx.add.f32.msk $0xffff, v9  }
0x274: {  	v8 =	vadd.s32 $0x1A, v3;
	v9 =	vld [tilespmem:s26+$0xFFFFFD80]  }
0x275: {  	[tilespmem:v4+s3+$0x0] =	vst.idx.add.f32.msk $0xffff, v5  }
0x276: {  	v4 =	vadd.s32 $0x10, v16;
	v5 =	vld [tilespmem:s29+$0xFFFFF880]  }
0x277: {  	[tilespmem:v7+s3+$0x0] =	vst.idx.add.f32.msk $0xffff, v6  }
0x278: {  	v7 =	vadd.s32 $0x11, v2;
	v6 =	vld [tilespmem:s29+$0x880]  }
0x279: {  	[tilespmem:v8+s3+$0x0] =	vst.idx.add.f32.msk $0xffff, v9  }
0x27a: {  	v8 =	vadd.s32 $0x1B, v3;
	v9 =	vld [tilespmem:s26+$0xFFFFFE00]  }
0x27b: {  	[tilespmem:v4+s3+$0x0] =	vst.idx.add.f32.msk $0xffff, v5  }
0x27c: {  	v4 =	vadd.s32 $0x11, v16;
	v5 =	vld [tilespmem:s29+$0xFFFFF900]  }
0x27d: {  	[tilespmem:v7+s3+$0x0] =	vst.idx.add.f32.msk $0xffff, v6  }
0x27e: {  	v7 =	vadd.s32 $0x12, v2;
	v6 =	vld [tilespmem:s29+$0x900]  }
0x27f: {  	[tilespmem:v8+s3+$0x0] =	vst.idx.add.f32.msk $0xffff, v9  }
0x280: {  	v8 =	vadd.s32 $0x1C, v3;
	v9 =	vld [tilespmem:s26+$0xFFFFFE80]  }
0x281: {  	[tilespmem:v4+s3+$0x0] =	vst.idx.add.f32.msk $0xffff, v5  }
0x282: {  	v4 =	vadd.s32 $0x12, v16;
	v5 =	vld [tilespmem:s29+$0xFFFFF980]  }
0x283: {  	[tilespmem:v7+s3+$0x0] =	vst.idx.add.f32.msk $0xffff, v6  }
0x284: {  	v7 =	vadd.s32 $0x13, v2;
	v6 =	vld [tilespmem:s29+$0x980]  }
0x285: {  	[tilespmem:v8+s3+$0x0] =	vst.idx.add.f32.msk $0xffff, v9  }
0x286: {  	v17 =	vadd.s32 $0x1D, v3;
	v15 =	vadd.s32 $0x13, v16;
	v19 =	vld [tilespmem:s26+$0xFFFFFF00]  }
0x287: {  	v14 =	vadd.s32 $0x14, v16;
	v13 =	vadd.s32 $0x15, v16;
	v12 =	vadd.s32 $0x16, v16;
	[tilespmem:v4+s3+$0x0] =	vst.idx.add.f32.msk $0xffff, v5  }
0x288: {  	v11 =	vadd.s32 $0x17, v16;
	v10 =	vadd.s32 $0x18, v16;
	v9 =	vadd.s32 $0x19, v16;
	v20 =	vld [tilespmem:s29+$0xFFFFFA00]  }
0x289: {  	v8 =	vadd.s32 $0x1A, v16;
	[tilespmem:v7+s3+$0x0] =	vst.idx.add.f32.msk $0xffff, v6;
	v7 =	vadd.s32 $0x1B, v16;
	v6 =	vadd.s32 $0x1C, v16  }
0x28a: {  	v5 =	vadd.s32 $0x1D, v16;
	v4 =	vadd.s32 $0x1E, v16;
	v16 =	vadd.s32 $0x14, v2;
	v18 =	vld [tilespmem:s29+$0xA00]  }
0x28b: {  	[tilespmem:v17+s3+$0x0] =	vst.idx.add.f32.msk $0xffff, v19  }
0x28c: {  	s31 =	simm.s32 $0x2;
	s0 =	simm.s32 $0x320;
	s30 =	smov.u32 s29;
	v3 =	vadd.s32 $0x1E, v3;
	v19 =	vld [tilespmem:s26+$0xFFFFFF80]  }
.LBB2_10:
0x28d: {  	v41 =	vadd.s32 s0, v1;
	s4 =	sadd.s32 $0xC8, s0;
	s31 =	sadd.s32 $0x2, s31;
	[tilespmem:v15+s3+$0x0] =	vst.idx.add.f32.msk $0xffff, v20;
	s29 =	sadd.s32 $0x1F00, s29  }
0x28e: {  	v42 =	vadd.s32 $0x1, v41;
	v43 =	vadd.s32 $0x2, v41;
	v36 =	vadd.s32 s4, v1;
	v15 =	vld [tilespmem:s29+$0x0];
	p0 =	slt.u32 s31, $0x6  }
0x28f: {  	v44 =	vadd.s32 $0x3, v41;
	v45 =	vadd.s32 $0x4, v41;
	v46 =	vadd.s32 $0x5, v41;
	[tilespmem:v16+s3+$0x0] =	vst.idx.add.f32.msk $0xffff, v18  }
0x290: {  	v21 =	vadd.s32 $0x15, v2;
	v47 =	vadd.s32 $0x6, v41;
	v40 =	vadd.s32 $0x7, v41;
	v17 =	vld [tilespmem:s30+$0xA80]  }
0x291: {  	v38 =	vadd.s32 $0x8, v41;
	v35 =	vadd.s32 $0x9, v41;
	v33 =	vadd.s32 $0xA, v41;
	v23 =	vld [tilespmem:s29+$0xFFFFF080]  }
0x292: {  	v31 =	vadd.s32 $0xB, v41;
	v28 =	vadd.s32 $0xC, v41;
	v26 =	vadd.s32 $0xD, v41;
	v37 =	vld [tilespmem:s30+$0xFFFFFA80]  }
0x293: {  	v25 =	vadd.s32 $0xE, v41;
	v22 =	vadd.s32 $0xF, v41;
	v20 =	vadd.s32 $0x10, v41;
	[tilespmem:v36+s3+$0x0] =	vst.idx.add.f32.msk $0xffff, v15  }
0x294: {  	v18 =	vadd.s32 $0x11, v41;
	v16 =	vadd.s32 $0x12, v41;
	v49 =	vadd.s32 $0x1, v36;
	v48 =	vld [tilespmem:s29+$0x80]  }
0x295: {  	v39 =	vadd.s32 $0x14, v41;
	v34 =	vadd.s32 $0x15, v41;
	v15 =	vadd.s32 $0x13, v41;
	[tilespmem:v21+s3+$0x0] =	vst.idx.add.f32.msk $0xffff, v17  }
0x296: {  	v51 =	vadd.s32 $0x16, v2;
	v32 =	vadd.s32 $0x16, v41;
	v30 =	vadd.s32 $0x17, v41;
	v50 =	vld [tilespmem:s30+$0xB00]  }
0x297: {  	v29 =	vadd.s32 $0x18, v41;
	v27 =	vadd.s32 $0x19, v41;
	v24 =	vadd.s32 $0x1A, v41;
	[tilespmem:v41+s3+$0x0] =	vst.idx.add.f32.msk $0xffff, v23  }
0x298: {  	v21 =	vadd.s32 $0x1C, v41;
	v17 =	vadd.s32 $0x1D, v41;
	v23 =	vadd.s32 $0x1B, v41;
	v52 =	vld [tilespmem:s29+$0xFFFFF100]  }
0x299: {  	v41 =	vadd.s32 $0x1E, v41;
	[tilespmem:v49+s3+$0x0] =	vst.idx.add.f32.msk $0xffff, v48  }
0x29a: {  	v49 =	vadd.s32 $0x2, v36;
	v48 =	vld [tilespmem:s29+$0x100]  }
0x29b: {  	[tilespmem:v51+s3+$0x0] =	vst.idx.add.f32.msk $0xffff, v50  }
0x29c: {  	v51 =	vadd.s32 $0x17, v2;
	v50 =	vld [tilespmem:s30+$0xB80]  }
0x29d: {  	[tilespmem:v42+s3+$0x0] =	vst.idx.add.f32.msk $0xffff, v52  }
0x29e: {  	v42 =	vld [tilespmem:s29+$0xFFFFF180]  }
0x29f: {  	[tilespmem:v49+s3+$0x0] =	vst.idx.add.f32.msk $0xffff, v48  }
0x2a0: {  	v49 =	vadd.s32 $0x3, v36;
	v48 =	vld [tilespmem:s29+$0x180]  }
0x2a1: {  	[tilespmem:v51+s3+$0x0] =	vst.idx.add.f32.msk $0xffff, v50  }
0x2a2: {  	v51 =	vadd.s32 $0x18, v2;
	v50 =	vld [tilespmem:s30+$0xC00]  }
0x2a3: {  	[tilespmem:v43+s3+$0x0] =	vst.idx.add.f32.msk $0xffff, v42  }
0x2a4: {  	v42 =	vld [tilespmem:s29+$0xFFFFF200]  }
0x2a5: {  	[tilespmem:v49+s3+$0x0] =	vst.idx.add.f32.msk $0xffff, v48  }
0x2a6: {  	v48 =	vadd.s32 $0x4, v36;
	v43 =	vld [tilespmem:s29+$0x200]  }
0x2a7: {  	[tilespmem:v51+s3+$0x0] =	vst.idx.add.f32.msk $0xffff, v50  }
0x2a8: {  	v50 =	vadd.s32 $0x19, v2;
	v49 =	vld [tilespmem:s30+$0xC80]  }
0x2a9: {  	[tilespmem:v44+s3+$0x0] =	vst.idx.add.f32.msk $0xffff, v42  }
0x2aa: {  	v42 =	vld [tilespmem:s29+$0xFFFFF280]  }
0x2ab: {  	[tilespmem:v48+s3+$0x0] =	vst.idx.add.f32.msk $0xffff, v43  }
0x2ac: {  	v44 =	vadd.s32 $0x5, v36;
	v43 =	vld [tilespmem:s29+$0x280]  }
0x2ad: {  	[tilespmem:v50+s3+$0x0] =	vst.idx.add.f32.msk $0xffff, v49  }
0x2ae: {  	v49 =	vadd.s32 $0x1A, v2;
	v48 =	vld [tilespmem:s30+$0xD00]  }
0x2af: {  	[tilespmem:v45+s3+$0x0] =	vst.idx.add.f32.msk $0xffff, v42  }
0x2b0: {  	v42 =	vld [tilespmem:s29+$0xFFFFF300]  }
0x2b1: {  	[tilespmem:v44+s3+$0x0] =	vst.idx.add.f32.msk $0xffff, v43  }
0x2b2: {  	v44 =	vadd.s32 $0x6, v36;
	v43 =	vld [tilespmem:s29+$0x300]  }
0x2b3: {  	[tilespmem:v49+s3+$0x0] =	vst.idx.add.f32.msk $0xffff, v48  }
0x2b4: {  	v48 =	vadd.s32 $0x1B, v2;
	v45 =	vld [tilespmem:s30+$0xD80]  }
0x2b5: {  	[tilespmem:v46+s3+$0x0] =	vst.idx.add.f32.msk $0xffff, v42  }
0x2b6: {  	v42 =	vld [tilespmem:s29+$0xFFFFF380]  }
0x2b7: {  	[tilespmem:v44+s3+$0x0] =	vst.idx.add.f32.msk $0xffff, v43  }
0x2b8: {  	v44 =	vadd.s32 $0x7, v36;
	v43 =	vld [tilespmem:s29+$0x380]  }
0x2b9: {  	[tilespmem:v48+s3+$0x0] =	vst.idx.add.f32.msk $0xffff, v45  }
0x2ba: {  	v46 =	vadd.s32 $0x1C, v2;
	v45 =	vld [tilespmem:s30+$0xE00]  }
0x2bb: {  	[tilespmem:v47+s3+$0x0] =	vst.idx.add.f32.msk $0xffff, v42  }
0x2bc: {  	v42 =	vld [tilespmem:s29+$0xFFFFF400]  }
0x2bd: {  	[tilespmem:v44+s3+$0x0] =	vst.idx.add.f32.msk $0xffff, v43  }
0x2be: {  	v44 =	vadd.s32 $0x8, v36;
	v43 =	vld [tilespmem:s29+$0x400]  }
0x2bf: {  	[tilespmem:v46+s3+$0x0] =	vst.idx.add.f32.msk $0xffff, v45  }
0x2c0: {  	v46 =	vadd.s32 $0x1D, v2;
	v45 =	vld [tilespmem:s30+$0xE80]  }
0x2c1: {  	[tilespmem:v40+s3+$0x0] =	vst.idx.add.f32.msk $0xffff, v42  }
0x2c2: {  	v40 =	vld [tilespmem:s29+$0xFFFFF480]  }
0x2c3: {  	[tilespmem:v44+s3+$0x0] =	vst.idx.add.f32.msk $0xffff, v43  }
0x2c4: {  	v43 =	vadd.s32 $0x9, v36;
	v42 =	vld [tilespmem:s29+$0x480]  }
0x2c5: {  	[tilespmem:v46+s3+$0x0] =	vst.idx.add.f32.msk $0xffff, v45  }
0x2c6: {  	v45 =	vadd.s32 $0x1E, v2;
	v2 =	vmov v36;
	v44 =	vld [tilespmem:s30+$0xF00]  }
0x2c7: {  	[tilespmem:v38+s3+$0x0] =	vst.idx.add.f32.msk $0xffff, v40  }
0x2c8: {  	v36 =	vld [tilespmem:s29+$0xFFFFF500]  }
0x2c9: {  	[tilespmem:v43+s3+$0x0] =	vst.idx.add.f32.msk $0xffff, v42  }
0x2ca: {  	v40 =	vadd.s32 $0xA, v2;
	v38 =	vld [tilespmem:s29+$0x500]  }
0x2cb: {  	[tilespmem:v45+s3+$0x0] =	vst.idx.add.f32.msk $0xffff, v44  }
0x2cc: {  	[tilespmem:v14+s3+$0x0] =	vst.idx.add.f32.msk $0xffff, v37;
	v14 =	vmov v39  }
0x2cd: {  	[tilespmem:v35+s3+$0x0] =	vst.idx.add.f32.msk $0xffff, v36  }
0x2ce: {  	v35 =	vld [tilespmem:s29+$0xFFFFF580]  }
0x2cf: {  	[tilespmem:v40+s3+$0x0] =	vst.idx.add.f32.msk $0xffff, v38  }
0x2d0: {  	v37 =	vadd.s32 $0xB, v2;
	v36 =	vld [tilespmem:s29+$0x580]  }
0x2d1: {  	v38 =	vld [tilespmem:s30+$0xFFFFFB00]  }
0x2d2: {  	[tilespmem:v3+s3+$0x0] =	vst.idx.add.f32.msk $0xffff, v19;
	v3 =	vmov v4;
	v4 =	vmov v41  }
0x2d3: {  	[tilespmem:v33+s3+$0x0] =	vst.idx.add.f32.msk $0xffff, v35  }
0x2d4: {  	v19 =	vld [tilespmem:s29+$0xFFFFF600]  }
0x2d5: {  	[tilespmem:v37+s3+$0x0] =	vst.idx.add.f32.msk $0xffff, v36  }
0x2d6: {  	v35 =	vadd.s32 $0xC, v2;
	v33 =	vld [tilespmem:s29+$0x600]  }
0x2d7: {  	[tilespmem:v13+s3+$0x0] =	vst.idx.add.f32.msk $0xffff, v38;
	v13 =	vmov v34  }
0x2d8: {  	v34 =	vld [tilespmem:s30+$0xFFFFFB80]  }
0x2d9: {  	[tilespmem:v31+s3+$0x0] =	vst.idx.add.f32.msk $0xffff, v19  }
0x2da: {  	v19 =	vld [tilespmem:s29+$0xFFFFF680]  }
0x2db: {  	[tilespmem:v35+s3+$0x0] =	vst.idx.add.f32.msk $0xffff, v33  }
0x2dc: {  	v33 =	vadd.s32 $0xD, v2;
	v31 =	vld [tilespmem:s29+$0x680]  }
0x2dd: {  	[tilespmem:v12+s3+$0x0] =	vst.idx.add.f32.msk $0xffff, v34;
	v12 =	vmov v32  }
0x2de: {  	v32 =	vld [tilespmem:s30+$0xFFFFFC00]  }
0x2df: {  	[tilespmem:v28+s3+$0x0] =	vst.idx.add.f32.msk $0xffff, v19  }
0x2e0: {  	v19 =	vld [tilespmem:s29+$0xFFFFF700]  }
0x2e1: {  	[tilespmem:v33+s3+$0x0] =	vst.idx.add.f32.msk $0xffff, v31  }
0x2e2: {  	v31 =	vadd.s32 $0xE, v2;
	v28 =	vld [tilespmem:s29+$0x700]  }
0x2e3: {  	[tilespmem:v11+s3+$0x0] =	vst.idx.add.f32.msk $0xffff, v32;
	v11 =	vmov v30  }
0x2e4: {  	v30 =	vld [tilespmem:s30+$0xFFFFFC80]  }
0x2e5: {  	[tilespmem:v26+s3+$0x0] =	vst.idx.add.f32.msk $0xffff, v19  }
0x2e6: {  	v19 =	vld [tilespmem:s29+$0xFFFFF780]  }
0x2e7: {  	[tilespmem:v31+s3+$0x0] =	vst.idx.add.f32.msk $0xffff, v28  }
0x2e8: {  	v28 =	vadd.s32 $0xF, v2;
	v26 =	vld [tilespmem:s29+$0x780]  }
0x2e9: {  	[tilespmem:v10+s3+$0x0] =	vst.idx.add.f32.msk $0xffff, v30;
	v10 =	vmov v29  }
0x2ea: {  	v29 =	vld [tilespmem:s30+$0xFFFFFD00]  }
0x2eb: {  	[tilespmem:v25+s3+$0x0] =	vst.idx.add.f32.msk $0xffff, v19  }
0x2ec: {  	v19 =	vld [tilespmem:s29+$0xFFFFF800]  }
0x2ed: {  	[tilespmem:v28+s3+$0x0] =	vst.idx.add.f32.msk $0xffff, v26  }
0x2ee: {  	v26 =	vadd.s32 $0x10, v2;
	v25 =	vld [tilespmem:s29+$0x800]  }
0x2ef: {  	[tilespmem:v9+s3+$0x0] =	vst.idx.add.f32.msk $0xffff, v29;
	v9 =	vmov v27  }
0x2f0: {  	v27 =	vld [tilespmem:s30+$0xFFFFFD80]  }
0x2f1: {  	[tilespmem:v22+s3+$0x0] =	vst.idx.add.f32.msk $0xffff, v19  }
0x2f2: {  	v19 =	vld [tilespmem:s29+$0xFFFFF880]  }
0x2f3: {  	[tilespmem:v26+s3+$0x0] =	vst.idx.add.f32.msk $0xffff, v25  }
0x2f4: {  	v25 =	vadd.s32 $0x11, v2;
	v22 =	vld [tilespmem:s29+$0x880]  }
0x2f5: {  	[tilespmem:v8+s3+$0x0] =	vst.idx.add.f32.msk $0xffff, v27;
	v8 =	vmov v24  }
0x2f6: {  	v24 =	vld [tilespmem:s30+$0xFFFFFE00]  }
0x2f7: {  	[tilespmem:v20+s3+$0x0] =	vst.idx.add.f32.msk $0xffff, v19  }
0x2f8: {  	v19 =	vld [tilespmem:s29+$0xFFFFF900]  }
0x2f9: {  	[tilespmem:v25+s3+$0x0] =	vst.idx.add.f32.msk $0xffff, v22  }
0x2fa: {  	v22 =	vadd.s32 $0x12, v2;
	v20 =	vld [tilespmem:s29+$0x900]  }
0x2fb: {  	[tilespmem:v7+s3+$0x0] =	vst.idx.add.f32.msk $0xffff, v24;
	v7 =	vmov v23  }
0x2fc: {  	v23 =	vld [tilespmem:s30+$0xFFFFFE80]  }
0x2fd: {  	[tilespmem:v18+s3+$0x0] =	vst.idx.add.f32.msk $0xffff, v19  }
0x2fe: {  	v18 =	vld [tilespmem:s29+$0xFFFFF980]  }
0x2ff: {  	[tilespmem:v22+s3+$0x0] =	vst.idx.add.f32.msk $0xffff, v20  }
0x300: {  	v22 =	vadd.s32 $0x13, v2;
	v19 =	vld [tilespmem:s29+$0x980]  }
0x301: {  	[tilespmem:v6+s3+$0x0] =	vst.idx.add.f32.msk $0xffff, v23;
	v6 =	vmov v21  }
0x302: {  	v21 =	vld [tilespmem:s30+$0xFFFFFF00]  }
0x303: {  	[tilespmem:v16+s3+$0x0] =	vst.idx.add.f32.msk $0xffff, v18  }
.Ltmp3:
0x304: {  	v20 =	vld [tilespmem:s29+$0xFFFFFA00];
	(pc) =	sbr.rel @p0 .LBB2_10-.Ltmp3, $4  }
0x305: {  	[tilespmem:v22+s3+$0x0] =	vst.idx.add.f32.msk $0xffff, v19  }
0x306: {  	v16 =	vadd.s32 $0x14, v2;
	v18 =	vld [tilespmem:s29+$0xA00]  }
0x307: {  	[tilespmem:v5+s3+$0x0] =	vst.idx.add.f32.msk $0xffff, v21;
	v5 =	vmov v17  }
0x308: {  	s0 =	sadd.s32 $0x190, s0;
	v19 =	vld [tilespmem:s30+$0xFFFFFF80];
	s30 =	smov.u32 s29  }
0x309: {  	_ =	sdelay $0x3  }
0x30a: {  	[tilespmem:v15+s3+$0x0] =	vst.idx.add.f32.msk $0xffff, v20  }
0x30b: {  	v1 =	vld [tilespmem:s30+$0xFFFFFA80];
	_ =	sdelay $0x2  }
0x30c: {  	[tilespmem:v16+s3+$0x0] =	vst.idx.add.f32.msk $0xffff, v18  }
0x30d: {  	v46 =	vadd.s32 $0x15, v2;
	v45 =	vld [tilespmem:s30+$0xA80]  }
0x30e: {  	[tilespmem:v14+s3+$0x0] =	vst.idx.add.f32.msk $0xffff, v1  }
0x30f: {  	v1 =	vld [tilespmem:s30+$0xFFFFFB00];
	_ =	sdelay $0x2  }
0x310: {  	[tilespmem:v46+s3+$0x0] =	vst.idx.add.f32.msk $0xffff, v45  }
0x311: {  	v48 =	vadd.s32 $0x16, v2;
	v47 =	vld [tilespmem:s30+$0xB00]  }
0x312: {  	[tilespmem:v13+s3+$0x0] =	vst.idx.add.f32.msk $0xffff, v1  }
0x313: {  	v1 =	vld [tilespmem:s30+$0xFFFFFB80];
	_ =	sdelay $0x2  }
0x314: {  	[tilespmem:v48+s3+$0x0] =	vst.idx.add.f32.msk $0xffff, v47  }
0x315: {  	v50 =	vadd.s32 $0x17, v2;
	v49 =	vld [tilespmem:s30+$0xB80]  }
0x316: {  	[tilespmem:v12+s3+$0x0] =	vst.idx.add.f32.msk $0xffff, v1  }
0x317: {  	v1 =	vld [tilespmem:s30+$0xFFFFFC00];
	_ =	sdelay $0x2  }
0x318: {  	[tilespmem:v50+s3+$0x0] =	vst.idx.add.f32.msk $0xffff, v49  }
0x319: {  	v52 =	vadd.s32 $0x18, v2;
	v51 =	vld [tilespmem:s30+$0xC00]  }
0x31a: {  	[tilespmem:v11+s3+$0x0] =	vst.idx.add.f32.msk $0xffff, v1  }
0x31b: {  	v1 =	vld [tilespmem:s30+$0xFFFFFC80];
	_ =	sdelay $0x2  }
0x31c: {  	[tilespmem:v52+s3+$0x0] =	vst.idx.add.f32.msk $0xffff, v51  }
0x31d: {  	v54 =	vadd.s32 $0x19, v2;
	v53 =	vld [tilespmem:s30+$0xC80]  }
0x31e: {  	[tilespmem:v10+s3+$0x0] =	vst.idx.add.f32.msk $0xffff, v1  }
0x31f: {  	v1 =	vld [tilespmem:s30+$0xFFFFFD00];
	_ =	sdelay $0x2  }
0x320: {  	[tilespmem:v54+s3+$0x0] =	vst.idx.add.f32.msk $0xffff, v53  }
0x321: {  	v56 =	vadd.s32 $0x1A, v2;
	v55 =	vld [tilespmem:s30+$0xD00]  }
0x322: {  	[tilespmem:v9+s3+$0x0] =	vst.idx.add.f32.msk $0xffff, v1  }
0x323: {  	v1 =	vld [tilespmem:s30+$0xFFFFFD80];
	_ =	sdelay $0x2  }
0x324: {  	[tilespmem:v56+s3+$0x0] =	vst.idx.add.f32.msk $0xffff, v55  }
0x325: {  	v58 =	vadd.s32 $0x1B, v2;
	v57 =	vld [tilespmem:s30+$0xD80]  }
0x326: {  	[tilespmem:v8+s3+$0x0] =	vst.idx.add.f32.msk $0xffff, v1  }
0x327: {  	v1 =	vld [tilespmem:s30+$0xFFFFFE00];
	_ =	sdelay $0x2  }
0x328: {  	[tilespmem:v58+s3+$0x0] =	vst.idx.add.f32.msk $0xffff, v57  }
0x329: {  	v60 =	vadd.s32 $0x1C, v2;
	v59 =	vld [tilespmem:s30+$0xE00]  }
0x32a: {  	[tilespmem:v7+s3+$0x0] =	vst.idx.add.f32.msk $0xffff, v1  }
0x32b: {  	v1 =	vld [tilespmem:s30+$0xFFFFFE80];
	_ =	sdelay $0x2  }
0x32c: {  	[tilespmem:v60+s3+$0x0] =	vst.idx.add.f32.msk $0xffff, v59  }
0x32d: {  	v62 =	vadd.s32 $0x1D, v2;
	v61 =	vld [tilespmem:s30+$0xE80]  }
0x32e: {  	[tilespmem:v6+s3+$0x0] =	vst.idx.add.f32.msk $0xffff, v1  }
0x32f: {  	v1 =	vld [tilespmem:s30+$0xFFFFFF00];
	_ =	sdelay $0x2  }
0x330: {  	[tilespmem:v62+s3+$0x0] =	vst.idx.add.f32.msk $0xffff, v61  }
0x331: {  	v63 =	vld [tilespmem:s30+$0xF00]  }
0x332: {  	v2 =	vadd.s32 $0x1E, v2;
	s28 =	sadd.s32 $0x1, s28;
	[tilespmem:v5+s3+$0x0] =	vst.idx.add.f32.msk $0xffff, v1  }
0x333: {  	p0 =	sne.s32 s28, $0x8;
	v1 =	vld [tilespmem:s30+$0xFFFFFF80]  }
.Ltmp4:
0x334: {  	_ = 	snop;
	(pc) =	sbr.rel @p0 .LBB2_9-.Ltmp4, $4  }
0x335: {  	_ = 	snop  }
0x336: {  	[tilespmem:v3+s3+$0x0] =	vst.idx.add.f32.msk $0xffff, v19  }
0x337: {  	[tilespmem:v2+s3+$0x0] =	vst.idx.add.f32.msk $0xffff, v63  }
0x338: {  	s26 =	sadd.s32 $0x10, s26;
	[tilespmem:v4+s3+$0x0] =	vst.idx.add.f32.msk $0xffff, v1  }
0x339: {  	_ =	swait.ge [sflag:s18], $0x7C00  }
0x33a: {  	s0 =	sadd.s32 s24, s10;
	s24 =	simm.s32 $0x0;
	[sflag:s18] =	ssyncset.done $0x0  }
0x33b: {  	s25 =	simm.s32 $0xAC00;
	s26 =	simm.s32 $0x0;
	[sflag:s18] =	ssyncadd.s32 $0xFFFF8400  }
0x33c: {  	[tilespmem:s19], [sflag:$0x2] =	stream.strided.gather [hbm4b:s0+s12], $0x6C80, s13, s12, $0x38;
	[tilespmem:$0x19F80] =	vst v63  }
.LBB2_13:
0x33d: {  	s0 =	sshll.u32 s26, $0x4  }
0x33e: {  	v1 =	vld [tilespmem:s0+$0x19E80];
	_ =	sdelay $0x4  }
0x33f: {  	s31 =	simm.s32 $0xC8;
	v1 =	vadd.s32 $0xC80, v1  }
0x340: {  	v2 =	vld [tilespmem:s25+$0x0];
	v4 =	vadd.s32 s31, v1;
	_ =	sdelay $0x2  }
0x341: {  	v6 =	vld [tilespmem:s25+$0xFFFFF080];
	v3 =	vadd.s32 s24, v1;
	_ =	sdelay $0x1  }
0x342: {  	[tilespmem:v4+s3+$0x0] =	vst.idx.add.f32.msk $0xffff, v2  }
0x343: {  	v5 =	vadd.s32 $0x1, v4;
	v2 =	vld [tilespmem:s25+$0x80];
	_ =	sdelay $0x1  }
0x344: {  	[tilespmem:v3+s3+$0x0] =	vst.idx.add.f32.msk $0xffff, v6  }
0x345: {  	v6 =	vadd.s32 $0x1, v3;
	v7 =	vld [tilespmem:s25+$0xFFFFF100];
	_ =	sdelay $0x1  }
0x346: {  	[tilespmem:v5+s3+$0x0] =	vst.idx.add.f32.msk $0xffff, v2  }
0x347: {  	v5 =	vadd.s32 $0x2, v4;
	v2 =	vld [tilespmem:s25+$0x100];
	_ =	sdelay $0x1  }
0x348: {  	[tilespmem:v6+s3+$0x0] =	vst.idx.add.f32.msk $0xffff, v7  }
0x349: {  	v6 =	vadd.s32 $0x2, v3;
	v7 =	vld [tilespmem:s25+$0xFFFFF180];
	_ =	sdelay $0x1  }
0x34a: {  	[tilespmem:v5+s3+$0x0] =	vst.idx.add.f32.msk $0xffff, v2  }
0x34b: {  	v5 =	vadd.s32 $0x3, v4;
	v2 =	vld [tilespmem:s25+$0x180];
	_ =	sdelay $0x1  }
0x34c: {  	[tilespmem:v6+s3+$0x0] =	vst.idx.add.f32.msk $0xffff, v7  }
0x34d: {  	v6 =	vadd.s32 $0x3, v3;
	v7 =	vld [tilespmem:s25+$0xFFFFF200];
	_ =	sdelay $0x1  }
0x34e: {  	[tilespmem:v5+s3+$0x0] =	vst.idx.add.f32.msk $0xffff, v2  }
0x34f: {  	v5 =	vadd.s32 $0x4, v4;
	v2 =	vld [tilespmem:s25+$0x200];
	_ =	sdelay $0x1  }
0x350: {  	[tilespmem:v6+s3+$0x0] =	vst.idx.add.f32.msk $0xffff, v7  }
0x351: {  	v6 =	vadd.s32 $0x4, v3;
	v7 =	vld [tilespmem:s25+$0xFFFFF280];
	_ =	sdelay $0x1  }
0x352: {  	[tilespmem:v5+s3+$0x0] =	vst.idx.add.f32.msk $0xffff, v2  }
0x353: {  	v5 =	vadd.s32 $0x5, v4;
	v2 =	vld [tilespmem:s25+$0x280];
	_ =	sdelay $0x1  }
0x354: {  	[tilespmem:v6+s3+$0x0] =	vst.idx.add.f32.msk $0xffff, v7  }
0x355: {  	v6 =	vadd.s32 $0x5, v3;
	v7 =	vld [tilespmem:s25+$0xFFFFF300];
	_ =	sdelay $0x1  }
0x356: {  	[tilespmem:v5+s3+$0x0] =	vst.idx.add.f32.msk $0xffff, v2  }
0x357: {  	v5 =	vadd.s32 $0x6, v4;
	v2 =	vld [tilespmem:s25+$0x300];
	_ =	sdelay $0x1  }
0x358: {  	[tilespmem:v6+s3+$0x0] =	vst.idx.add.f32.msk $0xffff, v7  }
0x359: {  	v6 =	vadd.s32 $0x6, v3;
	v7 =	vld [tilespmem:s25+$0xFFFFF380];
	_ =	sdelay $0x1  }
0x35a: {  	[tilespmem:v5+s3+$0x0] =	vst.idx.add.f32.msk $0xffff, v2  }
0x35b: {  	v5 =	vadd.s32 $0x7, v4;
	v2 =	vld [tilespmem:s25+$0x380];
	_ =	sdelay $0x1  }
0x35c: {  	[tilespmem:v6+s3+$0x0] =	vst.idx.add.f32.msk $0xffff, v7  }
0x35d: {  	v6 =	vadd.s32 $0x7, v3;
	v7 =	vld [tilespmem:s25+$0xFFFFF400];
	_ =	sdelay $0x1  }
0x35e: {  	[tilespmem:v5+s3+$0x0] =	vst.idx.add.f32.msk $0xffff, v2  }
0x35f: {  	v5 =	vadd.s32 $0x8, v4;
	v2 =	vld [tilespmem:s25+$0x400];
	_ =	sdelay $0x1  }
0x360: {  	[tilespmem:v6+s3+$0x0] =	vst.idx.add.f32.msk $0xffff, v7  }
0x361: {  	v6 =	vadd.s32 $0x8, v3;
	v7 =	vld [tilespmem:s25+$0xFFFFF480];
	_ =	sdelay $0x1  }
0x362: {  	[tilespmem:v5+s3+$0x0] =	vst.idx.add.f32.msk $0xffff, v2  }
0x363: {  	v5 =	vadd.s32 $0x9, v4;
	v2 =	vld [tilespmem:s25+$0x480];
	_ =	sdelay $0x1  }
0x364: {  	[tilespmem:v6+s3+$0x0] =	vst.idx.add.f32.msk $0xffff, v7  }
0x365: {  	v6 =	vadd.s32 $0x9, v3;
	v7 =	vld [tilespmem:s25+$0xFFFFF500];
	_ =	sdelay $0x1  }
0x366: {  	[tilespmem:v5+s3+$0x0] =	vst.idx.add.f32.msk $0xffff, v2  }
0x367: {  	v5 =	vadd.s32 $0xA, v4;
	v2 =	vld [tilespmem:s25+$0x500];
	_ =	sdelay $0x1  }
0x368: {  	[tilespmem:v6+s3+$0x0] =	vst.idx.add.f32.msk $0xffff, v7  }
0x369: {  	v6 =	vadd.s32 $0xA, v3;
	v7 =	vld [tilespmem:s25+$0xFFFFF580];
	_ =	sdelay $0x1  }
0x36a: {  	[tilespmem:v5+s3+$0x0] =	vst.idx.add.f32.msk $0xffff, v2  }
0x36b: {  	v5 =	vadd.s32 $0xB, v4;
	v2 =	vld [tilespmem:s25+$0x580];
	_ =	sdelay $0x1  }
0x36c: {  	[tilespmem:v6+s3+$0x0] =	vst.idx.add.f32.msk $0xffff, v7  }
0x36d: {  	v6 =	vadd.s32 $0xB, v3;
	v7 =	vld [tilespmem:s25+$0xFFFFF600];
	_ =	sdelay $0x1  }
0x36e: {  	[tilespmem:v5+s3+$0x0] =	vst.idx.add.f32.msk $0xffff, v2  }
0x36f: {  	v5 =	vadd.s32 $0xC, v4;
	v2 =	vld [tilespmem:s25+$0x600];
	_ =	sdelay $0x1  }
0x370: {  	[tilespmem:v6+s3+$0x0] =	vst.idx.add.f32.msk $0xffff, v7  }
0x371: {  	v6 =	vadd.s32 $0xC, v3;
	v7 =	vld [tilespmem:s25+$0xFFFFF680];
	_ =	sdelay $0x1  }
0x372: {  	[tilespmem:v5+s3+$0x0] =	vst.idx.add.f32.msk $0xffff, v2  }
0x373: {  	v5 =	vadd.s32 $0xD, v4;
	v2 =	vld [tilespmem:s25+$0x680];
	_ =	sdelay $0x1  }
0x374: {  	[tilespmem:v6+s3+$0x0] =	vst.idx.add.f32.msk $0xffff, v7  }
0x375: {  	v6 =	vadd.s32 $0xD, v3;
	v7 =	vld [tilespmem:s25+$0xFFFFF700];
	_ =	sdelay $0x1  }
0x376: {  	[tilespmem:v5+s3+$0x0] =	vst.idx.add.f32.msk $0xffff, v2  }
0x377: {  	v5 =	vadd.s32 $0xE, v4;
	v2 =	vld [tilespmem:s25+$0x700];
	_ =	sdelay $0x1  }
0x378: {  	[tilespmem:v6+s3+$0x0] =	vst.idx.add.f32.msk $0xffff, v7  }
0x379: {  	v6 =	vadd.s32 $0xE, v3;
	v7 =	vld [tilespmem:s25+$0xFFFFF780];
	_ =	sdelay $0x1  }
0x37a: {  	[tilespmem:v5+s3+$0x0] =	vst.idx.add.f32.msk $0xffff, v2  }
0x37b: {  	v5 =	vadd.s32 $0xF, v4;
	v2 =	vld [tilespmem:s25+$0x780];
	_ =	sdelay $0x1  }
0x37c: {  	[tilespmem:v6+s3+$0x0] =	vst.idx.add.f32.msk $0xffff, v7  }
0x37d: {  	v6 =	vadd.s32 $0xF, v3;
	v7 =	vld [tilespmem:s25+$0xFFFFF800];
	_ =	sdelay $0x1  }
0x37e: {  	[tilespmem:v5+s3+$0x0] =	vst.idx.add.f32.msk $0xffff, v2  }
0x37f: {  	v5 =	vadd.s32 $0x10, v4;
	v2 =	vld [tilespmem:s25+$0x800];
	_ =	sdelay $0x1  }
0x380: {  	[tilespmem:v6+s3+$0x0] =	vst.idx.add.f32.msk $0xffff, v7  }
0x381: {  	v6 =	vadd.s32 $0x10, v3;
	v7 =	vld [tilespmem:s25+$0xFFFFF880];
	_ =	sdelay $0x1  }
0x382: {  	[tilespmem:v5+s3+$0x0] =	vst.idx.add.f32.msk $0xffff, v2  }
0x383: {  	v5 =	vadd.s32 $0x11, v4;
	v2 =	vld [tilespmem:s25+$0x880];
	_ =	sdelay $0x1  }
0x384: {  	[tilespmem:v6+s3+$0x0] =	vst.idx.add.f32.msk $0xffff, v7  }
0x385: {  	v6 =	vadd.s32 $0x11, v3;
	v7 =	vld [tilespmem:s25+$0xFFFFF900];
	_ =	sdelay $0x1  }
0x386: {  	[tilespmem:v5+s3+$0x0] =	vst.idx.add.f32.msk $0xffff, v2  }
0x387: {  	v5 =	vadd.s32 $0x12, v4;
	v2 =	vld [tilespmem:s25+$0x900];
	_ =	sdelay $0x1  }
0x388: {  	[tilespmem:v6+s3+$0x0] =	vst.idx.add.f32.msk $0xffff, v7  }
0x389: {  	v6 =	vadd.s32 $0x12, v3;
	v7 =	vld [tilespmem:s25+$0xFFFFF980];
	_ =	sdelay $0x1  }
0x38a: {  	[tilespmem:v5+s3+$0x0] =	vst.idx.add.f32.msk $0xffff, v2  }
0x38b: {  	v5 =	vadd.s32 $0x13, v4;
	v2 =	vld [tilespmem:s25+$0x980];
	_ =	sdelay $0x1  }
0x38c: {  	[tilespmem:v6+s3+$0x0] =	vst.idx.add.f32.msk $0xffff, v7  }
0x38d: {  	s28 =	sadd.s32 $0x1F00, s25;
	v6 =	vadd.s32 $0x13, v3;
	v7 =	vld [tilespmem:s25+$0xFFFFFA00]  }
0x38e: {  	s4 =	simm.s32 $0x258;
	v9 =	vld [tilespmem:s28+$0x0]  }
0x38f: {  	[tilespmem:v5+s3+$0x0] =	vst.idx.add.f32.msk $0xffff, v2;
	v2 =	vadd.s32 s4, v1  }
0x390: {  	v8 =	vadd.s32 $0x14, v4;
	v5 =	vld [tilespmem:s25+$0xA00];
	_ =	sdelay $0x1  }
0x391: {  	[tilespmem:v6+s3+$0x0] =	vst.idx.add.f32.msk $0xffff, v7  }
0x392: {  	s31 =	simm.s32 $0x190;
	v6 =	vld [tilespmem:s28+$0xFFFFF080]  }
0x393: {  	v16 =	vadd.s32 s31, v1;
	[tilespmem:v2+s3+$0x0] =	vst.idx.add.f32.msk $0xffff, v9  }
0x394: {  	[tilespmem:v8+s3+$0x0] =	vst.idx.add.f32.msk $0xffff, v5  }
0x395: {  	v9 =	vadd.s32 $0x1, v2;
	v7 =	vld [tilespmem:s28+$0x80]  }
0x396: {  	v8 =	vadd.s32 $0x15, v4;
	v5 =	vld [tilespmem:s25+$0xA80];
	_ =	sdelay $0x1  }
0x397: {  	[tilespmem:v16+s3+$0x0] =	vst.idx.add.f32.msk $0xffff, v6  }
0x398: {  	v10 =	vld [tilespmem:s28+$0xFFFFF100]  }
0x399: {  	v6 =	vadd.s32 $0x1, v16;
	[tilespmem:v9+s3+$0x0] =	vst.idx.add.f32.msk $0xffff, v7  }
0x39a: {  	[tilespmem:v8+s3+$0x0] =	vst.idx.add.f32.msk $0xffff, v5  }
0x39b: {  	v9 =	vadd.s32 $0x2, v2;
	v7 =	vld [tilespmem:s28+$0x100]  }
0x39c: {  	v8 =	vadd.s32 $0x16, v4;
	v5 =	vld [tilespmem:s25+$0xB00];
	_ =	sdelay $0x1  }
0x39d: {  	[tilespmem:v6+s3+$0x0] =	vst.idx.add.f32.msk $0xffff, v10  }
0x39e: {  	v10 =	vld [tilespmem:s28+$0xFFFFF180]  }
0x39f: {  	v6 =	vadd.s32 $0x2, v16;
	[tilespmem:v9+s3+$0x0] =	vst.idx.add.f32.msk $0xffff, v7  }
0x3a0: {  	[tilespmem:v8+s3+$0x0] =	vst.idx.add.f32.msk $0xffff, v5  }
0x3a1: {  	v9 =	vadd.s32 $0x3, v2;
	v7 =	vld [tilespmem:s28+$0x180]  }
0x3a2: {  	v8 =	vadd.s32 $0x17, v4;
	v5 =	vld [tilespmem:s25+$0xB80];
	_ =	sdelay $0x1  }
0x3a3: {  	[tilespmem:v6+s3+$0x0] =	vst.idx.add.f32.msk $0xffff, v10  }
0x3a4: {  	v10 =	vld [tilespmem:s28+$0xFFFFF200]  }
0x3a5: {  	v6 =	vadd.s32 $0x3, v16;
	[tilespmem:v9+s3+$0x0] =	vst.idx.add.f32.msk $0xffff, v7  }
0x3a6: {  	[tilespmem:v8+s3+$0x0] =	vst.idx.add.f32.msk $0xffff, v5  }
0x3a7: {  	v9 =	vadd.s32 $0x4, v2;
	v7 =	vld [tilespmem:s28+$0x200]  }
0x3a8: {  	v8 =	vadd.s32 $0x18, v4;
	v5 =	vld [tilespmem:s25+$0xC00];
	_ =	sdelay $0x1  }
0x3a9: {  	[tilespmem:v6+s3+$0x0] =	vst.idx.add.f32.msk $0xffff, v10  }
0x3aa: {  	v10 =	vld [tilespmem:s28+$0xFFFFF280]  }
0x3ab: {  	v6 =	vadd.s32 $0x4, v16;
	[tilespmem:v9+s3+$0x0] =	vst.idx.add.f32.msk $0xffff, v7  }
0x3ac: {  	[tilespmem:v8+s3+$0x0] =	vst.idx.add.f32.msk $0xffff, v5  }
0x3ad: {  	v9 =	vadd.s32 $0x5, v2;
	v7 =	vld [tilespmem:s28+$0x280]  }
0x3ae: {  	v8 =	vadd.s32 $0x19, v4;
	v5 =	vld [tilespmem:s25+$0xC80];
	_ =	sdelay $0x1  }
0x3af: {  	[tilespmem:v6+s3+$0x0] =	vst.idx.add.f32.msk $0xffff, v10  }
0x3b0: {  	v6 =	vadd.s32 $0x5, v16;
	v10 =	vld [tilespmem:s28+$0xFFFFF300]  }
0x3b1: {  	[tilespmem:v9+s3+$0x0] =	vst.idx.add.f32.msk $0xffff, v7  }
0x3b2: {  	[tilespmem:v8+s3+$0x0] =	vst.idx.add.f32.msk $0xffff, v5  }
0x3b3: {  	v9 =	vadd.s32 $0x6, v2;
	v7 =	vld [tilespmem:s28+$0x300]  }
0x3b4: {  	v8 =	vadd.s32 $0x1A, v4;
	v5 =	vld [tilespmem:s25+$0xD00]  }
0x3b5: {  	[tilespmem:v6+s3+$0x0] =	vst.idx.add.f32.msk $0xffff, v10  }
0x3b6: {  	v6 =	vadd.s32 $0x6, v16;
	v10 =	vld [tilespmem:s28+$0xFFFFF380];
	_ =	sdelay $0x1  }
0x3b7: {  	[tilespmem:v9+s3+$0x0] =	vst.idx.add.f32.msk $0xffff, v7  }
0x3b8: {  	[tilespmem:v8+s3+$0x0] =	vst.idx.add.f32.msk $0xffff, v5  }
0x3b9: {  	v8 =	vadd.s32 $0x1B, v4;
	v5 =	vld [tilespmem:s25+$0xD80]  }
0x3ba: {  	[tilespmem:v6+s3+$0x0] =	vst.idx.add.f32.msk $0xffff, v10  }
0x3bb: {  	v9 =	vadd.s32 $0x7, v2;
	v7 =	vld [tilespmem:s28+$0x380]  }
0x3bc: {  	v6 =	vadd.s32 $0x7, v16;
	v10 =	vld [tilespmem:s28+$0xFFFFF400];
	_ =	sdelay $0x1  }
0x3bd: {  	[tilespmem:v8+s3+$0x0] =	vst.idx.add.f32.msk $0xffff, v5  }
0x3be: {  	v8 =	vadd.s32 $0x1C, v4;
	v5 =	vld [tilespmem:s25+$0xE00]  }
0x3bf: {  	[tilespmem:v9+s3+$0x0] =	vst.idx.add.f32.msk $0xffff, v7  }
0x3c0: {  	[tilespmem:v6+s3+$0x0] =	vst.idx.add.f32.msk $0xffff, v10  }
0x3c1: {  	v9 =	vadd.s32 $0x8, v2;
	v7 =	vld [tilespmem:s28+$0x400]  }
0x3c2: {  	v10 =	vld [tilespmem:s28+$0xFFFFF480]  }
0x3c3: {  	v6 =	vadd.s32 $0x8, v16;
	[tilespmem:v8+s3+$0x0] =	vst.idx.add.f32.msk $0xffff, v5  }
0x3c4: {  	v8 =	vadd.s32 $0x1D, v4;
	v5 =	vld [tilespmem:s25+$0xE80];
	_ =	sdelay $0x1  }
0x3c5: {  	[tilespmem:v9+s3+$0x0] =	vst.idx.add.f32.msk $0xffff, v7  }
0x3c6: {  	v9 =	vadd.s32 $0x9, v2;
	v7 =	vld [tilespmem:s28+$0x480]  }
0x3c7: {  	[tilespmem:v6+s3+$0x0] =	vst.idx.add.f32.msk $0xffff, v10  }
0x3c8: {  	[tilespmem:v8+s3+$0x0] =	vst.idx.add.f32.msk $0xffff, v5  }
0x3c9: {  	v6 =	vadd.s32 $0x9, v16;
	v8 =	vld [tilespmem:s28+$0xFFFFF500]  }
0x3ca: {  	v4 =	vadd.s32 $0x1E, v4;
	v5 =	vld [tilespmem:s25+$0xF00]  }
0x3cb: {  	[tilespmem:v9+s3+$0x0] =	vst.idx.add.f32.msk $0xffff, v7  }
0x3cc: {  	v9 =	vadd.s32 $0xA, v2;
	v7 =	vld [tilespmem:s28+$0x500]  }
0x3cd: {  	v10 =	vld [tilespmem:s25+$0xFFFFFA80]  }
0x3ce: {  	v11 =	vadd.s32 $0x14, v3;
	[tilespmem:v6+s3+$0x0] =	vst.idx.add.f32.msk $0xffff, v8  }
0x3cf: {  	[tilespmem:v4+s3+$0x0] =	vst.idx.add.f32.msk $0xffff, v5  }
0x3d0: {  	v4 =	vadd.s32 $0xA, v16;
	v5 =	vld [tilespmem:s28+$0xFFFFF580]  }
0x3d1: {  	[tilespmem:v9+s3+$0x0] =	vst.idx.add.f32.msk $0xffff, v7  }
0x3d2: {  	v7 =	vadd.s32 $0xB, v2;
	v6 =	vld [tilespmem:s28+$0x580]  }
0x3d3: {  	[tilespmem:v11+s3+$0x0] =	vst.idx.add.f32.msk $0xffff, v10  }
0x3d4: {  	v8 =	vadd.s32 $0x15, v3;
	v9 =	vld [tilespmem:s25+$0xFFFFFB00]  }
0x3d5: {  	[tilespmem:v4+s3+$0x0] =	vst.idx.add.f32.msk $0xffff, v5  }
0x3d6: {  	v4 =	vadd.s32 $0xB, v16;
	v5 =	vld [tilespmem:s28+$0xFFFFF600]  }
0x3d7: {  	[tilespmem:v7+s3+$0x0] =	vst.idx.add.f32.msk $0xffff, v6  }
0x3d8: {  	v7 =	vadd.s32 $0xC, v2;
	v6 =	vld [tilespmem:s28+$0x600]  }
0x3d9: {  	[tilespmem:v8+s3+$0x0] =	vst.idx.add.f32.msk $0xffff, v9  }
0x3da: {  	v8 =	vadd.s32 $0x16, v3;
	v9 =	vld [tilespmem:s25+$0xFFFFFB80]  }
0x3db: {  	[tilespmem:v4+s3+$0x0] =	vst.idx.add.f32.msk $0xffff, v5  }
0x3dc: {  	v4 =	vadd.s32 $0xC, v16;
	v5 =	vld [tilespmem:s28+$0xFFFFF680]  }
0x3dd: {  	[tilespmem:v7+s3+$0x0] =	vst.idx.add.f32.msk $0xffff, v6  }
0x3de: {  	v7 =	vadd.s32 $0xD, v2;
	v6 =	vld [tilespmem:s28+$0x680]  }
0x3df: {  	[tilespmem:v8+s3+$0x0] =	vst.idx.add.f32.msk $0xffff, v9  }
0x3e0: {  	v8 =	vadd.s32 $0x17, v3;
	v9 =	vld [tilespmem:s25+$0xFFFFFC00]  }
0x3e1: {  	[tilespmem:v4+s3+$0x0] =	vst.idx.add.f32.msk $0xffff, v5  }
0x3e2: {  	v4 =	vadd.s32 $0xD, v16;
	v5 =	vld [tilespmem:s28+$0xFFFFF700]  }
0x3e3: {  	[tilespmem:v7+s3+$0x0] =	vst.idx.add.f32.msk $0xffff, v6  }
0x3e4: {  	v7 =	vadd.s32 $0xE, v2;
	v6 =	vld [tilespmem:s28+$0x700]  }
0x3e5: {  	[tilespmem:v8+s3+$0x0] =	vst.idx.add.f32.msk $0xffff, v9  }
0x3e6: {  	v8 =	vadd.s32 $0x18, v3;
	v9 =	vld [tilespmem:s25+$0xFFFFFC80]  }
0x3e7: {  	[tilespmem:v4+s3+$0x0] =	vst.idx.add.f32.msk $0xffff, v5  }
0x3e8: {  	v4 =	vadd.s32 $0xE, v16;
	v5 =	vld [tilespmem:s28+$0xFFFFF780]  }
0x3e9: {  	[tilespmem:v7+s3+$0x0] =	vst.idx.add.f32.msk $0xffff, v6  }
0x3ea: {  	v7 =	vadd.s32 $0xF, v2;
	v6 =	vld [tilespmem:s28+$0x780]  }
0x3eb: {  	[tilespmem:v8+s3+$0x0] =	vst.idx.add.f32.msk $0xffff, v9  }
0x3ec: {  	v8 =	vadd.s32 $0x19, v3;
	v9 =	vld [tilespmem:s25+$0xFFFFFD00]  }
0x3ed: {  	[tilespmem:v4+s3+$0x0] =	vst.idx.add.f32.msk $0xffff, v5  }
0x3ee: {  	v4 =	vadd.s32 $0xF, v16;
	v5 =	vld [tilespmem:s28+$0xFFFFF800]  }
0x3ef: {  	[tilespmem:v7+s3+$0x0] =	vst.idx.add.f32.msk $0xffff, v6  }
0x3f0: {  	v7 =	vadd.s32 $0x10, v2;
	v6 =	vld [tilespmem:s28+$0x800]  }
0x3f1: {  	[tilespmem:v8+s3+$0x0] =	vst.idx.add.f32.msk $0xffff, v9  }
0x3f2: {  	v8 =	vadd.s32 $0x1A, v3;
	v9 =	vld [tilespmem:s25+$0xFFFFFD80]  }
0x3f3: {  	[tilespmem:v4+s3+$0x0] =	vst.idx.add.f32.msk $0xffff, v5  }
0x3f4: {  	v4 =	vadd.s32 $0x10, v16;
	v5 =	vld [tilespmem:s28+$0xFFFFF880]  }
0x3f5: {  	[tilespmem:v7+s3+$0x0] =	vst.idx.add.f32.msk $0xffff, v6  }
0x3f6: {  	v7 =	vadd.s32 $0x11, v2;
	v6 =	vld [tilespmem:s28+$0x880]  }
0x3f7: {  	[tilespmem:v8+s3+$0x0] =	vst.idx.add.f32.msk $0xffff, v9  }
0x3f8: {  	v8 =	vadd.s32 $0x1B, v3;
	v9 =	vld [tilespmem:s25+$0xFFFFFE00]  }
0x3f9: {  	[tilespmem:v4+s3+$0x0] =	vst.idx.add.f32.msk $0xffff, v5  }
0x3fa: {  	v4 =	vadd.s32 $0x11, v16;
	v5 =	vld [tilespmem:s28+$0xFFFFF900]  }
0x3fb: {  	[tilespmem:v7+s3+$0x0] =	vst.idx.add.f32.msk $0xffff, v6  }
0x3fc: {  	v7 =	vadd.s32 $0x12, v2;
	v6 =	vld [tilespmem:s28+$0x900]  }
0x3fd: {  	[tilespmem:v8+s3+$0x0] =	vst.idx.add.f32.msk $0xffff, v9  }
0x3fe: {  	v8 =	vadd.s32 $0x1C, v3;
	v9 =	vld [tilespmem:s25+$0xFFFFFE80]  }
0x3ff: {  	[tilespmem:v4+s3+$0x0] =	vst.idx.add.f32.msk $0xffff, v5  }
0x400: {  	v4 =	vadd.s32 $0x12, v16;
	v5 =	vld [tilespmem:s28+$0xFFFFF980]  }
0x401: {  	[tilespmem:v7+s3+$0x0] =	vst.idx.add.f32.msk $0xffff, v6  }
0x402: {  	v7 =	vadd.s32 $0x13, v2;
	v6 =	vld [tilespmem:s28+$0x980]  }
0x403: {  	[tilespmem:v8+s3+$0x0] =	vst.idx.add.f32.msk $0xffff, v9  }
0x404: {  	v17 =	vadd.s32 $0x1D, v3;
	v15 =	vadd.s32 $0x13, v16;
	v19 =	vld [tilespmem:s25+$0xFFFFFF00]  }
0x405: {  	v14 =	vadd.s32 $0x14, v16;
	v13 =	vadd.s32 $0x15, v16;
	v12 =	vadd.s32 $0x16, v16;
	[tilespmem:v4+s3+$0x0] =	vst.idx.add.f32.msk $0xffff, v5  }
0x406: {  	v11 =	vadd.s32 $0x17, v16;
	v10 =	vadd.s32 $0x18, v16;
	v9 =	vadd.s32 $0x19, v16;
	v20 =	vld [tilespmem:s28+$0xFFFFFA00]  }
0x407: {  	v8 =	vadd.s32 $0x1A, v16;
	[tilespmem:v7+s3+$0x0] =	vst.idx.add.f32.msk $0xffff, v6;
	v7 =	vadd.s32 $0x1B, v16;
	v6 =	vadd.s32 $0x1C, v16  }
0x408: {  	v5 =	vadd.s32 $0x1D, v16;
	v4 =	vadd.s32 $0x1E, v16;
	v16 =	vadd.s32 $0x14, v2;
	v18 =	vld [tilespmem:s28+$0xA00]  }
0x409: {  	[tilespmem:v17+s3+$0x0] =	vst.idx.add.f32.msk $0xffff, v19  }
0x40a: {  	s30 =	simm.s32 $0x2;
	s0 =	simm.s32 $0x320;
	s29 =	smov.u32 s28;
	v3 =	vadd.s32 $0x1E, v3;
	v19 =	vld [tilespmem:s25+$0xFFFFFF80]  }
.LBB2_14:
0x40b: {  	v41 =	vadd.s32 s0, v1;
	s4 =	sadd.s32 $0xC8, s0;
	s30 =	sadd.s32 $0x2, s30;
	[tilespmem:v15+s3+$0x0] =	vst.idx.add.f32.msk $0xffff, v20;
	s28 =	sadd.s32 $0x1F00, s28  }
0x40c: {  	v42 =	vadd.s32 $0x1, v41;
	v43 =	vadd.s32 $0x2, v41;
	v36 =	vadd.s32 s4, v1;
	v15 =	vld [tilespmem:s28+$0x0];
	p0 =	slt.u32 s30, $0x6  }
0x40d: {  	v44 =	vadd.s32 $0x3, v41;
	v45 =	vadd.s32 $0x4, v41;
	v46 =	vadd.s32 $0x5, v41;
	[tilespmem:v16+s3+$0x0] =	vst.idx.add.f32.msk $0xffff, v18  }
0x40e: {  	v21 =	vadd.s32 $0x15, v2;
	v47 =	vadd.s32 $0x6, v41;
	v40 =	vadd.s32 $0x7, v41;
	v17 =	vld [tilespmem:s29+$0xA80]  }
0x40f: {  	v38 =	vadd.s32 $0x8, v41;
	v35 =	vadd.s32 $0x9, v41;
	v33 =	vadd.s32 $0xA, v41;
	v23 =	vld [tilespmem:s28+$0xFFFFF080]  }
0x410: {  	v31 =	vadd.s32 $0xB, v41;
	v28 =	vadd.s32 $0xC, v41;
	v26 =	vadd.s32 $0xD, v41;
	v37 =	vld [tilespmem:s29+$0xFFFFFA80]  }
0x411: {  	v25 =	vadd.s32 $0xE, v41;
	v22 =	vadd.s32 $0xF, v41;
	v20 =	vadd.s32 $0x10, v41;
	[tilespmem:v36+s3+$0x0] =	vst.idx.add.f32.msk $0xffff, v15  }
0x412: {  	v18 =	vadd.s32 $0x11, v41;
	v16 =	vadd.s32 $0x12, v41;
	v49 =	vadd.s32 $0x1, v36;
	v48 =	vld [tilespmem:s28+$0x80]  }
0x413: {  	v39 =	vadd.s32 $0x14, v41;
	v34 =	vadd.s32 $0x15, v41;
	v15 =	vadd.s32 $0x13, v41;
	[tilespmem:v21+s3+$0x0] =	vst.idx.add.f32.msk $0xffff, v17  }
0x414: {  	v51 =	vadd.s32 $0x16, v2;
	v32 =	vadd.s32 $0x16, v41;
	v30 =	vadd.s32 $0x17, v41;
	v50 =	vld [tilespmem:s29+$0xB00]  }
0x415: {  	v29 =	vadd.s32 $0x18, v41;
	v27 =	vadd.s32 $0x19, v41;
	v24 =	vadd.s32 $0x1A, v41;
	[tilespmem:v41+s3+$0x0] =	vst.idx.add.f32.msk $0xffff, v23  }
0x416: {  	v21 =	vadd.s32 $0x1C, v41;
	v17 =	vadd.s32 $0x1D, v41;
	v23 =	vadd.s32 $0x1B, v41;
	v52 =	vld [tilespmem:s28+$0xFFFFF100]  }
0x417: {  	v41 =	vadd.s32 $0x1E, v41;
	[tilespmem:v49+s3+$0x0] =	vst.idx.add.f32.msk $0xffff, v48  }
0x418: {  	v49 =	vadd.s32 $0x2, v36;
	v48 =	vld [tilespmem:s28+$0x100]  }
0x419: {  	[tilespmem:v51+s3+$0x0] =	vst.idx.add.f32.msk $0xffff, v50  }
0x41a: {  	v51 =	vadd.s32 $0x17, v2;
	v50 =	vld [tilespmem:s29+$0xB80]  }
0x41b: {  	[tilespmem:v42+s3+$0x0] =	vst.idx.add.f32.msk $0xffff, v52  }
0x41c: {  	v42 =	vld [tilespmem:s28+$0xFFFFF180]  }
0x41d: {  	[tilespmem:v49+s3+$0x0] =	vst.idx.add.f32.msk $0xffff, v48  }
0x41e: {  	v49 =	vadd.s32 $0x3, v36;
	v48 =	vld [tilespmem:s28+$0x180]  }
0x41f: {  	[tilespmem:v51+s3+$0x0] =	vst.idx.add.f32.msk $0xffff, v50  }
0x420: {  	v51 =	vadd.s32 $0x18, v2;
	v50 =	vld [tilespmem:s29+$0xC00]  }
0x421: {  	[tilespmem:v43+s3+$0x0] =	vst.idx.add.f32.msk $0xffff, v42  }
0x422: {  	v42 =	vld [tilespmem:s28+$0xFFFFF200]  }
0x423: {  	[tilespmem:v49+s3+$0x0] =	vst.idx.add.f32.msk $0xffff, v48  }
0x424: {  	v48 =	vadd.s32 $0x4, v36;
	v43 =	vld [tilespmem:s28+$0x200]  }
0x425: {  	[tilespmem:v51+s3+$0x0] =	vst.idx.add.f32.msk $0xffff, v50  }
0x426: {  	v50 =	vadd.s32 $0x19, v2;
	v49 =	vld [tilespmem:s29+$0xC80]  }
0x427: {  	[tilespmem:v44+s3+$0x0] =	vst.idx.add.f32.msk $0xffff, v42  }
0x428: {  	v42 =	vld [tilespmem:s28+$0xFFFFF280]  }
0x429: {  	[tilespmem:v48+s3+$0x0] =	vst.idx.add.f32.msk $0xffff, v43  }
0x42a: {  	v44 =	vadd.s32 $0x5, v36;
	v43 =	vld [tilespmem:s28+$0x280]  }
0x42b: {  	[tilespmem:v50+s3+$0x0] =	vst.idx.add.f32.msk $0xffff, v49  }
0x42c: {  	v49 =	vadd.s32 $0x1A, v2;
	v48 =	vld [tilespmem:s29+$0xD00]  }
0x42d: {  	[tilespmem:v45+s3+$0x0] =	vst.idx.add.f32.msk $0xffff, v42  }
0x42e: {  	v42 =	vld [tilespmem:s28+$0xFFFFF300]  }
0x42f: {  	[tilespmem:v44+s3+$0x0] =	vst.idx.add.f32.msk $0xffff, v43  }
0x430: {  	v44 =	vadd.s32 $0x6, v36;
	v43 =	vld [tilespmem:s28+$0x300]  }
0x431: {  	[tilespmem:v49+s3+$0x0] =	vst.idx.add.f32.msk $0xffff, v48  }
0x432: {  	v48 =	vadd.s32 $0x1B, v2;
	v45 =	vld [tilespmem:s29+$0xD80]  }
0x433: {  	[tilespmem:v46+s3+$0x0] =	vst.idx.add.f32.msk $0xffff, v42  }
0x434: {  	v42 =	vld [tilespmem:s28+$0xFFFFF380]  }
0x435: {  	[tilespmem:v44+s3+$0x0] =	vst.idx.add.f32.msk $0xffff, v43  }
0x436: {  	v44 =	vadd.s32 $0x7, v36;
	v43 =	vld [tilespmem:s28+$0x380]  }
0x437: {  	[tilespmem:v48+s3+$0x0] =	vst.idx.add.f32.msk $0xffff, v45  }
0x438: {  	v46 =	vadd.s32 $0x1C, v2;
	v45 =	vld [tilespmem:s29+$0xE00]  }
0x439: {  	[tilespmem:v47+s3+$0x0] =	vst.idx.add.f32.msk $0xffff, v42  }
0x43a: {  	v42 =	vld [tilespmem:s28+$0xFFFFF400]  }
0x43b: {  	[tilespmem:v44+s3+$0x0] =	vst.idx.add.f32.msk $0xffff, v43  }
0x43c: {  	v44 =	vadd.s32 $0x8, v36;
	v43 =	vld [tilespmem:s28+$0x400]  }
0x43d: {  	[tilespmem:v46+s3+$0x0] =	vst.idx.add.f32.msk $0xffff, v45  }
0x43e: {  	v46 =	vadd.s32 $0x1D, v2;
	v45 =	vld [tilespmem:s29+$0xE80]  }
0x43f: {  	[tilespmem:v40+s3+$0x0] =	vst.idx.add.f32.msk $0xffff, v42  }
0x440: {  	v40 =	vld [tilespmem:s28+$0xFFFFF480]  }
0x441: {  	[tilespmem:v44+s3+$0x0] =	vst.idx.add.f32.msk $0xffff, v43  }
0x442: {  	v43 =	vadd.s32 $0x9, v36;
	v42 =	vld [tilespmem:s28+$0x480]  }
0x443: {  	[tilespmem:v46+s3+$0x0] =	vst.idx.add.f32.msk $0xffff, v45  }
0x444: {  	v45 =	vadd.s32 $0x1E, v2;
	v2 =	vmov v36;
	v44 =	vld [tilespmem:s29+$0xF00]  }
0x445: {  	[tilespmem:v38+s3+$0x0] =	vst.idx.add.f32.msk $0xffff, v40  }
0x446: {  	v36 =	vld [tilespmem:s28+$0xFFFFF500]  }
0x447: {  	[tilespmem:v43+s3+$0x0] =	vst.idx.add.f32.msk $0xffff, v42  }
0x448: {  	v40 =	vadd.s32 $0xA, v2;
	v38 =	vld [tilespmem:s28+$0x500]  }
0x449: {  	[tilespmem:v45+s3+$0x0] =	vst.idx.add.f32.msk $0xffff, v44  }
0x44a: {  	[tilespmem:v14+s3+$0x0] =	vst.idx.add.f32.msk $0xffff, v37;
	v14 =	vmov v39  }
0x44b: {  	[tilespmem:v35+s3+$0x0] =	vst.idx.add.f32.msk $0xffff, v36  }
0x44c: {  	v35 =	vld [tilespmem:s28+$0xFFFFF580]  }
0x44d: {  	[tilespmem:v40+s3+$0x0] =	vst.idx.add.f32.msk $0xffff, v38  }
0x44e: {  	v37 =	vadd.s32 $0xB, v2;
	v36 =	vld [tilespmem:s28+$0x580]  }
0x44f: {  	v38 =	vld [tilespmem:s29+$0xFFFFFB00]  }
0x450: {  	[tilespmem:v3+s3+$0x0] =	vst.idx.add.f32.msk $0xffff, v19;
	v3 =	vmov v4;
	v4 =	vmov v41  }
0x451: {  	[tilespmem:v33+s3+$0x0] =	vst.idx.add.f32.msk $0xffff, v35  }
0x452: {  	v19 =	vld [tilespmem:s28+$0xFFFFF600]  }
0x453: {  	[tilespmem:v37+s3+$0x0] =	vst.idx.add.f32.msk $0xffff, v36  }
0x454: {  	v35 =	vadd.s32 $0xC, v2;
	v33 =	vld [tilespmem:s28+$0x600]  }
0x455: {  	[tilespmem:v13+s3+$0x0] =	vst.idx.add.f32.msk $0xffff, v38;
	v13 =	vmov v34  }
0x456: {  	v34 =	vld [tilespmem:s29+$0xFFFFFB80]  }
0x457: {  	[tilespmem:v31+s3+$0x0] =	vst.idx.add.f32.msk $0xffff, v19  }
0x458: {  	v19 =	vld [tilespmem:s28+$0xFFFFF680]  }
0x459: {  	[tilespmem:v35+s3+$0x0] =	vst.idx.add.f32.msk $0xffff, v33  }
0x45a: {  	v33 =	vadd.s32 $0xD, v2;
	v31 =	vld [tilespmem:s28+$0x680]  }
0x45b: {  	[tilespmem:v12+s3+$0x0] =	vst.idx.add.f32.msk $0xffff, v34;
	v12 =	vmov v32  }
0x45c: {  	v32 =	vld [tilespmem:s29+$0xFFFFFC00]  }
0x45d: {  	[tilespmem:v28+s3+$0x0] =	vst.idx.add.f32.msk $0xffff, v19  }
0x45e: {  	v19 =	vld [tilespmem:s28+$0xFFFFF700]  }
0x45f: {  	[tilespmem:v33+s3+$0x0] =	vst.idx.add.f32.msk $0xffff, v31  }
0x460: {  	v31 =	vadd.s32 $0xE, v2;
	v28 =	vld [tilespmem:s28+$0x700]  }
0x461: {  	[tilespmem:v11+s3+$0x0] =	vst.idx.add.f32.msk $0xffff, v32;
	v11 =	vmov v30  }
0x462: {  	v30 =	vld [tilespmem:s29+$0xFFFFFC80]  }
0x463: {  	[tilespmem:v26+s3+$0x0] =	vst.idx.add.f32.msk $0xffff, v19  }
0x464: {  	v19 =	vld [tilespmem:s28+$0xFFFFF780]  }
0x465: {  	[tilespmem:v31+s3+$0x0] =	vst.idx.add.f32.msk $0xffff, v28  }
0x466: {  	v28 =	vadd.s32 $0xF, v2;
	v26 =	vld [tilespmem:s28+$0x780]  }
0x467: {  	[tilespmem:v10+s3+$0x0] =	vst.idx.add.f32.msk $0xffff, v30;
	v10 =	vmov v29  }
0x468: {  	v29 =	vld [tilespmem:s29+$0xFFFFFD00]  }
0x469: {  	[tilespmem:v25+s3+$0x0] =	vst.idx.add.f32.msk $0xffff, v19  }
0x46a: {  	v19 =	vld [tilespmem:s28+$0xFFFFF800]  }
0x46b: {  	[tilespmem:v28+s3+$0x0] =	vst.idx.add.f32.msk $0xffff, v26  }
0x46c: {  	v26 =	vadd.s32 $0x10, v2;
	v25 =	vld [tilespmem:s28+$0x800]  }
0x46d: {  	[tilespmem:v9+s3+$0x0] =	vst.idx.add.f32.msk $0xffff, v29;
	v9 =	vmov v27  }
0x46e: {  	v27 =	vld [tilespmem:s29+$0xFFFFFD80]  }
0x46f: {  	[tilespmem:v22+s3+$0x0] =	vst.idx.add.f32.msk $0xffff, v19  }
0x470: {  	v19 =	vld [tilespmem:s28+$0xFFFFF880]  }
0x471: {  	[tilespmem:v26+s3+$0x0] =	vst.idx.add.f32.msk $0xffff, v25  }
0x472: {  	v25 =	vadd.s32 $0x11, v2;
	v22 =	vld [tilespmem:s28+$0x880]  }
0x473: {  	[tilespmem:v8+s3+$0x0] =	vst.idx.add.f32.msk $0xffff, v27;
	v8 =	vmov v24  }
0x474: {  	v24 =	vld [tilespmem:s29+$0xFFFFFE00]  }
0x475: {  	[tilespmem:v20+s3+$0x0] =	vst.idx.add.f32.msk $0xffff, v19  }
0x476: {  	v19 =	vld [tilespmem:s28+$0xFFFFF900]  }
0x477: {  	[tilespmem:v25+s3+$0x0] =	vst.idx.add.f32.msk $0xffff, v22  }
0x478: {  	v22 =	vadd.s32 $0x12, v2;
	v20 =	vld [tilespmem:s28+$0x900]  }
0x479: {  	[tilespmem:v7+s3+$0x0] =	vst.idx.add.f32.msk $0xffff, v24;
	v7 =	vmov v23  }
0x47a: {  	v23 =	vld [tilespmem:s29+$0xFFFFFE80]  }
0x47b: {  	[tilespmem:v18+s3+$0x0] =	vst.idx.add.f32.msk $0xffff, v19  }
0x47c: {  	v18 =	vld [tilespmem:s28+$0xFFFFF980]  }
0x47d: {  	[tilespmem:v22+s3+$0x0] =	vst.idx.add.f32.msk $0xffff, v20  }
0x47e: {  	v22 =	vadd.s32 $0x13, v2;
	v19 =	vld [tilespmem:s28+$0x980]  }
0x47f: {  	[tilespmem:v6+s3+$0x0] =	vst.idx.add.f32.msk $0xffff, v23;
	v6 =	vmov v21  }
0x480: {  	v21 =	vld [tilespmem:s29+$0xFFFFFF00]  }
0x481: {  	[tilespmem:v16+s3+$0x0] =	vst.idx.add.f32.msk $0xffff, v18  }
.Ltmp5:
0x482: {  	v20 =	vld [tilespmem:s28+$0xFFFFFA00];
	(pc) =	sbr.rel @p0 .LBB2_14-.Ltmp5, $4  }
0x483: {  	[tilespmem:v22+s3+$0x0] =	vst.idx.add.f32.msk $0xffff, v19  }
0x484: {  	v16 =	vadd.s32 $0x14, v2;
	v18 =	vld [tilespmem:s28+$0xA00]  }
0x485: {  	[tilespmem:v5+s3+$0x0] =	vst.idx.add.f32.msk $0xffff, v21;
	v5 =	vmov v17  }
0x486: {  	s0 =	sadd.s32 $0x190, s0;
	v19 =	vld [tilespmem:s29+$0xFFFFFF80];
	s29 =	smov.u32 s28  }
0x487: {  	_ =	sdelay $0x3  }
0x488: {  	[tilespmem:v15+s3+$0x0] =	vst.idx.add.f32.msk $0xffff, v20  }
0x489: {  	v1 =	vld [tilespmem:s29+$0xFFFFFA80];
	_ =	sdelay $0x2  }
0x48a: {  	[tilespmem:v16+s3+$0x0] =	vst.idx.add.f32.msk $0xffff, v18  }
0x48b: {  	v46 =	vadd.s32 $0x15, v2;
	v45 =	vld [tilespmem:s29+$0xA80]  }
0x48c: {  	[tilespmem:v14+s3+$0x0] =	vst.idx.add.f32.msk $0xffff, v1  }
0x48d: {  	v1 =	vld [tilespmem:s29+$0xFFFFFB00];
	_ =	sdelay $0x2  }
0x48e: {  	[tilespmem:v46+s3+$0x0] =	vst.idx.add.f32.msk $0xffff, v45  }
0x48f: {  	v48 =	vadd.s32 $0x16, v2;
	v47 =	vld [tilespmem:s29+$0xB00]  }
0x490: {  	[tilespmem:v13+s3+$0x0] =	vst.idx.add.f32.msk $0xffff, v1  }
0x491: {  	v1 =	vld [tilespmem:s29+$0xFFFFFB80];
	_ =	sdelay $0x2  }
0x492: {  	[tilespmem:v48+s3+$0x0] =	vst.idx.add.f32.msk $0xffff, v47  }
0x493: {  	v50 =	vadd.s32 $0x17, v2;
	v49 =	vld [tilespmem:s29+$0xB80]  }
0x494: {  	[tilespmem:v12+s3+$0x0] =	vst.idx.add.f32.msk $0xffff, v1  }
0x495: {  	v1 =	vld [tilespmem:s29+$0xFFFFFC00];
	_ =	sdelay $0x2  }
0x496: {  	[tilespmem:v50+s3+$0x0] =	vst.idx.add.f32.msk $0xffff, v49  }
0x497: {  	v52 =	vadd.s32 $0x18, v2;
	v51 =	vld [tilespmem:s29+$0xC00]  }
0x498: {  	[tilespmem:v11+s3+$0x0] =	vst.idx.add.f32.msk $0xffff, v1  }
0x499: {  	v1 =	vld [tilespmem:s29+$0xFFFFFC80];
	_ =	sdelay $0x2  }
0x49a: {  	[tilespmem:v52+s3+$0x0] =	vst.idx.add.f32.msk $0xffff, v51  }
0x49b: {  	v54 =	vadd.s32 $0x19, v2;
	v53 =	vld [tilespmem:s29+$0xC80]  }
0x49c: {  	[tilespmem:v10+s3+$0x0] =	vst.idx.add.f32.msk $0xffff, v1  }
0x49d: {  	v1 =	vld [tilespmem:s29+$0xFFFFFD00];
	_ =	sdelay $0x2  }
0x49e: {  	[tilespmem:v54+s3+$0x0] =	vst.idx.add.f32.msk $0xffff, v53  }
0x49f: {  	v56 =	vadd.s32 $0x1A, v2;
	v55 =	vld [tilespmem:s29+$0xD00]  }
0x4a0: {  	[tilespmem:v9+s3+$0x0] =	vst.idx.add.f32.msk $0xffff, v1  }
0x4a1: {  	v1 =	vld [tilespmem:s29+$0xFFFFFD80];
	_ =	sdelay $0x2  }
0x4a2: {  	[tilespmem:v56+s3+$0x0] =	vst.idx.add.f32.msk $0xffff, v55  }
0x4a3: {  	v58 =	vadd.s32 $0x1B, v2;
	v57 =	vld [tilespmem:s29+$0xD80]  }
0x4a4: {  	[tilespmem:v8+s3+$0x0] =	vst.idx.add.f32.msk $0xffff, v1  }
0x4a5: {  	v1 =	vld [tilespmem:s29+$0xFFFFFE00];
	_ =	sdelay $0x2  }
0x4a6: {  	[tilespmem:v58+s3+$0x0] =	vst.idx.add.f32.msk $0xffff, v57  }
0x4a7: {  	v60 =	vadd.s32 $0x1C, v2;
	v59 =	vld [tilespmem:s29+$0xE00]  }
0x4a8: {  	[tilespmem:v7+s3+$0x0] =	vst.idx.add.f32.msk $0xffff, v1  }
0x4a9: {  	v1 =	vld [tilespmem:s29+$0xFFFFFE80];
	_ =	sdelay $0x2  }
0x4aa: {  	[tilespmem:v60+s3+$0x0] =	vst.idx.add.f32.msk $0xffff, v59  }
0x4ab: {  	v62 =	vadd.s32 $0x1D, v2;
	v61 =	vld [tilespmem:s29+$0xE80]  }
0x4ac: {  	[tilespmem:v6+s3+$0x0] =	vst.idx.add.f32.msk $0xffff, v1  }
0x4ad: {  	v1 =	vld [tilespmem:s29+$0xFFFFFF00];
	_ =	sdelay $0x2  }
0x4ae: {  	[tilespmem:v62+s3+$0x0] =	vst.idx.add.f32.msk $0xffff, v61  }
0x4af: {  	v63 =	vld [tilespmem:s29+$0xF00]  }
0x4b0: {  	v2 =	vadd.s32 $0x1E, v2;
	s26 =	sadd.s32 $0x1, s26;
	[tilespmem:v5+s3+$0x0] =	vst.idx.add.f32.msk $0xffff, v1  }
0x4b1: {  	p0 =	sne.s32 s26, $0x8;
	v1 =	vld [tilespmem:s29+$0xFFFFFF80]  }
.Ltmp6:
0x4b2: {  	_ = 	snop;
	(pc) =	sbr.rel @p0 .LBB2_13-.Ltmp6, $4  }
0x4b3: {  	_ = 	snop  }
0x4b4: {  	[tilespmem:v3+s3+$0x0] =	vst.idx.add.f32.msk $0xffff, v19  }
0x4b5: {  	[tilespmem:v2+s3+$0x0] =	vst.idx.add.f32.msk $0xffff, v63  }
0x4b6: {  	s25 =	sadd.s32 $0x10, s25;
	[tilespmem:v4+s3+$0x0] =	vst.idx.add.f32.msk $0xffff, v1  }
0x4b7: {  	_ =	swait.ge [sflag:s20], $0x6C80  }
0x4b8: {  	s24 =	simm.s32 $0x0;
	[sflag:s20] =	ssyncset.done $0x0  }
0x4b9: {  	s25 =	simm.s32 $0x12C00;
	s26 =	simm.s32 $0x0;
	[sflag:s20] =	ssyncadd.s32 $0xFFFF9380  }
.LBB2_17:
0x4ba: {  	s28 =	sshll.u32 s26, $0x4  }
0x4bb: {  	v1 =	vld [tilespmem:s28+$0x19E80];
	_ =	sdelay $0x4  }
0x4bc: {  	s0 =	simm.s32 $0xC8;
	v2 =	vadd.s32 $0x12C0, v1  }
0x4bd: {  	v3 =	vld [tilespmem:s25+$0x0];
	v5 =	vadd.s32 s0, v2;
	_ =	sdelay $0x3  }
0x4be: {  	v7 =	vld [tilespmem:s25+$0xFFFFF080];
	v4 =	vadd.s32 s24, v2  }
0x4bf: {  	[tilespmem:v5+s3+$0x0] =	vst.idx.add.f32.msk $0xffff, v3  }
0x4c0: {  	v6 =	vadd.s32 $0x1, v5;
	v3 =	vld [tilespmem:s25+$0x80];
	_ =	sdelay $0x2  }
0x4c1: {  	[tilespmem:v4+s3+$0x0] =	vst.idx.add.f32.msk $0xffff, v7  }
0x4c2: {  	v7 =	vadd.s32 $0x1, v4;
	v8 =	vld [tilespmem:s25+$0xFFFFF100]  }
0x4c3: {  	[tilespmem:v6+s3+$0x0] =	vst.idx.add.f32.msk $0xffff, v3  }
0x4c4: {  	v6 =	vadd.s32 $0x2, v5;
	v3 =	vld [tilespmem:s25+$0x100];
	_ =	sdelay $0x2  }
0x4c5: {  	[tilespmem:v7+s3+$0x0] =	vst.idx.add.f32.msk $0xffff, v8  }
0x4c6: {  	v7 =	vadd.s32 $0x2, v4;
	v8 =	vld [tilespmem:s25+$0xFFFFF180]  }
0x4c7: {  	[tilespmem:v6+s3+$0x0] =	vst.idx.add.f32.msk $0xffff, v3  }
0x4c8: {  	v6 =	vadd.s32 $0x3, v5;
	v3 =	vld [tilespmem:s25+$0x180];
	_ =	sdelay $0x2  }
0x4c9: {  	[tilespmem:v7+s3+$0x0] =	vst.idx.add.f32.msk $0xffff, v8  }
0x4ca: {  	v7 =	vadd.s32 $0x3, v4;
	v8 =	vld [tilespmem:s25+$0xFFFFF200]  }
0x4cb: {  	[tilespmem:v6+s3+$0x0] =	vst.idx.add.f32.msk $0xffff, v3  }
0x4cc: {  	v6 =	vadd.s32 $0x4, v5;
	v3 =	vld [tilespmem:s25+$0x200];
	_ =	sdelay $0x2  }
0x4cd: {  	[tilespmem:v7+s3+$0x0] =	vst.idx.add.f32.msk $0xffff, v8  }
0x4ce: {  	v7 =	vadd.s32 $0x4, v4;
	v8 =	vld [tilespmem:s25+$0xFFFFF280]  }
0x4cf: {  	[tilespmem:v6+s3+$0x0] =	vst.idx.add.f32.msk $0xffff, v3  }
0x4d0: {  	v6 =	vadd.s32 $0x5, v5;
	v3 =	vld [tilespmem:s25+$0x280];
	_ =	sdelay $0x2  }
0x4d1: {  	[tilespmem:v7+s3+$0x0] =	vst.idx.add.f32.msk $0xffff, v8  }
0x4d2: {  	v7 =	vadd.s32 $0x5, v4;
	v8 =	vld [tilespmem:s25+$0xFFFFF300]  }
0x4d3: {  	[tilespmem:v6+s3+$0x0] =	vst.idx.add.f32.msk $0xffff, v3  }
0x4d4: {  	v6 =	vadd.s32 $0x6, v5;
	v3 =	vld [tilespmem:s25+$0x300];
	_ =	sdelay $0x2  }
0x4d5: {  	[tilespmem:v7+s3+$0x0] =	vst.idx.add.f32.msk $0xffff, v8  }
0x4d6: {  	v7 =	vadd.s32 $0x6, v4;
	v8 =	vld [tilespmem:s25+$0xFFFFF380]  }
0x4d7: {  	[tilespmem:v6+s3+$0x0] =	vst.idx.add.f32.msk $0xffff, v3  }
0x4d8: {  	v6 =	vadd.s32 $0x7, v5;
	v3 =	vld [tilespmem:s25+$0x380];
	_ =	sdelay $0x2  }
0x4d9: {  	[tilespmem:v7+s3+$0x0] =	vst.idx.add.f32.msk $0xffff, v8  }
0x4da: {  	v7 =	vadd.s32 $0x7, v4;
	v8 =	vld [tilespmem:s25+$0xFFFFF400]  }
0x4db: {  	[tilespmem:v6+s3+$0x0] =	vst.idx.add.f32.msk $0xffff, v3  }
0x4dc: {  	v6 =	vadd.s32 $0x8, v5;
	v3 =	vld [tilespmem:s25+$0x400];
	_ =	sdelay $0x2  }
0x4dd: {  	[tilespmem:v7+s3+$0x0] =	vst.idx.add.f32.msk $0xffff, v8  }
0x4de: {  	v7 =	vadd.s32 $0x8, v4;
	v8 =	vld [tilespmem:s25+$0xFFFFF480]  }
0x4df: {  	[tilespmem:v6+s3+$0x0] =	vst.idx.add.f32.msk $0xffff, v3  }
0x4e0: {  	v6 =	vadd.s32 $0x9, v5;
	v3 =	vld [tilespmem:s25+$0x480];
	_ =	sdelay $0x2  }
0x4e1: {  	[tilespmem:v7+s3+$0x0] =	vst.idx.add.f32.msk $0xffff, v8  }
0x4e2: {  	v7 =	vadd.s32 $0x9, v4;
	v8 =	vld [tilespmem:s25+$0xFFFFF500]  }
0x4e3: {  	[tilespmem:v6+s3+$0x0] =	vst.idx.add.f32.msk $0xffff, v3  }
0x4e4: {  	v6 =	vadd.s32 $0xA, v5;
	v3 =	vld [tilespmem:s25+$0x500];
	_ =	sdelay $0x2  }
0x4e5: {  	[tilespmem:v7+s3+$0x0] =	vst.idx.add.f32.msk $0xffff, v8  }
0x4e6: {  	v7 =	vadd.s32 $0xA, v4;
	v8 =	vld [tilespmem:s25+$0xFFFFF580]  }
0x4e7: {  	[tilespmem:v6+s3+$0x0] =	vst.idx.add.f32.msk $0xffff, v3  }
0x4e8: {  	v6 =	vadd.s32 $0xB, v5;
	v3 =	vld [tilespmem:s25+$0x580];
	_ =	sdelay $0x2  }
0x4e9: {  	[tilespmem:v7+s3+$0x0] =	vst.idx.add.f32.msk $0xffff, v8  }
0x4ea: {  	v7 =	vadd.s32 $0xB, v4;
	v8 =	vld [tilespmem:s25+$0xFFFFF600]  }
0x4eb: {  	[tilespmem:v6+s3+$0x0] =	vst.idx.add.f32.msk $0xffff, v3  }
0x4ec: {  	v6 =	vadd.s32 $0xC, v5;
	v3 =	vld [tilespmem:s25+$0x600];
	_ =	sdelay $0x2  }
0x4ed: {  	[tilespmem:v7+s3+$0x0] =	vst.idx.add.f32.msk $0xffff, v8  }
0x4ee: {  	v7 =	vadd.s32 $0xC, v4;
	v8 =	vld [tilespmem:s25+$0xFFFFF680]  }
0x4ef: {  	[tilespmem:v6+s3+$0x0] =	vst.idx.add.f32.msk $0xffff, v3  }
0x4f0: {  	v6 =	vadd.s32 $0xD, v5;
	v3 =	vld [tilespmem:s25+$0x680];
	_ =	sdelay $0x2  }
0x4f1: {  	[tilespmem:v7+s3+$0x0] =	vst.idx.add.f32.msk $0xffff, v8  }
0x4f2: {  	v7 =	vadd.s32 $0xD, v4;
	v8 =	vld [tilespmem:s25+$0xFFFFF700]  }
0x4f3: {  	[tilespmem:v6+s3+$0x0] =	vst.idx.add.f32.msk $0xffff, v3  }
0x4f4: {  	v6 =	vadd.s32 $0xE, v5;
	v3 =	vld [tilespmem:s25+$0x700];
	_ =	sdelay $0x2  }
0x4f5: {  	[tilespmem:v7+s3+$0x0] =	vst.idx.add.f32.msk $0xffff, v8  }
0x4f6: {  	v7 =	vadd.s32 $0xE, v4;
	v8 =	vld [tilespmem:s25+$0xFFFFF780]  }
0x4f7: {  	[tilespmem:v6+s3+$0x0] =	vst.idx.add.f32.msk $0xffff, v3  }
0x4f8: {  	v6 =	vadd.s32 $0xF, v5;
	v3 =	vld [tilespmem:s25+$0x780];
	_ =	sdelay $0x2  }
0x4f9: {  	[tilespmem:v7+s3+$0x0] =	vst.idx.add.f32.msk $0xffff, v8  }
0x4fa: {  	v7 =	vadd.s32 $0xF, v4;
	v8 =	vld [tilespmem:s25+$0xFFFFF800]  }
0x4fb: {  	[tilespmem:v6+s3+$0x0] =	vst.idx.add.f32.msk $0xffff, v3  }
0x4fc: {  	v6 =	vadd.s32 $0x10, v5;
	v3 =	vld [tilespmem:s25+$0x800];
	_ =	sdelay $0x2  }
0x4fd: {  	[tilespmem:v7+s3+$0x0] =	vst.idx.add.f32.msk $0xffff, v8  }
0x4fe: {  	v7 =	vadd.s32 $0x10, v4;
	v8 =	vld [tilespmem:s25+$0xFFFFF880]  }
0x4ff: {  	[tilespmem:v6+s3+$0x0] =	vst.idx.add.f32.msk $0xffff, v3  }
0x500: {  	v6 =	vadd.s32 $0x11, v5;
	v3 =	vld [tilespmem:s25+$0x880];
	_ =	sdelay $0x2  }
0x501: {  	[tilespmem:v7+s3+$0x0] =	vst.idx.add.f32.msk $0xffff, v8  }
0x502: {  	v7 =	vadd.s32 $0x11, v4;
	v8 =	vld [tilespmem:s25+$0xFFFFF900]  }
0x503: {  	[tilespmem:v6+s3+$0x0] =	vst.idx.add.f32.msk $0xffff, v3  }
0x504: {  	v6 =	vadd.s32 $0x12, v5;
	v3 =	vld [tilespmem:s25+$0x900];
	_ =	sdelay $0x2  }
0x505: {  	[tilespmem:v7+s3+$0x0] =	vst.idx.add.f32.msk $0xffff, v8  }
0x506: {  	v7 =	vadd.s32 $0x12, v4;
	v8 =	vld [tilespmem:s25+$0xFFFFF980]  }
0x507: {  	[tilespmem:v6+s3+$0x0] =	vst.idx.add.f32.msk $0xffff, v3  }
0x508: {  	v6 =	vadd.s32 $0x13, v5;
	v3 =	vld [tilespmem:s25+$0x980];
	_ =	sdelay $0x2  }
0x509: {  	[tilespmem:v7+s3+$0x0] =	vst.idx.add.f32.msk $0xffff, v8  }
0x50a: {  	v7 =	vadd.s32 $0x13, v4;
	v8 =	vld [tilespmem:s25+$0xFFFFFA00]  }
0x50b: {  	[tilespmem:v6+s3+$0x0] =	vst.idx.add.f32.msk $0xffff, v3  }
0x50c: {  	v9 =	vadd.s32 $0x14, v5;
	v6 =	vld [tilespmem:s25+$0xA00]  }
0x50d: {  	s4 =	simm.s32 $0x258;
	s29 =	sadd.s32 $0x1F00, s25  }
0x50e: {  	v10 =	vld [tilespmem:s29+$0x0];
	v3 =	vadd.s32 s4, v2  }
0x50f: {  	s4 =	simm.s32 $0x190;
	[tilespmem:v7+s3+$0x0] =	vst.idx.add.f32.msk $0xffff, v8  }
0x510: {  	v7 =	vld [tilespmem:s29+$0xFFFFF080];
	v17 =	vadd.s32 s4, v2  }
0x511: {  	[tilespmem:v9+s3+$0x0] =	vst.idx.add.f32.msk $0xffff, v6  }
0x512: {  	v9 =	vadd.s32 $0x15, v5;
	v6 =	vld [tilespmem:s25+$0xA80]  }
0x513: {  	[tilespmem:v3+s3+$0x0] =	vst.idx.add.f32.msk $0xffff, v10  }
0x514: {  	v10 =	vadd.s32 $0x1, v3;
	v8 =	vld [tilespmem:s29+$0x80]  }
0x515: {  	[tilespmem:v17+s3+$0x0] =	vst.idx.add.f32.msk $0xffff, v7  }
0x516: {  	v7 =	vadd.s32 $0x1, v17;
	v11 =	vld [tilespmem:s29+$0xFFFFF100]  }
0x517: {  	[tilespmem:v9+s3+$0x0] =	vst.idx.add.f32.msk $0xffff, v6  }
0x518: {  	v9 =	vadd.s32 $0x16, v5;
	v6 =	vld [tilespmem:s25+$0xB00]  }
0x519: {  	[tilespmem:v10+s3+$0x0] =	vst.idx.add.f32.msk $0xffff, v8  }
0x51a: {  	v10 =	vadd.s32 $0x2, v3;
	v8 =	vld [tilespmem:s29+$0x100]  }
0x51b: {  	[tilespmem:v7+s3+$0x0] =	vst.idx.add.f32.msk $0xffff, v11  }
0x51c: {  	v7 =	vadd.s32 $0x2, v17;
	v11 =	vld [tilespmem:s29+$0xFFFFF180]  }
0x51d: {  	[tilespmem:v9+s3+$0x0] =	vst.idx.add.f32.msk $0xffff, v6  }
0x51e: {  	v9 =	vadd.s32 $0x17, v5;
	v6 =	vld [tilespmem:s25+$0xB80]  }
0x51f: {  	[tilespmem:v10+s3+$0x0] =	vst.idx.add.f32.msk $0xffff, v8  }
0x520: {  	v10 =	vadd.s32 $0x3, v3;
	v8 =	vld [tilespmem:s29+$0x180]  }
0x521: {  	[tilespmem:v7+s3+$0x0] =	vst.idx.add.f32.msk $0xffff, v11  }
0x522: {  	v7 =	vadd.s32 $0x3, v17;
	v11 =	vld [tilespmem:s29+$0xFFFFF200]  }
0x523: {  	[tilespmem:v9+s3+$0x0] =	vst.idx.add.f32.msk $0xffff, v6  }
0x524: {  	v9 =	vadd.s32 $0x18, v5;
	v6 =	vld [tilespmem:s25+$0xC00]  }
0x525: {  	[tilespmem:v10+s3+$0x0] =	vst.idx.add.f32.msk $0xffff, v8  }
0x526: {  	v10 =	vadd.s32 $0x4, v3;
	v8 =	vld [tilespmem:s29+$0x200]  }
0x527: {  	[tilespmem:v7+s3+$0x0] =	vst.idx.add.f32.msk $0xffff, v11  }
0x528: {  	v7 =	vadd.s32 $0x4, v17;
	v11 =	vld [tilespmem:s29+$0xFFFFF280]  }
0x529: {  	[tilespmem:v9+s3+$0x0] =	vst.idx.add.f32.msk $0xffff, v6  }
0x52a: {  	v9 =	vadd.s32 $0x19, v5;
	v6 =	vld [tilespmem:s25+$0xC80]  }
0x52b: {  	[tilespmem:v10+s3+$0x0] =	vst.idx.add.f32.msk $0xffff, v8  }
0x52c: {  	v10 =	vadd.s32 $0x5, v3;
	v8 =	vld [tilespmem:s29+$0x280]  }
0x52d: {  	[tilespmem:v7+s3+$0x0] =	vst.idx.add.f32.msk $0xffff, v11  }
0x52e: {  	v7 =	vadd.s32 $0x5, v17;
	v11 =	vld [tilespmem:s29+$0xFFFFF300]  }
0x52f: {  	[tilespmem:v9+s3+$0x0] =	vst.idx.add.f32.msk $0xffff, v6  }
0x530: {  	v9 =	vadd.s32 $0x1A, v5;
	v6 =	vld [tilespmem:s25+$0xD00]  }
0x531: {  	[tilespmem:v10+s3+$0x0] =	vst.idx.add.f32.msk $0xffff, v8  }
0x532: {  	v10 =	vadd.s32 $0x6, v3;
	v8 =	vld [tilespmem:s29+$0x300]  }
0x533: {  	[tilespmem:v7+s3+$0x0] =	vst.idx.add.f32.msk $0xffff, v11  }
0x534: {  	v7 =	vadd.s32 $0x6, v17;
	v11 =	vld [tilespmem:s29+$0xFFFFF380]  }
0x535: {  	[tilespmem:v9+s3+$0x0] =	vst.idx.add.f32.msk $0xffff, v6  }
0x536: {  	v9 =	vadd.s32 $0x1B, v5;
	v6 =	vld [tilespmem:s25+$0xD80]  }
0x537: {  	[tilespmem:v10+s3+$0x0] =	vst.idx.add.f32.msk $0xffff, v8  }
0x538: {  	v10 =	vadd.s32 $0x7, v3;
	v8 =	vld [tilespmem:s29+$0x380]  }
0x539: {  	[tilespmem:v7+s3+$0x0] =	vst.idx.add.f32.msk $0xffff, v11  }
0x53a: {  	v7 =	vadd.s32 $0x7, v17;
	v11 =	vld [tilespmem:s29+$0xFFFFF400]  }
0x53b: {  	[tilespmem:v9+s3+$0x0] =	vst.idx.add.f32.msk $0xffff, v6  }
0x53c: {  	v9 =	vadd.s32 $0x1C, v5;
	v6 =	vld [tilespmem:s25+$0xE00]  }
0x53d: {  	[tilespmem:v10+s3+$0x0] =	vst.idx.add.f32.msk $0xffff, v8  }
0x53e: {  	v8 =	vld [tilespmem:s29+$0x400]  }
0x53f: {  	v10 =	vadd.s32 $0x8, v3;
	[tilespmem:v7+s3+$0x0] =	vst.idx.add.f32.msk $0xffff, v11  }
0x540: {  	v11 =	vld [tilespmem:s29+$0xFFFFF480]  }
0x541: {  	v7 =	vadd.s32 $0x8, v17;
	[tilespmem:v9+s3+$0x0] =	vst.idx.add.f32.msk $0xffff, v6  }
0x542: {  	v9 =	vadd.s32 $0x1D, v5;
	v6 =	vld [tilespmem:s25+$0xE80];
	_ =	sdelay $0x1  }
0x543: {  	[tilespmem:v10+s3+$0x0] =	vst.idx.add.f32.msk $0xffff, v8  }
0x544: {  	v10 =	vadd.s32 $0x9, v3;
	v8 =	vld [tilespmem:s29+$0x480]  }
0x545: {  	[tilespmem:v7+s3+$0x0] =	vst.idx.add.f32.msk $0xffff, v11  }
0x546: {  	[tilespmem:v9+s3+$0x0] =	vst.idx.add.f32.msk $0xffff, v6  }
0x547: {  	v7 =	vadd.s32 $0x9, v17;
	v9 =	vld [tilespmem:s29+$0xFFFFF500]  }
0x548: {  	v5 =	vadd.s32 $0x1E, v5;
	v6 =	vld [tilespmem:s25+$0xF00]  }
0x549: {  	[tilespmem:v10+s3+$0x0] =	vst.idx.add.f32.msk $0xffff, v8  }
0x54a: {  	v10 =	vadd.s32 $0xA, v3;
	v8 =	vld [tilespmem:s29+$0x500]  }
0x54b: {  	v11 =	vld [tilespmem:s25+$0xFFFFFA80]  }
0x54c: {  	v12 =	vadd.s32 $0x14, v4;
	[tilespmem:v7+s3+$0x0] =	vst.idx.add.f32.msk $0xffff, v9  }
0x54d: {  	[tilespmem:v5+s3+$0x0] =	vst.idx.add.f32.msk $0xffff, v6  }
0x54e: {  	v5 =	vadd.s32 $0xA, v17;
	v6 =	vld [tilespmem:s29+$0xFFFFF580]  }
0x54f: {  	[tilespmem:v10+s3+$0x0] =	vst.idx.add.f32.msk $0xffff, v8  }
0x550: {  	v8 =	vadd.s32 $0xB, v3;
	v7 =	vld [tilespmem:s29+$0x580]  }
0x551: {  	[tilespmem:v12+s3+$0x0] =	vst.idx.add.f32.msk $0xffff, v11  }
0x552: {  	v9 =	vadd.s32 $0x15, v4;
	v10 =	vld [tilespmem:s25+$0xFFFFFB00]  }
0x553: {  	[tilespmem:v5+s3+$0x0] =	vst.idx.add.f32.msk $0xffff, v6  }
0x554: {  	v5 =	vadd.s32 $0xB, v17;
	v6 =	vld [tilespmem:s29+$0xFFFFF600]  }
0x555: {  	[tilespmem:v8+s3+$0x0] =	vst.idx.add.f32.msk $0xffff, v7  }
0x556: {  	v8 =	vadd.s32 $0xC, v3;
	v7 =	vld [tilespmem:s29+$0x600]  }
0x557: {  	[tilespmem:v9+s3+$0x0] =	vst.idx.add.f32.msk $0xffff, v10  }
0x558: {  	v9 =	vadd.s32 $0x16, v4;
	v10 =	vld [tilespmem:s25+$0xFFFFFB80]  }
0x559: {  	[tilespmem:v5+s3+$0x0] =	vst.idx.add.f32.msk $0xffff, v6  }
0x55a: {  	v5 =	vadd.s32 $0xC, v17;
	v6 =	vld [tilespmem:s29+$0xFFFFF680]  }
0x55b: {  	[tilespmem:v8+s3+$0x0] =	vst.idx.add.f32.msk $0xffff, v7  }
0x55c: {  	v8 =	vadd.s32 $0xD, v3;
	v7 =	vld [tilespmem:s29+$0x680]  }
0x55d: {  	[tilespmem:v9+s3+$0x0] =	vst.idx.add.f32.msk $0xffff, v10  }
0x55e: {  	v9 =	vadd.s32 $0x17, v4;
	v10 =	vld [tilespmem:s25+$0xFFFFFC00]  }
0x55f: {  	[tilespmem:v5+s3+$0x0] =	vst.idx.add.f32.msk $0xffff, v6  }
0x560: {  	v5 =	vadd.s32 $0xD, v17;
	v6 =	vld [tilespmem:s29+$0xFFFFF700]  }
0x561: {  	[tilespmem:v8+s3+$0x0] =	vst.idx.add.f32.msk $0xffff, v7  }
0x562: {  	v8 =	vadd.s32 $0xE, v3;
	v7 =	vld [tilespmem:s29+$0x700]  }
0x563: {  	[tilespmem:v9+s3+$0x0] =	vst.idx.add.f32.msk $0xffff, v10  }
0x564: {  	v9 =	vadd.s32 $0x18, v4;
	v10 =	vld [tilespmem:s25+$0xFFFFFC80]  }
0x565: {  	[tilespmem:v5+s3+$0x0] =	vst.idx.add.f32.msk $0xffff, v6  }
0x566: {  	v5 =	vadd.s32 $0xE, v17;
	v6 =	vld [tilespmem:s29+$0xFFFFF780]  }
0x567: {  	[tilespmem:v8+s3+$0x0] =	vst.idx.add.f32.msk $0xffff, v7  }
0x568: {  	v8 =	vadd.s32 $0xF, v3;
	v7 =	vld [tilespmem:s29+$0x780]  }
0x569: {  	[tilespmem:v9+s3+$0x0] =	vst.idx.add.f32.msk $0xffff, v10  }
0x56a: {  	v9 =	vadd.s32 $0x19, v4;
	v10 =	vld [tilespmem:s25+$0xFFFFFD00]  }
0x56b: {  	[tilespmem:v5+s3+$0x0] =	vst.idx.add.f32.msk $0xffff, v6  }
0x56c: {  	v5 =	vadd.s32 $0xF, v17;
	v6 =	vld [tilespmem:s29+$0xFFFFF800]  }
0x56d: {  	[tilespmem:v8+s3+$0x0] =	vst.idx.add.f32.msk $0xffff, v7  }
0x56e: {  	v8 =	vadd.s32 $0x10, v3;
	v7 =	vld [tilespmem:s29+$0x800]  }
0x56f: {  	[tilespmem:v9+s3+$0x0] =	vst.idx.add.f32.msk $0xffff, v10  }
0x570: {  	v9 =	vadd.s32 $0x1A, v4;
	v10 =	vld [tilespmem:s25+$0xFFFFFD80]  }
0x571: {  	[tilespmem:v5+s3+$0x0] =	vst.idx.add.f32.msk $0xffff, v6  }
0x572: {  	v5 =	vadd.s32 $0x10, v17;
	v6 =	vld [tilespmem:s29+$0xFFFFF880]  }
0x573: {  	[tilespmem:v8+s3+$0x0] =	vst.idx.add.f32.msk $0xffff, v7  }
0x574: {  	v8 =	vadd.s32 $0x11, v3;
	v7 =	vld [tilespmem:s29+$0x880]  }
0x575: {  	[tilespmem:v9+s3+$0x0] =	vst.idx.add.f32.msk $0xffff, v10  }
0x576: {  	v9 =	vadd.s32 $0x1B, v4;
	v10 =	vld [tilespmem:s25+$0xFFFFFE00]  }
0x577: {  	[tilespmem:v5+s3+$0x0] =	vst.idx.add.f32.msk $0xffff, v6  }
0x578: {  	v5 =	vadd.s32 $0x11, v17;
	v6 =	vld [tilespmem:s29+$0xFFFFF900]  }
0x579: {  	[tilespmem:v8+s3+$0x0] =	vst.idx.add.f32.msk $0xffff, v7  }
0x57a: {  	v8 =	vadd.s32 $0x12, v3;
	v7 =	vld [tilespmem:s29+$0x900]  }
0x57b: {  	[tilespmem:v9+s3+$0x0] =	vst.idx.add.f32.msk $0xffff, v10  }
0x57c: {  	v9 =	vadd.s32 $0x1C, v4;
	v10 =	vld [tilespmem:s25+$0xFFFFFE80]  }
0x57d: {  	[tilespmem:v5+s3+$0x0] =	vst.idx.add.f32.msk $0xffff, v6  }
0x57e: {  	v5 =	vadd.s32 $0x12, v17;
	v6 =	vld [tilespmem:s29+$0xFFFFF980]  }
0x57f: {  	[tilespmem:v8+s3+$0x0] =	vst.idx.add.f32.msk $0xffff, v7  }
0x580: {  	v8 =	vadd.s32 $0x13, v3;
	v7 =	vld [tilespmem:s29+$0x980]  }
0x581: {  	[tilespmem:v9+s3+$0x0] =	vst.idx.add.f32.msk $0xffff, v10  }
0x582: {  	v18 =	vadd.s32 $0x1D, v4;
	v16 =	vadd.s32 $0x13, v17;
	v20 =	vld [tilespmem:s25+$0xFFFFFF00]  }
0x583: {  	v15 =	vadd.s32 $0x14, v17;
	v14 =	vadd.s32 $0x15, v17;
	v13 =	vadd.s32 $0x16, v17;
	[tilespmem:v5+s3+$0x0] =	vst.idx.add.f32.msk $0xffff, v6  }
0x584: {  	v12 =	vadd.s32 $0x17, v17;
	v11 =	vadd.s32 $0x18, v17;
	v10 =	vadd.s32 $0x19, v17;
	v21 =	vld [tilespmem:s29+$0xFFFFFA00]  }
0x585: {  	v9 =	vadd.s32 $0x1A, v17;
	[tilespmem:v8+s3+$0x0] =	vst.idx.add.f32.msk $0xffff, v7;
	v8 =	vadd.s32 $0x1B, v17;
	v7 =	vadd.s32 $0x1C, v17  }
0x586: {  	v6 =	vadd.s32 $0x1D, v17;
	v5 =	vadd.s32 $0x1E, v17;
	v17 =	vadd.s32 $0x14, v3;
	v19 =	vld [tilespmem:s29+$0xA00]  }
0x587: {  	[tilespmem:v18+s3+$0x0] =	vst.idx.add.f32.msk $0xffff, v20  }
0x588: {  	s31 =	simm.s32 $0x2;
	s30 =	smov.u32 s29;
	s0 =	simm.s32 $0x320;
	v4 =	vadd.s32 $0x1E, v4;
	v20 =	vld [tilespmem:s25+$0xFFFFFF80]  }
.LBB2_18:
0x589: {  	v42 =	vadd.s32 s0, v2;
	s4 =	sadd.s32 $0xC8, s0;
	s31 =	sadd.s32 $0x2, s31;
	[tilespmem:v16+s3+$0x0] =	vst.idx.add.f32.msk $0xffff, v21;
	s29 =	sadd.s32 $0x1F00, s29  }
0x58a: {  	v43 =	vadd.s32 $0x1, v42;
	v44 =	vadd.s32 $0x2, v42;
	v37 =	vadd.s32 s4, v2;
	v16 =	vld [tilespmem:s29+$0x0];
	p0 =	slt.u32 s31, $0x4  }
0x58b: {  	v45 =	vadd.s32 $0x3, v42;
	v46 =	vadd.s32 $0x4, v42;
	v47 =	vadd.s32 $0x5, v42;
	[tilespmem:v17+s3+$0x0] =	vst.idx.add.f32.msk $0xffff, v19  }
0x58c: {  	v22 =	vadd.s32 $0x15, v3;
	v48 =	vadd.s32 $0x6, v42;
	v41 =	vadd.s32 $0x7, v42;
	v18 =	vld [tilespmem:s30+$0xA80]  }
0x58d: {  	v39 =	vadd.s32 $0x8, v42;
	v36 =	vadd.s32 $0x9, v42;
	v34 =	vadd.s32 $0xA, v42;
	v24 =	vld [tilespmem:s29+$0xFFFFF080]  }
0x58e: {  	v32 =	vadd.s32 $0xB, v42;
	v29 =	vadd.s32 $0xC, v42;
	v27 =	vadd.s32 $0xD, v42;
	v38 =	vld [tilespmem:s30+$0xFFFFFA80]  }
0x58f: {  	v26 =	vadd.s32 $0xE, v42;
	v23 =	vadd.s32 $0xF, v42;
	v21 =	vadd.s32 $0x10, v42;
	[tilespmem:v37+s3+$0x0] =	vst.idx.add.f32.msk $0xffff, v16  }
0x590: {  	v19 =	vadd.s32 $0x11, v42;
	v17 =	vadd.s32 $0x12, v42;
	v50 =	vadd.s32 $0x1, v37;
	v49 =	vld [tilespmem:s29+$0x80]  }
0x591: {  	v40 =	vadd.s32 $0x14, v42;
	v35 =	vadd.s32 $0x15, v42;
	v16 =	vadd.s32 $0x13, v42;
	[tilespmem:v22+s3+$0x0] =	vst.idx.add.f32.msk $0xffff, v18  }
0x592: {  	v52 =	vadd.s32 $0x16, v3;
	v33 =	vadd.s32 $0x16, v42;
	v31 =	vadd.s32 $0x17, v42;
	v51 =	vld [tilespmem:s30+$0xB00]  }
0x593: {  	v30 =	vadd.s32 $0x18, v42;
	v28 =	vadd.s32 $0x19, v42;
	v25 =	vadd.s32 $0x1A, v42;
	[tilespmem:v42+s3+$0x0] =	vst.idx.add.f32.msk $0xffff, v24  }
0x594: {  	v22 =	vadd.s32 $0x1C, v42;
	v18 =	vadd.s32 $0x1D, v42;
	v24 =	vadd.s32 $0x1B, v42;
	v53 =	vld [tilespmem:s29+$0xFFFFF100]  }
0x595: {  	v42 =	vadd.s32 $0x1E, v42;
	[tilespmem:v50+s3+$0x0] =	vst.idx.add.f32.msk $0xffff, v49  }
0x596: {  	v50 =	vadd.s32 $0x2, v37;
	v49 =	vld [tilespmem:s29+$0x100]  }
0x597: {  	[tilespmem:v52+s3+$0x0] =	vst.idx.add.f32.msk $0xffff, v51  }
0x598: {  	v52 =	vadd.s32 $0x17, v3;
	v51 =	vld [tilespmem:s30+$0xB80]  }
0x599: {  	[tilespmem:v43+s3+$0x0] =	vst.idx.add.f32.msk $0xffff, v53  }
0x59a: {  	v43 =	vld [tilespmem:s29+$0xFFFFF180]  }
0x59b: {  	[tilespmem:v50+s3+$0x0] =	vst.idx.add.f32.msk $0xffff, v49  }
0x59c: {  	v50 =	vadd.s32 $0x3, v37;
	v49 =	vld [tilespmem:s29+$0x180]  }
0x59d: {  	[tilespmem:v52+s3+$0x0] =	vst.idx.add.f32.msk $0xffff, v51  }
0x59e: {  	v52 =	vadd.s32 $0x18, v3;
	v51 =	vld [tilespmem:s30+$0xC00]  }
0x59f: {  	[tilespmem:v44+s3+$0x0] =	vst.idx.add.f32.msk $0xffff, v43  }
0x5a0: {  	v43 =	vld [tilespmem:s29+$0xFFFFF200]  }
0x5a1: {  	[tilespmem:v50+s3+$0x0] =	vst.idx.add.f32.msk $0xffff, v49  }
0x5a2: {  	v49 =	vadd.s32 $0x4, v37;
	v44 =	vld [tilespmem:s29+$0x200]  }
0x5a3: {  	[tilespmem:v52+s3+$0x0] =	vst.idx.add.f32.msk $0xffff, v51  }
0x5a4: {  	v51 =	vadd.s32 $0x19, v3;
	v50 =	vld [tilespmem:s30+$0xC80]  }
0x5a5: {  	[tilespmem:v45+s3+$0x0] =	vst.idx.add.f32.msk $0xffff, v43  }
0x5a6: {  	v43 =	vld [tilespmem:s29+$0xFFFFF280]  }
0x5a7: {  	[tilespmem:v49+s3+$0x0] =	vst.idx.add.f32.msk $0xffff, v44  }
0x5a8: {  	v45 =	vadd.s32 $0x5, v37;
	v44 =	vld [tilespmem:s29+$0x280]  }
0x5a9: {  	[tilespmem:v51+s3+$0x0] =	vst.idx.add.f32.msk $0xffff, v50  }
0x5aa: {  	v50 =	vadd.s32 $0x1A, v3;
	v49 =	vld [tilespmem:s30+$0xD00]  }
0x5ab: {  	[tilespmem:v46+s3+$0x0] =	vst.idx.add.f32.msk $0xffff, v43  }
0x5ac: {  	v43 =	vld [tilespmem:s29+$0xFFFFF300]  }
0x5ad: {  	[tilespmem:v45+s3+$0x0] =	vst.idx.add.f32.msk $0xffff, v44  }
0x5ae: {  	v45 =	vadd.s32 $0x6, v37;
	v44 =	vld [tilespmem:s29+$0x300]  }
0x5af: {  	[tilespmem:v50+s3+$0x0] =	vst.idx.add.f32.msk $0xffff, v49  }
0x5b0: {  	v49 =	vadd.s32 $0x1B, v3;
	v46 =	vld [tilespmem:s30+$0xD80]  }
0x5b1: {  	[tilespmem:v47+s3+$0x0] =	vst.idx.add.f32.msk $0xffff, v43  }
0x5b2: {  	v43 =	vld [tilespmem:s29+$0xFFFFF380]  }
0x5b3: {  	[tilespmem:v45+s3+$0x0] =	vst.idx.add.f32.msk $0xffff, v44  }
0x5b4: {  	v45 =	vadd.s32 $0x7, v37;
	v44 =	vld [tilespmem:s29+$0x380]  }
0x5b5: {  	[tilespmem:v49+s3+$0x0] =	vst.idx.add.f32.msk $0xffff, v46  }
0x5b6: {  	v47 =	vadd.s32 $0x1C, v3;
	v46 =	vld [tilespmem:s30+$0xE00]  }
0x5b7: {  	[tilespmem:v48+s3+$0x0] =	vst.idx.add.f32.msk $0xffff, v43  }
0x5b8: {  	v43 =	vld [tilespmem:s29+$0xFFFFF400]  }
0x5b9: {  	[tilespmem:v45+s3+$0x0] =	vst.idx.add.f32.msk $0xffff, v44  }
0x5ba: {  	v45 =	vadd.s32 $0x8, v37;
	v44 =	vld [tilespmem:s29+$0x400]  }
0x5bb: {  	[tilespmem:v47+s3+$0x0] =	vst.idx.add.f32.msk $0xffff, v46  }
0x5bc: {  	v47 =	vadd.s32 $0x1D, v3;
	v46 =	vld [tilespmem:s30+$0xE80]  }
0x5bd: {  	[tilespmem:v41+s3+$0x0] =	vst.idx.add.f32.msk $0xffff, v43  }
0x5be: {  	v41 =	vld [tilespmem:s29+$0xFFFFF480]  }
0x5bf: {  	[tilespmem:v45+s3+$0x0] =	vst.idx.add.f32.msk $0xffff, v44  }
0x5c0: {  	v44 =	vadd.s32 $0x9, v37;
	v43 =	vld [tilespmem:s29+$0x480]  }
0x5c1: {  	[tilespmem:v47+s3+$0x0] =	vst.idx.add.f32.msk $0xffff, v46  }
0x5c2: {  	v46 =	vadd.s32 $0x1E, v3;
	v3 =	vmov v37;
	v45 =	vld [tilespmem:s30+$0xF00]  }
0x5c3: {  	[tilespmem:v39+s3+$0x0] =	vst.idx.add.f32.msk $0xffff, v41  }
0x5c4: {  	v37 =	vld [tilespmem:s29+$0xFFFFF500]  }
0x5c5: {  	[tilespmem:v44+s3+$0x0] =	vst.idx.add.f32.msk $0xffff, v43  }
0x5c6: {  	v41 =	vadd.s32 $0xA, v3;
	v39 =	vld [tilespmem:s29+$0x500]  }
0x5c7: {  	[tilespmem:v46+s3+$0x0] =	vst.idx.add.f32.msk $0xffff, v45  }
0x5c8: {  	[tilespmem:v15+s3+$0x0] =	vst.idx.add.f32.msk $0xffff, v38;
	v15 =	vmov v40  }
0x5c9: {  	[tilespmem:v36+s3+$0x0] =	vst.idx.add.f32.msk $0xffff, v37  }
0x5ca: {  	v36 =	vld [tilespmem:s29+$0xFFFFF580]  }
0x5cb: {  	[tilespmem:v41+s3+$0x0] =	vst.idx.add.f32.msk $0xffff, v39  }
0x5cc: {  	v38 =	vadd.s32 $0xB, v3;
	v37 =	vld [tilespmem:s29+$0x580]  }
0x5cd: {  	v39 =	vld [tilespmem:s30+$0xFFFFFB00]  }
0x5ce: {  	[tilespmem:v4+s3+$0x0] =	vst.idx.add.f32.msk $0xffff, v20;
	v4 =	vmov v5;
	v5 =	vmov v42  }
0x5cf: {  	[tilespmem:v34+s3+$0x0] =	vst.idx.add.f32.msk $0xffff, v36  }
0x5d0: {  	v20 =	vld [tilespmem:s29+$0xFFFFF600]  }
0x5d1: {  	[tilespmem:v38+s3+$0x0] =	vst.idx.add.f32.msk $0xffff, v37  }
0x5d2: {  	v36 =	vadd.s32 $0xC, v3;
	v34 =	vld [tilespmem:s29+$0x600]  }
0x5d3: {  	[tilespmem:v14+s3+$0x0] =	vst.idx.add.f32.msk $0xffff, v39;
	v14 =	vmov v35  }
0x5d4: {  	v35 =	vld [tilespmem:s30+$0xFFFFFB80]  }
0x5d5: {  	[tilespmem:v32+s3+$0x0] =	vst.idx.add.f32.msk $0xffff, v20  }
0x5d6: {  	v20 =	vld [tilespmem:s29+$0xFFFFF680]  }
0x5d7: {  	[tilespmem:v36+s3+$0x0] =	vst.idx.add.f32.msk $0xffff, v34  }
0x5d8: {  	v34 =	vadd.s32 $0xD, v3;
	v32 =	vld [tilespmem:s29+$0x680]  }
0x5d9: {  	[tilespmem:v13+s3+$0x0] =	vst.idx.add.f32.msk $0xffff, v35;
	v13 =	vmov v33  }
0x5da: {  	v33 =	vld [tilespmem:s30+$0xFFFFFC00]  }
0x5db: {  	[tilespmem:v29+s3+$0x0] =	vst.idx.add.f32.msk $0xffff, v20  }
0x5dc: {  	v20 =	vld [tilespmem:s29+$0xFFFFF700]  }
0x5dd: {  	[tilespmem:v34+s3+$0x0] =	vst.idx.add.f32.msk $0xffff, v32  }
0x5de: {  	v32 =	vadd.s32 $0xE, v3;
	v29 =	vld [tilespmem:s29+$0x700]  }
0x5df: {  	[tilespmem:v12+s3+$0x0] =	vst.idx.add.f32.msk $0xffff, v33;
	v12 =	vmov v31  }
0x5e0: {  	v31 =	vld [tilespmem:s30+$0xFFFFFC80]  }
0x5e1: {  	[tilespmem:v27+s3+$0x0] =	vst.idx.add.f32.msk $0xffff, v20  }
0x5e2: {  	v20 =	vld [tilespmem:s29+$0xFFFFF780]  }
0x5e3: {  	[tilespmem:v32+s3+$0x0] =	vst.idx.add.f32.msk $0xffff, v29  }
0x5e4: {  	v29 =	vadd.s32 $0xF, v3;
	v27 =	vld [tilespmem:s29+$0x780]  }
0x5e5: {  	[tilespmem:v11+s3+$0x0] =	vst.idx.add.f32.msk $0xffff, v31;
	v11 =	vmov v30  }
0x5e6: {  	v30 =	vld [tilespmem:s30+$0xFFFFFD00]  }
0x5e7: {  	[tilespmem:v26+s3+$0x0] =	vst.idx.add.f32.msk $0xffff, v20  }
0x5e8: {  	v20 =	vld [tilespmem:s29+$0xFFFFF800]  }
0x5e9: {  	[tilespmem:v29+s3+$0x0] =	vst.idx.add.f32.msk $0xffff, v27  }
0x5ea: {  	v27 =	vadd.s32 $0x10, v3;
	v26 =	vld [tilespmem:s29+$0x800]  }
0x5eb: {  	[tilespmem:v10+s3+$0x0] =	vst.idx.add.f32.msk $0xffff, v30;
	v10 =	vmov v28  }
0x5ec: {  	v28 =	vld [tilespmem:s30+$0xFFFFFD80]  }
0x5ed: {  	[tilespmem:v23+s3+$0x0] =	vst.idx.add.f32.msk $0xffff, v20  }
0x5ee: {  	v20 =	vld [tilespmem:s29+$0xFFFFF880]  }
0x5ef: {  	[tilespmem:v27+s3+$0x0] =	vst.idx.add.f32.msk $0xffff, v26  }
0x5f0: {  	v26 =	vadd.s32 $0x11, v3;
	v23 =	vld [tilespmem:s29+$0x880]  }
0x5f1: {  	[tilespmem:v9+s3+$0x0] =	vst.idx.add.f32.msk $0xffff, v28;
	v9 =	vmov v25  }
0x5f2: {  	v25 =	vld [tilespmem:s30+$0xFFFFFE00]  }
0x5f3: {  	[tilespmem:v21+s3+$0x0] =	vst.idx.add.f32.msk $0xffff, v20  }
0x5f4: {  	v20 =	vld [tilespmem:s29+$0xFFFFF900]  }
0x5f5: {  	[tilespmem:v26+s3+$0x0] =	vst.idx.add.f32.msk $0xffff, v23  }
0x5f6: {  	v23 =	vadd.s32 $0x12, v3;
	v21 =	vld [tilespmem:s29+$0x900]  }
0x5f7: {  	[tilespmem:v8+s3+$0x0] =	vst.idx.add.f32.msk $0xffff, v25;
	v8 =	vmov v24  }
0x5f8: {  	v24 =	vld [tilespmem:s30+$0xFFFFFE80]  }
0x5f9: {  	[tilespmem:v19+s3+$0x0] =	vst.idx.add.f32.msk $0xffff, v20  }
0x5fa: {  	v19 =	vld [tilespmem:s29+$0xFFFFF980]  }
0x5fb: {  	[tilespmem:v23+s3+$0x0] =	vst.idx.add.f32.msk $0xffff, v21  }
0x5fc: {  	v23 =	vadd.s32 $0x13, v3;
	v20 =	vld [tilespmem:s29+$0x980]  }
0x5fd: {  	[tilespmem:v7+s3+$0x0] =	vst.idx.add.f32.msk $0xffff, v24;
	v7 =	vmov v22  }
0x5fe: {  	v22 =	vld [tilespmem:s30+$0xFFFFFF00]  }
0x5ff: {  	[tilespmem:v17+s3+$0x0] =	vst.idx.add.f32.msk $0xffff, v19  }
.Ltmp7:
0x600: {  	v21 =	vld [tilespmem:s29+$0xFFFFFA00];
	(pc) =	sbr.rel @p0 .LBB2_18-.Ltmp7, $4  }
0x601: {  	[tilespmem:v23+s3+$0x0] =	vst.idx.add.f32.msk $0xffff, v20  }
0x602: {  	v17 =	vadd.s32 $0x14, v3;
	v19 =	vld [tilespmem:s29+$0xA00]  }
0x603: {  	[tilespmem:v6+s3+$0x0] =	vst.idx.add.f32.msk $0xffff, v22;
	v6 =	vmov v18  }
0x604: {  	s0 =	sadd.s32 $0x190, s0;
	v20 =	vld [tilespmem:s30+$0xFFFFFF80];
	s30 =	smov.u32 s29  }
0x605: {  	_ =	sdelay $0x3  }
0x606: {  	[tilespmem:v16+s3+$0x0] =	vst.idx.add.f32.msk $0xffff, v21  }
0x607: {  	v2 =	vld [tilespmem:s30+$0xFFFFFA80];
	_ =	sdelay $0x2  }
0x608: {  	[tilespmem:v17+s3+$0x0] =	vst.idx.add.f32.msk $0xffff, v19  }
0x609: {  	v46 =	vadd.s32 $0x15, v3;
	v45 =	vld [tilespmem:s30+$0xA80]  }
0x60a: {  	[tilespmem:v15+s3+$0x0] =	vst.idx.add.f32.msk $0xffff, v2  }
0x60b: {  	v2 =	vld [tilespmem:s30+$0xFFFFFB00];
	_ =	sdelay $0x2  }
0x60c: {  	[tilespmem:v46+s3+$0x0] =	vst.idx.add.f32.msk $0xffff, v45  }
0x60d: {  	v48 =	vadd.s32 $0x16, v3;
	v47 =	vld [tilespmem:s30+$0xB00]  }
0x60e: {  	[tilespmem:v14+s3+$0x0] =	vst.idx.add.f32.msk $0xffff, v2  }
0x60f: {  	v2 =	vld [tilespmem:s30+$0xFFFFFB80];
	_ =	sdelay $0x2  }
0x610: {  	[tilespmem:v48+s3+$0x0] =	vst.idx.add.f32.msk $0xffff, v47  }
0x611: {  	v50 =	vadd.s32 $0x17, v3;
	v49 =	vld [tilespmem:s30+$0xB80]  }
0x612: {  	[tilespmem:v13+s3+$0x0] =	vst.idx.add.f32.msk $0xffff, v2  }
0x613: {  	v2 =	vld [tilespmem:s30+$0xFFFFFC00];
	_ =	sdelay $0x2  }
0x614: {  	[tilespmem:v50+s3+$0x0] =	vst.idx.add.f32.msk $0xffff, v49  }
0x615: {  	v52 =	vadd.s32 $0x18, v3;
	v51 =	vld [tilespmem:s30+$0xC00]  }
0x616: {  	[tilespmem:v12+s3+$0x0] =	vst.idx.add.f32.msk $0xffff, v2  }
0x617: {  	v2 =	vld [tilespmem:s30+$0xFFFFFC80];
	_ =	sdelay $0x2  }
0x618: {  	[tilespmem:v52+s3+$0x0] =	vst.idx.add.f32.msk $0xffff, v51  }
0x619: {  	v54 =	vadd.s32 $0x19, v3;
	v53 =	vld [tilespmem:s30+$0xC80]  }
0x61a: {  	[tilespmem:v11+s3+$0x0] =	vst.idx.add.f32.msk $0xffff, v2  }
0x61b: {  	v2 =	vld [tilespmem:s30+$0xFFFFFD00];
	_ =	sdelay $0x2  }
0x61c: {  	[tilespmem:v54+s3+$0x0] =	vst.idx.add.f32.msk $0xffff, v53  }
0x61d: {  	v56 =	vadd.s32 $0x1A, v3;
	v55 =	vld [tilespmem:s30+$0xD00]  }
0x61e: {  	[tilespmem:v10+s3+$0x0] =	vst.idx.add.f32.msk $0xffff, v2  }
0x61f: {  	v2 =	vld [tilespmem:s30+$0xFFFFFD80];
	_ =	sdelay $0x2  }
0x620: {  	[tilespmem:v56+s3+$0x0] =	vst.idx.add.f32.msk $0xffff, v55  }
0x621: {  	v58 =	vadd.s32 $0x1B, v3;
	v57 =	vld [tilespmem:s30+$0xD80]  }
0x622: {  	[tilespmem:v9+s3+$0x0] =	vst.idx.add.f32.msk $0xffff, v2  }
0x623: {  	v2 =	vld [tilespmem:s30+$0xFFFFFE00];
	_ =	sdelay $0x2  }
0x624: {  	[tilespmem:v58+s3+$0x0] =	vst.idx.add.f32.msk $0xffff, v57  }
0x625: {  	v60 =	vadd.s32 $0x1C, v3;
	v59 =	vld [tilespmem:s30+$0xE00]  }
0x626: {  	[tilespmem:v8+s3+$0x0] =	vst.idx.add.f32.msk $0xffff, v2  }
0x627: {  	v2 =	vld [tilespmem:s30+$0xFFFFFE80];
	_ =	sdelay $0x2  }
0x628: {  	[tilespmem:v60+s3+$0x0] =	vst.idx.add.f32.msk $0xffff, v59  }
0x629: {  	v62 =	vadd.s32 $0x1D, v3;
	v61 =	vld [tilespmem:s30+$0xE80]  }
0x62a: {  	[tilespmem:v7+s3+$0x0] =	vst.idx.add.f32.msk $0xffff, v2  }
0x62b: {  	v2 =	vld [tilespmem:s30+$0xFFFFFF00];
	_ =	sdelay $0x2  }
0x62c: {  	[tilespmem:v62+s3+$0x0] =	vst.idx.add.f32.msk $0xffff, v61  }
0x62d: {  	v63 =	vld [tilespmem:s30+$0xF00]  }
0x62e: {  	v3 =	vadd.s32 $0x1E, v3;
	[tilespmem:v6+s3+$0x0] =	vst.idx.add.f32.msk $0xffff, v2  }
0x62f: {  	v2 =	vld [tilespmem:s30+$0xFFFFFF80];
	_ =	sdelay $0x2  }
0x630: {  	[tilespmem:v4+s3+$0x0] =	vst.idx.add.f32.msk $0xffff, v20  }
0x631: {  	[tilespmem:v3+s3+$0x0] =	vst.idx.add.f32.msk $0xffff, v63  }
0x632: {  	[tilespmem:v5+s3+$0x0] =	vst.idx.add.f32.msk $0xffff, v2  }
0x633: {  	v2 =	vadd.s32 $0x1770, v1;
	v3 =	vld [tilespmem:s28+$0x17980];
	_ =	sdelay $0x4  }
0x634: {  	[tilespmem:v2+s3+$0x0] =	vst.idx.add.f32.msk $0xffff, v3  }
0x635: {  	v3 =	vadd.s32 $0x1771, v1;
	v2 =	vld [tilespmem:s28+$0x17A00];
	_ =	sdelay $0x4  }
0x636: {  	[tilespmem:v3+s3+$0x0] =	vst.idx.add.f32.msk $0xffff, v2  }
0x637: {  	v3 =	vadd.s32 $0x1772, v1;
	v2 =	vld [tilespmem:s28+$0x17A80];
	_ =	sdelay $0x4  }
0x638: {  	[tilespmem:v3+s3+$0x0] =	vst.idx.add.f32.msk $0xffff, v2  }
0x639: {  	v3 =	vadd.s32 $0x1773, v1;
	v2 =	vld [tilespmem:s28+$0x17B00];
	_ =	sdelay $0x4  }
0x63a: {  	[tilespmem:v3+s3+$0x0] =	vst.idx.add.f32.msk $0xffff, v2  }
0x63b: {  	v3 =	vadd.s32 $0x1774, v1;
	v2 =	vld [tilespmem:s28+$0x17B80];
	_ =	sdelay $0x4  }
0x63c: {  	[tilespmem:v3+s3+$0x0] =	vst.idx.add.f32.msk $0xffff, v2  }
0x63d: {  	v3 =	vadd.s32 $0x1775, v1;
	v2 =	vld [tilespmem:s28+$0x17C00];
	_ =	sdelay $0x4  }
0x63e: {  	[tilespmem:v3+s3+$0x0] =	vst.idx.add.f32.msk $0xffff, v2  }
0x63f: {  	v3 =	vadd.s32 $0x1776, v1;
	v2 =	vld [tilespmem:s28+$0x17C80];
	_ =	sdelay $0x4  }
0x640: {  	[tilespmem:v3+s3+$0x0] =	vst.idx.add.f32.msk $0xffff, v2  }
0x641: {  	v3 =	vadd.s32 $0x1777, v1;
	v2 =	vld [tilespmem:s28+$0x17D00];
	_ =	sdelay $0x4  }
0x642: {  	[tilespmem:v3+s3+$0x0] =	vst.idx.add.f32.msk $0xffff, v2  }
0x643: {  	v3 =	vadd.s32 $0x1778, v1;
	v2 =	vld [tilespmem:s28+$0x17D80];
	_ =	sdelay $0x4  }
0x644: {  	[tilespmem:v3+s3+$0x0] =	vst.idx.add.f32.msk $0xffff, v2  }
0x645: {  	v3 =	vadd.s32 $0x1779, v1;
	v2 =	vld [tilespmem:s28+$0x17E00];
	_ =	sdelay $0x4  }
0x646: {  	[tilespmem:v3+s3+$0x0] =	vst.idx.add.f32.msk $0xffff, v2  }
0x647: {  	v3 =	vadd.s32 $0x177A, v1;
	v2 =	vld [tilespmem:s28+$0x17E80];
	_ =	sdelay $0x4  }
0x648: {  	[tilespmem:v3+s3+$0x0] =	vst.idx.add.f32.msk $0xffff, v2  }
0x649: {  	v3 =	vadd.s32 $0x177B, v1;
	v2 =	vld [tilespmem:s28+$0x17F00];
	_ =	sdelay $0x4  }
0x64a: {  	[tilespmem:v3+s3+$0x0] =	vst.idx.add.f32.msk $0xffff, v2  }
0x64b: {  	v3 =	vadd.s32 $0x177C, v1;
	v2 =	vld [tilespmem:s28+$0x17F80];
	_ =	sdelay $0x4  }
0x64c: {  	[tilespmem:v3+s3+$0x0] =	vst.idx.add.f32.msk $0xffff, v2  }
0x64d: {  	v3 =	vadd.s32 $0x177D, v1;
	v2 =	vld [tilespmem:s28+$0x18000];
	_ =	sdelay $0x4  }
0x64e: {  	[tilespmem:v3+s3+$0x0] =	vst.idx.add.f32.msk $0xffff, v2  }
0x64f: {  	v3 =	vadd.s32 $0x177E, v1;
	v2 =	vld [tilespmem:s28+$0x18080];
	_ =	sdelay $0x4  }
0x650: {  	[tilespmem:v3+s3+$0x0] =	vst.idx.add.f32.msk $0xffff, v2  }
0x651: {  	v3 =	vadd.s32 $0x177F, v1;
	v2 =	vld [tilespmem:s28+$0x18100];
	_ =	sdelay $0x4  }
0x652: {  	[tilespmem:v3+s3+$0x0] =	vst.idx.add.f32.msk $0xffff, v2  }
0x653: {  	v3 =	vadd.s32 $0x1780, v1;
	v2 =	vld [tilespmem:s28+$0x18180];
	_ =	sdelay $0x4  }
0x654: {  	[tilespmem:v3+s3+$0x0] =	vst.idx.add.f32.msk $0xffff, v2  }
0x655: {  	v3 =	vadd.s32 $0x1781, v1;
	v2 =	vld [tilespmem:s28+$0x18200];
	_ =	sdelay $0x4  }
0x656: {  	[tilespmem:v3+s3+$0x0] =	vst.idx.add.f32.msk $0xffff, v2  }
0x657: {  	v3 =	vadd.s32 $0x1782, v1;
	v2 =	vld [tilespmem:s28+$0x18280];
	_ =	sdelay $0x4  }
0x658: {  	[tilespmem:v3+s3+$0x0] =	vst.idx.add.f32.msk $0xffff, v2  }
0x659: {  	v3 =	vadd.s32 $0x1783, v1;
	v2 =	vld [tilespmem:s28+$0x18300];
	_ =	sdelay $0x4  }
0x65a: {  	[tilespmem:v3+s3+$0x0] =	vst.idx.add.f32.msk $0xffff, v2  }
0x65b: {  	v3 =	vadd.s32 $0x1784, v1;
	v2 =	vld [tilespmem:s28+$0x18380];
	_ =	sdelay $0x4  }
0x65c: {  	[tilespmem:v3+s3+$0x0] =	vst.idx.add.f32.msk $0xffff, v2  }
0x65d: {  	v3 =	vadd.s32 $0x1785, v1;
	v2 =	vld [tilespmem:s28+$0x18400];
	_ =	sdelay $0x4  }
0x65e: {  	[tilespmem:v3+s3+$0x0] =	vst.idx.add.f32.msk $0xffff, v2  }
0x65f: {  	v3 =	vadd.s32 $0x1786, v1;
	v2 =	vld [tilespmem:s28+$0x18480];
	_ =	sdelay $0x4  }
0x660: {  	[tilespmem:v3+s3+$0x0] =	vst.idx.add.f32.msk $0xffff, v2  }
0x661: {  	v3 =	vadd.s32 $0x1787, v1;
	v2 =	vld [tilespmem:s28+$0x18500];
	_ =	sdelay $0x4  }
0x662: {  	[tilespmem:v3+s3+$0x0] =	vst.idx.add.f32.msk $0xffff, v2  }
0x663: {  	v3 =	vadd.s32 $0x1788, v1;
	v2 =	vld [tilespmem:s28+$0x18580];
	_ =	sdelay $0x4  }
0x664: {  	[tilespmem:v3+s3+$0x0] =	vst.idx.add.f32.msk $0xffff, v2  }
0x665: {  	v3 =	vadd.s32 $0x1789, v1;
	v2 =	vld [tilespmem:s28+$0x18600];
	_ =	sdelay $0x4  }
0x666: {  	[tilespmem:v3+s3+$0x0] =	vst.idx.add.f32.msk $0xffff, v2  }
0x667: {  	v3 =	vadd.s32 $0x178A, v1;
	v2 =	vld [tilespmem:s28+$0x18680];
	_ =	sdelay $0x4  }
0x668: {  	[tilespmem:v3+s3+$0x0] =	vst.idx.add.f32.msk $0xffff, v2  }
0x669: {  	v3 =	vadd.s32 $0x178B, v1;
	v2 =	vld [tilespmem:s28+$0x18700];
	_ =	sdelay $0x4  }
0x66a: {  	[tilespmem:v3+s3+$0x0] =	vst.idx.add.f32.msk $0xffff, v2  }
0x66b: {  	v3 =	vadd.s32 $0x178C, v1;
	v2 =	vld [tilespmem:s28+$0x18780];
	_ =	sdelay $0x4  }
0x66c: {  	[tilespmem:v3+s3+$0x0] =	vst.idx.add.f32.msk $0xffff, v2  }
0x66d: {  	v3 =	vadd.s32 $0x178D, v1;
	v2 =	vld [tilespmem:s28+$0x18800];
	_ =	sdelay $0x4  }
0x66e: {  	s26 =	sadd.s32 $0x1, s26;
	[tilespmem:v3+s3+$0x0] =	vst.idx.add.f32.msk $0xffff, v2  }
0x66f: {  	p0 =	sne.s32 s26, $0x8;
	v1 =	vadd.s32 $0x178E, v1;
	v2 =	vld [tilespmem:s28+$0x18880]  }
.Ltmp8:
0x670: {  	_ = 	snop;
	(pc) =	sbr.rel @p0 .LBB2_17-.Ltmp8, $2  }
0x671: {  	_ =	sdelay $0x2  }
0x672: {  	s25 =	sadd.s32 $0x10, s25;
	[tilespmem:v1+s3+$0x0] =	vst.idx.add.f32.msk $0xffff, v2  }
0x673: {  	s0 =	smul.u32 $0x1388, s23;
	s22 =	sadd.s32 $0x1, s22  }
0x674: {  	p0 =	sne.s32 s22, $0x8  }
.Ltmp9:
0x675: {  	s0 =	sadd.s32 s2, s0;
	(pc) =	sbr.rel @p0 .LBB2_2-.Ltmp9, $4  }
0x676: {  	[hbm4b:s0+s3] =	stream.linear.scatter [tilespmem:s3], [sflag:$0x3], $0x9C40, $0x38;
	[tilespmem:$0x19F80] =	vst v63  }
0x677: {  	_ =	swait.ge [sflag:s16], $0x9C40  }
0x678: {  	[sflag:s16] =	ssyncset.done $0x0  }
0x679: {  	[sflag:s16] =	ssyncadd.s32 $0xFFFF63C0  }
0x67a: {  	s21 =	sadd.s32 $0x1, s21  }
0x67b: {  	p0 =	sne.s32 s21, s11  }
.Ltmp10:
0x67c: {  	_ = 	snop;
	(pc) =	sbr.rel @p0 .LBB2_1-.Ltmp10, $1  }
0x67d: {  	_ =	sdelay $0x3  }
0x67e: {  	_ =	sfence.sel $0x180000  }
0x67f: {  	[bflag:$0x0] =	sbarrier.arrive $0xFFFF  }
0x680: {  	_ =	strace $0x90000047  }
0x681: {  	s0 =	stileid.u32;
	[bflag:$0x2] =	sbarrier.arrive $0xFFFF  }
0x682: {  	p0 =	sne.s32 s0, $0x0;
	s0 =	rddreg [dreg:$0x3]  }
0x683: {  	s0 =	sadd.s32 @!p0 $0x100000, s0  }
0x684: {  	[sflag:s0] =	ssyncadd.tile.s32 @!p0 $0x1;
	_ =	shalt  }
.Lfunc_end2:
_tile_overlayer_lowered:
.L_overlay_start_2:
0x685: {  	(tag) =	ssettag $0x2  }
0x686: {  	s0 =	rddreg [dreg:$0x0];
	s2 =	stileid.u32  }
0x687: {  	s1 =	rddreg [dreg:$0x1];
	p0 =	sne.s32 s2, $0x0  }
0x688: {  	s3 =	rddreg [dreg:$0x2];
	[bflag:$0x3] =	sbarrier.arrive $0xFFFF;
	s2 =	simm.s32 @!p0 $0x1C03  }
0x689: {  	[timem:s3], [sflag:s2] =	dma.local @!p0 [hbm:s0], s1  }
0x68a: {  	s0 =	simm.s32 @!p0 $0x3  }
0x68b: {  	_ =	swait.ge @!p0 [sflag:s0], s1  }
0x68c: {  	s1 =	ssub.s32 @!p0 $0x0, s1;
	[sflag:s0] =	ssyncset.done @!p0 $0x0  }
0x68d: {  	[sflag:s0] =	ssyncadd.s32 @!p0 s1  }
0x68e: {  	[bflag:$0x3] =	sbarrier.arrive $0xFFFF  }
0x68f: {  	_ =	shalt  }

// kernel: sparse-core-data-format-call.cloned.1.call-start
scs
called_computation_lowered:
.L_overlay_start_0:
0x0: {  	s2 =	sld [smem:$0x3FD9]  }
0x1: {  	s3 =	sld [smem:$0x3FFE];
	_ =	sdelay $0x1  }
0x2: {  	s1 =	srdreg.scid  }
0x3: {  	s0 =	sand.u32 $0x1, s1  }
0x4: {  	s18 =	sshll.u32 s0, $0xA;
	s2 =	sadd.s32 s3, s2  }
0x5: {  	s2 =	sadd.s32 s2, s18  }
0x6: {  	[smem:$0x3FC6] =	sst s2  }
0x7: {  	_ = 	snop  }
0x8: {  	s2 =	sld [smem:$0x3FD0];
	(tm) =	ssettm $0x1  }
0x9: {  	s19 =	sld [smem:$0x3FFB];
	_ =	sdelay $0x3  }
0xa: {  	_ =	strace s19  }
0xb: {  	s3 =	sld [smem:$0x3FFC];
	_ =	sdelay $0x3  }
0xc: {  	_ =	strace s3  }
0xd: {  	s3 =	sld [smem:$0x3FFD];
	_ =	sdelay $0x3  }
0xe: {  	_ =	strace s3  }
0xf: {  	_ =	strace $0x8FFFFFFF  }
0x10: {  	s20 =	sld [smem:$0x3FDB];
	_ =	sdelay $0x1  }
0x11: {  	s4 =	simm.s32 $_scs_section_size  }
0x12: {  	s5 =	simm.s32 $_size__tile_overlayer_lowered;
	s6 =	simm.s32 $_tile_overlayer_lowered  }
0x13: {  	s23 =	simm.s32 $0x1BFF;
	s22 =	sshll.u32 s6, $0x1;
	s3 =	sadd.s32 s4, s20  }
0x14: {  	s7 =	simm.s32 $0x0;
	s21 =	sshll.u32 s5, $0x1;
	s5 =	sadd.s32 s22, s3  }
0x15: {  	[timem:s7], [sflag:s23] =	dma.local [hbm:s5], s21  }
0x16: {  	_ =	swait.ge [sflag:s23], s21  }
0x17: {  	s4 =	ssub.s32 $0x0, s21;
	[sflag:s23] =	ssyncset.done $0x0  }
0x18: {  	[sflag:s23] =	ssyncadd.s32 s4;
	_ =	sdelay $0x1  }
0x19: {  	s24 =	simm.s32 $0x1B8B  }
0x1a: {  	_ =	swait.ge [sflag:s24], $0x1  }
0x1b: {  	[sflag:s24] =	ssyncset.done $0x0  }
0x1c: {  	s26 =	simm.s32 $0x1B8E;
	s25 =	sld [smem:$0x3FFE];
	[sflag:s24] =	ssyncadd.s32 $0xFFFFFFFF  }
0x1d: {  	s27 =	simm.s32 $execute0_lowered;
	[smem:$0x3FD2] =	sst s26  }
0x1e: {  	s5 =	sshll.u32 s27, $0x1;
	_ =	strace $0x80000049;
	[dreg:$0x1] =	wrdreg $0xFFFFFFFF  }
0x1f: {  	s28 =	simm.s32 $_size_execute0_lowered;
	s3 =	sadd.s32 s3, s5;
	[dreg:$0x0] =	wrdreg $0x0  }
0x20: {  	s5 =	sshll.u32 s28, $0x1;
	[dreg:$0x2] =	wrdreg s3  }
0x21: {  	[dreg:$0x3] =	wrdreg s5  }
0x22: {  	[dreg:$0x4] =	wrdreg $0xC0  }
0x23: {  	_ =	task [dreg:s7], $0x5FFFF  }
0x24: {  	[dreg:$0x1] =	wrdreg $0xFFFFFFFF  }
0x25: {  	[dreg:$0x0] =	wrdreg $0x60  }
0x26: {  	[dreg:$0x2] =	wrdreg s25  }
0x27: {  	[dreg:$0x3] =	wrdreg s2  }
0x28: {  	[dreg:$0x4] =	wrdreg $0x9  }
0x29: {  	_ =	task.clear_ibuf [dreg:s7], $0x5FFFF;
	_ =	strace $0x90000049  }
0x2a: {  	s29 =	simm.s32 $0x9;
	_ =	strace $0x8000004B  }
0x2b: {  	_ =	swait.ge [sflag:s29], $0x1  }
0x2c: {  	[sflag:s29] =	ssyncadd.s32 $0xFFFFFFFF  }
0x2d: {  	_ =	strace $0x9000004B  }
0x2e: {  	_ =	sfence  }
0x2f: {  	s30 =	sld [smem:$0x0];
	_ =	sdelay $0x2  }
0x30: {  	s31 =	sshll.u32 s1, $0xD;
	s1 =	sshrl.u32 s1, $0x2  }
0x31: {  	s3 =	sand.u32 $0x4000, s31;
	s1 =	sadd.s32 s1, s30  }
0x32: {  	s0 =	sor.u32 s3, s0;
	s1 =	sshll.u32 s1, $0x11  }
0x33: {  	s0 =	sor.u32 s1, s0  }
0x34: {  	s0 =	sadd.s32 $0x8F2B, s0  }
0x35: {  	[sflag:s0] =	ssyncadd.remote.s32 $0x1  }
0x36: {  	_ =	sfence.sel $0xFFFF  }
0x37: {  	[dreg:$0x0] =	wrdreg $0xFFFFFFFF;
	(pc) =	sbr.abs _section_cstart, $3  }
0x38: {  	[dreg:$0x1] =	wrdreg $0xFFFFFFFF  }
0x39: {  	_ =	task.clear_ibuf [dreg:s7], $0x2FFFF;
	_ =	strace $0x9FFFFFFF  }
0x3a: {  	(tm) =	ssettm $0x7FFFFFFF  }
0x3b: {  	_ =	shalt  }
tec
execute0_lowered:
.L_overlay_start_1:
0x0: {  	(tag) =	ssettag $0x1  }
0x1: {  	s4 =	rddreg [dreg:$0x0]  }
0x2: {  	s0 =	stileid.u32;
	s2 =	rddreg [dreg:$0x1]  }
0x3: {  	s8 =	srdreg.scid;
	s9 =	simm.s32 $0x2;
	s18 =	simm.s32 $0x0  }
0x4: {  	p0 =	por $0x0, $0x0;
	s11 =	simm.s32 $0x800;
	s19 =	simm.s32 $0x0  }
0x5: {  	s20 =	simm.s32 $0x0;
	s12 =	simm.s32 $0x0;
	s1 =	sshll.u32 s0, $0x7  }
0x6: {  	s13 =	simm.s32 $0x0;
	s14 =	simm.s32 $0x0;
	s3 =	sand.u32 $0x80, s1  }
0x7: {  	s17 =	simm.s32 $0x0;
	s4 =	sadd.s32 $0xA00, s4;
	s5 =	ssub.s32 $0x100, s3  }
0x8: {  	s8 =	sshll.u32 s8, $0x7;
	s1 =	rddreg [dreg:$0x2];
	s6 =	sshrl.u32 s5, $0x7  }
.Ltmp0:
0x9: {  	s7 =	sshrl.u32 s5, $0x8;
	s6 =	sand.u32 $0x1, s6;
	(pc) =	sbr.rel .LBB1_1-.Ltmp0, $4  }
0xa: {  	_ =	strace $0x8000004A;
	s8 =	sand.u32 $0x80, s8;
	s7 =	sadd.s32 s7, s6  }
0xb: {  	s5 =	sshrl.u32 s0, $0x1;
	s6 =	simm.s32 $0x1;
	s7 =	smul.u32 $0x19, s7  }
0xc: {  	s16 =	smov.u32 s3;
	s15 =	smov.u32 s5;
	[sflag:s6] =	ssyncpa.u1 $0x0  }
0xd: {  	[sflag:s9] =	ssyncpa.u1 $0x0;
	s9 =	sshll.u32 s8, $0x3;
	s10 =	sadd.s32 $0x1, s7  }
.LBB1_4:
0xe: {  	s25 =	sshra.s32 s25, $0x2;
	s26 =	sshrl.u32 s14, $0x5;
	p1 =	sgt.s32 s14, $0x80  }
0xf: {  	s27 =	sshra.s32 s14, $0x1F;
	s29 =	smov.u32 s13;
	s31 =	sshra.s32 s13, $0x1F  }
0x10: {  	s24 =	sadd.s32 s25, s24;
	s30 =	sadd.s32 s26, s12;
	s26 =	smov.u32 s14  }
0x11: {  	v5 =	vld [tilespmem:s22+$0xFFFFFFD0];
	[tilespmem:s23+$0x2040 ss:$0x81] =	vst.msk $0xffff, v4;
	s27 =	sand.u32 s27, s14;
	s25 =	sand.u32 $0xFFFFFC, s30;
	s26 =	simm.s32 @!p1 $0x80  }
0x12: {  	v58 =	vld [tilespmem:s22+$0xFFFFFFE0];
	[tilespmem:s23+$0x2850 ss:$0x81] =	vst.msk $0xffff, v3;
	p1 =	sgt.s32 s13, $0xC7;
	s28 =	smulhi.u32 $0x147AE15, s25;
	s26 =	ssub.s32 s26, s27  }
0x13: {  	v59 =	vld [tilespmem:s22+$0xFFFFFFF0];
	[tilespmem:s23+$0x3060 ss:$0x81] =	vst.msk $0xffff, v2;
	s29 =	simm.s32 @!p1 $0xC7;
	s27 =	sand.u32 s31, s13;
	p1 =	sgt.s32 s12, $0x48  }
0x14: {  	v60 =	vld [tilespmem:s22+$0x0];
	[tilespmem:s23+$0x0 ss:$0x81] =	vst.msk $0xffff, v1;
	s23 =	ssub.s32 s29, s27;
	s27 =	smov.u32 s12;
	s30 =	sadd.s32 $0xFFFFFF80, s26  }
0x15: {  	v61 =	vld [tilespmem:s22+$0x10];
	[tilespmem:s24+$0x3870 ss:$0x81] =	vst.msk $0xffff, v0;
	s26 =	ssub.s32 $0x100, s26;
	s27 =	simm.s32 @!p1 $0x48;
	p1 =	sgt.s32 s30, $0x7F  }
0x16: {  	v62 =	vld [tilespmem:s22+$0x20];
	s28 =	smul.u32 $0xC8, s28;
	[tilespmem:s24+$0x810 ss:$0x81] =	vst.msk $0xffff, v5;
	s27 =	ssub.s32 $0xC8, s27;
	s26 =	simm.s32 @p1 $0x0  }
0x17: {  	v63 =	vld [tilespmem:s22+$0xFFFFFFC0];
	s29 =	sand.u32 $0x7, s14;
	s31 =	sadd.s32 $0xFFFFFF39, s23;
	[tilespmem:s24+$0x1020 ss:$0x81] =	vst.msk $0xffff, v58;
	s26 =	smul.u32 s27, s26  }
0x18: {  	s22 =	ssub.s32 $0xC8, s23;
	[tilespmem:s24+$0x1830 ss:$0x81] =	vst.msk $0xffff, v59;
	p1 =	sgt.s32 s31, $0x0;
	s27 =	smul.u32 $0x1900, s13  }
0x19: {  	[tilespmem:s24+$0x2040 ss:$0x81] =	vst.msk $0xffff, v60;
	s22 =	simm.s32 @p1 $0x0;
	s25 =	ssub.s32 s25, s28;
	s28 =	sshrl.u32 s14, $0x3  }
0x1a: {  	[tilespmem:s24+$0x2850 ss:$0x81] =	vst.msk $0xffff, v61;
	s23 =	sand.u32 $0xF, s28;
	s22 =	smul.u32 s22, s26;
	s26 =	sadd.s32 s2, s27  }
0x1b: {  	[tilespmem:s24+$0x3060 ss:$0x81] =	vst.msk $0xffff, v62;
	s30 =	sshll.u32 s29, $0x12;
	s25 =	sshll.u32 s25, $0x5;
	s23 =	sadd.s32 s23, s26  }
0x1c: {  	[tilespmem:s24+$0x0 ss:$0x81] =	vst.msk $0xffff, v63;
	s31 =	sor.u32 $0x400, s30;
	s22 =	sand.u32 $0x3FFFFFFF, s22;
	s23 =	sadd.s32 s25, s23  }
0x1d: {  	[hbm4b:s23+s31] =	stream.strided.scatter [tilespmem:s21], [sflag:$0x2], s22, s11, s31, $0x20;
	[tilespmem:$0x10100] =	vst v63  }
.LBB1_5:
0x1e: {  	p1 =	slt.u32 s17, $0x2;
	s21 =	smov.u32 s19  }
0x1f: {  	s22 =	smov.u32 s20;
	p2 =	sgt.s32 @!p1 s19, $0xC7;
	p3 =	sgt.s32 @!p1 s20, $0x80  }
0x20: {  	s23 =	sshra.s32 @!p1 s20, $0x1F;
	p2 =	por !p2, p1;
	p3 =	por !p3, p1  }
0x21: {  	s20 =	sand.u32 @!p1 s23, s20;
	s21 =	simm.s32 @p2 $0xC7;
	s22 =	simm.s32 @p3 $0x80  }
0x22: {  	p2 =	sgt.s32 @!p1 s18, $0x48;
	s20 =	ssub.s32 @!p1 s22, s20;
	s22 =	sshra.s32 @!p1 s19, $0x1F  }
0x23: {  	p2 =	por !p2, p1;
	s19 =	sand.u32 @!p1 s22, s19;
	s22 =	sadd.s32 @!p1 $0xFFFFFF80, s20  }
0x24: {  	s18 =	simm.s32 @p2 $0x48;
	s19 =	ssub.s32 @!p1 s21, s19;
	p2 =	sgt.s32 @!p1 s22, $0x7F  }
0x25: {  	s20 =	ssub.s32 @!p1 $0x100, s20;
	s21 =	sadd.s32 @!p1 $0xFFFFFF39, s19;
	p2 =	por !p2, p1  }
0x26: {  	s18 =	ssub.s32 @!p1 $0xC8, s18;
	s20 =	simm.s32 @!p2 $0x0;
	p2 =	sgt.s32 @!p1 s21, $0x0  }
0x27: {  	s19 =	ssub.s32 @!p1 $0xC8, s19;
	p2 =	por !p2, p1;
	s18 =	smul.u32 @!p1 s18, s20  }
0x28: {  	s23 =	smov.u32 s16;
	s21 =	sadd.s32 $0x8, s15;
	s19 =	simm.s32 @!p2 $0x0  }
0x29: {  	p2 =	sgt.s32 s21, $0xC7;
	s18 =	smul.u32 @!p1 s19, s18;
	s19 =	sadd.s32 $0x100, s16  }
0x2a: {  	s25 =	sadd.s32 $0x1, s17;
	s23 =	smov.u32 @p2 s19  }
0x2b: {  	p0 =	por !p0, !p0;
	s21 =	smov.u32 @p2 s5;
	p2 =	sgt.s32 s23, $0xFF  }
0x2c: {  	s22 =	simm.s32 @!p1 $0x2;
	s23 =	smov.u32 @p2 s3;
	p2 =	sne.s32 s17, s10  }
.Ltmp1:
0x2d: {  	s20 =	smov.u32 s14;
	s14 =	smov.u32 s16;
	(pc) =	sbr.rel @!p2 .LBB1_6-.Ltmp1, $4  }
0x2e: {  	s19 =	smov.u32 s13;
	s13 =	smov.u32 s15;
	s18 =	sand.u32 @!p1 $0x3FFFFFFF, s18  }
0x2f: {  	s15 =	smov.u32 s21;
	_ =	swait.ge @!p1 [sflag:s22], s18;
	s24 =	ssub.s32 @!p1 $0x0, s18  }
0x30: {  	s18 =	smov.u32 s12;
	s12 =	smov.u32 s8;
	[sflag:s22] =	ssyncset.done @!p1 $0x0  }
0x31: {  	s17 =	smov.u32 s25;
	s16 =	smov.u32 s23;
	[sflag:s22] =	ssyncadd.s32 @!p1 s24  }
.LBB1_1:
0x32: {  	p1 =	sge.u32 s17, s7  }
0x33: {  	s21 =	sshll.u32 @!p1 s15, $0x8  }
0x34: {  	s22 =	sshll.u32 @!p1 s15, $0x7;
	s21 =	sand.u32 @!p1 $0xFFFFF800, s21  }
0x35: {  	s22 =	sand.u32 @!p1 $0x300, s22;
	s21 =	sor.u32 @!p1 s9, s21  }
0x36: {  	s21 =	sor.u32 @!p1 s22, s21  }
0x37: {  	s21 =	sshrl.u32 @!p1 s21, $0x8  }
0x38: {  	s22 =	smulhi.u32 @!p1 $0x147AE15, s21;
	_ =	sdelay $0x1  }
0x39: {  	s22 =	smul.u32 @!p1 $0xC8, s22  }
0x3a: {  	s31 =	sadd.s32 $0xFFFFFFFF, s17;
	s23 =	smul.u32 @!p1 $0x1900, s16  }
0x3b: {  	s24 =	sxor.u32 @!p1 $0xFFFFFFFF, s17;
	s21 =	ssub.s32 @!p1 s21, s22;
	s22 =	sshll.u32 @!p1 s15, $0x4  }
0x3c: {  	s24 =	sshll.u32 @!p1 s24, $0xE;
	s23 =	sadd.s32 @!p1 s4, s23;
	s22 =	sand.u32 @!p1 $0x10, s22  }
0x3d: {  	s24 =	sand.u32 @!p1 $0x4000, s24;
	s21 =	sshll.u32 @!p1 s21, $0x5;
	s22 =	sadd.s32 @!p1 s22, s23  }
0x3e: {  	s23 =	simm.s32 @!p1 $0xC800;
	s21 =	sadd.s32 @!p1 s21, s22;
	s22 =	simm.s32 @!p1 $0x80  }
0x3f: {  	[tilespmem:s24], [sflag:$0x1] =	stream.strided.gather @!p1 [hbm4b:s21+s22], $0x4000, s23, s22, $0x38;
	[tilespmem:$0x10100] =	vst v63  }
0x40: {  	p1 =	sge.u32 s31, s7  }
.Ltmp2:
0x41: {  	_ = 	snop;
	(pc) =	sbr.rel @p1 .LBB1_5-.Ltmp2, $1  }
0x42: {  	_ =	sdelay $0x3  }
0x43: {  	s21 =	simm.s32 $0x1  }
0x44: {  	_ =	swait.ge [sflag:s6], $0x4000;
	s21 =	simm.s32 @!p0 $0x0  }
0x45: {  	[sflag:s6] =	ssyncset.done $0x0;
	s22 =	sshll.u32 s21, $0xE  }
0x46: {  	[sflag:s6] =	ssyncadd.s32 $0xFFFFC000;
	s22 =	sor.u32 $0x40, s22  }
0x47: {  	s21 =	smul.u32 $0x10200, s21;
	v0 =	vld [tilespmem:s22+$0x30]  }
0x48: {  	v1 =	vld [tilespmem:s22+$0xFFFFFFD0]  }
0x49: {  	s21 =	sshrl.u32 s21, $0x2;
	v5 =	vld [tilespmem:s22+$0xFFFFFFE0]  }
0x4a: {  	v6 =	vld [tilespmem:s22+$0xFFFFFFF0];
	s24 =	sor.u32 $0x8000, s21  }
0x4b: {  	s31 =	sand.u32 $0x1, s17;
	v4 =	vld [tilespmem:s22+$0x0];
	s23 =	sadd.s32 $0x0, s24  }
0x4c: {  	v3 =	vld [tilespmem:s22+$0x10];
	s21 =	smul.u32 $0x10200, s31;
	[tilespmem:s23+$0x3870 ss:$0x81] =	vst.msk $0xffff, v0  }
0x4d: {  	v2 =	vld [tilespmem:s22+$0x20];
	[tilespmem:s23+$0x810 ss:$0x81] =	vst.msk $0xffff, v1  }
0x4e: {  	s21 =	sshrl.u32 s21, $0x2;
	v1 =	vld [tilespmem:s22+$0xFFFFFFC0];
	[tilespmem:s23+$0x1020 ss:$0x81] =	vst.msk $0xffff, v5;
	s22 =	sadd.s32 $0x80, s22  }
0x4f: {  	s25 =	simm.s32 $0x4;
	s26 =	simm.s32 $0x8;
	s21 =	sor.u32 $0x8000, s21;
	[tilespmem:s23+$0x1830 ss:$0x81] =	vst.msk $0xffff, v6;
	v0 =	vld [tilespmem:s22+$0x30]  }
.LBB1_3:
0x50: {  	p1 =	sne.s32 s26, $0x1FC;
	v5 =	vld [tilespmem:s22+$0xFFFFFFD0];
	[tilespmem:s23+$0x2040 ss:$0x81] =	vst.msk $0xffff, v4  }
0x51: {  	v6 =	vld [tilespmem:s22+$0xFFFFFFE0];
	[tilespmem:s23+$0x2850 ss:$0x81] =	vst.msk $0xffff, v3  }
0x52: {  	s27 =	sshra.s32 s25, $0x2;
	s25 =	smov.u32 s26;
	v7 =	vld [tilespmem:s22+$0xFFFFFFF0];
	[tilespmem:s23+$0x3060 ss:$0x81] =	vst.msk $0xffff, v2  }
.Ltmp3:
0x53: {  	v4 =	vld [tilespmem:s22+$0x0];
	[tilespmem:s23+$0x0 ss:$0x81] =	vst.msk $0xffff, v1;
	s23 =	sadd.s32 s27, s24;
	(pc) =	sbr.rel @p1 .LBB1_3-.Ltmp3, $4  }
0x54: {  	v3 =	vld [tilespmem:s22+$0x10];
	[tilespmem:s23+$0x3870 ss:$0x81] =	vst.msk $0xffff, v0  }
0x55: {  	[tilespmem:s23+$0x810 ss:$0x81] =	vst.msk $0xffff, v5;
	v2 =	vld [tilespmem:s22+$0x20]  }
0x56: {  	v1 =	vld [tilespmem:s22+$0xFFFFFFC0];
	[tilespmem:s23+$0x1020 ss:$0x81] =	vst.msk $0xffff, v6;
	s22 =	sadd.s32 $0x80, s22  }
0x57: {  	s26 =	sadd.s32 $0x4, s26;
	v0 =	vld [tilespmem:s22+$0x30];
	[tilespmem:s23+$0x1830 ss:$0x81] =	vst.msk $0xffff, v7  }
.Ltmp4:
0x58: {  	_ = 	snop;
	(pc) =	sbr.rel .LBB1_4-.Ltmp4, $1  }
0x59: {  	_ =	sdelay $0x3  }
.LBB1_6:
0x5a: {  	_ =	sfence.sel $0x180000  }
0x5b: {  	s2 =	simm.s32 $0x1;
	[bflag:$0x0] =	sbarrier.arrive $0xFFFF  }
0x5c: {  	s31 =	simm.s32 $0x2;
	[sflag:s2] =	ssyncpa.u1 $0x1  }
0x5d: {  	[sflag:s31] =	ssyncpa.u1 $0x1  }
0x5e: {  	p0 =	sne.s32 s0, $0x0;
	_ =	strace $0x9000004A  }
0x5f: {  	s0 =	sadd.s32 @!p0 $0x100000, s1;
	[bflag:$0x2] =	sbarrier.arrive $0xFFFF  }
0x60: {  	[sflag:s0] =	ssyncadd.tile.s32 @!p0 $0x1;
	_ =	shalt  }
.Lfunc_end1:
_tile_overlayer_lowered:
.L_overlay_start_2:
0x61: {  	(tag) =	ssettag $0x2  }
0x62: {  	s0 =	rddreg [dreg:$0x0];
	s2 =	stileid.u32  }
0x63: {  	s1 =	rddreg [dreg:$0x1];
	p0 =	sne.s32 s2, $0x0  }
0x64: {  	s3 =	rddreg [dreg:$0x2];
	[bflag:$0x3] =	sbarrier.arrive $0xFFFF;
	s2 =	simm.s32 @!p0 $0x1C01  }
0x65: {  	[timem:s3], [sflag:s2] =	dma.local @!p0 [hbm:s0], s1  }
0x66: {  	s0 =	simm.s32 @!p0 $0x1  }
0x67: {  	_ =	swait.ge @!p0 [sflag:s0], s1  }
0x68: {  	s1 =	ssub.s32 @!p0 $0x0, s1;
	[sflag:s0] =	ssyncset.done @!p0 $0x0  }
0x69: {  	[sflag:s0] =	ssyncadd.s32 @!p0 s1  }
0x6a: {  	[bflag:$0x3] =	sbarrier.arrive $0xFFFF  }
0x6b: {  	_ =	shalt  }

</sc_bundles>
